<compile_context>
chip_gen: v7x
topology: tpu7x:2x2x1
jax: 0.10.2.dev20260603
libtpu: 0.0.44.dev20260713+nightly
codegen_flags: <defaults>
</compile_context>

<pallas_src>
import functools

import jax
import jax.numpy as jnp
from jax import lax
from jax.experimental import pallas as pl
from jax.experimental.pallas import tpu as pltpu
from jax.experimental.pallas import tpu_sc as plsc

N = 10000
E = 320000
NC = 2
NS = 16
NW = NC * NS
CH = 125
CHUNKS_PROP = 160
GRP = 40
ROW_STEP = 624
ROW_SPAN = 640
W1H = 80
W2P = 272
W2H = W2P // 2
BN_S = 0.9995004

_mesh = plsc.VectorSubcoreMesh(core_axis_name="c", subcore_axis_name="s")



NPAD = 10240
DEG_CH = 125
DEG_CHUNKS = 80


@functools.partial(
    pl.kernel,
    out_type=jax.ShapeDtypeStruct((NC, NPAD, 16), jnp.float32),
    mesh=_mesh,
    compiler_params=pltpu.CompilerParams(use_tc_tiling_on_sc=False),
    scratch_types=[
        pltpu.VMEM((DEG_CHUNKS, DEG_CH), jnp.int32),
        pltpu.VMEM((128, 16), jnp.float32),
        pltpu.SemaphoreType.DMA,
        pltpu.VMEM_SHARED((NPAD, 16), jnp.float32),
    ],
)
def _deg_kernel(e4_hbm, zeros_hbm, ones_hbm, out_hbm, dst_v, ones_v, sem, dacc):
    c = lax.axis_index("c")
    s = lax.axis_index("s")
    wid = c * NS + s
    wb = pl.multiple_of(wid * DEG_CHUNKS, 8)
    pltpu.sync_copy(e4_hbm.at[1].at[pl.ds(wb, DEG_CHUNKS)], dst_v)
    pltpu.sync_copy(ones_hbm, ones_v)
    dbase = pl.multiple_of(s * (NPAD // NS), 8)
    pltpu.sync_copy(zeros_hbm.at[pl.ds(dbase, NPAD // NS)],
                    dacc.at[pl.ds(dbase, NPAD // NS)])
    plsc.subcore_barrier()

    def body(j, carry):
        pltpu.async_copy(ones_v.at[pl.ds(0, DEG_CH)], dacc.at[dst_v.at[j]],
                         sem, add=True)
        return carry

    lax.fori_loop(0, DEG_CHUNKS, body, 0)

    def drain(j, carry):
        pltpu.make_async_copy(ones_v.at[pl.ds(0, DEG_CH)],
                              dacc.at[dst_v.at[j]], sem).wait()
        return carry

    lax.fori_loop(0, DEG_CHUNKS, drain, 0)
    plsc.subcore_barrier()
    pltpu.sync_copy(dacc.at[pl.ds(dbase, NPAD // NS)],
                    out_hbm.at[c].at[pl.ds(dbase, NPAD // NS)])


def _make_propd(width, ch, grp, depth, lead):
    chunks = E // (NS * ch)
    nblk = grp // depth

    @functools.partial(
        pl.kernel,
        out_type=(jax.ShapeDtypeStruct((N, width), jnp.float32),
                  jax.ShapeDtypeStruct((N, width), jnp.float32)),
        mesh=_mesh,
        compiler_params=pltpu.CompilerParams(use_tc_tiling_on_sc=False),
        scratch_types=[
            pltpu.VMEM((grp, ch), jnp.int32),
            pltpu.VMEM((grp, ch), jnp.int32),
            [pltpu.VMEM((ch, width), jnp.float32)] * depth,
            [pltpu.SemaphoreType.DMA] * depth,
            [pltpu.SemaphoreType.DMA] * depth,
            pltpu.VMEM_SHARED((N, width), jnp.float32),
        ],
    )
    def prop_k(e4_hbm, v0_hbm, v1_hbm, out0_hbm, out1_hbm,
               src_v, dst_v, bufs, gsems, ssems, acc):
        c = lax.axis_index("c")
        s = lax.axis_index("s")
        base = pl.multiple_of(s * ROW_STEP, 8)

        def run(v_hbm, out_hbm):
            pltpu.sync_copy(v_hbm.at[pl.ds(base, ROW_SPAN)],
                            acc.at[pl.ds(base, ROW_SPAN)])
            plsc.subcore_barrier()

            def group(g, carry):
                tb = pl.multiple_of(s * chunks + g * grp, 8)
                pltpu.sync_copy(e4_hbm.at[0].at[pl.ds(tb, grp)], src_v)
                pltpu.sync_copy(e4_hbm.at[1].at[pl.ds(tb, grp)], dst_v)
                for t in range(lead):
                    pltpu.async_copy(v_hbm.at[src_v.at[t]], bufs[t], gsems[t])

                def block(qb, carry2):
                    j0 = depth * qb
                    for k in range(depth):
                        j = j0 + k
                        kg = (k + lead) % depth
                        jm = j - (depth - lead)
                        if k < depth - lead:
                            @pl.when(qb > 0)
                            def _():
                                pltpu.make_async_copy(
                                    bufs[kg],
                                    acc.at[dst_v.at[jnp.maximum(jm, 0)]],
                                    ssems[kg]).wait()
                            pltpu.async_copy(v_hbm.at[src_v.at[j + lead]],
                                             bufs[kg], gsems[kg])
                        else:
                            pltpu.make_async_copy(
                                bufs[kg], acc.at[dst_v.at[jm]],
                                ssems[kg]).wait()

                            @pl.when(qb < nblk - 1)
                            def _():
                                pltpu.async_copy(v_hbm.at[src_v.at[j + lead]],
                                                 bufs[kg], gsems[kg])
                        pltpu.make_async_copy(v_hbm.at[src_v.at[j]],
                                              bufs[k], gsems[k]).wait()
                        pltpu.async_copy(bufs[k], acc.at[dst_v.at[j]],
                                         ssems[k], add=True)
                    return carry2

                lax.fori_loop(0, nblk, block, 0)
                for t in range(depth - lead):
                    ke = (lead + t) % depth
                    pltpu.make_async_copy(
                        bufs[ke], acc.at[dst_v.at[grp - (depth - lead) + t]],
                        ssems[ke]).wait()
                return carry

            lax.fori_loop(0, chunks // grp, group, 0)
            plsc.subcore_barrier()
            pltpu.sync_copy(acc.at[pl.ds(base, ROW_SPAN)],
                            out_hbm.at[pl.ds(base, ROW_SPAN)])

        @pl.when(c == 0)
        def _():
            run(v0_hbm, out0_hbm)

        @pl.when(c == 1)
        def _():
            run(v1_hbm, out1_hbm)

    return prop_k


def _make_prop(width, ch, grp):
    chunks = E // (NS * ch)

    @functools.partial(
        pl.kernel,
        out_type=(jax.ShapeDtypeStruct((N, width), jnp.float32),
                  jax.ShapeDtypeStruct((N, width), jnp.float32)),
        mesh=_mesh,
        compiler_params=pltpu.CompilerParams(use_tc_tiling_on_sc=False),
        scratch_types=[
            pltpu.VMEM((grp, ch), jnp.int32),
            pltpu.VMEM((grp, ch), jnp.int32),
            pltpu.VMEM((ch, width), jnp.float32),
            pltpu.VMEM((ch, width), jnp.float32),
            pltpu.SemaphoreType.DMA,
            pltpu.SemaphoreType.DMA,
            pltpu.SemaphoreType.DMA,
            pltpu.SemaphoreType.DMA,
            pltpu.VMEM_SHARED((N, width), jnp.float32),
        ],
    )
    def prop_k(e4_hbm, v0_hbm, v1_hbm, out0_hbm, out1_hbm,
               src_v, dst_v, bufa, bufb, sga, sgb, ssa, ssb, acc):
        c = lax.axis_index("c")
        s = lax.axis_index("s")

        base = pl.multiple_of(s * ROW_STEP, 8)

        def run(v_hbm, out_hbm):
            pltpu.sync_copy(v_hbm.at[pl.ds(base, ROW_SPAN)],
                            acc.at[pl.ds(base, ROW_SPAN)])
            plsc.subcore_barrier()

            def group(g, carry):
                gb = g * grp
                tb = pl.multiple_of(s * chunks + gb, 8)
                pltpu.sync_copy(e4_hbm.at[0].at[pl.ds(tb, grp)], src_v)
                pltpu.sync_copy(e4_hbm.at[1].at[pl.ds(tb, grp)], dst_v)
                pltpu.async_copy(v_hbm.at[src_v.at[0]], bufa, sga)

                def pair(p, carry2):
                    j0 = 2 * p
                    j1 = j0 + 1
                    gb_desc = pltpu.async_copy(v_hbm.at[src_v.at[j1]], bufb, sgb)
                    pltpu.make_async_copy(v_hbm.at[src_v.at[j0]], bufa, sga).wait()
                    sa_desc = pltpu.async_copy(bufa, acc.at[dst_v.at[j0]], ssa,
                                               add=True)
                    gb_desc.wait()
                    sb_desc = pltpu.async_copy(bufb, acc.at[dst_v.at[j1]], ssb,
                                               add=True)
                    sa_desc.wait()

                    @pl.when(p < grp // 2 - 1)
                    def _():
                        pltpu.async_copy(v_hbm.at[src_v.at[j0 + 2]], bufa, sga)

                    sb_desc.wait()
                    return carry2

                lax.fori_loop(0, grp // 2, pair, 0)
                return carry

            lax.fori_loop(0, chunks // grp, group, 0)
            plsc.subcore_barrier()
            pltpu.sync_copy(acc.at[pl.ds(base, ROW_SPAN)],
                            out_hbm.at[pl.ds(base, ROW_SPAN)])

        @pl.when(c == 0)
        def _():
            run(v0_hbm, out0_hbm)

        @pl.when(c == 1)
        def _():
            run(v1_hbm, out1_hbm)

    return prop_k


_prop80 = _make_propd(W1H, 125, 40, 5, 2)
_prop144 = _make_propd(W2H, 50, 40, 5, 2)



_BS = 2000


def _scale_body(x_ref, degp_ref, v0_ref, v1_ref):
    deg = degp_ref[0, :, 0] + degp_ref[1, :, 0] + 1.0
    dinv = lax.rsqrt(deg)
    v = x_ref[...] * dinv[:, None]
    v0_ref[...] = v[:, :W1H]
    v1_ref[...] = v[:, W1H:]


def _tc_scale(x, degp):
    return pl.pallas_call(
        _scale_body,
        grid=(N // _BS,),
        in_specs=[
            pl.BlockSpec((_BS, 160), lambda i: (i, 0)),
            pl.BlockSpec((NC, _BS, 16), lambda i: (0, i, 0)),
        ],
        out_specs=[
            pl.BlockSpec((_BS, W1H), lambda i: (i, 0)),
            pl.BlockSpec((_BS, W1H), lambda i: (i, 0)),
        ],
        out_shape=[jax.ShapeDtypeStruct((N, W1H), jnp.float32)] * 2,
    )(x, degp)


def _mid_body(s0_ref, s1_ref, degp_ref, W1_ref, b1_ref, g1_ref, be1_ref,
              W2_ref, h0_ref, h1_ref):
    deg = degp_ref[0, :, 0] + degp_ref[1, :, 0] + 1.0
    dinv = lax.rsqrt(deg)
    p = jnp.concatenate([s0_ref[...], s1_ref[...]], axis=1) * dinv[:, None]
    z1 = jnp.dot(p, W1_ref[...], preferred_element_type=jnp.float32)
    z1 = z1 + b1_ref[...][None, :]
    x1 = jax.nn.relu(z1) * (g1_ref[...] * BN_S)[None, :] + be1_ref[...][None, :]
    x1 = jax.nn.sigmoid(x1)
    h2 = jnp.dot(x1, W2_ref[...], preferred_element_type=jnp.float32)
    h2 = h2 * dinv[:, None]
    h0_ref[...] = h2[:, :W2H]
    h1_ref[...] = jnp.concatenate(
        [h2[:, W2H:], jnp.zeros((_BS, W2P - 268), jnp.float32)], axis=1)


def _tc_mid(s0, s1, degp, W1, b1, g1, be1, W2):
    return pl.pallas_call(
        _mid_body,
        grid=(N // _BS,),
        in_specs=[
            pl.BlockSpec((_BS, W1H), lambda i: (i, 0)),
            pl.BlockSpec((_BS, W1H), lambda i: (i, 0)),
            pl.BlockSpec((NC, _BS, 16), lambda i: (0, i, 0)),
            pl.BlockSpec((160, 536), lambda i: (0, 0)),
            pl.BlockSpec((536,), lambda i: (0,)),
            pl.BlockSpec((536,), lambda i: (0,)),
            pl.BlockSpec((536,), lambda i: (0,)),
            pl.BlockSpec((536, 268), lambda i: (0, 0)),
        ],
        out_specs=[
            pl.BlockSpec((_BS, W2H), lambda i: (i, 0)),
            pl.BlockSpec((_BS, W2H), lambda i: (i, 0)),
        ],
        out_shape=[jax.ShapeDtypeStruct((N, W2H), jnp.float32)] * 2,
    )(s0, s1, degp, W1, b1, g1, be1, W2)


def _final_body(t0_ref, t1_ref, degp_ref, b2_ref, g2_ref, be2_ref, out_ref):
    i = pl.program_id(0)
    deg = degp_ref[0, :, 0] + degp_ref[1, :, 0] + 1.0
    dinv = lax.rsqrt(deg)
    p = jnp.concatenate([t0_ref[...], t1_ref[...]], axis=1) * dinv[:, None]
    zpad = jnp.zeros((W2P - 268,), jnp.float32)
    b2 = jnp.concatenate([b2_ref[...], zpad])
    g2 = jnp.concatenate([g2_ref[...], zpad])
    be2 = jnp.concatenate([be2_ref[...], zpad])
    z2 = p + b2[None, :]
    x2 = jax.nn.relu(z2) * (g2 * BN_S)[None, :] + be2[None, :]
    x2 = jax.nn.sigmoid(x2)
    col = lax.broadcasted_iota(jnp.int32, x2.shape, 1)
    x2 = jnp.where(col < 268, x2, 0.0)
    g = lax.dot_general(x2, x2, (((0,), (0,)), ((), ())),
                        preferred_element_type=jnp.float32)[:268, :268]

    @pl.when(i == 0)
    def _():
        out_ref[...] = g

    @pl.when(i > 0)
    def _():
        out_ref[...] += g


def _tc_final(t0, t1, degp, b2, g2, be2):
    return pl.pallas_call(
        _final_body,
        grid=(N // _BS,),
        in_specs=[
            pl.BlockSpec((_BS, W2H), lambda i: (i, 0)),
            pl.BlockSpec((_BS, W2H), lambda i: (i, 0)),
            pl.BlockSpec((NC, _BS, 16), lambda i: (0, i, 0)),
            pl.BlockSpec((268,), lambda i: (0,)),
            pl.BlockSpec((268,), lambda i: (0,)),
            pl.BlockSpec((268,), lambda i: (0,)),
        ],
        out_specs=pl.BlockSpec((268, 268), lambda i: (0, 0)),
        out_shape=jax.ShapeDtypeStruct((268, 268), jnp.float32),
    )(t0, t1, degp, b2, g2, be2)



def kernel(x, edge_index, edge_attr, W1, b1, gamma1, beta1, W2, b2, gamma2,
           beta2):
    xs = x.reshape(N, 160)
    e4 = edge_index.reshape(2, E // CH, CH)
    e50 = edge_index.reshape(2, E // 50, 50)
    zeros_n = jnp.zeros((NPAD, 16), jnp.float32)
    ones_n = jnp.ones((128, 16), jnp.float32)

    degp = _deg_kernel(e4, zeros_n, ones_n)
    v0, v1 = _tc_scale(xs, degp)
    s0, s1 = _prop80(e4, v0, v1)
    h0, h1 = _tc_mid(s0, s1, degp, W1, b1, gamma1, beta1, W2)
    t0, t1 = _prop144(e50, h0, h1)
    return _tc_final(t0, t1, degp, b2, gamma2, beta2)

# --- scband reference (transcript-rebuilt; emitter-appended) ---
"""Pipeline reference for scband-generator2-56358560858128 (READ-ONLY COPY).

The authoritative reference and input builder live on the scoring server;
editing this copy changes nothing except your own understanding.
"""

import jax, jax.numpy as jnp
import numpy as np

N_NODES = 10000
N_EDGES = 320000

def _gcn_conv(x, edge_index, W, b):
    n = x.shape[0]
    loop = jnp.arange(n, dtype=edge_index.dtype)
    src = jnp.concatenate([edge_index[0], loop])
    dst = jnp.concatenate([edge_index[1], loop])
    deg = jnp.zeros((n,), x.dtype).at[dst].add(1.0)
    dinv = jnp.where(deg > 0, jax.lax.rsqrt(deg), 0.0)
    norm = dinv[src] * dinv[dst]
    h = x @ W
    msg = h[src] * norm[:, None]
    out = jnp.zeros((n, W.shape[1]), x.dtype).at[dst].add(msg)
    return out + b

def _bn_eval(x, gamma, beta, eps=0.001):
    # BatchNorm in eval mode with freshly-initialized running stats (mean=0, var=1)
    return x * (gamma / jnp.sqrt(1.0 + eps)) + beta

def setup_inputs(seed: int = 0):
    key = jax.random.key(seed)
    ks = jax.random.split(key, 8)
    x = jax.random.normal(ks[0], (N_NODES, 160), dtype=jnp.float32)
    edge_index = jax.random.randint(ks[1], (2, N_EDGES), 0, N_NODES, dtype=jnp.int32)
    edge_attr = jax.random.normal(ks[2], (N_EDGES, 4), dtype=jnp.float32)
    W1 = jax.random.normal(ks[3], (160, 536), dtype=jnp.float32) * 0.05
    b1 = jnp.zeros((536,), jnp.float32)
    gamma1 = jnp.ones((536,), jnp.float32)
    beta1 = jnp.zeros((536,), jnp.float32)
    W2 = jax.random.normal(ks[4], (536, 268), dtype=jnp.float32) * 0.05
    b2 = jnp.zeros((268,), jnp.float32)
    gamma2 = jnp.ones((268,), jnp.float32)
    beta2 = jnp.zeros((268,), jnp.float32)
    return {"x": x, "edge_index": edge_index, "edge_attr": edge_attr,
            "W1": W1, "b1": b1, "gamma1": gamma1, "beta1": beta1,
            "W2": W2, "b2": b2, "gamma2": gamma2, "beta2": beta2}

def reference(x, edge_index, edge_attr, W1, b1, gamma1, beta1, W2, b2, gamma2, beta2):
    # edge_attr is read from data in the original forward but never used
    xs = jnp.squeeze(x)
    h = jax.nn.relu(_gcn_conv(xs, edge_index, W1, b1))
    x1 = jax.nn.sigmoid(_bn_eval(h, gamma1, beta1))
    # dropout disabled (eval mode / deterministic reference)
    h2 = jax.nn.relu(_gcn_conv(x1, edge_index, W2, b2))
    x2 = jax.nn.sigmoid(_bn_eval(h2, gamma2, beta2))
    x3 = x2.T @ x2
    return x3

if __name__ == "__main__":
    import jax
    _d = setup_inputs()
    print(jax.jit(kernel)(*tuple(_d.values())))

</pallas_src>

<mosaic_0001>
#map = affine_map<(d0, d1) -> (0, 0, 0)>
#map1 = affine_map<(d0, d1) -> (0, 0)>
module attributes {stable_mosaic.version = 14 : i64} {
  func.func @prop_k(%arg0: i32, %arg1: i32, %arg2: memref<2x6400x50xi32, #tpu.memory_space<hbm>>, %arg3: memref<10000x136xf32, #tpu.memory_space<hbm>>, %arg4: memref<10000x136xf32, #tpu.memory_space<hbm>>, %arg5: memref<10000x136xf32, #tpu.memory_space<hbm>>, %arg6: memref<10000x136xf32, #tpu.memory_space<hbm>>, %arg7: memref<40x50xi32, #tpu.memory_space<vmem>>, %arg8: memref<40x50xi32, #tpu.memory_space<vmem>>, %arg9: memref<50x136xf32, #tpu.memory_space<vmem>>, %arg10: memref<50x136xf32, #tpu.memory_space<vmem>>, %arg11: memref<50x136xf32, #tpu.memory_space<vmem>>, %arg12: memref<50x136xf32, #tpu.memory_space<vmem>>, %arg13: memref<50x136xf32, #tpu.memory_space<vmem>>, %arg14: memref<!tpu.dma_semaphore, #tpu.memory_space<semaphore_mem>>, %arg15: memref<!tpu.dma_semaphore, #tpu.memory_space<semaphore_mem>>, %arg16: memref<!tpu.dma_semaphore, #tpu.memory_space<semaphore_mem>>, %arg17: memref<!tpu.dma_semaphore, #tpu.memory_space<semaphore_mem>>, %arg18: memref<!tpu.dma_semaphore, #tpu.memory_space<semaphore_mem>>, %arg19: memref<!tpu.dma_semaphore, #tpu.memory_space<semaphore_mem>>, %arg20: memref<!tpu.dma_semaphore, #tpu.memory_space<semaphore_mem>>, %arg21: memref<!tpu.dma_semaphore, #tpu.memory_space<semaphore_mem>>, %arg22: memref<!tpu.dma_semaphore, #tpu.memory_space<semaphore_mem>>, %arg23: memref<!tpu.dma_semaphore, #tpu.memory_space<semaphore_mem>>, %arg24: memref<10000x136xf32, #tpu.memory_space<vmem_shared>>) attributes {dimension_semantics = [#tpu.dimension_semantics<core_parallel>, #tpu.dimension_semantics<subcore_parallel>], iteration_bounds = array<i64: 2, 16>, scalar_prefetch = 0 : i64, scratch_operands = 18 : i64, tpu.core_type = #tpu.core_type<sc_vector_subcore>, window_params = [{transform_indices = #map}, {transform_indices = #map1}, {transform_indices = #map1}, {transform_indices = #map1}, {transform_indices = #map1}]} {
    %mul3A = arith.constant 624 : i32
    %mul3A_0 = arith.muli %arg1, %mul3A : i32
    %multiple_of3A = tpu.assume_multiple %mul3A_0, 8 : i32
    %eq3A = arith.constant 0 : i32
    %eq3A_1 = arith.cmpi eq, %arg0, %eq3A : i32
    %convert_element_type3A = arith.extui %eq3A_1 : i1 to i32
    %cond3A = arith.constant 0 : i32
    %cond3A_2 = arith.cmpi ne, %convert_element_type3A, %cond3A : i32
    scf.if %cond3A_2 {
      "tpu.region"() ({
        %run_scoped3A = tpu.sem_alloc : memref<!tpu.dma_semaphore, #tpu.memory_space<semaphore_mem>>
        %dma_start3A = arith.constant 0 : i32
        %dma_start3A_14 = tpu.memref_slice %arg24[%multiple_of3A, %dma_start3A] : memref<10000x136xf32, #tpu.memory_space<vmem_shared>> -> memref<640x136xf32, #tpu.memory_space<vmem_shared>>
        %dma_start3A_15 = arith.constant 0 : i32
        %dma_start3A_16 = tpu.memref_slice %arg3[%multiple_of3A, %dma_start3A_15] : memref<10000x136xf32, #tpu.memory_space<hbm>> -> memref<640x136xf32, #tpu.memory_space<hbm>>
        tpu.enqueue_dma source(%dma_start3A_16 : memref<640x136xf32, #tpu.memory_space<hbm>>) target(%dma_start3A_14 : memref<640x136xf32, #tpu.memory_space<vmem_shared>>) target_semaphore(%run_scoped3A : memref<!tpu.dma_semaphore, #tpu.memory_space<semaphore_mem>>)
        %dma_wait3A = arith.constant 0 : i32
        %dma_wait3A_17 = tpu.memref_slice %arg24[%multiple_of3A, %dma_wait3A] : memref<10000x136xf32, #tpu.memory_space<vmem_shared>> -> memref<640x136xf32, #tpu.memory_space<vmem_shared>>
        %dma_wait3A_18 = arith.constant 0 : i32
        %dma_wait3A_19 = tpu.memref_slice %arg3[%multiple_of3A, %dma_wait3A_18] : memref<10000x136xf32, #tpu.memory_space<hbm>> -> memref<640x136xf32, #tpu.memory_space<hbm>>
        tpu.wait_dma2 semaphore(%run_scoped3A : memref<!tpu.dma_semaphore, #tpu.memory_space<semaphore_mem>>) src(%dma_wait3A_19 : memref<640x136xf32, #tpu.memory_space<hbm>>) dst(%dma_wait3A_17 : memref<640x136xf32, #tpu.memory_space<vmem_shared>>)
        tpu.yield
      }) : () -> ()
      %barrier3A = arith.constant 0 : index
      tpu.barrier barrier_id(%barrier3A)
      %scan3A = arith.constant 0 : i32
      %scan3A_8 = arith.constant 0 : i32
      %scan3A_9 = arith.constant 10 : i32
      %scan3A_10 = arith.addi %scan3A_8, %scan3A_9 : i32
      %scan3A_11 = arith.constant 1 : i32
      scf.for %scan3A_14 = %scan3A_8 to %scan3A_10 step %scan3A_11  : i32 {
        %mul3A_15 = arith.constant 400 : i32
        %mul3A_16 = arith.muli %arg1, %mul3A_15 : i32
        %mul3A_17 = arith.constant 40 : i32
        %mul3A_18 = arith.muli %scan3A_14, %mul3A_17 : i32
        %add3A = arith.addi %mul3A_16, %mul3A_18 : i32
        %multiple_of3A_19 = tpu.assume_multiple %add3A, 8 : i32
        %run_scoped3A = arith.constant 0 : i32
        "tpu.region"() ({
          %run_scoped3A_60 = tpu.sem_alloc : memref<!tpu.dma_semaphore, #tpu.memory_space<semaphore_mem>>
          %dma_start3A_61 = arith.constant 0 : i32
          %dma_start3A_62 = arith.constant 0 : i32
          %dma_start3A_63 = tpu.memref_slice %arg2[%run_scoped3A, %dma_start3A_61, %dma_start3A_62] : memref<2x6400x50xi32, #tpu.memory_space<hbm>> -> memref<1x6400x50xi32, #tpu.memory_space<hbm>>
          %dma_start3A_64 = tpu.memref_squeeze %dma_start3A_63 : memref<1x6400x50xi32, #tpu.memory_space<hbm>> -> memref<6400x50xi32, #tpu.memory_space<hbm>>
          %dma_start3A_65 = arith.constant 0 : i32
          %dma_start3A_66 = tpu.memref_slice %dma_start3A_64[%multiple_of3A_19, %dma_start3A_65] : memref<6400x50xi32, #tpu.memory_space<hbm>> -> memref<40x50xi32, #tpu.memory_space<hbm>>
          %dma_start3A_67 = arith.constant 0 : i32
          %dma_start3A_68 = arith.constant 0 : i32
          %dma_start3A_69 = tpu.memref_slice %arg2[%run_scoped3A, %dma_start3A_67, %dma_start3A_68] : memref<2x6400x50xi32, #tpu.memory_space<hbm>> -> memref<1x6400x50xi32, #tpu.memory_space<hbm>>
          %dma_start3A_70 = tpu.memref_squeeze %dma_start3A_69 : memref<1x6400x50xi32, #tpu.memory_space<hbm>> -> memref<6400x50xi32, #tpu.memory_space<hbm>>
          %dma_start3A_71 = arith.constant 0 : i32
          %dma_start3A_72 = tpu.memref_slice %dma_start3A_70[%multiple_of3A_19, %dma_start3A_71] : memref<6400x50xi32, #tpu.memory_space<hbm>> -> memref<40x50xi32, #tpu.memory_space<hbm>>
          tpu.enqueue_dma source(%dma_start3A_72 : memref<40x50xi32, #tpu.memory_space<hbm>>) target(%arg7 : memref<40x50xi32, #tpu.memory_space<vmem>>) target_semaphore(%run_scoped3A_60 : memref<!tpu.dma_semaphore, #tpu.memory_space<semaphore_mem>>)
          %dma_wait3A_73 = arith.constant 0 : i32
          %dma_wait3A_74 = arith.constant 0 : i32
          %dma_wait3A_75 = tpu.memref_slice %arg2[%run_scoped3A, %dma_wait3A_73, %dma_wait3A_74] : memref<2x6400x50xi32, #tpu.memory_space<hbm>> -> memref<1x6400x50xi32, #tpu.memory_space<hbm>>
          %dma_wait3A_76 = tpu.memref_squeeze %dma_wait3A_75 : memref<1x6400x50xi32, #tpu.memory_space<hbm>> -> memref<6400x50xi32, #tpu.memory_space<hbm>>
          %dma_wait3A_77 = arith.constant 0 : i32
          %dma_wait3A_78 = tpu.memref_slice %dma_wait3A_76[%multiple_of3A_19, %dma_wait3A_77] : memref<6400x50xi32, #tpu.memory_space<hbm>> -> memref<40x50xi32, #tpu.memory_space<hbm>>
          %dma_wait3A_79 = arith.constant 0 : i32
          %dma_wait3A_80 = arith.constant 0 : i32
          %dma_wait3A_81 = tpu.memref_slice %arg2[%run_scoped3A, %dma_wait3A_79, %dma_wait3A_80] : memref<2x6400x50xi32, #tpu.memory_space<hbm>> -> memref<1x6400x50xi32, #tpu.memory_space<hbm>>
          %dma_wait3A_82 = tpu.memref_squeeze %dma_wait3A_81 : memref<1x6400x50xi32, #tpu.memory_space<hbm>> -> memref<6400x50xi32, #tpu.memory_space<hbm>>
          %dma_wait3A_83 = arith.constant 0 : i32
          %dma_wait3A_84 = tpu.memref_slice %dma_wait3A_82[%multiple_of3A_19, %dma_wait3A_83] : memref<6400x50xi32, #tpu.memory_space<hbm>> -> memref<40x50xi32, #tpu.memory_space<hbm>>
          tpu.wait_dma2 semaphore(%run_scoped3A_60 : memref<!tpu.dma_semaphore, #tpu.memory_space<semaphore_mem>>) src(%dma_wait3A_84 : memref<40x50xi32, #tpu.memory_space<hbm>>) dst(%arg7 : memref<40x50xi32, #tpu.memory_space<vmem>>)
          tpu.yield
        }) : () -> ()
        %run_scoped3A_20 = arith.constant 1 : i32
        "tpu.region"() ({
          %run_scoped3A_60 = tpu.sem_alloc : memref<!tpu.dma_semaphore, #tpu.memory_space<semaphore_mem>>
          %dma_start3A_61 = arith.constant 0 : i32
          %dma_start3A_62 = arith.constant 0 : i32
          %dma_start3A_63 = tpu.memref_slice %arg2[%run_scoped3A_20, %dma_start3A_61, %dma_start3A_62] : memref<2x6400x50xi32, #tpu.memory_space<hbm>> -> memref<1x6400x50xi32, #tpu.memory_space<hbm>>
          %dma_start3A_64 = tpu.memref_squeeze %dma_start3A_63 : memref<1x6400x50xi32, #tpu.memory_space<hbm>> -> memref<6400x50xi32, #tpu.memory_space<hbm>>
          %dma_start3A_65 = arith.constant 0 : i32
          %dma_start3A_66 = tpu.memref_slice %dma_start3A_64[%multiple_of3A_19, %dma_start3A_65] : memref<6400x50xi32, #tpu.memory_space<hbm>> -> memref<40x50xi32, #tpu.memory_space<hbm>>
          %dma_start3A_67 = arith.constant 0 : i32
          %dma_start3A_68 = arith.constant 0 : i32
          %dma_start3A_69 = tpu.memref_slice %arg2[%run_scoped3A_20, %dma_start3A_67, %dma_start3A_68] : memref<2x6400x50xi32, #tpu.memory_space<hbm>> -> memref<1x6400x50xi32, #tpu.memory_space<hbm>>
          %dma_start3A_70 = tpu.memref_squeeze %dma_start3A_69 : memref<1x6400x50xi32, #tpu.memory_space<hbm>> -> memref<6400x50xi32, #tpu.memory_space<hbm>>
          %dma_start3A_71 = arith.constant 0 : i32
          %dma_start3A_72 = tpu.memref_slice %dma_start3A_70[%multiple_of3A_19, %dma_start3A_71] : memref<6400x50xi32, #tpu.memory_space<hbm>> -> memref<40x50xi32, #tpu.memory_space<hbm>>
          tpu.enqueue_dma source(%dma_start3A_72 : memref<40x50xi32, #tpu.memory_space<hbm>>) target(%arg8 : memref<40x50xi32, #tpu.memory_space<vmem>>) target_semaphore(%run_scoped3A_60 : memref<!tpu.dma_semaphore, #tpu.memory_space<semaphore_mem>>)
          %dma_wait3A_73 = arith.constant 0 : i32
          %dma_wait3A_74 = arith.constant 0 : i32
          %dma_wait3A_75 = tpu.memref_slice %arg2[%run_scoped3A_20, %dma_wait3A_73, %dma_wait3A_74] : memref<2x6400x50xi32, #tpu.memory_space<hbm>> -> memref<1x6400x50xi32, #tpu.memory_space<hbm>>
          %dma_wait3A_76 = tpu.memref_squeeze %dma_wait3A_75 : memref<1x6400x50xi32, #tpu.memory_space<hbm>> -> memref<6400x50xi32, #tpu.memory_space<hbm>>
          %dma_wait3A_77 = arith.constant 0 : i32
          %dma_wait3A_78 = tpu.memref_slice %dma_wait3A_76[%multiple_of3A_19, %dma_wait3A_77] : memref<6400x50xi32, #tpu.memory_space<hbm>> -> memref<40x50xi32, #tpu.memory_space<hbm>>
          %dma_wait3A_79 = arith.constant 0 : i32
          %dma_wait3A_80 = arith.constant 0 : i32
          %dma_wait3A_81 = tpu.memref_slice %arg2[%run_scoped3A_20, %dma_wait3A_79, %dma_wait3A_80] : memref<2x6400x50xi32, #tpu.memory_space<hbm>> -> memref<1x6400x50xi32, #tpu.memory_space<hbm>>
          %dma_wait3A_82 = tpu.memref_squeeze %dma_wait3A_81 : memref<1x6400x50xi32, #tpu.memory_space<hbm>> -> memref<6400x50xi32, #tpu.memory_space<hbm>>
          %dma_wait3A_83 = arith.constant 0 : i32
          %dma_wait3A_84 = tpu.memref_slice %dma_wait3A_82[%multiple_of3A_19, %dma_wait3A_83] : memref<6400x50xi32, #tpu.memory_space<hbm>> -> memref<40x50xi32, #tpu.memory_space<hbm>>
          tpu.wait_dma2 semaphore(%run_scoped3A_60 : memref<!tpu.dma_semaphore, #tpu.memory_space<semaphore_mem>>) src(%dma_wait3A_84 : memref<40x50xi32, #tpu.memory_space<hbm>>) dst(%arg8 : memref<40x50xi32, #tpu.memory_space<vmem>>)
          tpu.yield
        }) : () -> ()
        %dma_start3A = arith.constant 0 : i32
        %dma_start3A_21 = arith.constant 0 : i32
        %dma_start3A_22 = tpu.memref_slice %arg7[%dma_start3A, %dma_start3A_21] : memref<40x50xi32, #tpu.memory_space<vmem>> -> memref<1x50xi32, #tpu.memory_space<vmem>>
        %dma_start3A_23 = tpu.memref_squeeze %dma_start3A_22 : memref<1x50xi32, #tpu.memory_space<vmem>> -> memref<50xi32, #tpu.memory_space<vmem>>
        %dma_start3A_24 = arith.constant 0 : i32
        %dma_start3A_25 = arith.constant 0 : i32
        %dma_start3A_26 = tpu.memref_slice %arg3[%dma_start3A_24, %dma_start3A_25] : memref<10000x136xf32, #tpu.memory_space<hbm>> -> memref<10000x136xf32, #tpu.memory_space<hbm>>
        tpu.enqueue_indirect_dma source(%dma_start3A_26 : memref<10000x136xf32, #tpu.memory_space<hbm>>) target(%arg9 : memref<50x136xf32, #tpu.memory_space<vmem>>) offsets(%dma_start3A_23 : memref<50xi32, #tpu.memory_space<vmem>>) semaphore(%arg14 : memref<!tpu.dma_semaphore, #tpu.memory_space<semaphore_mem>>)
        %dma_start3A_27 = arith.constant 1 : i32
        %dma_start3A_28 = arith.constant 0 : i32
        %dma_start3A_29 = tpu.memref_slice %arg7[%dma_start3A_27, %dma_start3A_28] : memref<40x50xi32, #tpu.memory_space<vmem>> -> memref<1x50xi32, #tpu.memory_space<vmem>>
        %dma_start3A_30 = tpu.memref_squeeze %dma_start3A_29 : memref<1x50xi32, #tpu.memory_space<vmem>> -> memref<50xi32, #tpu.memory_space<vmem>>
        %dma_start3A_31 = arith.constant 0 : i32
        %dma_start3A_32 = arith.constant 0 : i32
        %dma_start3A_33 = tpu.memref_slice %arg3[%dma_start3A_31, %dma_start3A_32] : memref<10000x136xf32, #tpu.memory_space<hbm>> -> memref<10000x136xf32, #tpu.memory_space<hbm>>
        tpu.enqueue_indirect_dma source(%dma_start3A_33 : memref<10000x136xf32, #tpu.memory_space<hbm>>) target(%arg10 : memref<50x136xf32, #tpu.memory_space<vmem>>) offsets(%dma_start3A_30 : memref<50xi32, #tpu.memory_space<vmem>>) semaphore(%arg15 : memref<!tpu.dma_semaphore, #tpu.memory_space<semaphore_mem>>)
        %scan3A_34 = arith.constant 0 : i32
        %scan3A_35 = arith.constant 0 : i32
        %scan3A_36 = arith.constant 8 : i32
        %scan3A_37 = arith.addi %scan3A_35, %scan3A_36 : i32
        %scan3A_38 = arith.constant 1 : i32
        scf.for %scan3A_60 = %scan3A_35 to %scan3A_37 step %scan3A_38  : i32 {
          %mul3A_61 = arith.constant 5 : i32
          %mul3A_62 = arith.muli %mul3A_61, %scan3A_60 : i32
          %add3A_63 = arith.constant 0 : i32
          %add3A_64 = arith.addi %mul3A_62, %add3A_63 : i32
          %sub3A = arith.constant 3 : i32
          %sub3A_65 = arith.subi %add3A_64, %sub3A : i32
          %gt3A = arith.constant 0 : i32
          %gt3A_66 = arith.cmpi sgt, %scan3A_60, %gt3A : i32
          %convert_element_type3A_67 = arith.extui %gt3A_66 : i1 to i32
          %cond3A_68 = arith.constant 0 : i32
          %cond3A_69 = arith.cmpi ne, %convert_element_type3A_67, %cond3A_68 : i32
          scf.if %cond3A_69 {
            %max3A = arith.constant 0 : i32
            %max3A_201 = arith.maxsi %sub3A_65, %max3A : i32
            %dma_wait3A_202 = arith.constant 0 : i32
            %dma_wait3A_203 = tpu.memref_slice %arg8[%max3A_201, %dma_wait3A_202] : memref<40x50xi32, #tpu.memory_space<vmem>> -> memref<1x50xi32, #tpu.memory_space<vmem>>
            %dma_wait3A_204 = tpu.memref_squeeze %dma_wait3A_203 : memref<1x50xi32, #tpu.memory_space<vmem>> -> memref<50xi32, #tpu.memory_space<vmem>>
            %dma_wait3A_205 = arith.constant 0 : i32
            %dma_wait3A_206 = arith.constant 0 : i32
            %dma_wait3A_207 = tpu.memref_slice %arg24[%dma_wait3A_205, %dma_wait3A_206] : memref<10000x136xf32, #tpu.memory_space<vmem_shared>> -> memref<10000x136xf32, #tpu.memory_space<vmem_shared>>
            tpu.wait_indirect_dma semaphore(%arg21 : memref<!tpu.dma_semaphore, #tpu.memory_space<semaphore_mem>>) src(%arg11 : memref<50x136xf32, #tpu.memory_space<vmem>>) dst(%dma_wait3A_207 : memref<10000x136xf32, #tpu.memory_space<vmem_shared>>)
          } else {
          }
          %add3A_70 = arith.constant 2 : i32
          %add3A_71 = arith.addi %add3A_64, %add3A_70 : i32
          %dma_start3A_72 = arith.constant 0 : i32
          %dma_start3A_73 = tpu.memref_slice %arg7[%add3A_71, %dma_start3A_72] : memref<40x50xi32, #tpu.memory_space<vmem>> -> memref<1x50xi32, #tpu.memory_space<vmem>>
          %dma_start3A_74 = tpu.memref_squeeze %dma_start3A_73 : memref<1x50xi32, #tpu.memory_space<vmem>> -> memref<50xi32, #tpu.memory_space<vmem>>
          %dma_start3A_75 = arith.constant 0 : i32
          %dma_start3A_76 = arith.constant 0 : i32
          %dma_start3A_77 = tpu.memref_slice %arg3[%dma_start3A_75, %dma_start3A_76] : memref<10000x136xf32, #tpu.memory_space<hbm>> -> memref<10000x136xf32, #tpu.memory_space<hbm>>
          tpu.enqueue_indirect_dma source(%dma_start3A_77 : memref<10000x136xf32, #tpu.memory_space<hbm>>) target(%arg11 : memref<50x136xf32, #tpu.memory_space<vmem>>) offsets(%dma_start3A_74 : memref<50xi32, #tpu.memory_space<vmem>>) semaphore(%arg16 : memref<!tpu.dma_semaphore, #tpu.memory_space<semaphore_mem>>)
          %dma_wait3A_78 = arith.constant 0 : i32
          %dma_wait3A_79 = tpu.memref_slice %arg7[%add3A_64, %dma_wait3A_78] : memref<40x50xi32, #tpu.memory_space<vmem>> -> memref<1x50xi32, #tpu.memory_space<vmem>>
          %dma_wait3A_80 = tpu.memref_squeeze %dma_wait3A_79 : memref<1x50xi32, #tpu.memory_space<vmem>> -> memref<50xi32, #tpu.memory_space<vmem>>
          %dma_wait3A_81 = arith.constant 0 : i32
          %dma_wait3A_82 = arith.constant 0 : i32
          %dma_wait3A_83 = tpu.memref_slice %arg3[%dma_wait3A_81, %dma_wait3A_82] : memref<10000x136xf32, #tpu.memory_space<hbm>> -> memref<10000x136xf32, #tpu.memory_space<hbm>>
          tpu.wait_indirect_dma semaphore(%arg14 : memref<!tpu.dma_semaphore, #tpu.memory_space<semaphore_mem>>) src(%dma_wait3A_83 : memref<10000x136xf32, #tpu.memory_space<hbm>>) dst(%arg9 : memref<50x136xf32, #tpu.memory_space<vmem>>)
          %dma_start3A_84 = arith.constant 0 : i32
          %dma_start3A_85 = tpu.memref_slice %arg8[%add3A_64, %dma_start3A_84] : memref<40x50xi32, #tpu.memory_space<vmem>> -> memref<1x50xi32, #tpu.memory_space<vmem>>
          %dma_start3A_86 = tpu.memref_squeeze %dma_start3A_85 : memref<1x50xi32, #tpu.memory_space<vmem>> -> memref<50xi32, #tpu.memory_space<vmem>>
          %dma_start3A_87 = arith.constant 0 : i32
          %dma_start3A_88 = arith.constant 0 : i32
          %dma_start3A_89 = tpu.memref_slice %arg24[%dma_start3A_87, %dma_start3A_88] : memref<10000x136xf32, #tpu.memory_space<vmem_shared>> -> memref<10000x136xf32, #tpu.memory_space<vmem_shared>>
          tpu.enqueue_indirect_dma source(%arg9 : memref<50x136xf32, #tpu.memory_space<vmem>>) target(%dma_start3A_89 : memref<10000x136xf32, #tpu.memory_space<vmem_shared>>) offsets(%dma_start3A_86 : memref<50xi32, #tpu.memory_space<vmem>>) semaphore(%arg19 : memref<!tpu.dma_semaphore, #tpu.memory_space<semaphore_mem>>) {add = true}
          %add3A_90 = arith.constant 1 : i32
          %add3A_91 = arith.addi %mul3A_62, %add3A_90 : i32
          %sub3A_92 = arith.constant 3 : i32
          %sub3A_93 = arith.subi %add3A_91, %sub3A_92 : i32
          %gt3A_94 = arith.constant 0 : i32
          %gt3A_95 = arith.cmpi sgt, %scan3A_60, %gt3A_94 : i32
          %convert_element_type3A_96 = arith.extui %gt3A_95 : i1 to i32
          %cond3A_97 = arith.constant 0 : i32
          %cond3A_98 = arith.cmpi ne, %convert_element_type3A_96, %cond3A_97 : i32
          scf.if %cond3A_98 {
            %max3A = arith.constant 0 : i32
            %max3A_201 = arith.maxsi %sub3A_93, %max3A : i32
            %dma_wait3A_202 = arith.constant 0 : i32
            %dma_wait3A_203 = tpu.memref_slice %arg8[%max3A_201, %dma_wait3A_202] : memref<40x50xi32, #tpu.memory_space<vmem>> -> memref<1x50xi32, #tpu.memory_space<vmem>>
            %dma_wait3A_204 = tpu.memref_squeeze %dma_wait3A_203 : memref<1x50xi32, #tpu.memory_space<vmem>> -> memref<50xi32, #tpu.memory_space<vmem>>
            %dma_wait3A_205 = arith.constant 0 : i32
            %dma_wait3A_206 = arith.constant 0 : i32
            %dma_wait3A_207 = tpu.memref_slice %arg24[%dma_wait3A_205, %dma_wait3A_206] : memref<10000x136xf32, #tpu.memory_space<vmem_shared>> -> memref<10000x136xf32, #tpu.memory_space<vmem_shared>>
            tpu.wait_indirect_dma semaphore(%arg22 : memref<!tpu.dma_semaphore, #tpu.memory_space<semaphore_mem>>) src(%arg12 : memref<50x136xf32, #tpu.memory_space<vmem>>) dst(%dma_wait3A_207 : memref<10000x136xf32, #tpu.memory_space<vmem_shared>>)
          } else {
          }
          %add3A_99 = arith.constant 2 : i32
          %add3A_100 = arith.addi %add3A_91, %add3A_99 : i32
          %dma_start3A_101 = arith.constant 0 : i32
          %dma_start3A_102 = tpu.memref_slice %arg7[%add3A_100, %dma_start3A_101] : memref<40x50xi32, #tpu.memory_space<vmem>> -> memref<1x50xi32, #tpu.memory_space<vmem>>
          %dma_start3A_103 = tpu.memref_squeeze %dma_start3A_102 : memref<1x50xi32, #tpu.memory_space<vmem>> -> memref<50xi32, #tpu.memory_space<vmem>>
          %dma_start3A_104 = arith.constant 0 : i32
          %dma_start3A_105 = arith.constant 0 : i32
          %dma_start3A_106 = tpu.memref_slice %arg3[%dma_start3A_104, %dma_start3A_105] : memref<10000x136xf32, #tpu.memory_space<hbm>> -> memref<10000x136xf32, #tpu.memory_space<hbm>>
          tpu.enqueue_indirect_dma source(%dma_start3A_106 : memref<10000x136xf32, #tpu.memory_space<hbm>>) target(%arg12 : memref<50x136xf32, #tpu.memory_space<vmem>>) offsets(%dma_start3A_103 : memref<50xi32, #tpu.memory_space<vmem>>) semaphore(%arg17 : memref<!tpu.dma_semaphore, #tpu.memory_space<semaphore_mem>>)
          %dma_wait3A_107 = arith.constant 0 : i32
          %dma_wait3A_108 = tpu.memref_slice %arg7[%add3A_91, %dma_wait3A_107] : memref<40x50xi32, #tpu.memory_space<vmem>> -> memref<1x50xi32, #tpu.memory_space<vmem>>
          %dma_wait3A_109 = tpu.memref_squeeze %dma_wait3A_108 : memref<1x50xi32, #tpu.memory_space<vmem>> -> memref<50xi32, #tpu.memory_space<vmem>>
          %dma_wait3A_110 = arith.constant 0 : i32
          %dma_wait3A_111 = arith.constant 0 : i32
          %dma_wait3A_112 = tpu.memref_slice %arg3[%dma_wait3A_110, %dma_wait3A_111] : memref<10000x136xf32, #tpu.memory_space<hbm>> -> memref<10000x136xf32, #tpu.memory_space<hbm>>
          tpu.wait_indirect_dma semaphore(%arg15 : memref<!tpu.dma_semaphore, #tpu.memory_space<semaphore_mem>>) src(%dma_wait3A_112 : memref<10000x136xf32, #tpu.memory_space<hbm>>) dst(%arg10 : memref<50x136xf32, #tpu.memory_space<vmem>>)
          %dma_start3A_113 = arith.constant 0 : i32
          %dma_start3A_114 = tpu.memref_slice %arg8[%add3A_91, %dma_start3A_113] : memref<40x50xi32, #tpu.memory_space<vmem>> -> memref<1x50xi32, #tpu.memory_space<vmem>>
          %dma_start3A_115 = tpu.memref_squeeze %dma_start3A_114 : memref<1x50xi32, #tpu.memory_space<vmem>> -> memref<50xi32, #tpu.memory_space<vmem>>
          %dma_start3A_116 = arith.constant 0 : i32
          %dma_start3A_117 = arith.constant 0 : i32
          %dma_start3A_118 = tpu.memref_slice %arg24[%dma_start3A_116, %dma_start3A_117] : memref<10000x136xf32, #tpu.memory_space<vmem_shared>> -> memref<10000x136xf32, #tpu.memory_space<vmem_shared>>
          tpu.enqueue_indirect_dma source(%arg10 : memref<50x136xf32, #tpu.memory_space<vmem>>) target(%dma_start3A_118 : memref<10000x136xf32, #tpu.memory_space<vmem_shared>>) offsets(%dma_start3A_115 : memref<50xi32, #tpu.memory_space<vmem>>) semaphore(%arg20 : memref<!tpu.dma_semaphore, #tpu.memory_space<semaphore_mem>>) {add = true}
          %add3A_119 = arith.constant 2 : i32
          %add3A_120 = arith.addi %mul3A_62, %add3A_119 : i32
          %sub3A_121 = arith.constant 3 : i32
          %sub3A_122 = arith.subi %add3A_120, %sub3A_121 : i32
          %gt3A_123 = arith.constant 0 : i32
          %gt3A_124 = arith.cmpi sgt, %scan3A_60, %gt3A_123 : i32
          %convert_element_type3A_125 = arith.extui %gt3A_124 : i1 to i32
          %cond3A_126 = arith.constant 0 : i32
          %cond3A_127 = arith.cmpi ne, %convert_element_type3A_125, %cond3A_126 : i32
          scf.if %cond3A_127 {
            %max3A = arith.constant 0 : i32
            %max3A_201 = arith.maxsi %sub3A_122, %max3A : i32
            %dma_wait3A_202 = arith.constant 0 : i32
            %dma_wait3A_203 = tpu.memref_slice %arg8[%max3A_201, %dma_wait3A_202] : memref<40x50xi32, #tpu.memory_space<vmem>> -> memref<1x50xi32, #tpu.memory_space<vmem>>
            %dma_wait3A_204 = tpu.memref_squeeze %dma_wait3A_203 : memref<1x50xi32, #tpu.memory_space<vmem>> -> memref<50xi32, #tpu.memory_space<vmem>>
            %dma_wait3A_205 = arith.constant 0 : i32
            %dma_wait3A_206 = arith.constant 0 : i32
            %dma_wait3A_207 = tpu.memref_slice %arg24[%dma_wait3A_205, %dma_wait3A_206] : memref<10000x136xf32, #tpu.memory_space<vmem_shared>> -> memref<10000x136xf32, #tpu.memory_space<vmem_shared>>
            tpu.wait_indirect_dma semaphore(%arg23 : memref<!tpu.dma_semaphore, #tpu.memory_space<semaphore_mem>>) src(%arg13 : memref<50x136xf32, #tpu.memory_space<vmem>>) dst(%dma_wait3A_207 : memref<10000x136xf32, #tpu.memory_space<vmem_shared>>)
          } else {
          }
          %add3A_128 = arith.constant 2 : i32
          %add3A_129 = arith.addi %add3A_120, %add3A_128 : i32
          %dma_start3A_130 = arith.constant 0 : i32
          %dma_start3A_131 = tpu.memref_slice %arg7[%add3A_129, %dma_start3A_130] : memref<40x50xi32, #tpu.memory_space<vmem>> -> memref<1x50xi32, #tpu.memory_space<vmem>>
          %dma_start3A_132 = tpu.memref_squeeze %dma_start3A_131 : memref<1x50xi32, #tpu.memory_space<vmem>> -> memref<50xi32, #tpu.memory_space<vmem>>
          %dma_start3A_133 = arith.constant 0 : i32
          %dma_start3A_134 = arith.constant 0 : i32
          %dma_start3A_135 = tpu.memref_slice %arg3[%dma_start3A_133, %dma_start3A_134] : memref<10000x136xf32, #tpu.memory_space<hbm>> -> memref<10000x136xf32, #tpu.memory_space<hbm>>
          tpu.enqueue_indirect_dma source(%dma_start3A_135 : memref<10000x136xf32, #tpu.memory_space<hbm>>) target(%arg13 : memref<50x136xf32, #tpu.memory_space<vmem>>) offsets(%dma_start3A_132 : memref<50xi32, #tpu.memory_space<vmem>>) semaphore(%arg18 : memref<!tpu.dma_semaphore, #tpu.memory_space<semaphore_mem>>)
          %dma_wait3A_136 = arith.constant 0 : i32
          %dma_wait3A_137 = tpu.memref_slice %arg7[%add3A_120, %dma_wait3A_136] : memref<40x50xi32, #tpu.memory_space<vmem>> -> memref<1x50xi32, #tpu.memory_space<vmem>>
          %dma_wait3A_138 = tpu.memref_squeeze %dma_wait3A_137 : memref<1x50xi32, #tpu.memory_space<vmem>> -> memref<50xi32, #tpu.memory_space<vmem>>
          %dma_wait3A_139 = arith.constant 0 : i32
          %dma_wait3A_140 = arith.constant 0 : i32
          %dma_wait3A_141 = tpu.memref_slice %arg3[%dma_wait3A_139, %dma_wait3A_140] : memref<10000x136xf32, #tpu.memory_space<hbm>> -> memref<10000x136xf32, #tpu.memory_space<hbm>>
          tpu.wait_indirect_dma semaphore(%arg16 : memref<!tpu.dma_semaphore, #tpu.memory_space<semaphore_mem>>) src(%dma_wait3A_141 : memref<10000x136xf32, #tpu.memory_space<hbm>>) dst(%arg11 : memref<50x136xf32, #tpu.memory_space<vmem>>)
          %dma_start3A_142 = arith.constant 0 : i32
          %dma_start3A_143 = tpu.memref_slice %arg8[%add3A_120, %dma_start3A_142] : memref<40x50xi32, #tpu.memory_space<vmem>> -> memref<1x50xi32, #tpu.memory_space<vmem>>
          %dma_start3A_144 = tpu.memref_squeeze %dma_start3A_143 : memref<1x50xi32, #tpu.memory_space<vmem>> -> memref<50xi32, #tpu.memory_space<vmem>>
          %dma_start3A_145 = arith.constant 0 : i32
          %dma_start3A_146 = arith.constant 0 : i32
          %dma_start3A_147 = tpu.memref_slice %arg24[%dma_start3A_145, %dma_start3A_146] : memref<10000x136xf32, #tpu.memory_space<vmem_shared>> -> memref<10000x136xf32, #tpu.memory_space<vmem_shared>>
          tpu.enqueue_indirect_dma source(%arg11 : memref<50x136xf32, #tpu.memory_space<vmem>>) target(%dma_start3A_147 : memref<10000x136xf32, #tpu.memory_space<vmem_shared>>) offsets(%dma_start3A_144 : memref<50xi32, #tpu.memory_space<vmem>>) semaphore(%arg21 : memref<!tpu.dma_semaphore, #tpu.memory_space<semaphore_mem>>) {add = true}
          %add3A_148 = arith.constant 3 : i32
          %add3A_149 = arith.addi %mul3A_62, %add3A_148 : i32
          %sub3A_150 = arith.constant 3 : i32
          %sub3A_151 = arith.subi %add3A_149, %sub3A_150 : i32
          %dma_wait3A_152 = arith.constant 0 : i32
          %dma_wait3A_153 = tpu.memref_slice %arg8[%sub3A_151, %dma_wait3A_152] : memref<40x50xi32, #tpu.memory_space<vmem>> -> memref<1x50xi32, #tpu.memory_space<vmem>>
          %dma_wait3A_154 = tpu.memref_squeeze %dma_wait3A_153 : memref<1x50xi32, #tpu.memory_space<vmem>> -> memref<50xi32, #tpu.memory_space<vmem>>
          %dma_wait3A_155 = arith.constant 0 : i32
          %dma_wait3A_156 = arith.constant 0 : i32
          %dma_wait3A_157 = tpu.memref_slice %arg24[%dma_wait3A_155, %dma_wait3A_156] : memref<10000x136xf32, #tpu.memory_space<vmem_shared>> -> memref<10000x136xf32, #tpu.memory_space<vmem_shared>>
          tpu.wait_indirect_dma semaphore(%arg19 : memref<!tpu.dma_semaphore, #tpu.memory_space<semaphore_mem>>) src(%arg9 : memref<50x136xf32, #tpu.memory_space<vmem>>) dst(%dma_wait3A_157 : memref<10000x136xf32, #tpu.memory_space<vmem_shared>>)
          %lt3A = arith.constant 7 : i32
          %lt3A_158 = arith.cmpi slt, %scan3A_60, %lt3A : i32
          %convert_element_type3A_159 = arith.extui %lt3A_158 : i1 to i32
          %cond3A_160 = arith.constant 0 : i32
          %cond3A_161 = arith.cmpi ne, %convert_element_type3A_159, %cond3A_160 : i32
          scf.if %cond3A_161 {
            %add3A_201 = arith.constant 2 : i32
            %add3A_202 = arith.addi %add3A_149, %add3A_201 : i32
            %dma_start3A_203 = arith.constant 0 : i32
            %dma_start3A_204 = tpu.memref_slice %arg7[%add3A_202, %dma_start3A_203] : memref<40x50xi32, #tpu.memory_space<vmem>> -> memref<1x50xi32, #tpu.memory_space<vmem>>
            %dma_start3A_205 = tpu.memref_squeeze %dma_start3A_204 : memref<1x50xi32, #tpu.memory_space<vmem>> -> memref<50xi32, #tpu.memory_space<vmem>>
            %dma_start3A_206 = arith.constant 0 : i32
            %dma_start3A_207 = arith.constant 0 : i32
            %dma_start3A_208 = tpu.memref_slice %arg3[%dma_start3A_206, %dma_start3A_207] : memref<10000x136xf32, #tpu.memory_space<hbm>> -> memref<10000x136xf32, #tpu.memory_space<hbm>>
            tpu.enqueue_indirect_dma source(%dma_start3A_208 : memref<10000x136xf32, #tpu.memory_space<hbm>>) target(%arg9 : memref<50x136xf32, #tpu.memory_space<vmem>>) offsets(%dma_start3A_205 : memref<50xi32, #tpu.memory_space<vmem>>) semaphore(%arg14 : memref<!tpu.dma_semaphore, #tpu.memory_space<semaphore_mem>>)
          } else {
          }
          %dma_wait3A_162 = arith.constant 0 : i32
          %dma_wait3A_163 = tpu.memref_slice %arg7[%add3A_149, %dma_wait3A_162] : memref<40x50xi32, #tpu.memory_space<vmem>> -> memref<1x50xi32, #tpu.memory_space<vmem>>
          %dma_wait3A_164 = tpu.memref_squeeze %dma_wait3A_163 : memref<1x50xi32, #tpu.memory_space<vmem>> -> memref<50xi32, #tpu.memory_space<vmem>>
          %dma_wait3A_165 = arith.constant 0 : i32
          %dma_wait3A_166 = arith.constant 0 : i32
          %dma_wait3A_167 = tpu.memref_slice %arg3[%dma_wait3A_165, %dma_wait3A_166] : memref<10000x136xf32, #tpu.memory_space<hbm>> -> memref<10000x136xf32, #tpu.memory_space<hbm>>
          tpu.wait_indirect_dma semaphore(%arg17 : memref<!tpu.dma_semaphore, #tpu.memory_space<semaphore_mem>>) src(%dma_wait3A_167 : memref<10000x136xf32, #tpu.memory_space<hbm>>) dst(%arg12 : memref<50x136xf32, #tpu.memory_space<vmem>>)
          %dma_start3A_168 = arith.constant 0 : i32
          %dma_start3A_169 = tpu.memref_slice %arg8[%add3A_149, %dma_start3A_168] : memref<40x50xi32, #tpu.memory_space<vmem>> -> memref<1x50xi32, #tpu.memory_space<vmem>>
          %dma_start3A_170 = tpu.memref_squeeze %dma_start3A_169 : memref<1x50xi32, #tpu.memory_space<vmem>> -> memref<50xi32, #tpu.memory_space<vmem>>
          %dma_start3A_171 = arith.constant 0 : i32
          %dma_start3A_172 = arith.constant 0 : i32
          %dma_start3A_173 = tpu.memref_slice %arg24[%dma_start3A_171, %dma_start3A_172] : memref<10000x136xf32, #tpu.memory_space<vmem_shared>> -> memref<10000x136xf32, #tpu.memory_space<vmem_shared>>
          tpu.enqueue_indirect_dma source(%arg12 : memref<50x136xf32, #tpu.memory_space<vmem>>) target(%dma_start3A_173 : memref<10000x136xf32, #tpu.memory_space<vmem_shared>>) offsets(%dma_start3A_170 : memref<50xi32, #tpu.memory_space<vmem>>) semaphore(%arg22 : memref<!tpu.dma_semaphore, #tpu.memory_space<semaphore_mem>>) {add = true}
          %add3A_174 = arith.constant 4 : i32
          %add3A_175 = arith.addi %mul3A_62, %add3A_174 : i32
          %sub3A_176 = arith.constant 3 : i32
          %sub3A_177 = arith.subi %add3A_175, %sub3A_176 : i32
          %dma_wait3A_178 = arith.constant 0 : i32
          %dma_wait3A_179 = tpu.memref_slice %arg8[%sub3A_177, %dma_wait3A_178] : memref<40x50xi32, #tpu.memory_space<vmem>> -> memref<1x50xi32, #tpu.memory_space<vmem>>
          %dma_wait3A_180 = tpu.memref_squeeze %dma_wait3A_179 : memref<1x50xi32, #tpu.memory_space<vmem>> -> memref<50xi32, #tpu.memory_space<vmem>>
          %dma_wait3A_181 = arith.constant 0 : i32
          %dma_wait3A_182 = arith.constant 0 : i32
          %dma_wait3A_183 = tpu.memref_slice %arg24[%dma_wait3A_181, %dma_wait3A_182] : memref<10000x136xf32, #tpu.memory_space<vmem_shared>> -> memref<10000x136xf32, #tpu.memory_space<vmem_shared>>
          tpu.wait_indirect_dma semaphore(%arg20 : memref<!tpu.dma_semaphore, #tpu.memory_space<semaphore_mem>>) src(%arg10 : memref<50x136xf32, #tpu.memory_space<vmem>>) dst(%dma_wait3A_183 : memref<10000x136xf32, #tpu.memory_space<vmem_shared>>)
          %lt3A_184 = arith.constant 7 : i32
          %lt3A_185 = arith.cmpi slt, %scan3A_60, %lt3A_184 : i32
          %convert_element_type3A_186 = arith.extui %lt3A_185 : i1 to i32
          %cond3A_187 = arith.constant 0 : i32
          %cond3A_188 = arith.cmpi ne, %convert_element_type3A_186, %cond3A_187 : i32
          scf.if %cond3A_188 {
            %add3A_201 = arith.constant 2 : i32
            %add3A_202 = arith.addi %add3A_175, %add3A_201 : i32
            %dma_start3A_203 = arith.constant 0 : i32
            %dma_start3A_204 = tpu.memref_slice %arg7[%add3A_202, %dma_start3A_203] : memref<40x50xi32, #tpu.memory_space<vmem>> -> memref<1x50xi32, #tpu.memory_space<vmem>>
            %dma_start3A_205 = tpu.memref_squeeze %dma_start3A_204 : memref<1x50xi32, #tpu.memory_space<vmem>> -> memref<50xi32, #tpu.memory_space<vmem>>
            %dma_start3A_206 = arith.constant 0 : i32
            %dma_start3A_207 = arith.constant 0 : i32
            %dma_start3A_208 = tpu.memref_slice %arg3[%dma_start3A_206, %dma_start3A_207] : memref<10000x136xf32, #tpu.memory_space<hbm>> -> memref<10000x136xf32, #tpu.memory_space<hbm>>
            tpu.enqueue_indirect_dma source(%dma_start3A_208 : memref<10000x136xf32, #tpu.memory_space<hbm>>) target(%arg10 : memref<50x136xf32, #tpu.memory_space<vmem>>) offsets(%dma_start3A_205 : memref<50xi32, #tpu.memory_space<vmem>>) semaphore(%arg15 : memref<!tpu.dma_semaphore, #tpu.memory_space<semaphore_mem>>)
          } else {
          }
          %dma_wait3A_189 = arith.constant 0 : i32
          %dma_wait3A_190 = tpu.memref_slice %arg7[%add3A_175, %dma_wait3A_189] : memref<40x50xi32, #tpu.memory_space<vmem>> -> memref<1x50xi32, #tpu.memory_space<vmem>>
          %dma_wait3A_191 = tpu.memref_squeeze %dma_wait3A_190 : memref<1x50xi32, #tpu.memory_space<vmem>> -> memref<50xi32, #tpu.memory_space<vmem>>
          %dma_wait3A_192 = arith.constant 0 : i32
          %dma_wait3A_193 = arith.constant 0 : i32
          %dma_wait3A_194 = tpu.memref_slice %arg3[%dma_wait3A_192, %dma_wait3A_193] : memref<10000x136xf32, #tpu.memory_space<hbm>> -> memref<10000x136xf32, #tpu.memory_space<hbm>>
          tpu.wait_indirect_dma semaphore(%arg18 : memref<!tpu.dma_semaphore, #tpu.memory_space<semaphore_mem>>) src(%dma_wait3A_194 : memref<10000x136xf32, #tpu.memory_space<hbm>>) dst(%arg13 : memref<50x136xf32, #tpu.memory_space<vmem>>)
          %dma_start3A_195 = arith.constant 0 : i32
          %dma_start3A_196 = tpu.memref_slice %arg8[%add3A_175, %dma_start3A_195] : memref<40x50xi32, #tpu.memory_space<vmem>> -> memref<1x50xi32, #tpu.memory_space<vmem>>
          %dma_start3A_197 = tpu.memref_squeeze %dma_start3A_196 : memref<1x50xi32, #tpu.memory_space<vmem>> -> memref<50xi32, #tpu.memory_space<vmem>>
          %dma_start3A_198 = arith.constant 0 : i32
          %dma_start3A_199 = arith.constant 0 : i32
          %dma_start3A_200 = tpu.memref_slice %arg24[%dma_start3A_198, %dma_start3A_199] : memref<10000x136xf32, #tpu.memory_space<vmem_shared>> -> memref<10000x136xf32, #tpu.memory_space<vmem_shared>>
          tpu.enqueue_indirect_dma source(%arg13 : memref<50x136xf32, #tpu.memory_space<vmem>>) target(%dma_start3A_200 : memref<10000x136xf32, #tpu.memory_space<vmem_shared>>) offsets(%dma_start3A_197 : memref<50xi32, #tpu.memory_space<vmem>>) semaphore(%arg23 : memref<!tpu.dma_semaphore, #tpu.memory_space<semaphore_mem>>) {add = true}
        }
        %scan3A_39 = arith.constant 8 : i32
        %dma_wait3A = arith.constant 37 : i32
        %dma_wait3A_40 = arith.constant 0 : i32
        %dma_wait3A_41 = tpu.memref_slice %arg8[%dma_wait3A, %dma_wait3A_40] : memref<40x50xi32, #tpu.memory_space<vmem>> -> memref<1x50xi32, #tpu.memory_space<vmem>>
        %dma_wait3A_42 = tpu.memref_squeeze %dma_wait3A_41 : memref<1x50xi32, #tpu.memory_space<vmem>> -> memref<50xi32, #tpu.memory_space<vmem>>
        %dma_wait3A_43 = arith.constant 0 : i32
        %dma_wait3A_44 = arith.constant 0 : i32
        %dma_wait3A_45 = tpu.memref_slice %arg24[%dma_wait3A_43, %dma_wait3A_44] : memref<10000x136xf32, #tpu.memory_space<vmem_shared>> -> memref<10000x136xf32, #tpu.memory_space<vmem_shared>>
        tpu.wait_indirect_dma semaphore(%arg21 : memref<!tpu.dma_semaphore, #tpu.memory_space<semaphore_mem>>) src(%arg11 : memref<50x136xf32, #tpu.memory_space<vmem>>) dst(%dma_wait3A_45 : memref<10000x136xf32, #tpu.memory_space<vmem_shared>>)
        %dma_wait3A_46 = arith.constant 38 : i32
        %dma_wait3A_47 = arith.constant 0 : i32
        %dma_wait3A_48 = tpu.memref_slice %arg8[%dma_wait3A_46, %dma_wait3A_47] : memref<40x50xi32, #tpu.memory_space<vmem>> -> memref<1x50xi32, #tpu.memory_space<vmem>>
        %dma_wait3A_49 = tpu.memref_squeeze %dma_wait3A_48 : memref<1x50xi32, #tpu.memory_space<vmem>> -> memref<50xi32, #tpu.memory_space<vmem>>
        %dma_wait3A_50 = arith.constant 0 : i32
        %dma_wait3A_51 = arith.constant 0 : i32
        %dma_wait3A_52 = tpu.memref_slice %arg24[%dma_wait3A_50, %dma_wait3A_51] : memref<10000x136xf32, #tpu.memory_space<vmem_shared>> -> memref<10000x136xf32, #tpu.memory_space<vmem_shared>>
        tpu.wait_indirect_dma semaphore(%arg22 : memref<!tpu.dma_semaphore, #tpu.memory_space<semaphore_mem>>) src(%arg12 : memref<50x136xf32, #tpu.memory_space<vmem>>) dst(%dma_wait3A_52 : memref<10000x136xf32, #tpu.memory_space<vmem_shared>>)
        %dma_wait3A_53 = arith.constant 39 : i32
        %dma_wait3A_54 = arith.constant 0 : i32
        %dma_wait3A_55 = tpu.memref_slice %arg8[%dma_wait3A_53, %dma_wait3A_54] : memref<40x50xi32, #tpu.memory_space<vmem>> -> memref<1x50xi32, #tpu.memory_space<vmem>>
        %dma_wait3A_56 = tpu.memref_squeeze %dma_wait3A_55 : memref<1x50xi32, #tpu.memory_space<vmem>> -> memref<50xi32, #tpu.memory_space<vmem>>
        %dma_wait3A_57 = arith.constant 0 : i32
        %dma_wait3A_58 = arith.constant 0 : i32
        %dma_wait3A_59 = tpu.memref_slice %arg24[%dma_wait3A_57, %dma_wait3A_58] : memref<10000x136xf32, #tpu.memory_space<vmem_shared>> -> memref<10000x136xf32, #tpu.memory_space<vmem_shared>>
        tpu.wait_indirect_dma semaphore(%arg23 : memref<!tpu.dma_semaphore, #tpu.memory_space<semaphore_mem>>) src(%arg13 : memref<50x136xf32, #tpu.memory_space<vmem>>) dst(%dma_wait3A_59 : memref<10000x136xf32, #tpu.memory_space<vmem_shared>>)
      }
      %scan3A_12 = arith.constant 10 : i32
      %barrier3A_13 = arith.constant 0 : index
      tpu.barrier barrier_id(%barrier3A_13)
      "tpu.region"() ({
        %run_scoped3A = tpu.sem_alloc : memref<!tpu.dma_semaphore, #tpu.memory_space<semaphore_mem>>
        %dma_start3A = arith.constant 0 : i32
        %dma_start3A_14 = tpu.memref_slice %arg5[%multiple_of3A, %dma_start3A] : memref<10000x136xf32, #tpu.memory_space<hbm>> -> memref<640x136xf32, #tpu.memory_space<hbm>>
        %dma_start3A_15 = arith.constant 0 : i32
        %dma_start3A_16 = tpu.memref_slice %arg24[%multiple_of3A, %dma_start3A_15] : memref<10000x136xf32, #tpu.memory_space<vmem_shared>> -> memref<640x136xf32, #tpu.memory_space<vmem_shared>>
        tpu.enqueue_dma source(%dma_start3A_16 : memref<640x136xf32, #tpu.memory_space<vmem_shared>>) target(%dma_start3A_14 : memref<640x136xf32, #tpu.memory_space<hbm>>) target_semaphore(%run_scoped3A : memref<!tpu.dma_semaphore, #tpu.memory_space<semaphore_mem>>)
        %dma_wait3A = arith.constant 0 : i32
        %dma_wait3A_17 = tpu.memref_slice %arg5[%multiple_of3A, %dma_wait3A] : memref<10000x136xf32, #tpu.memory_space<hbm>> -> memref<640x136xf32, #tpu.memory_space<hbm>>
        %dma_wait3A_18 = arith.constant 0 : i32
        %dma_wait3A_19 = tpu.memref_slice %arg24[%multiple_of3A, %dma_wait3A_18] : memref<10000x136xf32, #tpu.memory_space<vmem_shared>> -> memref<640x136xf32, #tpu.memory_space<vmem_shared>>
        tpu.wait_dma2 semaphore(%run_scoped3A : memref<!tpu.dma_semaphore, #tpu.memory_space<semaphore_mem>>) src(%dma_wait3A_19 : memref<640x136xf32, #tpu.memory_space<vmem_shared>>) dst(%dma_wait3A_17 : memref<640x136xf32, #tpu.memory_space<hbm>>)
        tpu.yield
      }) : () -> ()
    } else {
    }
    %eq3A_3 = arith.constant 1 : i32
    %eq3A_4 = arith.cmpi eq, %arg0, %eq3A_3 : i32
    %convert_element_type3A_5 = arith.extui %eq3A_4 : i1 to i32
    %cond3A_6 = arith.constant 0 : i32
    %cond3A_7 = arith.cmpi ne, %convert_element_type3A_5, %cond3A_6 : i32
    scf.if %cond3A_7 {
      "tpu.region"() ({
        %run_scoped3A = tpu.sem_alloc : memref<!tpu.dma_semaphore, #tpu.memory_space<semaphore_mem>>
        %dma_start3A = arith.constant 0 : i32
        %dma_start3A_14 = tpu.memref_slice %arg24[%multiple_of3A, %dma_start3A] : memref<10000x136xf32, #tpu.memory_space<vmem_shared>> -> memref<640x136xf32, #tpu.memory_space<vmem_shared>>
        %dma_start3A_15 = arith.constant 0 : i32
        %dma_start3A_16 = tpu.memref_slice %arg4[%multiple_of3A, %dma_start3A_15] : memref<10000x136xf32, #tpu.memory_space<hbm>> -> memref<640x136xf32, #tpu.memory_space<hbm>>
        tpu.enqueue_dma source(%dma_start3A_16 : memref<640x136xf32, #tpu.memory_space<hbm>>) target(%dma_start3A_14 : memref<640x136xf32, #tpu.memory_space<vmem_shared>>) target_semaphore(%run_scoped3A : memref<!tpu.dma_semaphore, #tpu.memory_space<semaphore_mem>>)
        %dma_wait3A = arith.constant 0 : i32
        %dma_wait3A_17 = tpu.memref_slice %arg24[%multiple_of3A, %dma_wait3A] : memref<10000x136xf32, #tpu.memory_space<vmem_shared>> -> memref<640x136xf32, #tpu.memory_space<vmem_shared>>
        %dma_wait3A_18 = arith.constant 0 : i32
        %dma_wait3A_19 = tpu.memref_slice %arg4[%multiple_of3A, %dma_wait3A_18] : memref<10000x136xf32, #tpu.memory_space<hbm>> -> memref<640x136xf32, #tpu.memory_space<hbm>>
        tpu.wait_dma2 semaphore(%run_scoped3A : memref<!tpu.dma_semaphore, #tpu.memory_space<semaphore_mem>>) src(%dma_wait3A_19 : memref<640x136xf32, #tpu.memory_space<hbm>>) dst(%dma_wait3A_17 : memref<640x136xf32, #tpu.memory_space<vmem_shared>>)
        tpu.yield
      }) : () -> ()
      %barrier3A = arith.constant 0 : index
      tpu.barrier barrier_id(%barrier3A)
      %scan3A = arith.constant 0 : i32
      %scan3A_8 = arith.constant 0 : i32
      %scan3A_9 = arith.constant 10 : i32
      %scan3A_10 = arith.addi %scan3A_8, %scan3A_9 : i32
      %scan3A_11 = arith.constant 1 : i32
      scf.for %scan3A_14 = %scan3A_8 to %scan3A_10 step %scan3A_11  : i32 {
        %mul3A_15 = arith.constant 400 : i32
        %mul3A_16 = arith.muli %arg1, %mul3A_15 : i32
        %mul3A_17 = arith.constant 40 : i32
        %mul3A_18 = arith.muli %scan3A_14, %mul3A_17 : i32
        %add3A = arith.addi %mul3A_16, %mul3A_18 : i32
        %multiple_of3A_19 = tpu.assume_multiple %add3A, 8 : i32
        %run_scoped3A = arith.constant 0 : i32
        "tpu.region"() ({
          %run_scoped3A_60 = tpu.sem_alloc : memref<!tpu.dma_semaphore, #tpu.memory_space<semaphore_mem>>
          %dma_start3A_61 = arith.constant 0 : i32
          %dma_start3A_62 = arith.constant 0 : i32
          %dma_start3A_63 = tpu.memref_slice %arg2[%run_scoped3A, %dma_start3A_61, %dma_start3A_62] : memref<2x6400x50xi32, #tpu.memory_space<hbm>> -> memref<1x6400x50xi32, #tpu.memory_space<hbm>>
          %dma_start3A_64 = tpu.memref_squeeze %dma_start3A_63 : memref<1x6400x50xi32, #tpu.memory_space<hbm>> -> memref<6400x50xi32, #tpu.memory_space<hbm>>
          %dma_start3A_65 = arith.constant 0 : i32
          %dma_start3A_66 = tpu.memref_slice %dma_start3A_64[%multiple_of3A_19, %dma_start3A_65] : memref<6400x50xi32, #tpu.memory_space<hbm>> -> memref<40x50xi32, #tpu.memory_space<hbm>>
          %dma_start3A_67 = arith.constant 0 : i32
          %dma_start3A_68 = arith.constant 0 : i32
          %dma_start3A_69 = tpu.memref_slice %arg2[%run_scoped3A, %dma_start3A_67, %dma_start3A_68] : memref<2x6400x50xi32, #tpu.memory_space<hbm>> -> memref<1x6400x50xi32, #tpu.memory_space<hbm>>
          %dma_start3A_70 = tpu.memref_squeeze %dma_start3A_69 : memref<1x6400x50xi32, #tpu.memory_space<hbm>> -> memref<6400x50xi32, #tpu.memory_space<hbm>>
          %dma_start3A_71 = arith.constant 0 : i32
          %dma_start3A_72 = tpu.memref_slice %dma_start3A_70[%multiple_of3A_19, %dma_start3A_71] : memref<6400x50xi32, #tpu.memory_space<hbm>> -> memref<40x50xi32, #tpu.memory_space<hbm>>
          tpu.enqueue_dma source(%dma_start3A_72 : memref<40x50xi32, #tpu.memory_space<hbm>>) target(%arg7 : memref<40x50xi32, #tpu.memory_space<vmem>>) target_semaphore(%run_scoped3A_60 : memref<!tpu.dma_semaphore, #tpu.memory_space<semaphore_mem>>)
          %dma_wait3A_73 = arith.constant 0 : i32
          %dma_wait3A_74 = arith.constant 0 : i32
          %dma_wait3A_75 = tpu.memref_slice %arg2[%run_scoped3A, %dma_wait3A_73, %dma_wait3A_74] : memref<2x6400x50xi32, #tpu.memory_space<hbm>> -> memref<1x6400x50xi32, #tpu.memory_space<hbm>>
          %dma_wait3A_76 = tpu.memref_squeeze %dma_wait3A_75 : memref<1x6400x50xi32, #tpu.memory_space<hbm>> -> memref<6400x50xi32, #tpu.memory_space<hbm>>
          %dma_wait3A_77 = arith.constant 0 : i32
          %dma_wait3A_78 = tpu.memref_slice %dma_wait3A_76[%multiple_of3A_19, %dma_wait3A_77] : memref<6400x50xi32, #tpu.memory_space<hbm>> -> memref<40x50xi32, #tpu.memory_space<hbm>>
          %dma_wait3A_79 = arith.constant 0 : i32
          %dma_wait3A_80 = arith.constant 0 : i32
          %dma_wait3A_81 = tpu.memref_slice %arg2[%run_scoped3A, %dma_wait3A_79, %dma_wait3A_80] : memref<2x6400x50xi32, #tpu.memory_space<hbm>> -> memref<1x6400x50xi32, #tpu.memory_space<hbm>>
          %dma_wait3A_82 = tpu.memref_squeeze %dma_wait3A_81 : memref<1x6400x50xi32, #tpu.memory_space<hbm>> -> memref<6400x50xi32, #tpu.memory_space<hbm>>
          %dma_wait3A_83 = arith.constant 0 : i32
          %dma_wait3A_84 = tpu.memref_slice %dma_wait3A_82[%multiple_of3A_19, %dma_wait3A_83] : memref<6400x50xi32, #tpu.memory_space<hbm>> -> memref<40x50xi32, #tpu.memory_space<hbm>>
          tpu.wait_dma2 semaphore(%run_scoped3A_60 : memref<!tpu.dma_semaphore, #tpu.memory_space<semaphore_mem>>) src(%dma_wait3A_84 : memref<40x50xi32, #tpu.memory_space<hbm>>) dst(%arg7 : memref<40x50xi32, #tpu.memory_space<vmem>>)
          tpu.yield
        }) : () -> ()
        %run_scoped3A_20 = arith.constant 1 : i32
        "tpu.region"() ({
          %run_scoped3A_60 = tpu.sem_alloc : memref<!tpu.dma_semaphore, #tpu.memory_space<semaphore_mem>>
          %dma_start3A_61 = arith.constant 0 : i32
          %dma_start3A_62 = arith.constant 0 : i32
          %dma_start3A_63 = tpu.memref_slice %arg2[%run_scoped3A_20, %dma_start3A_61, %dma_start3A_62] : memref<2x6400x50xi32, #tpu.memory_space<hbm>> -> memref<1x6400x50xi32, #tpu.memory_space<hbm>>
          %dma_start3A_64 = tpu.memref_squeeze %dma_start3A_63 : memref<1x6400x50xi32, #tpu.memory_space<hbm>> -> memref<6400x50xi32, #tpu.memory_space<hbm>>
          %dma_start3A_65 = arith.constant 0 : i32
          %dma_start3A_66 = tpu.memref_slice %dma_start3A_64[%multiple_of3A_19, %dma_start3A_65] : memref<6400x50xi32, #tpu.memory_space<hbm>> -> memref<40x50xi32, #tpu.memory_space<hbm>>
          %dma_start3A_67 = arith.constant 0 : i32
          %dma_start3A_68 = arith.constant 0 : i32
          %dma_start3A_69 = tpu.memref_slice %arg2[%run_scoped3A_20, %dma_start3A_67, %dma_start3A_68] : memref<2x6400x50xi32, #tpu.memory_space<hbm>> -> memref<1x6400x50xi32, #tpu.memory_space<hbm>>
          %dma_start3A_70 = tpu.memref_squeeze %dma_start3A_69 : memref<1x6400x50xi32, #tpu.memory_space<hbm>> -> memref<6400x50xi32, #tpu.memory_space<hbm>>
          %dma_start3A_71 = arith.constant 0 : i32
          %dma_start3A_72 = tpu.memref_slice %dma_start3A_70[%multiple_of3A_19, %dma_start3A_71] : memref<6400x50xi32, #tpu.memory_space<hbm>> -> memref<40x50xi32, #tpu.memory_space<hbm>>
          tpu.enqueue_dma source(%dma_start3A_72 : memref<40x50xi32, #tpu.memory_space<hbm>>) target(%arg8 : memref<40x50xi32, #tpu.memory_space<vmem>>) target_semaphore(%run_scoped3A_60 : memref<!tpu.dma_semaphore, #tpu.memory_space<semaphore_mem>>)
          %dma_wait3A_73 = arith.constant 0 : i32
          %dma_wait3A_74 = arith.constant 0 : i32
          %dma_wait3A_75 = tpu.memref_slice %arg2[%run_scoped3A_20, %dma_wait3A_73, %dma_wait3A_74] : memref<2x6400x50xi32, #tpu.memory_space<hbm>> -> memref<1x6400x50xi32, #tpu.memory_space<hbm>>
          %dma_wait3A_76 = tpu.memref_squeeze %dma_wait3A_75 : memref<1x6400x50xi32, #tpu.memory_space<hbm>> -> memref<6400x50xi32, #tpu.memory_space<hbm>>
          %dma_wait3A_77 = arith.constant 0 : i32
          %dma_wait3A_78 = tpu.memref_slice %dma_wait3A_76[%multiple_of3A_19, %dma_wait3A_77] : memref<6400x50xi32, #tpu.memory_space<hbm>> -> memref<40x50xi32, #tpu.memory_space<hbm>>
          %dma_wait3A_79 = arith.constant 0 : i32
          %dma_wait3A_80 = arith.constant 0 : i32
          %dma_wait3A_81 = tpu.memref_slice %arg2[%run_scoped3A_20, %dma_wait3A_79, %dma_wait3A_80] : memref<2x6400x50xi32, #tpu.memory_space<hbm>> -> memref<1x6400x50xi32, #tpu.memory_space<hbm>>
          %dma_wait3A_82 = tpu.memref_squeeze %dma_wait3A_81 : memref<1x6400x50xi32, #tpu.memory_space<hbm>> -> memref<6400x50xi32, #tpu.memory_space<hbm>>
          %dma_wait3A_83 = arith.constant 0 : i32
          %dma_wait3A_84 = tpu.memref_slice %dma_wait3A_82[%multiple_of3A_19, %dma_wait3A_83] : memref<6400x50xi32, #tpu.memory_space<hbm>> -> memref<40x50xi32, #tpu.memory_space<hbm>>
          tpu.wait_dma2 semaphore(%run_scoped3A_60 : memref<!tpu.dma_semaphore, #tpu.memory_space<semaphore_mem>>) src(%dma_wait3A_84 : memref<40x50xi32, #tpu.memory_space<hbm>>) dst(%arg8 : memref<40x50xi32, #tpu.memory_space<vmem>>)
          tpu.yield
        }) : () -> ()
        %dma_start3A = arith.constant 0 : i32
        %dma_start3A_21 = arith.constant 0 : i32
        %dma_start3A_22 = tpu.memref_slice %arg7[%dma_start3A, %dma_start3A_21] : memref<40x50xi32, #tpu.memory_space<vmem>> -> memref<1x50xi32, #tpu.memory_space<vmem>>
        %dma_start3A_23 = tpu.memref_squeeze %dma_start3A_22 : memref<1x50xi32, #tpu.memory_space<vmem>> -> memref<50xi32, #tpu.memory_space<vmem>>
        %dma_start3A_24 = arith.constant 0 : i32
        %dma_start3A_25 = arith.constant 0 : i32
        %dma_start3A_26 = tpu.memref_slice %arg4[%dma_start3A_24, %dma_start3A_25] : memref<10000x136xf32, #tpu.memory_space<hbm>> -> memref<10000x136xf32, #tpu.memory_space<hbm>>
        tpu.enqueue_indirect_dma source(%dma_start3A_26 : memref<10000x136xf32, #tpu.memory_space<hbm>>) target(%arg9 : memref<50x136xf32, #tpu.memory_space<vmem>>) offsets(%dma_start3A_23 : memref<50xi32, #tpu.memory_space<vmem>>) semaphore(%arg14 : memref<!tpu.dma_semaphore, #tpu.memory_space<semaphore_mem>>)
        %dma_start3A_27 = arith.constant 1 : i32
        %dma_start3A_28 = arith.constant 0 : i32
        %dma_start3A_29 = tpu.memref_slice %arg7[%dma_start3A_27, %dma_start3A_28] : memref<40x50xi32, #tpu.memory_space<vmem>> -> memref<1x50xi32, #tpu.memory_space<vmem>>
        %dma_start3A_30 = tpu.memref_squeeze %dma_start3A_29 : memref<1x50xi32, #tpu.memory_space<vmem>> -> memref<50xi32, #tpu.memory_space<vmem>>
        %dma_start3A_31 = arith.constant 0 : i32
        %dma_start3A_32 = arith.constant 0 : i32
        %dma_start3A_33 = tpu.memref_slice %arg4[%dma_start3A_31, %dma_start3A_32] : memref<10000x136xf32, #tpu.memory_space<hbm>> -> memref<10000x136xf32, #tpu.memory_space<hbm>>
        tpu.enqueue_indirect_dma source(%dma_start3A_33 : memref<10000x136xf32, #tpu.memory_space<hbm>>) target(%arg10 : memref<50x136xf32, #tpu.memory_space<vmem>>) offsets(%dma_start3A_30 : memref<50xi32, #tpu.memory_space<vmem>>) semaphore(%arg15 : memref<!tpu.dma_semaphore, #tpu.memory_space<semaphore_mem>>)
        %scan3A_34 = arith.constant 0 : i32
        %scan3A_35 = arith.constant 0 : i32
        %scan3A_36 = arith.constant 8 : i32
        %scan3A_37 = arith.addi %scan3A_35, %scan3A_36 : i32
        %scan3A_38 = arith.constant 1 : i32
        scf.for %scan3A_60 = %scan3A_35 to %scan3A_37 step %scan3A_38  : i32 {
          %mul3A_61 = arith.constant 5 : i32
          %mul3A_62 = arith.muli %mul3A_61, %scan3A_60 : i32
          %add3A_63 = arith.constant 0 : i32
          %add3A_64 = arith.addi %mul3A_62, %add3A_63 : i32
          %sub3A = arith.constant 3 : i32
          %sub3A_65 = arith.subi %add3A_64, %sub3A : i32
          %gt3A = arith.constant 0 : i32
          %gt3A_66 = arith.cmpi sgt, %scan3A_60, %gt3A : i32
          %convert_element_type3A_67 = arith.extui %gt3A_66 : i1 to i32
          %cond3A_68 = arith.constant 0 : i32
          %cond3A_69 = arith.cmpi ne, %convert_element_type3A_67, %cond3A_68 : i32
          scf.if %cond3A_69 {
            %max3A = arith.constant 0 : i32
            %max3A_201 = arith.maxsi %sub3A_65, %max3A : i32
            %dma_wait3A_202 = arith.constant 0 : i32
            %dma_wait3A_203 = tpu.memref_slice %arg8[%max3A_201, %dma_wait3A_202] : memref<40x50xi32, #tpu.memory_space<vmem>> -> memref<1x50xi32, #tpu.memory_space<vmem>>
            %dma_wait3A_204 = tpu.memref_squeeze %dma_wait3A_203 : memref<1x50xi32, #tpu.memory_space<vmem>> -> memref<50xi32, #tpu.memory_space<vmem>>
            %dma_wait3A_205 = arith.constant 0 : i32
            %dma_wait3A_206 = arith.constant 0 : i32
            %dma_wait3A_207 = tpu.memref_slice %arg24[%dma_wait3A_205, %dma_wait3A_206] : memref<10000x136xf32, #tpu.memory_space<vmem_shared>> -> memref<10000x136xf32, #tpu.memory_space<vmem_shared>>
            tpu.wait_indirect_dma semaphore(%arg21 : memref<!tpu.dma_semaphore, #tpu.memory_space<semaphore_mem>>) src(%arg11 : memref<50x136xf32, #tpu.memory_space<vmem>>) dst(%dma_wait3A_207 : memref<10000x136xf32, #tpu.memory_space<vmem_shared>>)
          } else {
          }
          %add3A_70 = arith.constant 2 : i32
          %add3A_71 = arith.addi %add3A_64, %add3A_70 : i32
          %dma_start3A_72 = arith.constant 0 : i32
          %dma_start3A_73 = tpu.memref_slice %arg7[%add3A_71, %dma_start3A_72] : memref<40x50xi32, #tpu.memory_space<vmem>> -> memref<1x50xi32, #tpu.memory_space<vmem>>
          %dma_start3A_74 = tpu.memref_squeeze %dma_start3A_73 : memref<1x50xi32, #tpu.memory_space<vmem>> -> memref<50xi32, #tpu.memory_space<vmem>>
          %dma_start3A_75 = arith.constant 0 : i32
          %dma_start3A_76 = arith.constant 0 : i32
          %dma_start3A_77 = tpu.memref_slice %arg4[%dma_start3A_75, %dma_start3A_76] : memref<10000x136xf32, #tpu.memory_space<hbm>> -> memref<10000x136xf32, #tpu.memory_space<hbm>>
          tpu.enqueue_indirect_dma source(%dma_start3A_77 : memref<10000x136xf32, #tpu.memory_space<hbm>>) target(%arg11 : memref<50x136xf32, #tpu.memory_space<vmem>>) offsets(%dma_start3A_74 : memref<50xi32, #tpu.memory_space<vmem>>) semaphore(%arg16 : memref<!tpu.dma_semaphore, #tpu.memory_space<semaphore_mem>>)
          %dma_wait3A_78 = arith.constant 0 : i32
          %dma_wait3A_79 = tpu.memref_slice %arg7[%add3A_64, %dma_wait3A_78] : memref<40x50xi32, #tpu.memory_space<vmem>> -> memref<1x50xi32, #tpu.memory_space<vmem>>
          %dma_wait3A_80 = tpu.memref_squeeze %dma_wait3A_79 : memref<1x50xi32, #tpu.memory_space<vmem>> -> memref<50xi32, #tpu.memory_space<vmem>>
          %dma_wait3A_81 = arith.constant 0 : i32
          %dma_wait3A_82 = arith.constant 0 : i32
          %dma_wait3A_83 = tpu.memref_slice %arg4[%dma_wait3A_81, %dma_wait3A_82] : memref<10000x136xf32, #tpu.memory_space<hbm>> -> memref<10000x136xf32, #tpu.memory_space<hbm>>
          tpu.wait_indirect_dma semaphore(%arg14 : memref<!tpu.dma_semaphore, #tpu.memory_space<semaphore_mem>>) src(%dma_wait3A_83 : memref<10000x136xf32, #tpu.memory_space<hbm>>) dst(%arg9 : memref<50x136xf32, #tpu.memory_space<vmem>>)
          %dma_start3A_84 = arith.constant 0 : i32
          %dma_start3A_85 = tpu.memref_slice %arg8[%add3A_64, %dma_start3A_84] : memref<40x50xi32, #tpu.memory_space<vmem>> -> memref<1x50xi32, #tpu.memory_space<vmem>>
          %dma_start3A_86 = tpu.memref_squeeze %dma_start3A_85 : memref<1x50xi32, #tpu.memory_space<vmem>> -> memref<50xi32, #tpu.memory_space<vmem>>
          %dma_start3A_87 = arith.constant 0 : i32
          %dma_start3A_88 = arith.constant 0 : i32
          %dma_start3A_89 = tpu.memref_slice %arg24[%dma_start3A_87, %dma_start3A_88] : memref<10000x136xf32, #tpu.memory_space<vmem_shared>> -> memref<10000x136xf32, #tpu.memory_space<vmem_shared>>
          tpu.enqueue_indirect_dma source(%arg9 : memref<50x136xf32, #tpu.memory_space<vmem>>) target(%dma_start3A_89 : memref<10000x136xf32, #tpu.memory_space<vmem_shared>>) offsets(%dma_start3A_86 : memref<50xi32, #tpu.memory_space<vmem>>) semaphore(%arg19 : memref<!tpu.dma_semaphore, #tpu.memory_space<semaphore_mem>>) {add = true}
          %add3A_90 = arith.constant 1 : i32
          %add3A_91 = arith.addi %mul3A_62, %add3A_90 : i32
          %sub3A_92 = arith.constant 3 : i32
          %sub3A_93 = arith.subi %add3A_91, %sub3A_92 : i32
          %gt3A_94 = arith.constant 0 : i32
          %gt3A_95 = arith.cmpi sgt, %scan3A_60, %gt3A_94 : i32
          %convert_element_type3A_96 = arith.extui %gt3A_95 : i1 to i32
          %cond3A_97 = arith.constant 0 : i32
          %cond3A_98 = arith.cmpi ne, %convert_element_type3A_96, %cond3A_97 : i32
          scf.if %cond3A_98 {
            %max3A = arith.constant 0 : i32
            %max3A_201 = arith.maxsi %sub3A_93, %max3A : i32
            %dma_wait3A_202 = arith.constant 0 : i32
            %dma_wait3A_203 = tpu.memref_slice %arg8[%max3A_201, %dma_wait3A_202] : memref<40x50xi32, #tpu.memory_space<vmem>> -> memref<1x50xi32, #tpu.memory_space<vmem>>
            %dma_wait3A_204 = tpu.memref_squeeze %dma_wait3A_203 : memref<1x50xi32, #tpu.memory_space<vmem>> -> memref<50xi32, #tpu.memory_space<vmem>>
            %dma_wait3A_205 = arith.constant 0 : i32
            %dma_wait3A_206 = arith.constant 0 : i32
            %dma_wait3A_207 = tpu.memref_slice %arg24[%dma_wait3A_205, %dma_wait3A_206] : memref<10000x136xf32, #tpu.memory_space<vmem_shared>> -> memref<10000x136xf32, #tpu.memory_space<vmem_shared>>
            tpu.wait_indirect_dma semaphore(%arg22 : memref<!tpu.dma_semaphore, #tpu.memory_space<semaphore_mem>>) src(%arg12 : memref<50x136xf32, #tpu.memory_space<vmem>>) dst(%dma_wait3A_207 : memref<10000x136xf32, #tpu.memory_space<vmem_shared>>)
          } else {
          }
          %add3A_99 = arith.constant 2 : i32
          %add3A_100 = arith.addi %add3A_91, %add3A_99 : i32
          %dma_start3A_101 = arith.constant 0 : i32
          %dma_start3A_102 = tpu.memref_slice %arg7[%add3A_100, %dma_start3A_101] : memref<40x50xi32, #tpu.memory_space<vmem>> -> memref<1x50xi32, #tpu.memory_space<vmem>>
          %dma_start3A_103 = tpu.memref_squeeze %dma_start3A_102 : memref<1x50xi32, #tpu.memory_space<vmem>> -> memref<50xi32, #tpu.memory_space<vmem>>
          %dma_start3A_104 = arith.constant 0 : i32
          %dma_start3A_105 = arith.constant 0 : i32
          %dma_start3A_106 = tpu.memref_slice %arg4[%dma_start3A_104, %dma_start3A_105] : memref<10000x136xf32, #tpu.memory_space<hbm>> -> memref<10000x136xf32, #tpu.memory_space<hbm>>
          tpu.enqueue_indirect_dma source(%dma_start3A_106 : memref<10000x136xf32, #tpu.memory_space<hbm>>) target(%arg12 : memref<50x136xf32, #tpu.memory_space<vmem>>) offsets(%dma_start3A_103 : memref<50xi32, #tpu.memory_space<vmem>>) semaphore(%arg17 : memref<!tpu.dma_semaphore, #tpu.memory_space<semaphore_mem>>)
          %dma_wait3A_107 = arith.constant 0 : i32
          %dma_wait3A_108 = tpu.memref_slice %arg7[%add3A_91, %dma_wait3A_107] : memref<40x50xi32, #tpu.memory_space<vmem>> -> memref<1x50xi32, #tpu.memory_space<vmem>>
          %dma_wait3A_109 = tpu.memref_squeeze %dma_wait3A_108 : memref<1x50xi32, #tpu.memory_space<vmem>> -> memref<50xi32, #tpu.memory_space<vmem>>
          %dma_wait3A_110 = arith.constant 0 : i32
          %dma_wait3A_111 = arith.constant 0 : i32
          %dma_wait3A_112 = tpu.memref_slice %arg4[%dma_wait3A_110, %dma_wait3A_111] : memref<10000x136xf32, #tpu.memory_space<hbm>> -> memref<10000x136xf32, #tpu.memory_space<hbm>>
          tpu.wait_indirect_dma semaphore(%arg15 : memref<!tpu.dma_semaphore, #tpu.memory_space<semaphore_mem>>) src(%dma_wait3A_112 : memref<10000x136xf32, #tpu.memory_space<hbm>>) dst(%arg10 : memref<50x136xf32, #tpu.memory_space<vmem>>)
          %dma_start3A_113 = arith.constant 0 : i32
          %dma_start3A_114 = tpu.memref_slice %arg8[%add3A_91, %dma_start3A_113] : memref<40x50xi32, #tpu.memory_space<vmem>> -> memref<1x50xi32, #tpu.memory_space<vmem>>
          %dma_start3A_115 = tpu.memref_squeeze %dma_start3A_114 : memref<1x50xi32, #tpu.memory_space<vmem>> -> memref<50xi32, #tpu.memory_space<vmem>>
          %dma_start3A_116 = arith.constant 0 : i32
          %dma_start3A_117 = arith.constant 0 : i32
          %dma_start3A_118 = tpu.memref_slice %arg24[%dma_start3A_116, %dma_start3A_117] : memref<10000x136xf32, #tpu.memory_space<vmem_shared>> -> memref<10000x136xf32, #tpu.memory_space<vmem_shared>>
          tpu.enqueue_indirect_dma source(%arg10 : memref<50x136xf32, #tpu.memory_space<vmem>>) target(%dma_start3A_118 : memref<10000x136xf32, #tpu.memory_space<vmem_shared>>) offsets(%dma_start3A_115 : memref<50xi32, #tpu.memory_space<vmem>>) semaphore(%arg20 : memref<!tpu.dma_semaphore, #tpu.memory_space<semaphore_mem>>) {add = true}
          %add3A_119 = arith.constant 2 : i32
          %add3A_120 = arith.addi %mul3A_62, %add3A_119 : i32
          %sub3A_121 = arith.constant 3 : i32
          %sub3A_122 = arith.subi %add3A_120, %sub3A_121 : i32
          %gt3A_123 = arith.constant 0 : i32
          %gt3A_124 = arith.cmpi sgt, %scan3A_60, %gt3A_123 : i32
          %convert_element_type3A_125 = arith.extui %gt3A_124 : i1 to i32
          %cond3A_126 = arith.constant 0 : i32
          %cond3A_127 = arith.cmpi ne, %convert_element_type3A_125, %cond3A_126 : i32
          scf.if %cond3A_127 {
            %max3A = arith.constant 0 : i32
            %max3A_201 = arith.maxsi %sub3A_122, %max3A : i32
            %dma_wait3A_202 = arith.constant 0 : i32
            %dma_wait3A_203 = tpu.memref_slice %arg8[%max3A_201, %dma_wait3A_202] : memref<40x50xi32, #tpu.memory_space<vmem>> -> memref<1x50xi32, #tpu.memory_space<vmem>>
            %dma_wait3A_204 = tpu.memref_squeeze %dma_wait3A_203 : memref<1x50xi32, #tpu.memory_space<vmem>> -> memref<50xi32, #tpu.memory_space<vmem>>
            %dma_wait3A_205 = arith.constant 0 : i32
            %dma_wait3A_206 = arith.constant 0 : i32
            %dma_wait3A_207 = tpu.memref_slice %arg24[%dma_wait3A_205, %dma_wait3A_206] : memref<10000x136xf32, #tpu.memory_space<vmem_shared>> -> memref<10000x136xf32, #tpu.memory_space<vmem_shared>>
            tpu.wait_indirect_dma semaphore(%arg23 : memref<!tpu.dma_semaphore, #tpu.memory_space<semaphore_mem>>) src(%arg13 : memref<50x136xf32, #tpu.memory_space<vmem>>) dst(%dma_wait3A_207 : memref<10000x136xf32, #tpu.memory_space<vmem_shared>>)
          } else {
          }
          %add3A_128 = arith.constant 2 : i32
          %add3A_129 = arith.addi %add3A_120, %add3A_128 : i32
          %dma_start3A_130 = arith.constant 0 : i32
          %dma_start3A_131 = tpu.memref_slice %arg7[%add3A_129, %dma_start3A_130] : memref<40x50xi32, #tpu.memory_space<vmem>> -> memref<1x50xi32, #tpu.memory_space<vmem>>
          %dma_start3A_132 = tpu.memref_squeeze %dma_start3A_131 : memref<1x50xi32, #tpu.memory_space<vmem>> -> memref<50xi32, #tpu.memory_space<vmem>>
          %dma_start3A_133 = arith.constant 0 : i32
          %dma_start3A_134 = arith.constant 0 : i32
          %dma_start3A_135 = tpu.memref_slice %arg4[%dma_start3A_133, %dma_start3A_134] : memref<10000x136xf32, #tpu.memory_space<hbm>> -> memref<10000x136xf32, #tpu.memory_space<hbm>>
          tpu.enqueue_indirect_dma source(%dma_start3A_135 : memref<10000x136xf32, #tpu.memory_space<hbm>>) target(%arg13 : memref<50x136xf32, #tpu.memory_space<vmem>>) offsets(%dma_start3A_132 : memref<50xi32, #tpu.memory_space<vmem>>) semaphore(%arg18 : memref<!tpu.dma_semaphore, #tpu.memory_space<semaphore_mem>>)
          %dma_wait3A_136 = arith.constant 0 : i32
          %dma_wait3A_137 = tpu.memref_slice %arg7[%add3A_120, %dma_wait3A_136] : memref<40x50xi32, #tpu.memory_space<vmem>> -> memref<1x50xi32, #tpu.memory_space<vmem>>
          %dma_wait3A_138 = tpu.memref_squeeze %dma_wait3A_137 : memref<1x50xi32, #tpu.memory_space<vmem>> -> memref<50xi32, #tpu.memory_space<vmem>>
          %dma_wait3A_139 = arith.constant 0 : i32
          %dma_wait3A_140 = arith.constant 0 : i32
          %dma_wait3A_141 = tpu.memref_slice %arg4[%dma_wait3A_139, %dma_wait3A_140] : memref<10000x136xf32, #tpu.memory_space<hbm>> -> memref<10000x136xf32, #tpu.memory_space<hbm>>
          tpu.wait_indirect_dma semaphore(%arg16 : memref<!tpu.dma_semaphore, #tpu.memory_space<semaphore_mem>>) src(%dma_wait3A_141 : memref<10000x136xf32, #tpu.memory_space<hbm>>) dst(%arg11 : memref<50x136xf32, #tpu.memory_space<vmem>>)
          %dma_start3A_142 = arith.constant 0 : i32
          %dma_start3A_143 = tpu.memref_slice %arg8[%add3A_120, %dma_start3A_142] : memref<40x50xi32, #tpu.memory_space<vmem>> -> memref<1x50xi32, #tpu.memory_space<vmem>>
          %dma_start3A_144 = tpu.memref_squeeze %dma_start3A_143 : memref<1x50xi32, #tpu.memory_space<vmem>> -> memref<50xi32, #tpu.memory_space<vmem>>
          %dma_start3A_145 = arith.constant 0 : i32
          %dma_start3A_146 = arith.constant 0 : i32
          %dma_start3A_147 = tpu.memref_slice %arg24[%dma_start3A_145, %dma_start3A_146] : memref<10000x136xf32, #tpu.memory_space<vmem_shared>> -> memref<10000x136xf32, #tpu.memory_space<vmem_shared>>
          tpu.enqueue_indirect_dma source(%arg11 : memref<50x136xf32, #tpu.memory_space<vmem>>) target(%dma_start3A_147 : memref<10000x136xf32, #tpu.memory_space<vmem_shared>>) offsets(%dma_start3A_144 : memref<50xi32, #tpu.memory_space<vmem>>) semaphore(%arg21 : memref<!tpu.dma_semaphore, #tpu.memory_space<semaphore_mem>>) {add = true}
          %add3A_148 = arith.constant 3 : i32
          %add3A_149 = arith.addi %mul3A_62, %add3A_148 : i32
          %sub3A_150 = arith.constant 3 : i32
          %sub3A_151 = arith.subi %add3A_149, %sub3A_150 : i32
          %dma_wait3A_152 = arith.constant 0 : i32
          %dma_wait3A_153 = tpu.memref_slice %arg8[%sub3A_151, %dma_wait3A_152] : memref<40x50xi32, #tpu.memory_space<vmem>> -> memref<1x50xi32, #tpu.memory_space<vmem>>
          %dma_wait3A_154 = tpu.memref_squeeze %dma_wait3A_153 : memref<1x50xi32, #tpu.memory_space<vmem>> -> memref<50xi32, #tpu.memory_space<vmem>>
          %dma_wait3A_155 = arith.constant 0 : i32
          %dma_wait3A_156 = arith.constant 0 : i32
          %dma_wait3A_157 = tpu.memref_slice %arg24[%dma_wait3A_155, %dma_wait3A_156] : memref<10000x136xf32, #tpu.memory_space<vmem_shared>> -> memref<10000x136xf32, #tpu.memory_space<vmem_shared>>
          tpu.wait_indirect_dma semaphore(%arg19 : memref<!tpu.dma_semaphore, #tpu.memory_space<semaphore_mem>>) src(%arg9 : memref<50x136xf32, #tpu.memory_space<vmem>>) dst(%dma_wait3A_157 : memref<10000x136xf32, #tpu.memory_space<vmem_shared>>)
          %lt3A = arith.constant 7 : i32
          %lt3A_158 = arith.cmpi slt, %scan3A_60, %lt3A : i32
          %convert_element_type3A_159 = arith.extui %lt3A_158 : i1 to i32
          %cond3A_160 = arith.constant 0 : i32
          %cond3A_161 = arith.cmpi ne, %convert_element_type3A_159, %cond3A_160 : i32
          scf.if %cond3A_161 {
            %add3A_201 = arith.constant 2 : i32
            %add3A_202 = arith.addi %add3A_149, %add3A_201 : i32
            %dma_start3A_203 = arith.constant 0 : i32
            %dma_start3A_204 = tpu.memref_slice %arg7[%add3A_202, %dma_start3A_203] : memref<40x50xi32, #tpu.memory_space<vmem>> -> memref<1x50xi32, #tpu.memory_space<vmem>>
            %dma_start3A_205 = tpu.memref_squeeze %dma_start3A_204 : memref<1x50xi32, #tpu.memory_space<vmem>> -> memref<50xi32, #tpu.memory_space<vmem>>
            %dma_start3A_206 = arith.constant 0 : i32
            %dma_start3A_207 = arith.constant 0 : i32
            %dma_start3A_208 = tpu.memref_slice %arg4[%dma_start3A_206, %dma_start3A_207] : memref<10000x136xf32, #tpu.memory_space<hbm>> -> memref<10000x136xf32, #tpu.memory_space<hbm>>
            tpu.enqueue_indirect_dma source(%dma_start3A_208 : memref<10000x136xf32, #tpu.memory_space<hbm>>) target(%arg9 : memref<50x136xf32, #tpu.memory_space<vmem>>) offsets(%dma_start3A_205 : memref<50xi32, #tpu.memory_space<vmem>>) semaphore(%arg14 : memref<!tpu.dma_semaphore, #tpu.memory_space<semaphore_mem>>)
          } else {
          }
          %dma_wait3A_162 = arith.constant 0 : i32
          %dma_wait3A_163 = tpu.memref_slice %arg7[%add3A_149, %dma_wait3A_162] : memref<40x50xi32, #tpu.memory_space<vmem>> -> memref<1x50xi32, #tpu.memory_space<vmem>>
          %dma_wait3A_164 = tpu.memref_squeeze %dma_wait3A_163 : memref<1x50xi32, #tpu.memory_space<vmem>> -> memref<50xi32, #tpu.memory_space<vmem>>
          %dma_wait3A_165 = arith.constant 0 : i32
          %dma_wait3A_166 = arith.constant 0 : i32
          %dma_wait3A_167 = tpu.memref_slice %arg4[%dma_wait3A_165, %dma_wait3A_166] : memref<10000x136xf32, #tpu.memory_space<hbm>> -> memref<10000x136xf32, #tpu.memory_space<hbm>>
          tpu.wait_indirect_dma semaphore(%arg17 : memref<!tpu.dma_semaphore, #tpu.memory_space<semaphore_mem>>) src(%dma_wait3A_167 : memref<10000x136xf32, #tpu.memory_space<hbm>>) dst(%arg12 : memref<50x136xf32, #tpu.memory_space<vmem>>)
          %dma_start3A_168 = arith.constant 0 : i32
          %dma_start3A_169 = tpu.memref_slice %arg8[%add3A_149, %dma_start3A_168] : memref<40x50xi32, #tpu.memory_space<vmem>> -> memref<1x50xi32, #tpu.memory_space<vmem>>
          %dma_start3A_170 = tpu.memref_squeeze %dma_start3A_169 : memref<1x50xi32, #tpu.memory_space<vmem>> -> memref<50xi32, #tpu.memory_space<vmem>>
          %dma_start3A_171 = arith.constant 0 : i32
          %dma_start3A_172 = arith.constant 0 : i32
          %dma_start3A_173 = tpu.memref_slice %arg24[%dma_start3A_171, %dma_start3A_172] : memref<10000x136xf32, #tpu.memory_space<vmem_shared>> -> memref<10000x136xf32, #tpu.memory_space<vmem_shared>>
          tpu.enqueue_indirect_dma source(%arg12 : memref<50x136xf32, #tpu.memory_space<vmem>>) target(%dma_start3A_173 : memref<10000x136xf32, #tpu.memory_space<vmem_shared>>) offsets(%dma_start3A_170 : memref<50xi32, #tpu.memory_space<vmem>>) semaphore(%arg22 : memref<!tpu.dma_semaphore, #tpu.memory_space<semaphore_mem>>) {add = true}
          %add3A_174 = arith.constant 4 : i32
          %add3A_175 = arith.addi %mul3A_62, %add3A_174 : i32
          %sub3A_176 = arith.constant 3 : i32
          %sub3A_177 = arith.subi %add3A_175, %sub3A_176 : i32
          %dma_wait3A_178 = arith.constant 0 : i32
          %dma_wait3A_179 = tpu.memref_slice %arg8[%sub3A_177, %dma_wait3A_178] : memref<40x50xi32, #tpu.memory_space<vmem>> -> memref<1x50xi32, #tpu.memory_space<vmem>>
          %dma_wait3A_180 = tpu.memref_squeeze %dma_wait3A_179 : memref<1x50xi32, #tpu.memory_space<vmem>> -> memref<50xi32, #tpu.memory_space<vmem>>
          %dma_wait3A_181 = arith.constant 0 : i32
          %dma_wait3A_182 = arith.constant 0 : i32
          %dma_wait3A_183 = tpu.memref_slice %arg24[%dma_wait3A_181, %dma_wait3A_182] : memref<10000x136xf32, #tpu.memory_space<vmem_shared>> -> memref<10000x136xf32, #tpu.memory_space<vmem_shared>>
          tpu.wait_indirect_dma semaphore(%arg20 : memref<!tpu.dma_semaphore, #tpu.memory_space<semaphore_mem>>) src(%arg10 : memref<50x136xf32, #tpu.memory_space<vmem>>) dst(%dma_wait3A_183 : memref<10000x136xf32, #tpu.memory_space<vmem_shared>>)
          %lt3A_184 = arith.constant 7 : i32
          %lt3A_185 = arith.cmpi slt, %scan3A_60, %lt3A_184 : i32
          %convert_element_type3A_186 = arith.extui %lt3A_185 : i1 to i32
          %cond3A_187 = arith.constant 0 : i32
          %cond3A_188 = arith.cmpi ne, %convert_element_type3A_186, %cond3A_187 : i32
          scf.if %cond3A_188 {
            %add3A_201 = arith.constant 2 : i32
            %add3A_202 = arith.addi %add3A_175, %add3A_201 : i32
            %dma_start3A_203 = arith.constant 0 : i32
            %dma_start3A_204 = tpu.memref_slice %arg7[%add3A_202, %dma_start3A_203] : memref<40x50xi32, #tpu.memory_space<vmem>> -> memref<1x50xi32, #tpu.memory_space<vmem>>
            %dma_start3A_205 = tpu.memref_squeeze %dma_start3A_204 : memref<1x50xi32, #tpu.memory_space<vmem>> -> memref<50xi32, #tpu.memory_space<vmem>>
            %dma_start3A_206 = arith.constant 0 : i32
            %dma_start3A_207 = arith.constant 0 : i32
            %dma_start3A_208 = tpu.memref_slice %arg4[%dma_start3A_206, %dma_start3A_207] : memref<10000x136xf32, #tpu.memory_space<hbm>> -> memref<10000x136xf32, #tpu.memory_space<hbm>>
            tpu.enqueue_indirect_dma source(%dma_start3A_208 : memref<10000x136xf32, #tpu.memory_space<hbm>>) target(%arg10 : memref<50x136xf32, #tpu.memory_space<vmem>>) offsets(%dma_start3A_205 : memref<50xi32, #tpu.memory_space<vmem>>) semaphore(%arg15 : memref<!tpu.dma_semaphore, #tpu.memory_space<semaphore_mem>>)
          } else {
          }
          %dma_wait3A_189 = arith.constant 0 : i32
          %dma_wait3A_190 = tpu.memref_slice %arg7[%add3A_175, %dma_wait3A_189] : memref<40x50xi32, #tpu.memory_space<vmem>> -> memref<1x50xi32, #tpu.memory_space<vmem>>
          %dma_wait3A_191 = tpu.memref_squeeze %dma_wait3A_190 : memref<1x50xi32, #tpu.memory_space<vmem>> -> memref<50xi32, #tpu.memory_space<vmem>>
          %dma_wait3A_192 = arith.constant 0 : i32
          %dma_wait3A_193 = arith.constant 0 : i32
          %dma_wait3A_194 = tpu.memref_slice %arg4[%dma_wait3A_192, %dma_wait3A_193] : memref<10000x136xf32, #tpu.memory_space<hbm>> -> memref<10000x136xf32, #tpu.memory_space<hbm>>
          tpu.wait_indirect_dma semaphore(%arg18 : memref<!tpu.dma_semaphore, #tpu.memory_space<semaphore_mem>>) src(%dma_wait3A_194 : memref<10000x136xf32, #tpu.memory_space<hbm>>) dst(%arg13 : memref<50x136xf32, #tpu.memory_space<vmem>>)
          %dma_start3A_195 = arith.constant 0 : i32
          %dma_start3A_196 = tpu.memref_slice %arg8[%add3A_175, %dma_start3A_195] : memref<40x50xi32, #tpu.memory_space<vmem>> -> memref<1x50xi32, #tpu.memory_space<vmem>>
          %dma_start3A_197 = tpu.memref_squeeze %dma_start3A_196 : memref<1x50xi32, #tpu.memory_space<vmem>> -> memref<50xi32, #tpu.memory_space<vmem>>
          %dma_start3A_198 = arith.constant 0 : i32
          %dma_start3A_199 = arith.constant 0 : i32
          %dma_start3A_200 = tpu.memref_slice %arg24[%dma_start3A_198, %dma_start3A_199] : memref<10000x136xf32, #tpu.memory_space<vmem_shared>> -> memref<10000x136xf32, #tpu.memory_space<vmem_shared>>
          tpu.enqueue_indirect_dma source(%arg13 : memref<50x136xf32, #tpu.memory_space<vmem>>) target(%dma_start3A_200 : memref<10000x136xf32, #tpu.memory_space<vmem_shared>>) offsets(%dma_start3A_197 : memref<50xi32, #tpu.memory_space<vmem>>) semaphore(%arg23 : memref<!tpu.dma_semaphore, #tpu.memory_space<semaphore_mem>>) {add = true}
        }
        %scan3A_39 = arith.constant 8 : i32
        %dma_wait3A = arith.constant 37 : i32
        %dma_wait3A_40 = arith.constant 0 : i32
        %dma_wait3A_41 = tpu.memref_slice %arg8[%dma_wait3A, %dma_wait3A_40] : memref<40x50xi32, #tpu.memory_space<vmem>> -> memref<1x50xi32, #tpu.memory_space<vmem>>
        %dma_wait3A_42 = tpu.memref_squeeze %dma_wait3A_41 : memref<1x50xi32, #tpu.memory_space<vmem>> -> memref<50xi32, #tpu.memory_space<vmem>>
        %dma_wait3A_43 = arith.constant 0 : i32
        %dma_wait3A_44 = arith.constant 0 : i32
        %dma_wait3A_45 = tpu.memref_slice %arg24[%dma_wait3A_43, %dma_wait3A_44] : memref<10000x136xf32, #tpu.memory_space<vmem_shared>> -> memref<10000x136xf32, #tpu.memory_space<vmem_shared>>
        tpu.wait_indirect_dma semaphore(%arg21 : memref<!tpu.dma_semaphore, #tpu.memory_space<semaphore_mem>>) src(%arg11 : memref<50x136xf32, #tpu.memory_space<vmem>>) dst(%dma_wait3A_45 : memref<10000x136xf32, #tpu.memory_space<vmem_shared>>)
        %dma_wait3A_46 = arith.constant 38 : i32
        %dma_wait3A_47 = arith.constant 0 : i32
        %dma_wait3A_48 = tpu.memref_slice %arg8[%dma_wait3A_46, %dma_wait3A_47] : memref<40x50xi32, #tpu.memory_space<vmem>> -> memref<1x50xi32, #tpu.memory_space<vmem>>
        %dma_wait3A_49 = tpu.memref_squeeze %dma_wait3A_48 : memref<1x50xi32, #tpu.memory_space<vmem>> -> memref<50xi32, #tpu.memory_space<vmem>>
        %dma_wait3A_50 = arith.constant 0 : i32
        %dma_wait3A_51 = arith.constant 0 : i32
        %dma_wait3A_52 = tpu.memref_slice %arg24[%dma_wait3A_50, %dma_wait3A_51] : memref<10000x136xf32, #tpu.memory_space<vmem_shared>> -> memref<10000x136xf32, #tpu.memory_space<vmem_shared>>
        tpu.wait_indirect_dma semaphore(%arg22 : memref<!tpu.dma_semaphore, #tpu.memory_space<semaphore_mem>>) src(%arg12 : memref<50x136xf32, #tpu.memory_space<vmem>>) dst(%dma_wait3A_52 : memref<10000x136xf32, #tpu.memory_space<vmem_shared>>)
        %dma_wait3A_53 = arith.constant 39 : i32
        %dma_wait3A_54 = arith.constant 0 : i32
        %dma_wait3A_55 = tpu.memref_slice %arg8[%dma_wait3A_53, %dma_wait3A_54] : memref<40x50xi32, #tpu.memory_space<vmem>> -> memref<1x50xi32, #tpu.memory_space<vmem>>
        %dma_wait3A_56 = tpu.memref_squeeze %dma_wait3A_55 : memref<1x50xi32, #tpu.memory_space<vmem>> -> memref<50xi32, #tpu.memory_space<vmem>>
        %dma_wait3A_57 = arith.constant 0 : i32
        %dma_wait3A_58 = arith.constant 0 : i32
        %dma_wait3A_59 = tpu.memref_slice %arg24[%dma_wait3A_57, %dma_wait3A_58] : memref<10000x136xf32, #tpu.memory_space<vmem_shared>> -> memref<10000x136xf32, #tpu.memory_space<vmem_shared>>
        tpu.wait_indirect_dma semaphore(%arg23 : memref<!tpu.dma_semaphore, #tpu.memory_space<semaphore_mem>>) src(%arg13 : memref<50x136xf32, #tpu.memory_space<vmem>>) dst(%dma_wait3A_59 : memref<10000x136xf32, #tpu.memory_space<vmem_shared>>)
      }
      %scan3A_12 = arith.constant 10 : i32
      %barrier3A_13 = arith.constant 0 : index
      tpu.barrier barrier_id(%barrier3A_13)
      "tpu.region"() ({
        %run_scoped3A = tpu.sem_alloc : memref<!tpu.dma_semaphore, #tpu.memory_space<semaphore_mem>>
        %dma_start3A = arith.constant 0 : i32
        %dma_start3A_14 = tpu.memref_slice %arg6[%multiple_of3A, %dma_start3A] : memref<10000x136xf32, #tpu.memory_space<hbm>> -> memref<640x136xf32, #tpu.memory_space<hbm>>
        %dma_start3A_15 = arith.constant 0 : i32
        %dma_start3A_16 = tpu.memref_slice %arg24[%multiple_of3A, %dma_start3A_15] : memref<10000x136xf32, #tpu.memory_space<vmem_shared>> -> memref<640x136xf32, #tpu.memory_space<vmem_shared>>
        tpu.enqueue_dma source(%dma_start3A_16 : memref<640x136xf32, #tpu.memory_space<vmem_shared>>) target(%dma_start3A_14 : memref<640x136xf32, #tpu.memory_space<hbm>>) target_semaphore(%run_scoped3A : memref<!tpu.dma_semaphore, #tpu.memory_space<semaphore_mem>>)
        %dma_wait3A = arith.constant 0 : i32
        %dma_wait3A_17 = tpu.memref_slice %arg6[%multiple_of3A, %dma_wait3A] : memref<10000x136xf32, #tpu.memory_space<hbm>> -> memref<640x136xf32, #tpu.memory_space<hbm>>
        %dma_wait3A_18 = arith.constant 0 : i32
        %dma_wait3A_19 = tpu.memref_slice %arg24[%multiple_of3A, %dma_wait3A_18] : memref<10000x136xf32, #tpu.memory_space<vmem_shared>> -> memref<640x136xf32, #tpu.memory_space<vmem_shared>>
        tpu.wait_dma2 semaphore(%run_scoped3A : memref<!tpu.dma_semaphore, #tpu.memory_space<semaphore_mem>>) src(%dma_wait3A_19 : memref<640x136xf32, #tpu.memory_space<vmem_shared>>) dst(%dma_wait3A_17 : memref<640x136xf32, #tpu.memory_space<hbm>>)
        tpu.yield
      }) : () -> ()
    } else {
    }
    return
  }
}

#map = affine_map<(d0, d1) -> (0, 0, 0)>
#map1 = affine_map<(d0, d1) -> (0, 0)>
module attributes {stable_mosaic.version = 14 : i64} {
  func.func @_deg_kernel(%arg0: i32, %arg1: i32, %arg2: memref<2x2560x125xi32, #tpu.memory_space<hbm>>, %arg3: memref<10240x16xf32, #tpu.memory_space<hbm>>, %arg4: memref<128x16xf32, #tpu.memory_space<hbm>>, %arg5: memref<2x10240x16xf32, #tpu.memory_space<hbm>>, %arg6: memref<80x125xi32, #tpu.memory_space<vmem>>, %arg7: memref<128x16xf32, #tpu.memory_space<vmem>>, %arg8: memref<!tpu.dma_semaphore, #tpu.memory_space<semaphore_mem>>, %arg9: memref<10240x16xf32, #tpu.memory_space<vmem_shared>>) attributes {dimension_semantics = [#tpu.dimension_semantics<core_parallel>, #tpu.dimension_semantics<subcore_parallel>], iteration_bounds = array<i64: 2, 16>, scalar_prefetch = 0 : i64, scratch_operands = 4 : i64, tpu.core_type = #tpu.core_type<sc_vector_subcore>, window_params = [{transform_indices = #map}, {transform_indices = #map1}, {transform_indices = #map1}, {transform_indices = #map}]} {
    %mul3A = arith.constant 16 : i32
    %mul3A_0 = arith.muli %arg0, %mul3A : i32
    %add3A = arith.addi %mul3A_0, %arg1 : i32
    %mul3A_1 = arith.constant 80 : i32
    %mul3A_2 = arith.muli %add3A, %mul3A_1 : i32
    %multiple_of3A = tpu.assume_multiple %mul3A_2, 8 : i32
    %run_scoped3A = arith.constant 1 : i32
    "tpu.region"() ({
      %run_scoped3A_18 = tpu.sem_alloc : memref<!tpu.dma_semaphore, #tpu.memory_space<semaphore_mem>>
      %dma_start3A = arith.constant 0 : i32
      %dma_start3A_19 = arith.constant 0 : i32
      %dma_start3A_20 = tpu.memref_slice %arg2[%run_scoped3A, %dma_start3A, %dma_start3A_19] : memref<2x2560x125xi32, #tpu.memory_space<hbm>> -> memref<1x2560x125xi32, #tpu.memory_space<hbm>>
      %dma_start3A_21 = tpu.memref_squeeze %dma_start3A_20 : memref<1x2560x125xi32, #tpu.memory_space<hbm>> -> memref<2560x125xi32, #tpu.memory_space<hbm>>
      %dma_start3A_22 = arith.constant 0 : i32
      %dma_start3A_23 = tpu.memref_slice %dma_start3A_21[%multiple_of3A, %dma_start3A_22] : memref<2560x125xi32, #tpu.memory_space<hbm>> -> memref<80x125xi32, #tpu.memory_space<hbm>>
      %dma_start3A_24 = arith.constant 0 : i32
      %dma_start3A_25 = arith.constant 0 : i32
      %dma_start3A_26 = tpu.memref_slice %arg2[%run_scoped3A, %dma_start3A_24, %dma_start3A_25] : memref<2x2560x125xi32, #tpu.memory_space<hbm>> -> memref<1x2560x125xi32, #tpu.memory_space<hbm>>
      %dma_start3A_27 = tpu.memref_squeeze %dma_start3A_26 : memref<1x2560x125xi32, #tpu.memory_space<hbm>> -> memref<2560x125xi32, #tpu.memory_space<hbm>>
      %dma_start3A_28 = arith.constant 0 : i32
      %dma_start3A_29 = tpu.memref_slice %dma_start3A_27[%multiple_of3A, %dma_start3A_28] : memref<2560x125xi32, #tpu.memory_space<hbm>> -> memref<80x125xi32, #tpu.memory_space<hbm>>
      tpu.enqueue_dma source(%dma_start3A_29 : memref<80x125xi32, #tpu.memory_space<hbm>>) target(%arg6 : memref<80x125xi32, #tpu.memory_space<vmem>>) target_semaphore(%run_scoped3A_18 : memref<!tpu.dma_semaphore, #tpu.memory_space<semaphore_mem>>)
      %dma_wait3A = arith.constant 0 : i32
      %dma_wait3A_30 = arith.constant 0 : i32
      %dma_wait3A_31 = tpu.memref_slice %arg2[%run_scoped3A, %dma_wait3A, %dma_wait3A_30] : memref<2x2560x125xi32, #tpu.memory_space<hbm>> -> memref<1x2560x125xi32, #tpu.memory_space<hbm>>
      %dma_wait3A_32 = tpu.memref_squeeze %dma_wait3A_31 : memref<1x2560x125xi32, #tpu.memory_space<hbm>> -> memref<2560x125xi32, #tpu.memory_space<hbm>>
      %dma_wait3A_33 = arith.constant 0 : i32
      %dma_wait3A_34 = tpu.memref_slice %dma_wait3A_32[%multiple_of3A, %dma_wait3A_33] : memref<2560x125xi32, #tpu.memory_space<hbm>> -> memref<80x125xi32, #tpu.memory_space<hbm>>
      %dma_wait3A_35 = arith.constant 0 : i32
      %dma_wait3A_36 = arith.constant 0 : i32
      %dma_wait3A_37 = tpu.memref_slice %arg2[%run_scoped3A, %dma_wait3A_35, %dma_wait3A_36] : memref<2x2560x125xi32, #tpu.memory_space<hbm>> -> memref<1x2560x125xi32, #tpu.memory_space<hbm>>
      %dma_wait3A_38 = tpu.memref_squeeze %dma_wait3A_37 : memref<1x2560x125xi32, #tpu.memory_space<hbm>> -> memref<2560x125xi32, #tpu.memory_space<hbm>>
      %dma_wait3A_39 = arith.constant 0 : i32
      %dma_wait3A_40 = tpu.memref_slice %dma_wait3A_38[%multiple_of3A, %dma_wait3A_39] : memref<2560x125xi32, #tpu.memory_space<hbm>> -> memref<80x125xi32, #tpu.memory_space<hbm>>
      tpu.wait_dma2 semaphore(%run_scoped3A_18 : memref<!tpu.dma_semaphore, #tpu.memory_space<semaphore_mem>>) src(%dma_wait3A_40 : memref<80x125xi32, #tpu.memory_space<hbm>>) dst(%arg6 : memref<80x125xi32, #tpu.memory_space<vmem>>)
      tpu.yield
    }) : () -> ()
    "tpu.region"() ({
      %run_scoped3A_18 = tpu.sem_alloc : memref<!tpu.dma_semaphore, #tpu.memory_space<semaphore_mem>>
      tpu.enqueue_dma source(%arg4 : memref<128x16xf32, #tpu.memory_space<hbm>>) target(%arg7 : memref<128x16xf32, #tpu.memory_space<vmem>>) target_semaphore(%run_scoped3A_18 : memref<!tpu.dma_semaphore, #tpu.memory_space<semaphore_mem>>)
      tpu.wait_dma2 semaphore(%run_scoped3A_18 : memref<!tpu.dma_semaphore, #tpu.memory_space<semaphore_mem>>) src(%arg4 : memref<128x16xf32, #tpu.memory_space<hbm>>) dst(%arg7 : memref<128x16xf32, #tpu.memory_space<vmem>>)
      tpu.yield
    }) : () -> ()
    %mul3A_3 = arith.constant 640 : i32
    %mul3A_4 = arith.muli %arg1, %mul3A_3 : i32
    %multiple_of3A_5 = tpu.assume_multiple %mul3A_4, 8 : i32
    "tpu.region"() ({
      %run_scoped3A_18 = tpu.sem_alloc : memref<!tpu.dma_semaphore, #tpu.memory_space<semaphore_mem>>
      %dma_start3A = arith.constant 0 : i32
      %dma_start3A_19 = tpu.memref_slice %arg9[%multiple_of3A_5, %dma_start3A] : memref<10240x16xf32, #tpu.memory_space<vmem_shared>> -> memref<640x16xf32, #tpu.memory_space<vmem_shared>>
      %dma_start3A_20 = arith.constant 0 : i32
      %dma_start3A_21 = tpu.memref_slice %arg3[%multiple_of3A_5, %dma_start3A_20] : memref<10240x16xf32, #tpu.memory_space<hbm>> -> memref<640x16xf32, #tpu.memory_space<hbm>>
      tpu.enqueue_dma source(%dma_start3A_21 : memref<640x16xf32, #tpu.memory_space<hbm>>) target(%dma_start3A_19 : memref<640x16xf32, #tpu.memory_space<vmem_shared>>) target_semaphore(%run_scoped3A_18 : memref<!tpu.dma_semaphore, #tpu.memory_space<semaphore_mem>>)
      %dma_wait3A = arith.constant 0 : i32
      %dma_wait3A_22 = tpu.memref_slice %arg9[%multiple_of3A_5, %dma_wait3A] : memref<10240x16xf32, #tpu.memory_space<vmem_shared>> -> memref<640x16xf32, #tpu.memory_space<vmem_shared>>
      %dma_wait3A_23 = arith.constant 0 : i32
      %dma_wait3A_24 = tpu.memref_slice %arg3[%multiple_of3A_5, %dma_wait3A_23] : memref<10240x16xf32, #tpu.memory_space<hbm>> -> memref<640x16xf32, #tpu.memory_space<hbm>>
      tpu.wait_dma2 semaphore(%run_scoped3A_18 : memref<!tpu.dma_semaphore, #tpu.memory_space<semaphore_mem>>) src(%dma_wait3A_24 : memref<640x16xf32, #tpu.memory_space<hbm>>) dst(%dma_wait3A_22 : memref<640x16xf32, #tpu.memory_space<vmem_shared>>)
      tpu.yield
    }) : () -> ()
    %barrier3A = arith.constant 0 : index
    tpu.barrier barrier_id(%barrier3A)
    %scan3A = arith.constant 0 : i32
    %scan3A_6 = arith.constant 0 : i32
    %scan3A_7 = arith.constant 80 : i32
    %scan3A_8 = arith.addi %scan3A_6, %scan3A_7 : i32
    %scan3A_9 = arith.constant 1 : i32
    scf.for %scan3A_18 = %scan3A_6 to %scan3A_8 step %scan3A_9  : i32 {
      %dma_start3A = arith.constant 0 : i32
      %dma_start3A_19 = arith.constant 0 : i32
      %dma_start3A_20 = tpu.memref_slice %arg7[%dma_start3A, %dma_start3A_19] : memref<128x16xf32, #tpu.memory_space<vmem>> -> memref<125x16xf32, #tpu.memory_space<vmem>>
      %dma_start3A_21 = arith.constant 0 : i32
      %dma_start3A_22 = tpu.memref_slice %arg6[%scan3A_18, %dma_start3A_21] : memref<80x125xi32, #tpu.memory_space<vmem>> -> memref<1x125xi32, #tpu.memory_space<vmem>>
      %dma_start3A_23 = tpu.memref_squeeze %dma_start3A_22 : memref<1x125xi32, #tpu.memory_space<vmem>> -> memref<125xi32, #tpu.memory_space<vmem>>
      %dma_start3A_24 = arith.constant 0 : i32
      %dma_start3A_25 = arith.constant 0 : i32
      %dma_start3A_26 = tpu.memref_slice %arg9[%dma_start3A_24, %dma_start3A_25] : memref<10240x16xf32, #tpu.memory_space<vmem_shared>> -> memref<10240x16xf32, #tpu.memory_space<vmem_shared>>
      tpu.enqueue_indirect_dma source(%dma_start3A_20 : memref<125x16xf32, #tpu.memory_space<vmem>>) target(%dma_start3A_26 : memref<10240x16xf32, #tpu.memory_space<vmem_shared>>) offsets(%dma_start3A_23 : memref<125xi32, #tpu.memory_space<vmem>>) semaphore(%arg8 : memref<!tpu.dma_semaphore, #tpu.memory_space<semaphore_mem>>) {add = true}
    }
    %scan3A_10 = arith.constant 80 : i32
    %scan3A_11 = arith.constant 0 : i32
    %scan3A_12 = arith.constant 0 : i32
    %scan3A_13 = arith.constant 80 : i32
    %scan3A_14 = arith.addi %scan3A_12, %scan3A_13 : i32
    %scan3A_15 = arith.constant 1 : i32
    scf.for %scan3A_18 = %scan3A_12 to %scan3A_14 step %scan3A_15  : i32 {
      %dma_wait3A = arith.constant 0 : i32
      %dma_wait3A_19 = arith.constant 0 : i32
      %dma_wait3A_20 = tpu.memref_slice %arg7[%dma_wait3A, %dma_wait3A_19] : memref<128x16xf32, #tpu.memory_space<vmem>> -> memref<125x16xf32, #tpu.memory_space<vmem>>
      %dma_wait3A_21 = arith.constant 0 : i32
      %dma_wait3A_22 = tpu.memref_slice %arg6[%scan3A_18, %dma_wait3A_21] : memref<80x125xi32, #tpu.memory_space<vmem>> -> memref<1x125xi32, #tpu.memory_space<vmem>>
      %dma_wait3A_23 = tpu.memref_squeeze %dma_wait3A_22 : memref<1x125xi32, #tpu.memory_space<vmem>> -> memref<125xi32, #tpu.memory_space<vmem>>
      %dma_wait3A_24 = arith.constant 0 : i32
      %dma_wait3A_25 = arith.constant 0 : i32
      %dma_wait3A_26 = tpu.memref_slice %arg9[%dma_wait3A_24, %dma_wait3A_25] : memref<10240x16xf32, #tpu.memory_space<vmem_shared>> -> memref<10240x16xf32, #tpu.memory_space<vmem_shared>>
      tpu.wait_indirect_dma semaphore(%arg8 : memref<!tpu.dma_semaphore, #tpu.memory_space<semaphore_mem>>) src(%dma_wait3A_20 : memref<125x16xf32, #tpu.memory_space<vmem>>) dst(%dma_wait3A_26 : memref<10240x16xf32, #tpu.memory_space<vmem_shared>>)
    }
    %scan3A_16 = arith.constant 80 : i32
    %barrier3A_17 = arith.constant 0 : index
    tpu.barrier barrier_id(%barrier3A_17)
    "tpu.region"() ({
      %run_scoped3A_18 = tpu.sem_alloc : memref<!tpu.dma_semaphore, #tpu.memory_space<semaphore_mem>>
      %dma_start3A = arith.constant 0 : i32
      %dma_start3A_19 = arith.constant 0 : i32
      %dma_start3A_20 = tpu.memref_slice %arg5[%arg0, %dma_start3A, %dma_start3A_19] : memref<2x10240x16xf32, #tpu.memory_space<hbm>> -> memref<1x10240x16xf32, #tpu.memory_space<hbm>>
      %dma_start3A_21 = tpu.memref_squeeze %dma_start3A_20 : memref<1x10240x16xf32, #tpu.memory_space<hbm>> -> memref<10240x16xf32, #tpu.memory_space<hbm>>
      %dma_start3A_22 = arith.constant 0 : i32
      %dma_start3A_23 = tpu.memref_slice %dma_start3A_21[%multiple_of3A_5, %dma_start3A_22] : memref<10240x16xf32, #tpu.memory_space<hbm>> -> memref<640x16xf32, #tpu.memory_space<hbm>>
      %dma_start3A_24 = arith.constant 0 : i32
      %dma_start3A_25 = tpu.memref_slice %arg9[%multiple_of3A_5, %dma_start3A_24] : memref<10240x16xf32, #tpu.memory_space<vmem_shared>> -> memref<640x16xf32, #tpu.memory_space<vmem_shared>>
      tpu.enqueue_dma source(%dma_start3A_25 : memref<640x16xf32, #tpu.memory_space<vmem_shared>>) target(%dma_start3A_23 : memref<640x16xf32, #tpu.memory_space<hbm>>) target_semaphore(%run_scoped3A_18 : memref<!tpu.dma_semaphore, #tpu.memory_space<semaphore_mem>>)
      %dma_wait3A = arith.constant 0 : i32
      %dma_wait3A_26 = arith.constant 0 : i32
      %dma_wait3A_27 = tpu.memref_slice %arg5[%arg0, %dma_wait3A, %dma_wait3A_26] : memref<2x10240x16xf32, #tpu.memory_space<hbm>> -> memref<1x10240x16xf32, #tpu.memory_space<hbm>>
      %dma_wait3A_28 = tpu.memref_squeeze %dma_wait3A_27 : memref<1x10240x16xf32, #tpu.memory_space<hbm>> -> memref<10240x16xf32, #tpu.memory_space<hbm>>
      %dma_wait3A_29 = arith.constant 0 : i32
      %dma_wait3A_30 = tpu.memref_slice %dma_wait3A_28[%multiple_of3A_5, %dma_wait3A_29] : memref<10240x16xf32, #tpu.memory_space<hbm>> -> memref<640x16xf32, #tpu.memory_space<hbm>>
      %dma_wait3A_31 = arith.constant 0 : i32
      %dma_wait3A_32 = tpu.memref_slice %arg9[%multiple_of3A_5, %dma_wait3A_31] : memref<10240x16xf32, #tpu.memory_space<vmem_shared>> -> memref<640x16xf32, #tpu.memory_space<vmem_shared>>
      tpu.wait_dma2 semaphore(%run_scoped3A_18 : memref<!tpu.dma_semaphore, #tpu.memory_space<semaphore_mem>>) src(%dma_wait3A_32 : memref<640x16xf32, #tpu.memory_space<vmem_shared>>) dst(%dma_wait3A_30 : memref<640x16xf32, #tpu.memory_space<hbm>>)
      tpu.yield
    }) : () -> ()
    return
  }
}

#map = affine_map<(d0, d1) -> (0, 0, 0)>
#map1 = affine_map<(d0, d1) -> (0, 0)>
module attributes {stable_mosaic.version = 14 : i64} {
  func.func @prop_k(%arg0: i32, %arg1: i32, %arg2: memref<2x2560x125xi32, #tpu.memory_space<hbm>>, %arg3: memref<10000x80xf32, #tpu.memory_space<hbm>>, %arg4: memref<10000x80xf32, #tpu.memory_space<hbm>>, %arg5: memref<10000x80xf32, #tpu.memory_space<hbm>>, %arg6: memref<10000x80xf32, #tpu.memory_space<hbm>>, %arg7: memref<40x125xi32, #tpu.memory_space<vmem>>, %arg8: memref<40x125xi32, #tpu.memory_space<vmem>>, %arg9: memref<125x80xf32, #tpu.memory_space<vmem>>, %arg10: memref<125x80xf32, #tpu.memory_space<vmem>>, %arg11: memref<125x80xf32, #tpu.memory_space<vmem>>, %arg12: memref<125x80xf32, #tpu.memory_space<vmem>>, %arg13: memref<125x80xf32, #tpu.memory_space<vmem>>, %arg14: memref<!tpu.dma_semaphore, #tpu.memory_space<semaphore_mem>>, %arg15: memref<!tpu.dma_semaphore, #tpu.memory_space<semaphore_mem>>, %arg16: memref<!tpu.dma_semaphore, #tpu.memory_space<semaphore_mem>>, %arg17: memref<!tpu.dma_semaphore, #tpu.memory_space<semaphore_mem>>, %arg18: memref<!tpu.dma_semaphore, #tpu.memory_space<semaphore_mem>>, %arg19: memref<!tpu.dma_semaphore, #tpu.memory_space<semaphore_mem>>, %arg20: memref<!tpu.dma_semaphore, #tpu.memory_space<semaphore_mem>>, %arg21: memref<!tpu.dma_semaphore, #tpu.memory_space<semaphore_mem>>, %arg22: memref<!tpu.dma_semaphore, #tpu.memory_space<semaphore_mem>>, %arg23: memref<!tpu.dma_semaphore, #tpu.memory_space<semaphore_mem>>, %arg24: memref<10000x80xf32, #tpu.memory_space<vmem_shared>>) attributes {dimension_semantics = [#tpu.dimension_semantics<core_parallel>, #tpu.dimension_semantics<subcore_parallel>], iteration_bounds = array<i64: 2, 16>, scalar_prefetch = 0 : i64, scratch_operands = 18 : i64, tpu.core_type = #tpu.core_type<sc_vector_subcore>, window_params = [{transform_indices = #map}, {transform_indices = #map1}, {transform_indices = #map1}, {transform_indices = #map1}, {transform_indices = #map1}]} {
    %mul3A = arith.constant 624 : i32
    %mul3A_0 = arith.muli %arg1, %mul3A : i32
    %multiple_of3A = tpu.assume_multiple %mul3A_0, 8 : i32
    %eq3A = arith.constant 0 : i32
    %eq3A_1 = arith.cmpi eq, %arg0, %eq3A : i32
    %convert_element_type3A = arith.extui %eq3A_1 : i1 to i32
    %cond3A = arith.constant 0 : i32
    %cond3A_2 = arith.cmpi ne, %convert_element_type3A, %cond3A : i32
    scf.if %cond3A_2 {
      "tpu.region"() ({
        %run_scoped3A = tpu.sem_alloc : memref<!tpu.dma_semaphore, #tpu.memory_space<semaphore_mem>>
        %dma_start3A = arith.constant 0 : i32
        %dma_start3A_14 = tpu.memref_slice %arg24[%multiple_of3A, %dma_start3A] : memref<10000x80xf32, #tpu.memory_space<vmem_shared>> -> memref<640x80xf32, #tpu.memory_space<vmem_shared>>
        %dma_start3A_15 = arith.constant 0 : i32
        %dma_start3A_16 = tpu.memref_slice %arg3[%multiple_of3A, %dma_start3A_15] : memref<10000x80xf32, #tpu.memory_space<hbm>> -> memref<640x80xf32, #tpu.memory_space<hbm>>
        tpu.enqueue_dma source(%dma_start3A_16 : memref<640x80xf32, #tpu.memory_space<hbm>>) target(%dma_start3A_14 : memref<640x80xf32, #tpu.memory_space<vmem_shared>>) target_semaphore(%run_scoped3A : memref<!tpu.dma_semaphore, #tpu.memory_space<semaphore_mem>>)
        %dma_wait3A = arith.constant 0 : i32
        %dma_wait3A_17 = tpu.memref_slice %arg24[%multiple_of3A, %dma_wait3A] : memref<10000x80xf32, #tpu.memory_space<vmem_shared>> -> memref<640x80xf32, #tpu.memory_space<vmem_shared>>
        %dma_wait3A_18 = arith.constant 0 : i32
        %dma_wait3A_19 = tpu.memref_slice %arg3[%multiple_of3A, %dma_wait3A_18] : memref<10000x80xf32, #tpu.memory_space<hbm>> -> memref<640x80xf32, #tpu.memory_space<hbm>>
        tpu.wait_dma2 semaphore(%run_scoped3A : memref<!tpu.dma_semaphore, #tpu.memory_space<semaphore_mem>>) src(%dma_wait3A_19 : memref<640x80xf32, #tpu.memory_space<hbm>>) dst(%dma_wait3A_17 : memref<640x80xf32, #tpu.memory_space<vmem_shared>>)
        tpu.yield
      }) : () -> ()
      %barrier3A = arith.constant 0 : index
      tpu.barrier barrier_id(%barrier3A)
      %scan3A = arith.constant 0 : i32
      %scan3A_8 = arith.constant 0 : i32
      %scan3A_9 = arith.constant 4 : i32
      %scan3A_10 = arith.addi %scan3A_8, %scan3A_9 : i32
      %scan3A_11 = arith.constant 1 : i32
      scf.for %scan3A_14 = %scan3A_8 to %scan3A_10 step %scan3A_11  : i32 {
        %mul3A_15 = arith.constant 160 : i32
        %mul3A_16 = arith.muli %arg1, %mul3A_15 : i32
        %mul3A_17 = arith.constant 40 : i32
        %mul3A_18 = arith.muli %scan3A_14, %mul3A_17 : i32
        %add3A = arith.addi %mul3A_16, %mul3A_18 : i32
        %multiple_of3A_19 = tpu.assume_multiple %add3A, 8 : i32
        %run_scoped3A = arith.constant 0 : i32
        "tpu.region"() ({
          %run_scoped3A_60 = tpu.sem_alloc : memref<!tpu.dma_semaphore, #tpu.memory_space<semaphore_mem>>
          %dma_start3A_61 = arith.constant 0 : i32
          %dma_start3A_62 = arith.constant 0 : i32
          %dma_start3A_63 = tpu.memref_slice %arg2[%run_scoped3A, %dma_start3A_61, %dma_start3A_62] : memref<2x2560x125xi32, #tpu.memory_space<hbm>> -> memref<1x2560x125xi32, #tpu.memory_space<hbm>>
          %dma_start3A_64 = tpu.memref_squeeze %dma_start3A_63 : memref<1x2560x125xi32, #tpu.memory_space<hbm>> -> memref<2560x125xi32, #tpu.memory_space<hbm>>
          %dma_start3A_65 = arith.constant 0 : i32
          %dma_start3A_66 = tpu.memref_slice %dma_start3A_64[%multiple_of3A_19, %dma_start3A_65] : memref<2560x125xi32, #tpu.memory_space<hbm>> -> memref<40x125xi32, #tpu.memory_space<hbm>>
          %dma_start3A_67 = arith.constant 0 : i32
          %dma_start3A_68 = arith.constant 0 : i32
          %dma_start3A_69 = tpu.memref_slice %arg2[%run_scoped3A, %dma_start3A_67, %dma_start3A_68] : memref<2x2560x125xi32, #tpu.memory_space<hbm>> -> memref<1x2560x125xi32, #tpu.memory_space<hbm>>
          %dma_start3A_70 = tpu.memref_squeeze %dma_start3A_69 : memref<1x2560x125xi32, #tpu.memory_space<hbm>> -> memref<2560x125xi32, #tpu.memory_space<hbm>>
          %dma_start3A_71 = arith.constant 0 : i32
          %dma_start3A_72 = tpu.memref_slice %dma_start3A_70[%multiple_of3A_19, %dma_start3A_71] : memref<2560x125xi32, #tpu.memory_space<hbm>> -> memref<40x125xi32, #tpu.memory_space<hbm>>
          tpu.enqueue_dma source(%dma_start3A_72 : memref<40x125xi32, #tpu.memory_space<hbm>>) target(%arg7 : memref<40x125xi32, #tpu.memory_space<vmem>>) target_semaphore(%run_scoped3A_60 : memref<!tpu.dma_semaphore, #tpu.memory_space<semaphore_mem>>)
          %dma_wait3A_73 = arith.constant 0 : i32
          %dma_wait3A_74 = arith.constant 0 : i32
          %dma_wait3A_75 = tpu.memref_slice %arg2[%run_scoped3A, %dma_wait3A_73, %dma_wait3A_74] : memref<2x2560x125xi32, #tpu.memory_space<hbm>> -> memref<1x2560x125xi32, #tpu.memory_space<hbm>>
          %dma_wait3A_76 = tpu.memref_squeeze %dma_wait3A_75 : memref<1x2560x125xi32, #tpu.memory_space<hbm>> -> memref<2560x125xi32, #tpu.memory_space<hbm>>
          %dma_wait3A_77 = arith.constant 0 : i32
          %dma_wait3A_78 = tpu.memref_slice %dma_wait3A_76[%multiple_of3A_19, %dma_wait3A_77] : memref<2560x125xi32, #tpu.memory_space<hbm>> -> memref<40x125xi32, #tpu.memory_space<hbm>>
          %dma_wait3A_79 = arith.constant 0 : i32
          %dma_wait3A_80 = arith.constant 0 : i32
          %dma_wait3A_81 = tpu.memref_slice %arg2[%run_scoped3A, %dma_wait3A_79, %dma_wait3A_80] : memref<2x2560x125xi32, #tpu.memory_space<hbm>> -> memref<1x2560x125xi32, #tpu.memory_space<hbm>>
          %dma_wait3A_82 = tpu.memref_squeeze %dma_wait3A_81 : memref<1x2560x125xi32, #tpu.memory_space<hbm>> -> memref<2560x125xi32, #tpu.memory_space<hbm>>
          %dma_wait3A_83 = arith.constant 0 : i32
          %dma_wait3A_84 = tpu.memref_slice %dma_wait3A_82[%multiple_of3A_19, %dma_wait3A_83] : memref<2560x125xi32, #tpu.memory_space<hbm>> -> memref<40x125xi32, #tpu.memory_space<hbm>>
          tpu.wait_dma2 semaphore(%run_scoped3A_60 : memref<!tpu.dma_semaphore, #tpu.memory_space<semaphore_mem>>) src(%dma_wait3A_84 : memref<40x125xi32, #tpu.memory_space<hbm>>) dst(%arg7 : memref<40x125xi32, #tpu.memory_space<vmem>>)
          tpu.yield
        }) : () -> ()
        %run_scoped3A_20 = arith.constant 1 : i32
        "tpu.region"() ({
          %run_scoped3A_60 = tpu.sem_alloc : memref<!tpu.dma_semaphore, #tpu.memory_space<semaphore_mem>>
          %dma_start3A_61 = arith.constant 0 : i32
          %dma_start3A_62 = arith.constant 0 : i32
          %dma_start3A_63 = tpu.memref_slice %arg2[%run_scoped3A_20, %dma_start3A_61, %dma_start3A_62] : memref<2x2560x125xi32, #tpu.memory_space<hbm>> -> memref<1x2560x125xi32, #tpu.memory_space<hbm>>
          %dma_start3A_64 = tpu.memref_squeeze %dma_start3A_63 : memref<1x2560x125xi32, #tpu.memory_space<hbm>> -> memref<2560x125xi32, #tpu.memory_space<hbm>>
          %dma_start3A_65 = arith.constant 0 : i32
          %dma_start3A_66 = tpu.memref_slice %dma_start3A_64[%multiple_of3A_19, %dma_start3A_65] : memref<2560x125xi32, #tpu.memory_space<hbm>> -> memref<40x125xi32, #tpu.memory_space<hbm>>
          %dma_start3A_67 = arith.constant 0 : i32
          %dma_start3A_68 = arith.constant 0 : i32
          %dma_start3A_69 = tpu.memref_slice %arg2[%run_scoped3A_20, %dma_start3A_67, %dma_start3A_68] : memref<2x2560x125xi32, #tpu.memory_space<hbm>> -> memref<1x2560x125xi32, #tpu.memory_space<hbm>>
          %dma_start3A_70 = tpu.memref_squeeze %dma_start3A_69 : memref<1x2560x125xi32, #tpu.memory_space<hbm>> -> memref<2560x125xi32, #tpu.memory_space<hbm>>
          %dma_start3A_71 = arith.constant 0 : i32
          %dma_start3A_72 = tpu.memref_slice %dma_start3A_70[%multiple_of3A_19, %dma_start3A_71] : memref<2560x125xi32, #tpu.memory_space<hbm>> -> memref<40x125xi32, #tpu.memory_space<hbm>>
          tpu.enqueue_dma source(%dma_start3A_72 : memref<40x125xi32, #tpu.memory_space<hbm>>) target(%arg8 : memref<40x125xi32, #tpu.memory_space<vmem>>) target_semaphore(%run_scoped3A_60 : memref<!tpu.dma_semaphore, #tpu.memory_space<semaphore_mem>>)
          %dma_wait3A_73 = arith.constant 0 : i32
          %dma_wait3A_74 = arith.constant 0 : i32
          %dma_wait3A_75 = tpu.memref_slice %arg2[%run_scoped3A_20, %dma_wait3A_73, %dma_wait3A_74] : memref<2x2560x125xi32, #tpu.memory_space<hbm>> -> memref<1x2560x125xi32, #tpu.memory_space<hbm>>
          %dma_wait3A_76 = tpu.memref_squeeze %dma_wait3A_75 : memref<1x2560x125xi32, #tpu.memory_space<hbm>> -> memref<2560x125xi32, #tpu.memory_space<hbm>>
          %dma_wait3A_77 = arith.constant 0 : i32
          %dma_wait3A_78 = tpu.memref_slice %dma_wait3A_76[%multiple_of3A_19, %dma_wait3A_77] : memref<2560x125xi32, #tpu.memory_space<hbm>> -> memref<40x125xi32, #tpu.memory_space<hbm>>
          %dma_wait3A_79 = arith.constant 0 : i32
          %dma_wait3A_80 = arith.constant 0 : i32
          %dma_wait3A_81 = tpu.memref_slice %arg2[%run_scoped3A_20, %dma_wait3A_79, %dma_wait3A_80] : memref<2x2560x125xi32, #tpu.memory_space<hbm>> -> memref<1x2560x125xi32, #tpu.memory_space<hbm>>
          %dma_wait3A_82 = tpu.memref_squeeze %dma_wait3A_81 : memref<1x2560x125xi32, #tpu.memory_space<hbm>> -> memref<2560x125xi32, #tpu.memory_space<hbm>>
          %dma_wait3A_83 = arith.constant 0 : i32
          %dma_wait3A_84 = tpu.memref_slice %dma_wait3A_82[%multiple_of3A_19, %dma_wait3A_83] : memref<2560x125xi32, #tpu.memory_space<hbm>> -> memref<40x125xi32, #tpu.memory_space<hbm>>
          tpu.wait_dma2 semaphore(%run_scoped3A_60 : memref<!tpu.dma_semaphore, #tpu.memory_space<semaphore_mem>>) src(%dma_wait3A_84 : memref<40x125xi32, #tpu.memory_space<hbm>>) dst(%arg8 : memref<40x125xi32, #tpu.memory_space<vmem>>)
          tpu.yield
        }) : () -> ()
        %dma_start3A = arith.constant 0 : i32
        %dma_start3A_21 = arith.constant 0 : i32
        %dma_start3A_22 = tpu.memref_slice %arg7[%dma_start3A, %dma_start3A_21] : memref<40x125xi32, #tpu.memory_space<vmem>> -> memref<1x125xi32, #tpu.memory_space<vmem>>
        %dma_start3A_23 = tpu.memref_squeeze %dma_start3A_22 : memref<1x125xi32, #tpu.memory_space<vmem>> -> memref<125xi32, #tpu.memory_space<vmem>>
        %dma_start3A_24 = arith.constant 0 : i32
        %dma_start3A_25 = arith.constant 0 : i32
        %dma_start3A_26 = tpu.memref_slice %arg3[%dma_start3A_24, %dma_start3A_25] : memref<10000x80xf32, #tpu.memory_space<hbm>> -> memref<10000x80xf32, #tpu.memory_space<hbm>>
        tpu.enqueue_indirect_dma source(%dma_start3A_26 : memref<10000x80xf32, #tpu.memory_space<hbm>>) target(%arg9 : memref<125x80xf32, #tpu.memory_space<vmem>>) offsets(%dma_start3A_23 : memref<125xi32, #tpu.memory_space<vmem>>) semaphore(%arg14 : memref<!tpu.dma_semaphore, #tpu.memory_space<semaphore_mem>>)
        %dma_start3A_27 = arith.constant 1 : i32
        %dma_start3A_28 = arith.constant 0 : i32
        %dma_start3A_29 = tpu.memref_slice %arg7[%dma_start3A_27, %dma_start3A_28] : memref<40x125xi32, #tpu.memory_space<vmem>> -> memref<1x125xi32, #tpu.memory_space<vmem>>
        %dma_start3A_30 = tpu.memref_squeeze %dma_start3A_29 : memref<1x125xi32, #tpu.memory_space<vmem>> -> memref<125xi32, #tpu.memory_space<vmem>>
        %dma_start3A_31 = arith.constant 0 : i32
        %dma_start3A_32 = arith.constant 0 : i32
        %dma_start3A_33 = tpu.memref_slice %arg3[%dma_start3A_31, %dma_start3A_32] : memref<10000x80xf32, #tpu.memory_space<hbm>> -> memref<10000x80xf32, #tpu.memory_space<hbm>>
        tpu.enqueue_indirect_dma source(%dma_start3A_33 : memref<10000x80xf32, #tpu.memory_space<hbm>>) target(%arg10 : memref<125x80xf32, #tpu.memory_space<vmem>>) offsets(%dma_start3A_30 : memref<125xi32, #tpu.memory_space<vmem>>) semaphore(%arg15 : memref<!tpu.dma_semaphore, #tpu.memory_space<semaphore_mem>>)
        %scan3A_34 = arith.constant 0 : i32
        %scan3A_35 = arith.constant 0 : i32
        %scan3A_36 = arith.constant 8 : i32
        %scan3A_37 = arith.addi %scan3A_35, %scan3A_36 : i32
        %scan3A_38 = arith.constant 1 : i32
        scf.for %scan3A_60 = %scan3A_35 to %scan3A_37 step %scan3A_38  : i32 {
          %mul3A_61 = arith.constant 5 : i32
          %mul3A_62 = arith.muli %mul3A_61, %scan3A_60 : i32
          %add3A_63 = arith.constant 0 : i32
          %add3A_64 = arith.addi %mul3A_62, %add3A_63 : i32
          %sub3A = arith.constant 3 : i32
          %sub3A_65 = arith.subi %add3A_64, %sub3A : i32
          %gt3A = arith.constant 0 : i32
          %gt3A_66 = arith.cmpi sgt, %scan3A_60, %gt3A : i32
          %convert_element_type3A_67 = arith.extui %gt3A_66 : i1 to i32
          %cond3A_68 = arith.constant 0 : i32
          %cond3A_69 = arith.cmpi ne, %convert_element_type3A_67, %cond3A_68 : i32
          scf.if %cond3A_69 {
            %max3A = arith.constant 0 : i32
            %max3A_201 = arith.maxsi %sub3A_65, %max3A : i32
            %dma_wait3A_202 = arith.constant 0 : i32
            %dma_wait3A_203 = tpu.memref_slice %arg8[%max3A_201, %dma_wait3A_202] : memref<40x125xi32, #tpu.memory_space<vmem>> -> memref<1x125xi32, #tpu.memory_space<vmem>>
            %dma_wait3A_204 = tpu.memref_squeeze %dma_wait3A_203 : memref<1x125xi32, #tpu.memory_space<vmem>> -> memref<125xi32, #tpu.memory_space<vmem>>
            %dma_wait3A_205 = arith.constant 0 : i32
            %dma_wait3A_206 = arith.constant 0 : i32
            %dma_wait3A_207 = tpu.memref_slice %arg24[%dma_wait3A_205, %dma_wait3A_206] : memref<10000x80xf32, #tpu.memory_space<vmem_shared>> -> memref<10000x80xf32, #tpu.memory_space<vmem_shared>>
            tpu.wait_indirect_dma semaphore(%arg21 : memref<!tpu.dma_semaphore, #tpu.memory_space<semaphore_mem>>) src(%arg11 : memref<125x80xf32, #tpu.memory_space<vmem>>) dst(%dma_wait3A_207 : memref<10000x80xf32, #tpu.memory_space<vmem_shared>>)
          } else {
          }
          %add3A_70 = arith.constant 2 : i32
          %add3A_71 = arith.addi %add3A_64, %add3A_70 : i32
          %dma_start3A_72 = arith.constant 0 : i32
          %dma_start3A_73 = tpu.memref_slice %arg7[%add3A_71, %dma_start3A_72] : memref<40x125xi32, #tpu.memory_space<vmem>> -> memref<1x125xi32, #tpu.memory_space<vmem>>
          %dma_start3A_74 = tpu.memref_squeeze %dma_start3A_73 : memref<1x125xi32, #tpu.memory_space<vmem>> -> memref<125xi32, #tpu.memory_space<vmem>>
          %dma_start3A_75 = arith.constant 0 : i32
          %dma_start3A_76 = arith.constant 0 : i32
          %dma_start3A_77 = tpu.memref_slice %arg3[%dma_start3A_75, %dma_start3A_76] : memref<10000x80xf32, #tpu.memory_space<hbm>> -> memref<10000x80xf32, #tpu.memory_space<hbm>>
          tpu.enqueue_indirect_dma source(%dma_start3A_77 : memref<10000x80xf32, #tpu.memory_space<hbm>>) target(%arg11 : memref<125x80xf32, #tpu.memory_space<vmem>>) offsets(%dma_start3A_74 : memref<125xi32, #tpu.memory_space<vmem>>) semaphore(%arg16 : memref<!tpu.dma_semaphore, #tpu.memory_space<semaphore_mem>>)
          %dma_wait3A_78 = arith.constant 0 : i32
          %dma_wait3A_79 = tpu.memref_slice %arg7[%add3A_64, %dma_wait3A_78] : memref<40x125xi32, #tpu.memory_space<vmem>> -> memref<1x125xi32, #tpu.memory_space<vmem>>
          %dma_wait3A_80 = tpu.memref_squeeze %dma_wait3A_79 : memref<1x125xi32, #tpu.memory_space<vmem>> -> memref<125xi32, #tpu.memory_space<vmem>>
          %dma_wait3A_81 = arith.constant 0 : i32
          %dma_wait3A_82 = arith.constant 0 : i32
          %dma_wait3A_83 = tpu.memref_slice %arg3[%dma_wait3A_81, %dma_wait3A_82] : memref<10000x80xf32, #tpu.memory_space<hbm>> -> memref<10000x80xf32, #tpu.memory_space<hbm>>
          tpu.wait_indirect_dma semaphore(%arg14 : memref<!tpu.dma_semaphore, #tpu.memory_space<semaphore_mem>>) src(%dma_wait3A_83 : memref<10000x80xf32, #tpu.memory_space<hbm>>) dst(%arg9 : memref<125x80xf32, #tpu.memory_space<vmem>>)
          %dma_start3A_84 = arith.constant 0 : i32
          %dma_start3A_85 = tpu.memref_slice %arg8[%add3A_64, %dma_start3A_84] : memref<40x125xi32, #tpu.memory_space<vmem>> -> memref<1x125xi32, #tpu.memory_space<vmem>>
          %dma_start3A_86 = tpu.memref_squeeze %dma_start3A_85 : memref<1x125xi32, #tpu.memory_space<vmem>> -> memref<125xi32, #tpu.memory_space<vmem>>
          %dma_start3A_87 = arith.constant 0 : i32
          %dma_start3A_88 = arith.constant 0 : i32
          %dma_start3A_89 = tpu.memref_slice %arg24[%dma_start3A_87, %dma_start3A_88] : memref<10000x80xf32, #tpu.memory_space<vmem_shared>> -> memref<10000x80xf32, #tpu.memory_space<vmem_shared>>
          tpu.enqueue_indirect_dma source(%arg9 : memref<125x80xf32, #tpu.memory_space<vmem>>) target(%dma_start3A_89 : memref<10000x80xf32, #tpu.memory_space<vmem_shared>>) offsets(%dma_start3A_86 : memref<125xi32, #tpu.memory_space<vmem>>) semaphore(%arg19 : memref<!tpu.dma_semaphore, #tpu.memory_space<semaphore_mem>>) {add = true}
          %add3A_90 = arith.constant 1 : i32
          %add3A_91 = arith.addi %mul3A_62, %add3A_90 : i32
          %sub3A_92 = arith.constant 3 : i32
          %sub3A_93 = arith.subi %add3A_91, %sub3A_92 : i32
          %gt3A_94 = arith.constant 0 : i32
          %gt3A_95 = arith.cmpi sgt, %scan3A_60, %gt3A_94 : i32
          %convert_element_type3A_96 = arith.extui %gt3A_95 : i1 to i32
          %cond3A_97 = arith.constant 0 : i32
          %cond3A_98 = arith.cmpi ne, %convert_element_type3A_96, %cond3A_97 : i32
          scf.if %cond3A_98 {
            %max3A = arith.constant 0 : i32
            %max3A_201 = arith.maxsi %sub3A_93, %max3A : i32
            %dma_wait3A_202 = arith.constant 0 : i32
            %dma_wait3A_203 = tpu.memref_slice %arg8[%max3A_201, %dma_wait3A_202] : memref<40x125xi32, #tpu.memory_space<vmem>> -> memref<1x125xi32, #tpu.memory_space<vmem>>
            %dma_wait3A_204 = tpu.memref_squeeze %dma_wait3A_203 : memref<1x125xi32, #tpu.memory_space<vmem>> -> memref<125xi32, #tpu.memory_space<vmem>>
            %dma_wait3A_205 = arith.constant 0 : i32
            %dma_wait3A_206 = arith.constant 0 : i32
            %dma_wait3A_207 = tpu.memref_slice %arg24[%dma_wait3A_205, %dma_wait3A_206] : memref<10000x80xf32, #tpu.memory_space<vmem_shared>> -> memref<10000x80xf32, #tpu.memory_space<vmem_shared>>
            tpu.wait_indirect_dma semaphore(%arg22 : memref<!tpu.dma_semaphore, #tpu.memory_space<semaphore_mem>>) src(%arg12 : memref<125x80xf32, #tpu.memory_space<vmem>>) dst(%dma_wait3A_207 : memref<10000x80xf32, #tpu.memory_space<vmem_shared>>)
          } else {
          }
          %add3A_99 = arith.constant 2 : i32
          %add3A_100 = arith.addi %add3A_91, %add3A_99 : i32
          %dma_start3A_101 = arith.constant 0 : i32
          %dma_start3A_102 = tpu.memref_slice %arg7[%add3A_100, %dma_start3A_101] : memref<40x125xi32, #tpu.memory_space<vmem>> -> memref<1x125xi32, #tpu.memory_space<vmem>>
          %dma_start3A_103 = tpu.memref_squeeze %dma_start3A_102 : memref<1x125xi32, #tpu.memory_space<vmem>> -> memref<125xi32, #tpu.memory_space<vmem>>
          %dma_start3A_104 = arith.constant 0 : i32
          %dma_start3A_105 = arith.constant 0 : i32
          %dma_start3A_106 = tpu.memref_slice %arg3[%dma_start3A_104, %dma_start3A_105] : memref<10000x80xf32, #tpu.memory_space<hbm>> -> memref<10000x80xf32, #tpu.memory_space<hbm>>
          tpu.enqueue_indirect_dma source(%dma_start3A_106 : memref<10000x80xf32, #tpu.memory_space<hbm>>) target(%arg12 : memref<125x80xf32, #tpu.memory_space<vmem>>) offsets(%dma_start3A_103 : memref<125xi32, #tpu.memory_space<vmem>>) semaphore(%arg17 : memref<!tpu.dma_semaphore, #tpu.memory_space<semaphore_mem>>)
          %dma_wait3A_107 = arith.constant 0 : i32
          %dma_wait3A_108 = tpu.memref_slice %arg7[%add3A_91, %dma_wait3A_107] : memref<40x125xi32, #tpu.memory_space<vmem>> -> memref<1x125xi32, #tpu.memory_space<vmem>>
          %dma_wait3A_109 = tpu.memref_squeeze %dma_wait3A_108 : memref<1x125xi32, #tpu.memory_space<vmem>> -> memref<125xi32, #tpu.memory_space<vmem>>
          %dma_wait3A_110 = arith.constant 0 : i32
          %dma_wait3A_111 = arith.constant 0 : i32
          %dma_wait3A_112 = tpu.memref_slice %arg3[%dma_wait3A_110, %dma_wait3A_111] : memref<10000x80xf32, #tpu.memory_space<hbm>> -> memref<10000x80xf32, #tpu.memory_space<hbm>>
          tpu.wait_indirect_dma semaphore(%arg15 : memref<!tpu.dma_semaphore, #tpu.memory_space<semaphore_mem>>) src(%dma_wait3A_112 : memref<10000x80xf32, #tpu.memory_space<hbm>>) dst(%arg10 : memref<125x80xf32, #tpu.memory_space<vmem>>)
          %dma_start3A_113 = arith.constant 0 : i32
          %dma_start3A_114 = tpu.memref_slice %arg8[%add3A_91, %dma_start3A_113] : memref<40x125xi32, #tpu.memory_space<vmem>> -> memref<1x125xi32, #tpu.memory_space<vmem>>
          %dma_start3A_115 = tpu.memref_squeeze %dma_start3A_114 : memref<1x125xi32, #tpu.memory_space<vmem>> -> memref<125xi32, #tpu.memory_space<vmem>>
          %dma_start3A_116 = arith.constant 0 : i32
          %dma_start3A_117 = arith.constant 0 : i32
          %dma_start3A_118 = tpu.memref_slice %arg24[%dma_start3A_116, %dma_start3A_117] : memref<10000x80xf32, #tpu.memory_space<vmem_shared>> -> memref<10000x80xf32, #tpu.memory_space<vmem_shared>>
          tpu.enqueue_indirect_dma source(%arg10 : memref<125x80xf32, #tpu.memory_space<vmem>>) target(%dma_start3A_118 : memref<10000x80xf32, #tpu.memory_space<vmem_shared>>) offsets(%dma_start3A_115 : memref<125xi32, #tpu.memory_space<vmem>>) semaphore(%arg20 : memref<!tpu.dma_semaphore, #tpu.memory_space<semaphore_mem>>) {add = true}
          %add3A_119 = arith.constant 2 : i32
          %add3A_120 = arith.addi %mul3A_62, %add3A_119 : i32
          %sub3A_121 = arith.constant 3 : i32
          %sub3A_122 = arith.subi %add3A_120, %sub3A_121 : i32
          %gt3A_123 = arith.constant 0 : i32
          %gt3A_124 = arith.cmpi sgt, %scan3A_60, %gt3A_123 : i32
          %convert_element_type3A_125 = arith.extui %gt3A_124 : i1 to i32
          %cond3A_126 = arith.constant 0 : i32
          %cond3A_127 = arith.cmpi ne, %convert_element_type3A_125, %cond3A_126 : i32
          scf.if %cond3A_127 {
            %max3A = arith.constant 0 : i32
            %max3A_201 = arith.maxsi %sub3A_122, %max3A : i32
            %dma_wait3A_202 = arith.constant 0 : i32
            %dma_wait3A_203 = tpu.memref_slice %arg8[%max3A_201, %dma_wait3A_202] : memref<40x125xi32, #tpu.memory_space<vmem>> -> memref<1x125xi32, #tpu.memory_space<vmem>>
            %dma_wait3A_204 = tpu.memref_squeeze %dma_wait3A_203 : memref<1x125xi32, #tpu.memory_space<vmem>> -> memref<125xi32, #tpu.memory_space<vmem>>
            %dma_wait3A_205 = arith.constant 0 : i32
            %dma_wait3A_206 = arith.constant 0 : i32
            %dma_wait3A_207 = tpu.memref_slice %arg24[%dma_wait3A_205, %dma_wait3A_206] : memref<10000x80xf32, #tpu.memory_space<vmem_shared>> -> memref<10000x80xf32, #tpu.memory_space<vmem_shared>>
            tpu.wait_indirect_dma semaphore(%arg23 : memref<!tpu.dma_semaphore, #tpu.memory_space<semaphore_mem>>) src(%arg13 : memref<125x80xf32, #tpu.memory_space<vmem>>) dst(%dma_wait3A_207 : memref<10000x80xf32, #tpu.memory_space<vmem_shared>>)
          } else {
          }
          %add3A_128 = arith.constant 2 : i32
          %add3A_129 = arith.addi %add3A_120, %add3A_128 : i32
          %dma_start3A_130 = arith.constant 0 : i32
          %dma_start3A_131 = tpu.memref_slice %arg7[%add3A_129, %dma_start3A_130] : memref<40x125xi32, #tpu.memory_space<vmem>> -> memref<1x125xi32, #tpu.memory_space<vmem>>
          %dma_start3A_132 = tpu.memref_squeeze %dma_start3A_131 : memref<1x125xi32, #tpu.memory_space<vmem>> -> memref<125xi32, #tpu.memory_space<vmem>>
          %dma_start3A_133 = arith.constant 0 : i32
          %dma_start3A_134 = arith.constant 0 : i32
          %dma_start3A_135 = tpu.memref_slice %arg3[%dma_start3A_133, %dma_start3A_134] : memref<10000x80xf32, #tpu.memory_space<hbm>> -> memref<10000x80xf32, #tpu.memory_space<hbm>>
          tpu.enqueue_indirect_dma source(%dma_start3A_135 : memref<10000x80xf32, #tpu.memory_space<hbm>>) target(%arg13 : memref<125x80xf32, #tpu.memory_space<vmem>>) offsets(%dma_start3A_132 : memref<125xi32, #tpu.memory_space<vmem>>) semaphore(%arg18 : memref<!tpu.dma_semaphore, #tpu.memory_space<semaphore_mem>>)
          %dma_wait3A_136 = arith.constant 0 : i32
          %dma_wait3A_137 = tpu.memref_slice %arg7[%add3A_120, %dma_wait3A_136] : memref<40x125xi32, #tpu.memory_space<vmem>> -> memref<1x125xi32, #tpu.memory_space<vmem>>
          %dma_wait3A_138 = tpu.memref_squeeze %dma_wait3A_137 : memref<1x125xi32, #tpu.memory_space<vmem>> -> memref<125xi32, #tpu.memory_space<vmem>>
          %dma_wait3A_139 = arith.constant 0 : i32
          %dma_wait3A_140 = arith.constant 0 : i32
          %dma_wait3A_141 = tpu.memref_slice %arg3[%dma_wait3A_139, %dma_wait3A_140] : memref<10000x80xf32, #tpu.memory_space<hbm>> -> memref<10000x80xf32, #tpu.memory_space<hbm>>
          tpu.wait_indirect_dma semaphore(%arg16 : memref<!tpu.dma_semaphore, #tpu.memory_space<semaphore_mem>>) src(%dma_wait3A_141 : memref<10000x80xf32, #tpu.memory_space<hbm>>) dst(%arg11 : memref<125x80xf32, #tpu.memory_space<vmem>>)
          %dma_start3A_142 = arith.constant 0 : i32
          %dma_start3A_143 = tpu.memref_slice %arg8[%add3A_120, %dma_start3A_142] : memref<40x125xi32, #tpu.memory_space<vmem>> -> memref<1x125xi32, #tpu.memory_space<vmem>>
          %dma_start3A_144 = tpu.memref_squeeze %dma_start3A_143 : memref<1x125xi32, #tpu.memory_space<vmem>> -> memref<125xi32, #tpu.memory_space<vmem>>
          %dma_start3A_145 = arith.constant 0 : i32
          %dma_start3A_146 = arith.constant 0 : i32
          %dma_start3A_147 = tpu.memref_slice %arg24[%dma_start3A_145, %dma_start3A_146] : memref<10000x80xf32, #tpu.memory_space<vmem_shared>> -> memref<10000x80xf32, #tpu.memory_space<vmem_shared>>
          tpu.enqueue_indirect_dma source(%arg11 : memref<125x80xf32, #tpu.memory_space<vmem>>) target(%dma_start3A_147 : memref<10000x80xf32, #tpu.memory_space<vmem_shared>>) offsets(%dma_start3A_144 : memref<125xi32, #tpu.memory_space<vmem>>) semaphore(%arg21 : memref<!tpu.dma_semaphore, #tpu.memory_space<semaphore_mem>>) {add = true}
          %add3A_148 = arith.constant 3 : i32
          %add3A_149 = arith.addi %mul3A_62, %add3A_148 : i32
          %sub3A_150 = arith.constant 3 : i32
          %sub3A_151 = arith.subi %add3A_149, %sub3A_150 : i32
          %dma_wait3A_152 = arith.constant 0 : i32
          %dma_wait3A_153 = tpu.memref_slice %arg8[%sub3A_151, %dma_wait3A_152] : memref<40x125xi32, #tpu.memory_space<vmem>> -> memref<1x125xi32, #tpu.memory_space<vmem>>
          %dma_wait3A_154 = tpu.memref_squeeze %dma_wait3A_153 : memref<1x125xi32, #tpu.memory_space<vmem>> -> memref<125xi32, #tpu.memory_space<vmem>>
          %dma_wait3A_155 = arith.constant 0 : i32
          %dma_wait3A_156 = arith.constant 0 : i32
          %dma_wait3A_157 = tpu.memref_slice %arg24[%dma_wait3A_155, %dma_wait3A_156] : memref<10000x80xf32, #tpu.memory_space<vmem_shared>> -> memref<10000x80xf32, #tpu.memory_space<vmem_shared>>
          tpu.wait_indirect_dma semaphore(%arg19 : memref<!tpu.dma_semaphore, #tpu.memory_space<semaphore_mem>>) src(%arg9 : memref<125x80xf32, #tpu.memory_space<vmem>>) dst(%dma_wait3A_157 : memref<10000x80xf32, #tpu.memory_space<vmem_shared>>)
          %lt3A = arith.constant 7 : i32
          %lt3A_158 = arith.cmpi slt, %scan3A_60, %lt3A : i32
          %convert_element_type3A_159 = arith.extui %lt3A_158 : i1 to i32
          %cond3A_160 = arith.constant 0 : i32
          %cond3A_161 = arith.cmpi ne, %convert_element_type3A_159, %cond3A_160 : i32
          scf.if %cond3A_161 {
            %add3A_201 = arith.constant 2 : i32
            %add3A_202 = arith.addi %add3A_149, %add3A_201 : i32
            %dma_start3A_203 = arith.constant 0 : i32
            %dma_start3A_204 = tpu.memref_slice %arg7[%add3A_202, %dma_start3A_203] : memref<40x125xi32, #tpu.memory_space<vmem>> -> memref<1x125xi32, #tpu.memory_space<vmem>>
            %dma_start3A_205 = tpu.memref_squeeze %dma_start3A_204 : memref<1x125xi32, #tpu.memory_space<vmem>> -> memref<125xi32, #tpu.memory_space<vmem>>
            %dma_start3A_206 = arith.constant 0 : i32
            %dma_start3A_207 = arith.constant 0 : i32
            %dma_start3A_208 = tpu.memref_slice %arg3[%dma_start3A_206, %dma_start3A_207] : memref<10000x80xf32, #tpu.memory_space<hbm>> -> memref<10000x80xf32, #tpu.memory_space<hbm>>
            tpu.enqueue_indirect_dma source(%dma_start3A_208 : memref<10000x80xf32, #tpu.memory_space<hbm>>) target(%arg9 : memref<125x80xf32, #tpu.memory_space<vmem>>) offsets(%dma_start3A_205 : memref<125xi32, #tpu.memory_space<vmem>>) semaphore(%arg14 : memref<!tpu.dma_semaphore, #tpu.memory_space<semaphore_mem>>)
          } else {
          }
          %dma_wait3A_162 = arith.constant 0 : i32
          %dma_wait3A_163 = tpu.memref_slice %arg7[%add3A_149, %dma_wait3A_162] : memref<40x125xi32, #tpu.memory_space<vmem>> -> memref<1x125xi32, #tpu.memory_space<vmem>>
          %dma_wait3A_164 = tpu.memref_squeeze %dma_wait3A_163 : memref<1x125xi32, #tpu.memory_space<vmem>> -> memref<125xi32, #tpu.memory_space<vmem>>
          %dma_wait3A_165 = arith.constant 0 : i32
          %dma_wait3A_166 = arith.constant 0 : i32
          %dma_wait3A_167 = tpu.memref_slice %arg3[%dma_wait3A_165, %dma_wait3A_166] : memref<10000x80xf32, #tpu.memory_space<hbm>> -> memref<10000x80xf32, #tpu.memory_space<hbm>>
          tpu.wait_indirect_dma semaphore(%arg17 : memref<!tpu.dma_semaphore, #tpu.memory_space<semaphore_mem>>) src(%dma_wait3A_167 : memref<10000x80xf32, #tpu.memory_space<hbm>>) dst(%arg12 : memref<125x80xf32, #tpu.memory_space<vmem>>)
          %dma_start3A_168 = arith.constant 0 : i32
          %dma_start3A_169 = tpu.memref_slice %arg8[%add3A_149, %dma_start3A_168] : memref<40x125xi32, #tpu.memory_space<vmem>> -> memref<1x125xi32, #tpu.memory_space<vmem>>
          %dma_start3A_170 = tpu.memref_squeeze %dma_start3A_169 : memref<1x125xi32, #tpu.memory_space<vmem>> -> memref<125xi32, #tpu.memory_space<vmem>>
          %dma_start3A_171 = arith.constant 0 : i32
          %dma_start3A_172 = arith.constant 0 : i32
          %dma_start3A_173 = tpu.memref_slice %arg24[%dma_start3A_171, %dma_start3A_172] : memref<10000x80xf32, #tpu.memory_space<vmem_shared>> -> memref<10000x80xf32, #tpu.memory_space<vmem_shared>>
          tpu.enqueue_indirect_dma source(%arg12 : memref<125x80xf32, #tpu.memory_space<vmem>>) target(%dma_start3A_173 : memref<10000x80xf32, #tpu.memory_space<vmem_shared>>) offsets(%dma_start3A_170 : memref<125xi32, #tpu.memory_space<vmem>>) semaphore(%arg22 : memref<!tpu.dma_semaphore, #tpu.memory_space<semaphore_mem>>) {add = true}
          %add3A_174 = arith.constant 4 : i32
          %add3A_175 = arith.addi %mul3A_62, %add3A_174 : i32
          %sub3A_176 = arith.constant 3 : i32
          %sub3A_177 = arith.subi %add3A_175, %sub3A_176 : i32
          %dma_wait3A_178 = arith.constant 0 : i32
          %dma_wait3A_179 = tpu.memref_slice %arg8[%sub3A_177, %dma_wait3A_178] : memref<40x125xi32, #tpu.memory_space<vmem>> -> memref<1x125xi32, #tpu.memory_space<vmem>>
          %dma_wait3A_180 = tpu.memref_squeeze %dma_wait3A_179 : memref<1x125xi32, #tpu.memory_space<vmem>> -> memref<125xi32, #tpu.memory_space<vmem>>
          %dma_wait3A_181 = arith.constant 0 : i32
          %dma_wait3A_182 = arith.constant 0 : i32
          %dma_wait3A_183 = tpu.memref_slice %arg24[%dma_wait3A_181, %dma_wait3A_182] : memref<10000x80xf32, #tpu.memory_space<vmem_shared>> -> memref<10000x80xf32, #tpu.memory_space<vmem_shared>>
          tpu.wait_indirect_dma semaphore(%arg20 : memref<!tpu.dma_semaphore, #tpu.memory_space<semaphore_mem>>) src(%arg10 : memref<125x80xf32, #tpu.memory_space<vmem>>) dst(%dma_wait3A_183 : memref<10000x80xf32, #tpu.memory_space<vmem_shared>>)
          %lt3A_184 = arith.constant 7 : i32
          %lt3A_185 = arith.cmpi slt, %scan3A_60, %lt3A_184 : i32
          %convert_element_type3A_186 = arith.extui %lt3A_185 : i1 to i32
          %cond3A_187 = arith.constant 0 : i32
          %cond3A_188 = arith.cmpi ne, %convert_element_type3A_186, %cond3A_187 : i32
          scf.if %cond3A_188 {
            %add3A_201 = arith.constant 2 : i32
            %add3A_202 = arith.addi %add3A_175, %add3A_201 : i32
            %dma_start3A_203 = arith.constant 0 : i32
            %dma_start3A_204 = tpu.memref_slice %arg7[%add3A_202, %dma_start3A_203] : memref<40x125xi32, #tpu.memory_space<vmem>> -> memref<1x125xi32, #tpu.memory_space<vmem>>
            %dma_start3A_205 = tpu.memref_squeeze %dma_start3A_204 : memref<1x125xi32, #tpu.memory_space<vmem>> -> memref<125xi32, #tpu.memory_space<vmem>>
            %dma_start3A_206 = arith.constant 0 : i32
            %dma_start3A_207 = arith.constant 0 : i32
            %dma_start3A_208 = tpu.memref_slice %arg3[%dma_start3A_206, %dma_start3A_207] : memref<10000x80xf32, #tpu.memory_space<hbm>> -> memref<10000x80xf32, #tpu.memory_space<hbm>>
            tpu.enqueue_indirect_dma source(%dma_start3A_208 : memref<10000x80xf32, #tpu.memory_space<hbm>>) target(%arg10 : memref<125x80xf32, #tpu.memory_space<vmem>>) offsets(%dma_start3A_205 : memref<125xi32, #tpu.memory_space<vmem>>) semaphore(%arg15 : memref<!tpu.dma_semaphore, #tpu.memory_space<semaphore_mem>>)
          } else {
          }
          %dma_wait3A_189 = arith.constant 0 : i32
          %dma_wait3A_190 = tpu.memref_slice %arg7[%add3A_175, %dma_wait3A_189] : memref<40x125xi32, #tpu.memory_space<vmem>> -> memref<1x125xi32, #tpu.memory_space<vmem>>
          %dma_wait3A_191 = tpu.memref_squeeze %dma_wait3A_190 : memref<1x125xi32, #tpu.memory_space<vmem>> -> memref<125xi32, #tpu.memory_space<vmem>>
          %dma_wait3A_192 = arith.constant 0 : i32
          %dma_wait3A_193 = arith.constant 0 : i32
          %dma_wait3A_194 = tpu.memref_slice %arg3[%dma_wait3A_192, %dma_wait3A_193] : memref<10000x80xf32, #tpu.memory_space<hbm>> -> memref<10000x80xf32, #tpu.memory_space<hbm>>
          tpu.wait_indirect_dma semaphore(%arg18 : memref<!tpu.dma_semaphore, #tpu.memory_space<semaphore_mem>>) src(%dma_wait3A_194 : memref<10000x80xf32, #tpu.memory_space<hbm>>) dst(%arg13 : memref<125x80xf32, #tpu.memory_space<vmem>>)
          %dma_start3A_195 = arith.constant 0 : i32
          %dma_start3A_196 = tpu.memref_slice %arg8[%add3A_175, %dma_start3A_195] : memref<40x125xi32, #tpu.memory_space<vmem>> -> memref<1x125xi32, #tpu.memory_space<vmem>>
          %dma_start3A_197 = tpu.memref_squeeze %dma_start3A_196 : memref<1x125xi32, #tpu.memory_space<vmem>> -> memref<125xi32, #tpu.memory_space<vmem>>
          %dma_start3A_198 = arith.constant 0 : i32
          %dma_start3A_199 = arith.constant 0 : i32
          %dma_start3A_200 = tpu.memref_slice %arg24[%dma_start3A_198, %dma_start3A_199] : memref<10000x80xf32, #tpu.memory_space<vmem_shared>> -> memref<10000x80xf32, #tpu.memory_space<vmem_shared>>
          tpu.enqueue_indirect_dma source(%arg13 : memref<125x80xf32, #tpu.memory_space<vmem>>) target(%dma_start3A_200 : memref<10000x80xf32, #tpu.memory_space<vmem_shared>>) offsets(%dma_start3A_197 : memref<125xi32, #tpu.memory_space<vmem>>) semaphore(%arg23 : memref<!tpu.dma_semaphore, #tpu.memory_space<semaphore_mem>>) {add = true}
        }
        %scan3A_39 = arith.constant 8 : i32
        %dma_wait3A = arith.constant 37 : i32
        %dma_wait3A_40 = arith.constant 0 : i32
        %dma_wait3A_41 = tpu.memref_slice %arg8[%dma_wait3A, %dma_wait3A_40] : memref<40x125xi32, #tpu.memory_space<vmem>> -> memref<1x125xi32, #tpu.memory_space<vmem>>
        %dma_wait3A_42 = tpu.memref_squeeze %dma_wait3A_41 : memref<1x125xi32, #tpu.memory_space<vmem>> -> memref<125xi32, #tpu.memory_space<vmem>>
        %dma_wait3A_43 = arith.constant 0 : i32
        %dma_wait3A_44 = arith.constant 0 : i32
        %dma_wait3A_45 = tpu.memref_slice %arg24[%dma_wait3A_43, %dma_wait3A_44] : memref<10000x80xf32, #tpu.memory_space<vmem_shared>> -> memref<10000x80xf32, #tpu.memory_space<vmem_shared>>
        tpu.wait_indirect_dma semaphore(%arg21 : memref<!tpu.dma_semaphore, #tpu.memory_space<semaphore_mem>>) src(%arg11 : memref<125x80xf32, #tpu.memory_space<vmem>>) dst(%dma_wait3A_45 : memref<10000x80xf32, #tpu.memory_space<vmem_shared>>)
        %dma_wait3A_46 = arith.constant 38 : i32
        %dma_wait3A_47 = arith.constant 0 : i32
        %dma_wait3A_48 = tpu.memref_slice %arg8[%dma_wait3A_46, %dma_wait3A_47] : memref<40x125xi32, #tpu.memory_space<vmem>> -> memref<1x125xi32, #tpu.memory_space<vmem>>
        %dma_wait3A_49 = tpu.memref_squeeze %dma_wait3A_48 : memref<1x125xi32, #tpu.memory_space<vmem>> -> memref<125xi32, #tpu.memory_space<vmem>>
        %dma_wait3A_50 = arith.constant 0 : i32
        %dma_wait3A_51 = arith.constant 0 : i32
        %dma_wait3A_52 = tpu.memref_slice %arg24[%dma_wait3A_50, %dma_wait3A_51] : memref<10000x80xf32, #tpu.memory_space<vmem_shared>> -> memref<10000x80xf32, #tpu.memory_space<vmem_shared>>
        tpu.wait_indirect_dma semaphore(%arg22 : memref<!tpu.dma_semaphore, #tpu.memory_space<semaphore_mem>>) src(%arg12 : memref<125x80xf32, #tpu.memory_space<vmem>>) dst(%dma_wait3A_52 : memref<10000x80xf32, #tpu.memory_space<vmem_shared>>)
        %dma_wait3A_53 = arith.constant 39 : i32
        %dma_wait3A_54 = arith.constant 0 : i32
        %dma_wait3A_55 = tpu.memref_slice %arg8[%dma_wait3A_53, %dma_wait3A_54] : memref<40x125xi32, #tpu.memory_space<vmem>> -> memref<1x125xi32, #tpu.memory_space<vmem>>
        %dma_wait3A_56 = tpu.memref_squeeze %dma_wait3A_55 : memref<1x125xi32, #tpu.memory_space<vmem>> -> memref<125xi32, #tpu.memory_space<vmem>>
        %dma_wait3A_57 = arith.constant 0 : i32
        %dma_wait3A_58 = arith.constant 0 : i32
        %dma_wait3A_59 = tpu.memref_slice %arg24[%dma_wait3A_57, %dma_wait3A_58] : memref<10000x80xf32, #tpu.memory_space<vmem_shared>> -> memref<10000x80xf32, #tpu.memory_space<vmem_shared>>
        tpu.wait_indirect_dma semaphore(%arg23 : memref<!tpu.dma_semaphore, #tpu.memory_space<semaphore_mem>>) src(%arg13 : memref<125x80xf32, #tpu.memory_space<vmem>>) dst(%dma_wait3A_59 : memref<10000x80xf32, #tpu.memory_space<vmem_shared>>)
      }
      %scan3A_12 = arith.constant 4 : i32
      %barrier3A_13 = arith.constant 0 : index
      tpu.barrier barrier_id(%barrier3A_13)
      "tpu.region"() ({
        %run_scoped3A = tpu.sem_alloc : memref<!tpu.dma_semaphore, #tpu.memory_space<semaphore_mem>>
        %dma_start3A = arith.constant 0 : i32
        %dma_start3A_14 = tpu.memref_slice %arg5[%multiple_of3A, %dma_start3A] : memref<10000x80xf32, #tpu.memory_space<hbm>> -> memref<640x80xf32, #tpu.memory_space<hbm>>
        %dma_start3A_15 = arith.constant 0 : i32
        %dma_start3A_16 = tpu.memref_slice %arg24[%multiple_of3A, %dma_start3A_15] : memref<10000x80xf32, #tpu.memory_space<vmem_shared>> -> memref<640x80xf32, #tpu.memory_space<vmem_shared>>
        tpu.enqueue_dma source(%dma_start3A_16 : memref<640x80xf32, #tpu.memory_space<vmem_shared>>) target(%dma_start3A_14 : memref<640x80xf32, #tpu.memory_space<hbm>>) target_semaphore(%run_scoped3A : memref<!tpu.dma_semaphore, #tpu.memory_space<semaphore_mem>>)
        %dma_wait3A = arith.constant 0 : i32
        %dma_wait3A_17 = tpu.memref_slice %arg5[%multiple_of3A, %dma_wait3A] : memref<10000x80xf32, #tpu.memory_space<hbm>> -> memref<640x80xf32, #tpu.memory_space<hbm>>
        %dma_wait3A_18 = arith.constant 0 : i32
        %dma_wait3A_19 = tpu.memref_slice %arg24[%multiple_of3A, %dma_wait3A_18] : memref<10000x80xf32, #tpu.memory_space<vmem_shared>> -> memref<640x80xf32, #tpu.memory_space<vmem_shared>>
        tpu.wait_dma2 semaphore(%run_scoped3A : memref<!tpu.dma_semaphore, #tpu.memory_space<semaphore_mem>>) src(%dma_wait3A_19 : memref<640x80xf32, #tpu.memory_space<vmem_shared>>) dst(%dma_wait3A_17 : memref<640x80xf32, #tpu.memory_space<hbm>>)
        tpu.yield
      }) : () -> ()
    } else {
    }
    %eq3A_3 = arith.constant 1 : i32
    %eq3A_4 = arith.cmpi eq, %arg0, %eq3A_3 : i32
    %convert_element_type3A_5 = arith.extui %eq3A_4 : i1 to i32
    %cond3A_6 = arith.constant 0 : i32
    %cond3A_7 = arith.cmpi ne, %convert_element_type3A_5, %cond3A_6 : i32
    scf.if %cond3A_7 {
      "tpu.region"() ({
        %run_scoped3A = tpu.sem_alloc : memref<!tpu.dma_semaphore, #tpu.memory_space<semaphore_mem>>
        %dma_start3A = arith.constant 0 : i32
        %dma_start3A_14 = tpu.memref_slice %arg24[%multiple_of3A, %dma_start3A] : memref<10000x80xf32, #tpu.memory_space<vmem_shared>> -> memref<640x80xf32, #tpu.memory_space<vmem_shared>>
        %dma_start3A_15 = arith.constant 0 : i32
        %dma_start3A_16 = tpu.memref_slice %arg4[%multiple_of3A, %dma_start3A_15] : memref<10000x80xf32, #tpu.memory_space<hbm>> -> memref<640x80xf32, #tpu.memory_space<hbm>>
        tpu.enqueue_dma source(%dma_start3A_16 : memref<640x80xf32, #tpu.memory_space<hbm>>) target(%dma_start3A_14 : memref<640x80xf32, #tpu.memory_space<vmem_shared>>) target_semaphore(%run_scoped3A : memref<!tpu.dma_semaphore, #tpu.memory_space<semaphore_mem>>)
        %dma_wait3A = arith.constant 0 : i32
        %dma_wait3A_17 = tpu.memref_slice %arg24[%multiple_of3A, %dma_wait3A] : memref<10000x80xf32, #tpu.memory_space<vmem_shared>> -> memref<640x80xf32, #tpu.memory_space<vmem_shared>>
        %dma_wait3A_18 = arith.constant 0 : i32
        %dma_wait3A_19 = tpu.memref_slice %arg4[%multiple_of3A, %dma_wait3A_18] : memref<10000x80xf32, #tpu.memory_space<hbm>> -> memref<640x80xf32, #tpu.memory_space<hbm>>
        tpu.wait_dma2 semaphore(%run_scoped3A : memref<!tpu.dma_semaphore, #tpu.memory_space<semaphore_mem>>) src(%dma_wait3A_19 : memref<640x80xf32, #tpu.memory_space<hbm>>) dst(%dma_wait3A_17 : memref<640x80xf32, #tpu.memory_space<vmem_shared>>)
        tpu.yield
      }) : () -> ()
      %barrier3A = arith.constant 0 : index
      tpu.barrier barrier_id(%barrier3A)
      %scan3A = arith.constant 0 : i32
      %scan3A_8 = arith.constant 0 : i32
      %scan3A_9 = arith.constant 4 : i32
      %scan3A_10 = arith.addi %scan3A_8, %scan3A_9 : i32
      %scan3A_11 = arith.constant 1 : i32
      scf.for %scan3A_14 = %scan3A_8 to %scan3A_10 step %scan3A_11  : i32 {
        %mul3A_15 = arith.constant 160 : i32
        %mul3A_16 = arith.muli %arg1, %mul3A_15 : i32
        %mul3A_17 = arith.constant 40 : i32
        %mul3A_18 = arith.muli %scan3A_14, %mul3A_17 : i32
        %add3A = arith.addi %mul3A_16, %mul3A_18 : i32
        %multiple_of3A_19 = tpu.assume_multiple %add3A, 8 : i32
        %run_scoped3A = arith.constant 0 : i32
        "tpu.region"() ({
          %run_scoped3A_60 = tpu.sem_alloc : memref<!tpu.dma_semaphore, #tpu.memory_space<semaphore_mem>>
          %dma_start3A_61 = arith.constant 0 : i32
          %dma_start3A_62 = arith.constant 0 : i32
          %dma_start3A_63 = tpu.memref_slice %arg2[%run_scoped3A, %dma_start3A_61, %dma_start3A_62] : memref<2x2560x125xi32, #tpu.memory_space<hbm>> -> memref<1x2560x125xi32, #tpu.memory_space<hbm>>
          %dma_start3A_64 = tpu.memref_squeeze %dma_start3A_63 : memref<1x2560x125xi32, #tpu.memory_space<hbm>> -> memref<2560x125xi32, #tpu.memory_space<hbm>>
          %dma_start3A_65 = arith.constant 0 : i32
          %dma_start3A_66 = tpu.memref_slice %dma_start3A_64[%multiple_of3A_19, %dma_start3A_65] : memref<2560x125xi32, #tpu.memory_space<hbm>> -> memref<40x125xi32, #tpu.memory_space<hbm>>
          %dma_start3A_67 = arith.constant 0 : i32
          %dma_start3A_68 = arith.constant 0 : i32
          %dma_start3A_69 = tpu.memref_slice %arg2[%run_scoped3A, %dma_start3A_67, %dma_start3A_68] : memref<2x2560x125xi32, #tpu.memory_space<hbm>> -> memref<1x2560x125xi32, #tpu.memory_space<hbm>>
          %dma_start3A_70 = tpu.memref_squeeze %dma_start3A_69 : memref<1x2560x125xi32, #tpu.memory_space<hbm>> -> memref<2560x125xi32, #tpu.memory_space<hbm>>
          %dma_start3A_71 = arith.constant 0 : i32
          %dma_start3A_72 = tpu.memref_slice %dma_start3A_70[%multiple_of3A_19, %dma_start3A_71] : memref<2560x125xi32, #tpu.memory_space<hbm>> -> memref<40x125xi32, #tpu.memory_space<hbm>>
          tpu.enqueue_dma source(%dma_start3A_72 : memref<40x125xi32, #tpu.memory_space<hbm>>) target(%arg7 : memref<40x125xi32, #tpu.memory_space<vmem>>) target_semaphore(%run_scoped3A_60 : memref<!tpu.dma_semaphore, #tpu.memory_space<semaphore_mem>>)
          %dma_wait3A_73 = arith.constant 0 : i32
          %dma_wait3A_74 = arith.constant 0 : i32
          %dma_wait3A_75 = tpu.memref_slice %arg2[%run_scoped3A, %dma_wait3A_73, %dma_wait3A_74] : memref<2x2560x125xi32, #tpu.memory_space<hbm>> -> memref<1x2560x125xi32, #tpu.memory_space<hbm>>
          %dma_wait3A_76 = tpu.memref_squeeze %dma_wait3A_75 : memref<1x2560x125xi32, #tpu.memory_space<hbm>> -> memref<2560x125xi32, #tpu.memory_space<hbm>>
          %dma_wait3A_77 = arith.constant 0 : i32
          %dma_wait3A_78 = tpu.memref_slice %dma_wait3A_76[%multiple_of3A_19, %dma_wait3A_77] : memref<2560x125xi32, #tpu.memory_space<hbm>> -> memref<40x125xi32, #tpu.memory_space<hbm>>
          %dma_wait3A_79 = arith.constant 0 : i32
          %dma_wait3A_80 = arith.constant 0 : i32
          %dma_wait3A_81 = tpu.memref_slice %arg2[%run_scoped3A, %dma_wait3A_79, %dma_wait3A_80] : memref<2x2560x125xi32, #tpu.memory_space<hbm>> -> memref<1x2560x125xi32, #tpu.memory_space<hbm>>
          %dma_wait3A_82 = tpu.memref_squeeze %dma_wait3A_81 : memref<1x2560x125xi32, #tpu.memory_space<hbm>> -> memref<2560x125xi32, #tpu.memory_space<hbm>>
          %dma_wait3A_83 = arith.constant 0 : i32
          %dma_wait3A_84 = tpu.memref_slice %dma_wait3A_82[%multiple_of3A_19, %dma_wait3A_83] : memref<2560x125xi32, #tpu.memory_space<hbm>> -> memref<40x125xi32, #tpu.memory_space<hbm>>
          tpu.wait_dma2 semaphore(%run_scoped3A_60 : memref<!tpu.dma_semaphore, #tpu.memory_space<semaphore_mem>>) src(%dma_wait3A_84 : memref<40x125xi32, #tpu.memory_space<hbm>>) dst(%arg7 : memref<40x125xi32, #tpu.memory_space<vmem>>)
          tpu.yield
        }) : () -> ()
        %run_scoped3A_20 = arith.constant 1 : i32
        "tpu.region"() ({
          %run_scoped3A_60 = tpu.sem_alloc : memref<!tpu.dma_semaphore, #tpu.memory_space<semaphore_mem>>
          %dma_start3A_61 = arith.constant 0 : i32
          %dma_start3A_62 = arith.constant 0 : i32
          %dma_start3A_63 = tpu.memref_slice %arg2[%run_scoped3A_20, %dma_start3A_61, %dma_start3A_62] : memref<2x2560x125xi32, #tpu.memory_space<hbm>> -> memref<1x2560x125xi32, #tpu.memory_space<hbm>>
          %dma_start3A_64 = tpu.memref_squeeze %dma_start3A_63 : memref<1x2560x125xi32, #tpu.memory_space<hbm>> -> memref<2560x125xi32, #tpu.memory_space<hbm>>
          %dma_start3A_65 = arith.constant 0 : i32
          %dma_start3A_66 = tpu.memref_slice %dma_start3A_64[%multiple_of3A_19, %dma_start3A_65] : memref<2560x125xi32, #tpu.memory_space<hbm>> -> memref<40x125xi32, #tpu.memory_space<hbm>>
          %dma_start3A_67 = arith.constant 0 : i32
          %dma_start3A_68 = arith.constant 0 : i32
          %dma_start3A_69 = tpu.memref_slice %arg2[%run_scoped3A_20, %dma_start3A_67, %dma_start3A_68] : memref<2x2560x125xi32, #tpu.memory_space<hbm>> -> memref<1x2560x125xi32, #tpu.memory_space<hbm>>
          %dma_start3A_70 = tpu.memref_squeeze %dma_start3A_69 : memref<1x2560x125xi32, #tpu.memory_space<hbm>> -> memref<2560x125xi32, #tpu.memory_space<hbm>>
          %dma_start3A_71 = arith.constant 0 : i32
          %dma_start3A_72 = tpu.memref_slice %dma_start3A_70[%multiple_of3A_19, %dma_start3A_71] : memref<2560x125xi32, #tpu.memory_space<hbm>> -> memref<40x125xi32, #tpu.memory_space<hbm>>
          tpu.enqueue_dma source(%dma_start3A_72 : memref<40x125xi32, #tpu.memory_space<hbm>>) target(%arg8 : memref<40x125xi32, #tpu.memory_space<vmem>>) target_semaphore(%run_scoped3A_60 : memref<!tpu.dma_semaphore, #tpu.memory_space<semaphore_mem>>)
          %dma_wait3A_73 = arith.constant 0 : i32
          %dma_wait3A_74 = arith.constant 0 : i32
          %dma_wait3A_75 = tpu.memref_slice %arg2[%run_scoped3A_20, %dma_wait3A_73, %dma_wait3A_74] : memref<2x2560x125xi32, #tpu.memory_space<hbm>> -> memref<1x2560x125xi32, #tpu.memory_space<hbm>>
          %dma_wait3A_76 = tpu.memref_squeeze %dma_wait3A_75 : memref<1x2560x125xi32, #tpu.memory_space<hbm>> -> memref<2560x125xi32, #tpu.memory_space<hbm>>
          %dma_wait3A_77 = arith.constant 0 : i32
          %dma_wait3A_78 = tpu.memref_slice %dma_wait3A_76[%multiple_of3A_19, %dma_wait3A_77] : memref<2560x125xi32, #tpu.memory_space<hbm>> -> memref<40x125xi32, #tpu.memory_space<hbm>>
          %dma_wait3A_79 = arith.constant 0 : i32
          %dma_wait3A_80 = arith.constant 0 : i32
          %dma_wait3A_81 = tpu.memref_slice %arg2[%run_scoped3A_20, %dma_wait3A_79, %dma_wait3A_80] : memref<2x2560x125xi32, #tpu.memory_space<hbm>> -> memref<1x2560x125xi32, #tpu.memory_space<hbm>>
          %dma_wait3A_82 = tpu.memref_squeeze %dma_wait3A_81 : memref<1x2560x125xi32, #tpu.memory_space<hbm>> -> memref<2560x125xi32, #tpu.memory_space<hbm>>
          %dma_wait3A_83 = arith.constant 0 : i32
          %dma_wait3A_84 = tpu.memref_slice %dma_wait3A_82[%multiple_of3A_19, %dma_wait3A_83] : memref<2560x125xi32, #tpu.memory_space<hbm>> -> memref<40x125xi32, #tpu.memory_space<hbm>>
          tpu.wait_dma2 semaphore(%run_scoped3A_60 : memref<!tpu.dma_semaphore, #tpu.memory_space<semaphore_mem>>) src(%dma_wait3A_84 : memref<40x125xi32, #tpu.memory_space<hbm>>) dst(%arg8 : memref<40x125xi32, #tpu.memory_space<vmem>>)
          tpu.yield
        }) : () -> ()
        %dma_start3A = arith.constant 0 : i32
        %dma_start3A_21 = arith.constant 0 : i32
        %dma_start3A_22 = tpu.memref_slice %arg7[%dma_start3A, %dma_start3A_21] : memref<40x125xi32, #tpu.memory_space<vmem>> -> memref<1x125xi32, #tpu.memory_space<vmem>>
        %dma_start3A_23 = tpu.memref_squeeze %dma_start3A_22 : memref<1x125xi32, #tpu.memory_space<vmem>> -> memref<125xi32, #tpu.memory_space<vmem>>
        %dma_start3A_24 = arith.constant 0 : i32
        %dma_start3A_25 = arith.constant 0 : i32
        %dma_start3A_26 = tpu.memref_slice %arg4[%dma_start3A_24, %dma_start3A_25] : memref<10000x80xf32, #tpu.memory_space<hbm>> -> memref<10000x80xf32, #tpu.memory_space<hbm>>
        tpu.enqueue_indirect_dma source(%dma_start3A_26 : memref<10000x80xf32, #tpu.memory_space<hbm>>) target(%arg9 : memref<125x80xf32, #tpu.memory_space<vmem>>) offsets(%dma_start3A_23 : memref<125xi32, #tpu.memory_space<vmem>>) semaphore(%arg14 : memref<!tpu.dma_semaphore, #tpu.memory_space<semaphore_mem>>)
        %dma_start3A_27 = arith.constant 1 : i32
        %dma_start3A_28 = arith.constant 0 : i32
        %dma_start3A_29 = tpu.memref_slice %arg7[%dma_start3A_27, %dma_start3A_28] : memref<40x125xi32, #tpu.memory_space<vmem>> -> memref<1x125xi32, #tpu.memory_space<vmem>>
        %dma_start3A_30 = tpu.memref_squeeze %dma_start3A_29 : memref<1x125xi32, #tpu.memory_space<vmem>> -> memref<125xi32, #tpu.memory_space<vmem>>
        %dma_start3A_31 = arith.constant 0 : i32
        %dma_start3A_32 = arith.constant 0 : i32
        %dma_start3A_33 = tpu.memref_slice %arg4[%dma_start3A_31, %dma_start3A_32] : memref<10000x80xf32, #tpu.memory_space<hbm>> -> memref<10000x80xf32, #tpu.memory_space<hbm>>
        tpu.enqueue_indirect_dma source(%dma_start3A_33 : memref<10000x80xf32, #tpu.memory_space<hbm>>) target(%arg10 : memref<125x80xf32, #tpu.memory_space<vmem>>) offsets(%dma_start3A_30 : memref<125xi32, #tpu.memory_space<vmem>>) semaphore(%arg15 : memref<!tpu.dma_semaphore, #tpu.memory_space<semaphore_mem>>)
        %scan3A_34 = arith.constant 0 : i32
        %scan3A_35 = arith.constant 0 : i32
        %scan3A_36 = arith.constant 8 : i32
        %scan3A_37 = arith.addi %scan3A_35, %scan3A_36 : i32
        %scan3A_38 = arith.constant 1 : i32
        scf.for %scan3A_60 = %scan3A_35 to %scan3A_37 step %scan3A_38  : i32 {
          %mul3A_61 = arith.constant 5 : i32
          %mul3A_62 = arith.muli %mul3A_61, %scan3A_60 : i32
          %add3A_63 = arith.constant 0 : i32
          %add3A_64 = arith.addi %mul3A_62, %add3A_63 : i32
          %sub3A = arith.constant 3 : i32
          %sub3A_65 = arith.subi %add3A_64, %sub3A : i32
          %gt3A = arith.constant 0 : i32
          %gt3A_66 = arith.cmpi sgt, %scan3A_60, %gt3A : i32
          %convert_element_type3A_67 = arith.extui %gt3A_66 : i1 to i32
          %cond3A_68 = arith.constant 0 : i32
          %cond3A_69 = arith.cmpi ne, %convert_element_type3A_67, %cond3A_68 : i32
          scf.if %cond3A_69 {
            %max3A = arith.constant 0 : i32
            %max3A_201 = arith.maxsi %sub3A_65, %max3A : i32
            %dma_wait3A_202 = arith.constant 0 : i32
            %dma_wait3A_203 = tpu.memref_slice %arg8[%max3A_201, %dma_wait3A_202] : memref<40x125xi32, #tpu.memory_space<vmem>> -> memref<1x125xi32, #tpu.memory_space<vmem>>
            %dma_wait3A_204 = tpu.memref_squeeze %dma_wait3A_203 : memref<1x125xi32, #tpu.memory_space<vmem>> -> memref<125xi32, #tpu.memory_space<vmem>>
            %dma_wait3A_205 = arith.constant 0 : i32
            %dma_wait3A_206 = arith.constant 0 : i32
            %dma_wait3A_207 = tpu.memref_slice %arg24[%dma_wait3A_205, %dma_wait3A_206] : memref<10000x80xf32, #tpu.memory_space<vmem_shared>> -> memref<10000x80xf32, #tpu.memory_space<vmem_shared>>
            tpu.wait_indirect_dma semaphore(%arg21 : memref<!tpu.dma_semaphore, #tpu.memory_space<semaphore_mem>>) src(%arg11 : memref<125x80xf32, #tpu.memory_space<vmem>>) dst(%dma_wait3A_207 : memref<10000x80xf32, #tpu.memory_space<vmem_shared>>)
          } else {
          }
          %add3A_70 = arith.constant 2 : i32
          %add3A_71 = arith.addi %add3A_64, %add3A_70 : i32
          %dma_start3A_72 = arith.constant 0 : i32
          %dma_start3A_73 = tpu.memref_slice %arg7[%add3A_71, %dma_start3A_72] : memref<40x125xi32, #tpu.memory_space<vmem>> -> memref<1x125xi32, #tpu.memory_space<vmem>>
          %dma_start3A_74 = tpu.memref_squeeze %dma_start3A_73 : memref<1x125xi32, #tpu.memory_space<vmem>> -> memref<125xi32, #tpu.memory_space<vmem>>
          %dma_start3A_75 = arith.constant 0 : i32
          %dma_start3A_76 = arith.constant 0 : i32
          %dma_start3A_77 = tpu.memref_slice %arg4[%dma_start3A_75, %dma_start3A_76] : memref<10000x80xf32, #tpu.memory_space<hbm>> -> memref<10000x80xf32, #tpu.memory_space<hbm>>
          tpu.enqueue_indirect_dma source(%dma_start3A_77 : memref<10000x80xf32, #tpu.memory_space<hbm>>) target(%arg11 : memref<125x80xf32, #tpu.memory_space<vmem>>) offsets(%dma_start3A_74 : memref<125xi32, #tpu.memory_space<vmem>>) semaphore(%arg16 : memref<!tpu.dma_semaphore, #tpu.memory_space<semaphore_mem>>)
          %dma_wait3A_78 = arith.constant 0 : i32
          %dma_wait3A_79 = tpu.memref_slice %arg7[%add3A_64, %dma_wait3A_78] : memref<40x125xi32, #tpu.memory_space<vmem>> -> memref<1x125xi32, #tpu.memory_space<vmem>>
          %dma_wait3A_80 = tpu.memref_squeeze %dma_wait3A_79 : memref<1x125xi32, #tpu.memory_space<vmem>> -> memref<125xi32, #tpu.memory_space<vmem>>
          %dma_wait3A_81 = arith.constant 0 : i32
          %dma_wait3A_82 = arith.constant 0 : i32
          %dma_wait3A_83 = tpu.memref_slice %arg4[%dma_wait3A_81, %dma_wait3A_82] : memref<10000x80xf32, #tpu.memory_space<hbm>> -> memref<10000x80xf32, #tpu.memory_space<hbm>>
          tpu.wait_indirect_dma semaphore(%arg14 : memref<!tpu.dma_semaphore, #tpu.memory_space<semaphore_mem>>) src(%dma_wait3A_83 : memref<10000x80xf32, #tpu.memory_space<hbm>>) dst(%arg9 : memref<125x80xf32, #tpu.memory_space<vmem>>)
          %dma_start3A_84 = arith.constant 0 : i32
          %dma_start3A_85 = tpu.memref_slice %arg8[%add3A_64, %dma_start3A_84] : memref<40x125xi32, #tpu.memory_space<vmem>> -> memref<1x125xi32, #tpu.memory_space<vmem>>
          %dma_start3A_86 = tpu.memref_squeeze %dma_start3A_85 : memref<1x125xi32, #tpu.memory_space<vmem>> -> memref<125xi32, #tpu.memory_space<vmem>>
          %dma_start3A_87 = arith.constant 0 : i32
          %dma_start3A_88 = arith.constant 0 : i32
          %dma_start3A_89 = tpu.memref_slice %arg24[%dma_start3A_87, %dma_start3A_88] : memref<10000x80xf32, #tpu.memory_space<vmem_shared>> -> memref<10000x80xf32, #tpu.memory_space<vmem_shared>>
          tpu.enqueue_indirect_dma source(%arg9 : memref<125x80xf32, #tpu.memory_space<vmem>>) target(%dma_start3A_89 : memref<10000x80xf32, #tpu.memory_space<vmem_shared>>) offsets(%dma_start3A_86 : memref<125xi32, #tpu.memory_space<vmem>>) semaphore(%arg19 : memref<!tpu.dma_semaphore, #tpu.memory_space<semaphore_mem>>) {add = true}
          %add3A_90 = arith.constant 1 : i32
          %add3A_91 = arith.addi %mul3A_62, %add3A_90 : i32
          %sub3A_92 = arith.constant 3 : i32
          %sub3A_93 = arith.subi %add3A_91, %sub3A_92 : i32
          %gt3A_94 = arith.constant 0 : i32
          %gt3A_95 = arith.cmpi sgt, %scan3A_60, %gt3A_94 : i32
          %convert_element_type3A_96 = arith.extui %gt3A_95 : i1 to i32
          %cond3A_97 = arith.constant 0 : i32
          %cond3A_98 = arith.cmpi ne, %convert_element_type3A_96, %cond3A_97 : i32
          scf.if %cond3A_98 {
            %max3A = arith.constant 0 : i32
            %max3A_201 = arith.maxsi %sub3A_93, %max3A : i32
            %dma_wait3A_202 = arith.constant 0 : i32
            %dma_wait3A_203 = tpu.memref_slice %arg8[%max3A_201, %dma_wait3A_202] : memref<40x125xi32, #tpu.memory_space<vmem>> -> memref<1x125xi32, #tpu.memory_space<vmem>>
            %dma_wait3A_204 = tpu.memref_squeeze %dma_wait3A_203 : memref<1x125xi32, #tpu.memory_space<vmem>> -> memref<125xi32, #tpu.memory_space<vmem>>
            %dma_wait3A_205 = arith.constant 0 : i32
            %dma_wait3A_206 = arith.constant 0 : i32
            %dma_wait3A_207 = tpu.memref_slice %arg24[%dma_wait3A_205, %dma_wait3A_206] : memref<10000x80xf32, #tpu.memory_space<vmem_shared>> -> memref<10000x80xf32, #tpu.memory_space<vmem_shared>>
            tpu.wait_indirect_dma semaphore(%arg22 : memref<!tpu.dma_semaphore, #tpu.memory_space<semaphore_mem>>) src(%arg12 : memref<125x80xf32, #tpu.memory_space<vmem>>) dst(%dma_wait3A_207 : memref<10000x80xf32, #tpu.memory_space<vmem_shared>>)
          } else {
          }
          %add3A_99 = arith.constant 2 : i32
          %add3A_100 = arith.addi %add3A_91, %add3A_99 : i32
          %dma_start3A_101 = arith.constant 0 : i32
          %dma_start3A_102 = tpu.memref_slice %arg7[%add3A_100, %dma_start3A_101] : memref<40x125xi32, #tpu.memory_space<vmem>> -> memref<1x125xi32, #tpu.memory_space<vmem>>
          %dma_start3A_103 = tpu.memref_squeeze %dma_start3A_102 : memref<1x125xi32, #tpu.memory_space<vmem>> -> memref<125xi32, #tpu.memory_space<vmem>>
          %dma_start3A_104 = arith.constant 0 : i32
          %dma_start3A_105 = arith.constant 0 : i32
          %dma_start3A_106 = tpu.memref_slice %arg4[%dma_start3A_104, %dma_start3A_105] : memref<10000x80xf32, #tpu.memory_space<hbm>> -> memref<10000x80xf32, #tpu.memory_space<hbm>>
          tpu.enqueue_indirect_dma source(%dma_start3A_106 : memref<10000x80xf32, #tpu.memory_space<hbm>>) target(%arg12 : memref<125x80xf32, #tpu.memory_space<vmem>>) offsets(%dma_start3A_103 : memref<125xi32, #tpu.memory_space<vmem>>) semaphore(%arg17 : memref<!tpu.dma_semaphore, #tpu.memory_space<semaphore_mem>>)
          %dma_wait3A_107 = arith.constant 0 : i32
          %dma_wait3A_108 = tpu.memref_slice %arg7[%add3A_91, %dma_wait3A_107] : memref<40x125xi32, #tpu.memory_space<vmem>> -> memref<1x125xi32, #tpu.memory_space<vmem>>
          %dma_wait3A_109 = tpu.memref_squeeze %dma_wait3A_108 : memref<1x125xi32, #tpu.memory_space<vmem>> -> memref<125xi32, #tpu.memory_space<vmem>>
          %dma_wait3A_110 = arith.constant 0 : i32
          %dma_wait3A_111 = arith.constant 0 : i32
          %dma_wait3A_112 = tpu.memref_slice %arg4[%dma_wait3A_110, %dma_wait3A_111] : memref<10000x80xf32, #tpu.memory_space<hbm>> -> memref<10000x80xf32, #tpu.memory_space<hbm>>
          tpu.wait_indirect_dma semaphore(%arg15 : memref<!tpu.dma_semaphore, #tpu.memory_space<semaphore_mem>>) src(%dma_wait3A_112 : memref<10000x80xf32, #tpu.memory_space<hbm>>) dst(%arg10 : memref<125x80xf32, #tpu.memory_space<vmem>>)
          %dma_start3A_113 = arith.constant 0 : i32
          %dma_start3A_114 = tpu.memref_slice %arg8[%add3A_91, %dma_start3A_113] : memref<40x125xi32, #tpu.memory_space<vmem>> -> memref<1x125xi32, #tpu.memory_space<vmem>>
          %dma_start3A_115 = tpu.memref_squeeze %dma_start3A_114 : memref<1x125xi32, #tpu.memory_space<vmem>> -> memref<125xi32, #tpu.memory_space<vmem>>
          %dma_start3A_116 = arith.constant 0 : i32
          %dma_start3A_117 = arith.constant 0 : i32
          %dma_start3A_118 = tpu.memref_slice %arg24[%dma_start3A_116, %dma_start3A_117] : memref<10000x80xf32, #tpu.memory_space<vmem_shared>> -> memref<10000x80xf32, #tpu.memory_space<vmem_shared>>
          tpu.enqueue_indirect_dma source(%arg10 : memref<125x80xf32, #tpu.memory_space<vmem>>) target(%dma_start3A_118 : memref<10000x80xf32, #tpu.memory_space<vmem_shared>>) offsets(%dma_start3A_115 : memref<125xi32, #tpu.memory_space<vmem>>) semaphore(%arg20 : memref<!tpu.dma_semaphore, #tpu.memory_space<semaphore_mem>>) {add = true}
          %add3A_119 = arith.constant 2 : i32
          %add3A_120 = arith.addi %mul3A_62, %add3A_119 : i32
          %sub3A_121 = arith.constant 3 : i32
          %sub3A_122 = arith.subi %add3A_120, %sub3A_121 : i32
          %gt3A_123 = arith.constant 0 : i32
          %gt3A_124 = arith.cmpi sgt, %scan3A_60, %gt3A_123 : i32
          %convert_element_type3A_125 = arith.extui %gt3A_124 : i1 to i32
          %cond3A_126 = arith.constant 0 : i32
          %cond3A_127 = arith.cmpi ne, %convert_element_type3A_125, %cond3A_126 : i32
          scf.if %cond3A_127 {
            %max3A = arith.constant 0 : i32
            %max3A_201 = arith.maxsi %sub3A_122, %max3A : i32
            %dma_wait3A_202 = arith.constant 0 : i32
            %dma_wait3A_203 = tpu.memref_slice %arg8[%max3A_201, %dma_wait3A_202] : memref<40x125xi32, #tpu.memory_space<vmem>> -> memref<1x125xi32, #tpu.memory_space<vmem>>
            %dma_wait3A_204 = tpu.memref_squeeze %dma_wait3A_203 : memref<1x125xi32, #tpu.memory_space<vmem>> -> memref<125xi32, #tpu.memory_space<vmem>>
            %dma_wait3A_205 = arith.constant 0 : i32
            %dma_wait3A_206 = arith.constant 0 : i32
            %dma_wait3A_207 = tpu.memref_slice %arg24[%dma_wait3A_205, %dma_wait3A_206] : memref<10000x80xf32, #tpu.memory_space<vmem_shared>> -> memref<10000x80xf32, #tpu.memory_space<vmem_shared>>
            tpu.wait_indirect_dma semaphore(%arg23 : memref<!tpu.dma_semaphore, #tpu.memory_space<semaphore_mem>>) src(%arg13 : memref<125x80xf32, #tpu.memory_space<vmem>>) dst(%dma_wait3A_207 : memref<10000x80xf32, #tpu.memory_space<vmem_shared>>)
          } else {
          }
          %add3A_128 = arith.constant 2 : i32
          %add3A_129 = arith.addi %add3A_120, %add3A_128 : i32
          %dma_start3A_130 = arith.constant 0 : i32
          %dma_start3A_131 = tpu.memref_slice %arg7[%add3A_129, %dma_start3A_130] : memref<40x125xi32, #tpu.memory_space<vmem>> -> memref<1x125xi32, #tpu.memory_space<vmem>>
          %dma_start3A_132 = tpu.memref_squeeze %dma_start3A_131 : memref<1x125xi32, #tpu.memory_space<vmem>> -> memref<125xi32, #tpu.memory_space<vmem>>
          %dma_start3A_133 = arith.constant 0 : i32
          %dma_start3A_134 = arith.constant 0 : i32
          %dma_start3A_135 = tpu.memref_slice %arg4[%dma_start3A_133, %dma_start3A_134] : memref<10000x80xf32, #tpu.memory_space<hbm>> -> memref<10000x80xf32, #tpu.memory_space<hbm>>
          tpu.enqueue_indirect_dma source(%dma_start3A_135 : memref<10000x80xf32, #tpu.memory_space<hbm>>) target(%arg13 : memref<125x80xf32, #tpu.memory_space<vmem>>) offsets(%dma_start3A_132 : memref<125xi32, #tpu.memory_space<vmem>>) semaphore(%arg18 : memref<!tpu.dma_semaphore, #tpu.memory_space<semaphore_mem>>)
          %dma_wait3A_136 = arith.constant 0 : i32
          %dma_wait3A_137 = tpu.memref_slice %arg7[%add3A_120, %dma_wait3A_136] : memref<40x125xi32, #tpu.memory_space<vmem>> -> memref<1x125xi32, #tpu.memory_space<vmem>>
          %dma_wait3A_138 = tpu.memref_squeeze %dma_wait3A_137 : memref<1x125xi32, #tpu.memory_space<vmem>> -> memref<125xi32, #tpu.memory_space<vmem>>
          %dma_wait3A_139 = arith.constant 0 : i32
          %dma_wait3A_140 = arith.constant 0 : i32
          %dma_wait3A_141 = tpu.memref_slice %arg4[%dma_wait3A_139, %dma_wait3A_140] : memref<10000x80xf32, #tpu.memory_space<hbm>> -> memref<10000x80xf32, #tpu.memory_space<hbm>>
          tpu.wait_indirect_dma semaphore(%arg16 : memref<!tpu.dma_semaphore, #tpu.memory_space<semaphore_mem>>) src(%dma_wait3A_141 : memref<10000x80xf32, #tpu.memory_space<hbm>>) dst(%arg11 : memref<125x80xf32, #tpu.memory_space<vmem>>)
          %dma_start3A_142 = arith.constant 0 : i32
          %dma_start3A_143 = tpu.memref_slice %arg8[%add3A_120, %dma_start3A_142] : memref<40x125xi32, #tpu.memory_space<vmem>> -> memref<1x125xi32, #tpu.memory_space<vmem>>
          %dma_start3A_144 = tpu.memref_squeeze %dma_start3A_143 : memref<1x125xi32, #tpu.memory_space<vmem>> -> memref<125xi32, #tpu.memory_space<vmem>>
          %dma_start3A_145 = arith.constant 0 : i32
          %dma_start3A_146 = arith.constant 0 : i32
          %dma_start3A_147 = tpu.memref_slice %arg24[%dma_start3A_145, %dma_start3A_146] : memref<10000x80xf32, #tpu.memory_space<vmem_shared>> -> memref<10000x80xf32, #tpu.memory_space<vmem_shared>>
          tpu.enqueue_indirect_dma source(%arg11 : memref<125x80xf32, #tpu.memory_space<vmem>>) target(%dma_start3A_147 : memref<10000x80xf32, #tpu.memory_space<vmem_shared>>) offsets(%dma_start3A_144 : memref<125xi32, #tpu.memory_space<vmem>>) semaphore(%arg21 : memref<!tpu.dma_semaphore, #tpu.memory_space<semaphore_mem>>) {add = true}
          %add3A_148 = arith.constant 3 : i32
          %add3A_149 = arith.addi %mul3A_62, %add3A_148 : i32
          %sub3A_150 = arith.constant 3 : i32
          %sub3A_151 = arith.subi %add3A_149, %sub3A_150 : i32
          %dma_wait3A_152 = arith.constant 0 : i32
          %dma_wait3A_153 = tpu.memref_slice %arg8[%sub3A_151, %dma_wait3A_152] : memref<40x125xi32, #tpu.memory_space<vmem>> -> memref<1x125xi32, #tpu.memory_space<vmem>>
          %dma_wait3A_154 = tpu.memref_squeeze %dma_wait3A_153 : memref<1x125xi32, #tpu.memory_space<vmem>> -> memref<125xi32, #tpu.memory_space<vmem>>
          %dma_wait3A_155 = arith.constant 0 : i32
          %dma_wait3A_156 = arith.constant 0 : i32
          %dma_wait3A_157 = tpu.memref_slice %arg24[%dma_wait3A_155, %dma_wait3A_156] : memref<10000x80xf32, #tpu.memory_space<vmem_shared>> -> memref<10000x80xf32, #tpu.memory_space<vmem_shared>>
          tpu.wait_indirect_dma semaphore(%arg19 : memref<!tpu.dma_semaphore, #tpu.memory_space<semaphore_mem>>) src(%arg9 : memref<125x80xf32, #tpu.memory_space<vmem>>) dst(%dma_wait3A_157 : memref<10000x80xf32, #tpu.memory_space<vmem_shared>>)
          %lt3A = arith.constant 7 : i32
          %lt3A_158 = arith.cmpi slt, %scan3A_60, %lt3A : i32
          %convert_element_type3A_159 = arith.extui %lt3A_158 : i1 to i32
          %cond3A_160 = arith.constant 0 : i32
          %cond3A_161 = arith.cmpi ne, %convert_element_type3A_159, %cond3A_160 : i32
          scf.if %cond3A_161 {
            %add3A_201 = arith.constant 2 : i32
            %add3A_202 = arith.addi %add3A_149, %add3A_201 : i32
            %dma_start3A_203 = arith.constant 0 : i32
            %dma_start3A_204 = tpu.memref_slice %arg7[%add3A_202, %dma_start3A_203] : memref<40x125xi32, #tpu.memory_space<vmem>> -> memref<1x125xi32, #tpu.memory_space<vmem>>
            %dma_start3A_205 = tpu.memref_squeeze %dma_start3A_204 : memref<1x125xi32, #tpu.memory_space<vmem>> -> memref<125xi32, #tpu.memory_space<vmem>>
            %dma_start3A_206 = arith.constant 0 : i32
            %dma_start3A_207 = arith.constant 0 : i32
            %dma_start3A_208 = tpu.memref_slice %arg4[%dma_start3A_206, %dma_start3A_207] : memref<10000x80xf32, #tpu.memory_space<hbm>> -> memref<10000x80xf32, #tpu.memory_space<hbm>>
            tpu.enqueue_indirect_dma source(%dma_start3A_208 : memref<10000x80xf32, #tpu.memory_space<hbm>>) target(%arg9 : memref<125x80xf32, #tpu.memory_space<vmem>>) offsets(%dma_start3A_205 : memref<125xi32, #tpu.memory_space<vmem>>) semaphore(%arg14 : memref<!tpu.dma_semaphore, #tpu.memory_space<semaphore_mem>>)
          } else {
          }
          %dma_wait3A_162 = arith.constant 0 : i32
          %dma_wait3A_163 = tpu.memref_slice %arg7[%add3A_149, %dma_wait3A_162] : memref<40x125xi32, #tpu.memory_space<vmem>> -> memref<1x125xi32, #tpu.memory_space<vmem>>
          %dma_wait3A_164 = tpu.memref_squeeze %dma_wait3A_163 : memref<1x125xi32, #tpu.memory_space<vmem>> -> memref<125xi32, #tpu.memory_space<vmem>>
          %dma_wait3A_165 = arith.constant 0 : i32
          %dma_wait3A_166 = arith.constant 0 : i32
          %dma_wait3A_167 = tpu.memref_slice %arg4[%dma_wait3A_165, %dma_wait3A_166] : memref<10000x80xf32, #tpu.memory_space<hbm>> -> memref<10000x80xf32, #tpu.memory_space<hbm>>
          tpu.wait_indirect_dma semaphore(%arg17 : memref<!tpu.dma_semaphore, #tpu.memory_space<semaphore_mem>>) src(%dma_wait3A_167 : memref<10000x80xf32, #tpu.memory_space<hbm>>) dst(%arg12 : memref<125x80xf32, #tpu.memory_space<vmem>>)
          %dma_start3A_168 = arith.constant 0 : i32
          %dma_start3A_169 = tpu.memref_slice %arg8[%add3A_149, %dma_start3A_168] : memref<40x125xi32, #tpu.memory_space<vmem>> -> memref<1x125xi32, #tpu.memory_space<vmem>>
          %dma_start3A_170 = tpu.memref_squeeze %dma_start3A_169 : memref<1x125xi32, #tpu.memory_space<vmem>> -> memref<125xi32, #tpu.memory_space<vmem>>
          %dma_start3A_171 = arith.constant 0 : i32
          %dma_start3A_172 = arith.constant 0 : i32
          %dma_start3A_173 = tpu.memref_slice %arg24[%dma_start3A_171, %dma_start3A_172] : memref<10000x80xf32, #tpu.memory_space<vmem_shared>> -> memref<10000x80xf32, #tpu.memory_space<vmem_shared>>
          tpu.enqueue_indirect_dma source(%arg12 : memref<125x80xf32, #tpu.memory_space<vmem>>) target(%dma_start3A_173 : memref<10000x80xf32, #tpu.memory_space<vmem_shared>>) offsets(%dma_start3A_170 : memref<125xi32, #tpu.memory_space<vmem>>) semaphore(%arg22 : memref<!tpu.dma_semaphore, #tpu.memory_space<semaphore_mem>>) {add = true}
          %add3A_174 = arith.constant 4 : i32
          %add3A_175 = arith.addi %mul3A_62, %add3A_174 : i32
          %sub3A_176 = arith.constant 3 : i32
          %sub3A_177 = arith.subi %add3A_175, %sub3A_176 : i32
          %dma_wait3A_178 = arith.constant 0 : i32
          %dma_wait3A_179 = tpu.memref_slice %arg8[%sub3A_177, %dma_wait3A_178] : memref<40x125xi32, #tpu.memory_space<vmem>> -> memref<1x125xi32, #tpu.memory_space<vmem>>
          %dma_wait3A_180 = tpu.memref_squeeze %dma_wait3A_179 : memref<1x125xi32, #tpu.memory_space<vmem>> -> memref<125xi32, #tpu.memory_space<vmem>>
          %dma_wait3A_181 = arith.constant 0 : i32
          %dma_wait3A_182 = arith.constant 0 : i32
          %dma_wait3A_183 = tpu.memref_slice %arg24[%dma_wait3A_181, %dma_wait3A_182] : memref<10000x80xf32, #tpu.memory_space<vmem_shared>> -> memref<10000x80xf32, #tpu.memory_space<vmem_shared>>
          tpu.wait_indirect_dma semaphore(%arg20 : memref<!tpu.dma_semaphore, #tpu.memory_space<semaphore_mem>>) src(%arg10 : memref<125x80xf32, #tpu.memory_space<vmem>>) dst(%dma_wait3A_183 : memref<10000x80xf32, #tpu.memory_space<vmem_shared>>)
          %lt3A_184 = arith.constant 7 : i32
          %lt3A_185 = arith.cmpi slt, %scan3A_60, %lt3A_184 : i32
          %convert_element_type3A_186 = arith.extui %lt3A_185 : i1 to i32
          %cond3A_187 = arith.constant 0 : i32
          %cond3A_188 = arith.cmpi ne, %convert_element_type3A_186, %cond3A_187 : i32
          scf.if %cond3A_188 {
            %add3A_201 = arith.constant 2 : i32
            %add3A_202 = arith.addi %add3A_175, %add3A_201 : i32
            %dma_start3A_203 = arith.constant 0 : i32
            %dma_start3A_204 = tpu.memref_slice %arg7[%add3A_202, %dma_start3A_203] : memref<40x125xi32, #tpu.memory_space<vmem>> -> memref<1x125xi32, #tpu.memory_space<vmem>>
            %dma_start3A_205 = tpu.memref_squeeze %dma_start3A_204 : memref<1x125xi32, #tpu.memory_space<vmem>> -> memref<125xi32, #tpu.memory_space<vmem>>
            %dma_start3A_206 = arith.constant 0 : i32
            %dma_start3A_207 = arith.constant 0 : i32
            %dma_start3A_208 = tpu.memref_slice %arg4[%dma_start3A_206, %dma_start3A_207] : memref<10000x80xf32, #tpu.memory_space<hbm>> -> memref<10000x80xf32, #tpu.memory_space<hbm>>
            tpu.enqueue_indirect_dma source(%dma_start3A_208 : memref<10000x80xf32, #tpu.memory_space<hbm>>) target(%arg10 : memref<125x80xf32, #tpu.memory_space<vmem>>) offsets(%dma_start3A_205 : memref<125xi32, #tpu.memory_space<vmem>>) semaphore(%arg15 : memref<!tpu.dma_semaphore, #tpu.memory_space<semaphore_mem>>)
          } else {
          }
          %dma_wait3A_189 = arith.constant 0 : i32
          %dma_wait3A_190 = tpu.memref_slice %arg7[%add3A_175, %dma_wait3A_189] : memref<40x125xi32, #tpu.memory_space<vmem>> -> memref<1x125xi32, #tpu.memory_space<vmem>>
          %dma_wait3A_191 = tpu.memref_squeeze %dma_wait3A_190 : memref<1x125xi32, #tpu.memory_space<vmem>> -> memref<125xi32, #tpu.memory_space<vmem>>
          %dma_wait3A_192 = arith.constant 0 : i32
          %dma_wait3A_193 = arith.constant 0 : i32
          %dma_wait3A_194 = tpu.memref_slice %arg4[%dma_wait3A_192, %dma_wait3A_193] : memref<10000x80xf32, #tpu.memory_space<hbm>> -> memref<10000x80xf32, #tpu.memory_space<hbm>>
          tpu.wait_indirect_dma semaphore(%arg18 : memref<!tpu.dma_semaphore, #tpu.memory_space<semaphore_mem>>) src(%dma_wait3A_194 : memref<10000x80xf32, #tpu.memory_space<hbm>>) dst(%arg13 : memref<125x80xf32, #tpu.memory_space<vmem>>)
          %dma_start3A_195 = arith.constant 0 : i32
          %dma_start3A_196 = tpu.memref_slice %arg8[%add3A_175, %dma_start3A_195] : memref<40x125xi32, #tpu.memory_space<vmem>> -> memref<1x125xi32, #tpu.memory_space<vmem>>
          %dma_start3A_197 = tpu.memref_squeeze %dma_start3A_196 : memref<1x125xi32, #tpu.memory_space<vmem>> -> memref<125xi32, #tpu.memory_space<vmem>>
          %dma_start3A_198 = arith.constant 0 : i32
          %dma_start3A_199 = arith.constant 0 : i32
          %dma_start3A_200 = tpu.memref_slice %arg24[%dma_start3A_198, %dma_start3A_199] : memref<10000x80xf32, #tpu.memory_space<vmem_shared>> -> memref<10000x80xf32, #tpu.memory_space<vmem_shared>>
          tpu.enqueue_indirect_dma source(%arg13 : memref<125x80xf32, #tpu.memory_space<vmem>>) target(%dma_start3A_200 : memref<10000x80xf32, #tpu.memory_space<vmem_shared>>) offsets(%dma_start3A_197 : memref<125xi32, #tpu.memory_space<vmem>>) semaphore(%arg23 : memref<!tpu.dma_semaphore, #tpu.memory_space<semaphore_mem>>) {add = true}
        }
        %scan3A_39 = arith.constant 8 : i32
        %dma_wait3A = arith.constant 37 : i32
        %dma_wait3A_40 = arith.constant 0 : i32
        %dma_wait3A_41 = tpu.memref_slice %arg8[%dma_wait3A, %dma_wait3A_40] : memref<40x125xi32, #tpu.memory_space<vmem>> -> memref<1x125xi32, #tpu.memory_space<vmem>>
        %dma_wait3A_42 = tpu.memref_squeeze %dma_wait3A_41 : memref<1x125xi32, #tpu.memory_space<vmem>> -> memref<125xi32, #tpu.memory_space<vmem>>
        %dma_wait3A_43 = arith.constant 0 : i32
        %dma_wait3A_44 = arith.constant 0 : i32
        %dma_wait3A_45 = tpu.memref_slice %arg24[%dma_wait3A_43, %dma_wait3A_44] : memref<10000x80xf32, #tpu.memory_space<vmem_shared>> -> memref<10000x80xf32, #tpu.memory_space<vmem_shared>>
        tpu.wait_indirect_dma semaphore(%arg21 : memref<!tpu.dma_semaphore, #tpu.memory_space<semaphore_mem>>) src(%arg11 : memref<125x80xf32, #tpu.memory_space<vmem>>) dst(%dma_wait3A_45 : memref<10000x80xf32, #tpu.memory_space<vmem_shared>>)
        %dma_wait3A_46 = arith.constant 38 : i32
        %dma_wait3A_47 = arith.constant 0 : i32
        %dma_wait3A_48 = tpu.memref_slice %arg8[%dma_wait3A_46, %dma_wait3A_47] : memref<40x125xi32, #tpu.memory_space<vmem>> -> memref<1x125xi32, #tpu.memory_space<vmem>>
        %dma_wait3A_49 = tpu.memref_squeeze %dma_wait3A_48 : memref<1x125xi32, #tpu.memory_space<vmem>> -> memref<125xi32, #tpu.memory_space<vmem>>
        %dma_wait3A_50 = arith.constant 0 : i32
        %dma_wait3A_51 = arith.constant 0 : i32
        %dma_wait3A_52 = tpu.memref_slice %arg24[%dma_wait3A_50, %dma_wait3A_51] : memref<10000x80xf32, #tpu.memory_space<vmem_shared>> -> memref<10000x80xf32, #tpu.memory_space<vmem_shared>>
        tpu.wait_indirect_dma semaphore(%arg22 : memref<!tpu.dma_semaphore, #tpu.memory_space<semaphore_mem>>) src(%arg12 : memref<125x80xf32, #tpu.memory_space<vmem>>) dst(%dma_wait3A_52 : memref<10000x80xf32, #tpu.memory_space<vmem_shared>>)
        %dma_wait3A_53 = arith.constant 39 : i32
        %dma_wait3A_54 = arith.constant 0 : i32
        %dma_wait3A_55 = tpu.memref_slice %arg8[%dma_wait3A_53, %dma_wait3A_54] : memref<40x125xi32, #tpu.memory_space<vmem>> -> memref<1x125xi32, #tpu.memory_space<vmem>>
        %dma_wait3A_56 = tpu.memref_squeeze %dma_wait3A_55 : memref<1x125xi32, #tpu.memory_space<vmem>> -> memref<125xi32, #tpu.memory_space<vmem>>
        %dma_wait3A_57 = arith.constant 0 : i32
        %dma_wait3A_58 = arith.constant 0 : i32
        %dma_wait3A_59 = tpu.memref_slice %arg24[%dma_wait3A_57, %dma_wait3A_58] : memref<10000x80xf32, #tpu.memory_space<vmem_shared>> -> memref<10000x80xf32, #tpu.memory_space<vmem_shared>>
        tpu.wait_indirect_dma semaphore(%arg23 : memref<!tpu.dma_semaphore, #tpu.memory_space<semaphore_mem>>) src(%arg13 : memref<125x80xf32, #tpu.memory_space<vmem>>) dst(%dma_wait3A_59 : memref<10000x80xf32, #tpu.memory_space<vmem_shared>>)
      }
      %scan3A_12 = arith.constant 4 : i32
      %barrier3A_13 = arith.constant 0 : index
      tpu.barrier barrier_id(%barrier3A_13)
      "tpu.region"() ({
        %run_scoped3A = tpu.sem_alloc : memref<!tpu.dma_semaphore, #tpu.memory_space<semaphore_mem>>
        %dma_start3A = arith.constant 0 : i32
        %dma_start3A_14 = tpu.memref_slice %arg6[%multiple_of3A, %dma_start3A] : memref<10000x80xf32, #tpu.memory_space<hbm>> -> memref<640x80xf32, #tpu.memory_space<hbm>>
        %dma_start3A_15 = arith.constant 0 : i32
        %dma_start3A_16 = tpu.memref_slice %arg24[%multiple_of3A, %dma_start3A_15] : memref<10000x80xf32, #tpu.memory_space<vmem_shared>> -> memref<640x80xf32, #tpu.memory_space<vmem_shared>>
        tpu.enqueue_dma source(%dma_start3A_16 : memref<640x80xf32, #tpu.memory_space<vmem_shared>>) target(%dma_start3A_14 : memref<640x80xf32, #tpu.memory_space<hbm>>) target_semaphore(%run_scoped3A : memref<!tpu.dma_semaphore, #tpu.memory_space<semaphore_mem>>)
        %dma_wait3A = arith.constant 0 : i32
        %dma_wait3A_17 = tpu.memref_slice %arg6[%multiple_of3A, %dma_wait3A] : memref<10000x80xf32, #tpu.memory_space<hbm>> -> memref<640x80xf32, #tpu.memory_space<hbm>>
        %dma_wait3A_18 = arith.constant 0 : i32
        %dma_wait3A_19 = tpu.memref_slice %arg24[%multiple_of3A, %dma_wait3A_18] : memref<10000x80xf32, #tpu.memory_space<vmem_shared>> -> memref<640x80xf32, #tpu.memory_space<vmem_shared>>
        tpu.wait_dma2 semaphore(%run_scoped3A : memref<!tpu.dma_semaphore, #tpu.memory_space<semaphore_mem>>) src(%dma_wait3A_19 : memref<640x80xf32, #tpu.memory_space<vmem_shared>>) dst(%dma_wait3A_17 : memref<640x80xf32, #tpu.memory_space<hbm>>)
        tpu.yield
      }) : () -> ()
    } else {
    }
    return
  }
}

module attributes {stable_mosaic.version = 14 : i64} {
  func.func @_scale_body(%arg0: i32, %arg1: memref<2000x160xf32, #tpu.memory_space<vmem>>, %arg2: memref<2x2000x16xf32, #tpu.memory_space<vmem>>, %arg3: memref<2000x80xf32, #tpu.memory_space<vmem>>, %arg4: memref<2000x80xf32, #tpu.memory_space<vmem>>) attributes {dimension_semantics = [#tpu.dimension_semantics<arbitrary>], iteration_bounds = array<i64: 5>, scalar_prefetch = 0 : i64, scratch_operands = 0 : i64, tpu.core_type = #tpu.core_type<tc>, window_params = [{transform_indices = @transform_0, window_bounds = array<i64: 2000, 160>}, {transform_indices = @transform_1, window_bounds = array<i64: 2, 2000, 16>}, {transform_indices = @transform_2, window_bounds = array<i64: 2000, 80>}, {transform_indices = @transform_3, window_bounds = array<i64: 2000, 80>}]} {
    %get3A = arith.constant 0 : index
    %get3A_0 = arith.constant 0 : index
    %get3A_1 = arith.constant 0 : index
    %get3A_2 = vector.load %arg2[%get3A, %get3A_0, %get3A_1] : memref<2x2000x16xf32, #tpu.memory_space<vmem>>, vector<1x2000x1xf32>
    %get3A_3 = vector.shape_cast %get3A_2 : vector<1x2000x1xf32> to vector<2000xf32>
    %get3A_4 = arith.constant 1 : index
    %get3A_5 = arith.constant 0 : index
    %get3A_6 = arith.constant 0 : index
    %get3A_7 = vector.load %arg2[%get3A_4, %get3A_5, %get3A_6] : memref<2x2000x16xf32, #tpu.memory_space<vmem>>, vector<1x2000x1xf32>
    %get3A_8 = vector.shape_cast %get3A_7 : vector<1x2000x1xf32> to vector<2000xf32>
    %add3A = arith.addf %get3A_3, %get3A_8 : vector<2000xf32>
    %add3A_9 = arith.constant 1.000000e+00 : f32
    %add3A_10 = vector.broadcast %add3A_9 : f32 to vector<2000xf32>
    %add3A_11 = arith.addf %add3A, %add3A_10 : vector<2000xf32>
    %rsqrt3A = math.rsqrt %add3A_11 : vector<2000xf32>
    %get3A_12 = arith.constant 0 : index
    %get3A_13 = arith.constant 0 : index
    %get3A_14 = vector.load %arg1[%get3A_12, %get3A_13] : memref<2000x160xf32, #tpu.memory_space<vmem>>, vector<2000x160xf32>
    %broadcast_in_dim3A = vector.shape_cast %rsqrt3A : vector<2000xf32> to vector<2000x1xf32>
    %mul3A = vector.broadcast %broadcast_in_dim3A : vector<2000x1xf32> to vector<2000x160xf32>
    %mul3A_15 = arith.mulf %get3A_14, %mul3A : vector<2000x160xf32>
    %slice3A = vector.extract_strided_slice %mul3A_15 {offsets = [0, 0], sizes = [2000, 80], strides = [1, 1]} : vector<2000x160xf32> to vector<2000x80xf32>
    %swap3A = arith.constant 0 : index
    %swap3A_16 = arith.constant 0 : index
    %swap3A_17 = vector.load %arg3[%swap3A, %swap3A_16] : memref<2000x80xf32, #tpu.memory_space<vmem>>, vector<2000x80xf32>
    tpu.vector_store %arg3[%swap3A, %swap3A_16], %slice3A {strides = array<i32>} : memref<2000x80xf32, #tpu.memory_space<vmem>>, vector<2000x80xf32>,
    %slice3A_18 = vector.extract_strided_slice %mul3A_15 {offsets = [0, 80], sizes = [2000, 80], strides = [1, 1]} : vector<2000x160xf32> to vector<2000x80xf32>
    %swap3A_19 = arith.constant 0 : index
    %swap3A_20 = arith.constant 0 : index
    %swap3A_21 = vector.load %arg4[%swap3A_19, %swap3A_20] : memref<2000x80xf32, #tpu.memory_space<vmem>>, vector<2000x80xf32>
    tpu.vector_store %arg4[%swap3A_19, %swap3A_20], %slice3A_18 {strides = array<i32>} : memref<2000x80xf32, #tpu.memory_space<vmem>>, vector<2000x80xf32>,
    return
  }
  func.func @transform_0(%arg0: i32) -> (i32, i32) {
    %c0_i32 = arith.constant 0 : i32
    %c0_i32_0 = arith.constant 0 : i32
    return %arg0, %c0_i32 : i32, i32
  }
  func.func @transform_1(%arg0: i32) -> (i32, i32, i32) {
    %c0_i32 = arith.constant 0 : i32
    %c0_i32_0 = arith.constant 0 : i32
    %c0_i32_1 = arith.constant 0 : i32
    return %c0_i32, %arg0, %c0_i32_0 : i32, i32, i32
  }
  func.func @transform_2(%arg0: i32) -> (i32, i32) {
    %c0_i32 = arith.constant 0 : i32
    %c0_i32_0 = arith.constant 0 : i32
    return %arg0, %c0_i32 : i32, i32
  }
  func.func @transform_3(%arg0: i32) -> (i32, i32) {
    %c0_i32 = arith.constant 0 : i32
    %c0_i32_0 = arith.constant 0 : i32
    return %arg0, %c0_i32 : i32, i32
  }
}

module attributes {stable_mosaic.version = 14 : i64} {
  func.func @_mid_body(%arg0: i32, %arg1: memref<2000x80xf32, #tpu.memory_space<vmem>>, %arg2: memref<2000x80xf32, #tpu.memory_space<vmem>>, %arg3: memref<2x2000x16xf32, #tpu.memory_space<vmem>>, %arg4: memref<160x536xf32, #tpu.memory_space<vmem>>, %arg5: memref<536xf32, #tpu.memory_space<vmem>>, %arg6: memref<536xf32, #tpu.memory_space<vmem>>, %arg7: memref<536xf32, #tpu.memory_space<vmem>>, %arg8: memref<536x268xf32, #tpu.memory_space<vmem>>, %arg9: memref<2000x136xf32, #tpu.memory_space<vmem>>, %arg10: memref<2000x136xf32, #tpu.memory_space<vmem>>) attributes {dimension_semantics = [#tpu.dimension_semantics<arbitrary>], iteration_bounds = array<i64: 5>, scalar_prefetch = 0 : i64, scratch_operands = 0 : i64, tpu.core_type = #tpu.core_type<tc>, window_params = [{transform_indices = @transform_0, window_bounds = array<i64: 2000, 80>}, {transform_indices = @transform_1, window_bounds = array<i64: 2000, 80>}, {transform_indices = @transform_2, window_bounds = array<i64: 2, 2000, 16>}, {pipeline_mode = #tpu.pipeline_mode<synchronous>, transform_indices = @transform_3, window_bounds = array<i64: 160, 536>}, {pipeline_mode = #tpu.pipeline_mode<synchronous>, transform_indices = @transform_4, window_bounds = array<i64: 536>}, {pipeline_mode = #tpu.pipeline_mode<synchronous>, transform_indices = @transform_5, window_bounds = array<i64: 536>}, {pipeline_mode = #tpu.pipeline_mode<synchronous>, transform_indices = @transform_6, window_bounds = array<i64: 536>}, {pipeline_mode = #tpu.pipeline_mode<synchronous>, transform_indices = @transform_7, window_bounds = array<i64: 536, 268>}, {transform_indices = @transform_8, window_bounds = array<i64: 2000, 136>}, {transform_indices = @transform_9, window_bounds = array<i64: 2000, 136>}]} {
    %get3A = arith.constant 0 : index
    %get3A_0 = arith.constant 0 : index
    %get3A_1 = arith.constant 0 : index
    %get3A_2 = vector.load %arg3[%get3A, %get3A_0, %get3A_1] : memref<2x2000x16xf32, #tpu.memory_space<vmem>>, vector<1x2000x1xf32>
    %get3A_3 = vector.shape_cast %get3A_2 : vector<1x2000x1xf32> to vector<2000xf32>
    %get3A_4 = arith.constant 1 : index
    %get3A_5 = arith.constant 0 : index
    %get3A_6 = arith.constant 0 : index
    %get3A_7 = vector.load %arg3[%get3A_4, %get3A_5, %get3A_6] : memref<2x2000x16xf32, #tpu.memory_space<vmem>>, vector<1x2000x1xf32>
    %get3A_8 = vector.shape_cast %get3A_7 : vector<1x2000x1xf32> to vector<2000xf32>
    %add3A = arith.addf %get3A_3, %get3A_8 : vector<2000xf32>
    %add3A_9 = arith.constant 1.000000e+00 : f32
    %add3A_10 = vector.broadcast %add3A_9 : f32 to vector<2000xf32>
    %add3A_11 = arith.addf %add3A, %add3A_10 : vector<2000xf32>
    %rsqrt3A = math.rsqrt %add3A_11 : vector<2000xf32>
    %get3A_12 = arith.constant 0 : index
    %get3A_13 = arith.constant 0 : index
    %get3A_14 = vector.load %arg1[%get3A_12, %get3A_13] : memref<2000x80xf32, #tpu.memory_space<vmem>>, vector<2000x80xf32>
    %get3A_15 = arith.constant 0 : index
    %get3A_16 = arith.constant 0 : index
    %get3A_17 = vector.load %arg2[%get3A_15, %get3A_16] : memref<2000x80xf32, #tpu.memory_space<vmem>>, vector<2000x80xf32>
    %concatenate3A = tpu.concatenate %get3A_14, %get3A_17 in 1 : vector<2000x80xf32>, vector<2000x80xf32> -> vector<2000x160xf32>
    %broadcast_in_dim3A = vector.shape_cast %rsqrt3A : vector<2000xf32> to vector<2000x1xf32>
    %mul3A = vector.broadcast %broadcast_in_dim3A : vector<2000x1xf32> to vector<2000x160xf32>
    %mul3A_18 = arith.mulf %concatenate3A, %mul3A : vector<2000x160xf32>
    %get3A_19 = arith.constant 0 : index
    %get3A_20 = arith.constant 0 : index
    %get3A_21 = vector.load %arg4[%get3A_19, %get3A_20] : memref<160x536xf32, #tpu.memory_space<vmem>>, vector<160x536xf32>
    %dot_general3A = arith.constant dense<0.000000e+00> : vector<2000x536xf32>
    %dot_general3A_22 = tpu.matmul %mul3A_18, %get3A_21, %dot_general3A {dimension_numbers = #tpu.dot_dimension_numbers<[1], [0], [0], [1], [0, 0, 1, 1], [], []>, transpose_lhs_hint = false} : vector<2000x160xf32>, vector<160x536xf32>, vector<2000x536xf32> -> vector<2000x536xf32>
    %get3A_23 = arith.constant 0 : index
    %get3A_24 = vector.load %arg5[%get3A_23] : memref<536xf32, #tpu.memory_space<vmem>>, vector<536xf32>
    %broadcast_in_dim3A_25 = vector.shape_cast %get3A_24 : vector<536xf32> to vector<1x536xf32>
    %add3A_26 = vector.broadcast %broadcast_in_dim3A_25 : vector<1x536xf32> to vector<2000x536xf32>
    %add3A_27 = arith.addf %dot_general3A_22, %add3A_26 : vector<2000x536xf32>
    %max3A = arith.constant 0.000000e+00 : f32
    %max3A_28 = vector.broadcast %max3A : f32 to vector<2000x536xf32>
    %max3A_29 = arith.maximumf %add3A_27, %max3A_28 : vector<2000x536xf32>
    %get3A_30 = arith.constant 0 : index
    %get3A_31 = vector.load %arg6[%get3A_30] : memref<536xf32, #tpu.memory_space<vmem>>, vector<536xf32>
    %mul3A_32 = arith.constant 0.999500393 : f32
    %mul3A_33 = vector.broadcast %mul3A_32 : f32 to vector<536xf32>
    %mul3A_34 = arith.mulf %get3A_31, %mul3A_33 : vector<536xf32>
    %broadcast_in_dim3A_35 = vector.shape_cast %mul3A_34 : vector<536xf32> to vector<1x536xf32>
    %mul3A_36 = vector.broadcast %broadcast_in_dim3A_35 : vector<1x536xf32> to vector<2000x536xf32>
    %mul3A_37 = arith.mulf %max3A_29, %mul3A_36 : vector<2000x536xf32>
    %get3A_38 = arith.constant 0 : index
    %get3A_39 = vector.load %arg7[%get3A_38] : memref<536xf32, #tpu.memory_space<vmem>>, vector<536xf32>
    %broadcast_in_dim3A_40 = vector.shape_cast %get3A_39 : vector<536xf32> to vector<1x536xf32>
    %add3A_41 = vector.broadcast %broadcast_in_dim3A_40 : vector<1x536xf32> to vector<2000x536xf32>
    %add3A_42 = arith.addf %mul3A_37, %add3A_41 : vector<2000x536xf32>
    %logistic3A = arith.negf %add3A_42 : vector<2000x536xf32>
    %logistic3A_43 = math.exp %logistic3A : vector<2000x536xf32>
    %logistic3A_44 = arith.constant 1.000000e+00 : f32
    %logistic3A_45 = vector.broadcast %logistic3A_44 : f32 to vector<2000x536xf32>
    %logistic3A_46 = arith.addf %logistic3A_45, %logistic3A_43 : vector<2000x536xf32>
    %logistic3A_47 = arith.divf %logistic3A_45, %logistic3A_46 : vector<2000x536xf32>
    %get3A_48 = arith.constant 0 : index
    %get3A_49 = arith.constant 0 : index
    %get3A_50 = vector.load %arg8[%get3A_48, %get3A_49] : memref<536x268xf32, #tpu.memory_space<vmem>>, vector<536x268xf32>
    %dot_general3A_51 = arith.constant dense<0.000000e+00> : vector<2000x268xf32>
    %dot_general3A_52 = tpu.matmul %logistic3A_47, %get3A_50, %dot_general3A_51 {dimension_numbers = #tpu.dot_dimension_numbers<[1], [0], [0], [1], [0, 0, 1, 1], [], []>, transpose_lhs_hint = false} : vector<2000x536xf32>, vector<536x268xf32>, vector<2000x268xf32> -> vector<2000x268xf32>
    %broadcast_in_dim3A_53 = vector.shape_cast %rsqrt3A : vector<2000xf32> to vector<2000x1xf32>
    %mul3A_54 = vector.broadcast %broadcast_in_dim3A_53 : vector<2000x1xf32> to vector<2000x268xf32>
    %mul3A_55 = arith.mulf %dot_general3A_52, %mul3A_54 : vector<2000x268xf32>
    %slice3A = vector.extract_strided_slice %mul3A_55 {offsets = [0, 0], sizes = [2000, 136], strides = [1, 1]} : vector<2000x268xf32> to vector<2000x136xf32>
    %swap3A = arith.constant 0 : index
    %swap3A_56 = arith.constant 0 : index
    %swap3A_57 = vector.load %arg9[%swap3A, %swap3A_56] : memref<2000x136xf32, #tpu.memory_space<vmem>>, vector<2000x136xf32>
    tpu.vector_store %arg9[%swap3A, %swap3A_56], %slice3A {strides = array<i32>} : memref<2000x136xf32, #tpu.memory_space<vmem>>, vector<2000x136xf32>,
    %slice3A_58 = vector.extract_strided_slice %mul3A_55 {offsets = [0, 136], sizes = [2000, 132], strides = [1, 1]} : vector<2000x268xf32> to vector<2000x132xf32>
    %broadcast_in_dim3A_59 = arith.constant 0.000000e+00 : f32
    %broadcast_in_dim3A_60 = vector.broadcast %broadcast_in_dim3A_59 : f32 to vector<2000x4xf32>
    %concatenate3A_61 = tpu.concatenate %slice3A_58, %broadcast_in_dim3A_60 in 1 : vector<2000x132xf32>, vector<2000x4xf32> -> vector<2000x136xf32>
    %swap3A_62 = arith.constant 0 : index
    %swap3A_63 = arith.constant 0 : index
    %swap3A_64 = vector.load %arg10[%swap3A_62, %swap3A_63] : memref<2000x136xf32, #tpu.memory_space<vmem>>, vector<2000x136xf32>
    tpu.vector_store %arg10[%swap3A_62, %swap3A_63], %concatenate3A_61 {strides = array<i32>} : memref<2000x136xf32, #tpu.memory_space<vmem>>, vector<2000x136xf32>,
    return
  }
  func.func @transform_0(%arg0: i32) -> (i32, i32) {
    %c0_i32 = arith.constant 0 : i32
    %c0_i32_0 = arith.constant 0 : i32
    return %arg0, %c0_i32 : i32, i32
  }
  func.func @transform_1(%arg0: i32) -> (i32, i32) {
    %c0_i32 = arith.constant 0 : i32
    %c0_i32_0 = arith.constant 0 : i32
    return %arg0, %c0_i32 : i32, i32
  }
  func.func @transform_2(%arg0: i32) -> (i32, i32, i32) {
    %c0_i32 = arith.constant 0 : i32
    %c0_i32_0 = arith.constant 0 : i32
    %c0_i32_1 = arith.constant 0 : i32
    return %c0_i32, %arg0, %c0_i32_0 : i32, i32, i32
  }
  func.func @transform_3(%arg0: i32) -> (i32, i32) {
    %c0_i32 = arith.constant 0 : i32
    %c0_i32_0 = arith.constant 0 : i32
    %c0_i32_1 = arith.constant 0 : i32
    return %c0_i32, %c0_i32_0 : i32, i32
  }
  func.func @transform_4(%arg0: i32) -> i32 {
    %c0_i32 = arith.constant 0 : i32
    %c0_i32_0 = arith.constant 0 : i32
    return %c0_i32 : i32
  }
  func.func @transform_5(%arg0: i32) -> i32 {
    %c0_i32 = arith.constant 0 : i32
    %c0_i32_0 = arith.constant 0 : i32
    return %c0_i32 : i32
  }
  func.func @transform_6(%arg0: i32) -> i32 {
    %c0_i32 = arith.constant 0 : i32
    %c0_i32_0 = arith.constant 0 : i32
    return %c0_i32 : i32
  }
  func.func @transform_7(%arg0: i32) -> (i32, i32) {
    %c0_i32 = arith.constant 0 : i32
    %c0_i32_0 = arith.constant 0 : i32
    %c0_i32_1 = arith.constant 0 : i32
    return %c0_i32, %c0_i32_0 : i32, i32
  }
  func.func @transform_8(%arg0: i32) -> (i32, i32) {
    %c0_i32 = arith.constant 0 : i32
    %c0_i32_0 = arith.constant 0 : i32
    return %arg0, %c0_i32 : i32, i32
  }
  func.func @transform_9(%arg0: i32) -> (i32, i32) {
    %c0_i32 = arith.constant 0 : i32
    %c0_i32_0 = arith.constant 0 : i32
    return %arg0, %c0_i32 : i32, i32
  }
}

module attributes {stable_mosaic.version = 14 : i64} {
  func.func @_final_body(%arg0: i32, %arg1: memref<2000x136xf32, #tpu.memory_space<vmem>>, %arg2: memref<2000x136xf32, #tpu.memory_space<vmem>>, %arg3: memref<2x2000x16xf32, #tpu.memory_space<vmem>>, %arg4: memref<268xf32, #tpu.memory_space<vmem>>, %arg5: memref<268xf32, #tpu.memory_space<vmem>>, %arg6: memref<268xf32, #tpu.memory_space<vmem>>, %arg7: memref<268x268xf32, #tpu.memory_space<vmem>>) attributes {dimension_semantics = [#tpu.dimension_semantics<arbitrary>], iteration_bounds = array<i64: 5>, scalar_prefetch = 0 : i64, scratch_operands = 0 : i64, tpu.core_type = #tpu.core_type<tc>, window_params = [{transform_indices = @transform_0, window_bounds = array<i64: 2000, 136>}, {transform_indices = @transform_1, window_bounds = array<i64: 2000, 136>}, {transform_indices = @transform_2, window_bounds = array<i64: 2, 2000, 16>}, {pipeline_mode = #tpu.pipeline_mode<synchronous>, transform_indices = @transform_3, window_bounds = array<i64: 268>}, {pipeline_mode = #tpu.pipeline_mode<synchronous>, transform_indices = @transform_4, window_bounds = array<i64: 268>}, {pipeline_mode = #tpu.pipeline_mode<synchronous>, transform_indices = @transform_5, window_bounds = array<i64: 268>}, {pipeline_mode = #tpu.pipeline_mode<synchronous>, transform_indices = @transform_6, window_bounds = array<i64: 268, 268>}]} {
    %get3A = arith.constant 0 : index
    %get3A_0 = arith.constant 0 : index
    %get3A_1 = arith.constant 0 : index
    %get3A_2 = vector.load %arg3[%get3A, %get3A_0, %get3A_1] : memref<2x2000x16xf32, #tpu.memory_space<vmem>>, vector<1x2000x1xf32>
    %get3A_3 = vector.shape_cast %get3A_2 : vector<1x2000x1xf32> to vector<2000xf32>
    %get3A_4 = arith.constant 1 : index
    %get3A_5 = arith.constant 0 : index
    %get3A_6 = arith.constant 0 : index
    %get3A_7 = vector.load %arg3[%get3A_4, %get3A_5, %get3A_6] : memref<2x2000x16xf32, #tpu.memory_space<vmem>>, vector<1x2000x1xf32>
    %get3A_8 = vector.shape_cast %get3A_7 : vector<1x2000x1xf32> to vector<2000xf32>
    %add3A = arith.addf %get3A_3, %get3A_8 : vector<2000xf32>
    %add3A_9 = arith.constant 1.000000e+00 : f32
    %add3A_10 = vector.broadcast %add3A_9 : f32 to vector<2000xf32>
    %add3A_11 = arith.addf %add3A, %add3A_10 : vector<2000xf32>
    %rsqrt3A = math.rsqrt %add3A_11 : vector<2000xf32>
    %get3A_12 = arith.constant 0 : index
    %get3A_13 = arith.constant 0 : index
    %get3A_14 = vector.load %arg1[%get3A_12, %get3A_13] : memref<2000x136xf32, #tpu.memory_space<vmem>>, vector<2000x136xf32>
    %get3A_15 = arith.constant 0 : index
    %get3A_16 = arith.constant 0 : index
    %get3A_17 = vector.load %arg2[%get3A_15, %get3A_16] : memref<2000x136xf32, #tpu.memory_space<vmem>>, vector<2000x136xf32>
    %concatenate3A = tpu.concatenate %get3A_14, %get3A_17 in 1 : vector<2000x136xf32>, vector<2000x136xf32> -> vector<2000x272xf32>
    %broadcast_in_dim3A = vector.shape_cast %rsqrt3A : vector<2000xf32> to vector<2000x1xf32>
    %mul3A = vector.broadcast %broadcast_in_dim3A : vector<2000x1xf32> to vector<2000x272xf32>
    %mul3A_18 = arith.mulf %concatenate3A, %mul3A : vector<2000x272xf32>
    %broadcast_in_dim3A_19 = arith.constant 0.000000e+00 : f32
    %broadcast_in_dim3A_20 = vector.broadcast %broadcast_in_dim3A_19 : f32 to vector<4xf32>
    %get3A_21 = arith.constant 0 : index
    %get3A_22 = vector.load %arg4[%get3A_21] : memref<268xf32, #tpu.memory_space<vmem>>, vector<268xf32>
    %concatenate3A_23 = tpu.concatenate %get3A_22, %broadcast_in_dim3A_20 in 0 : vector<268xf32>, vector<4xf32> -> vector<272xf32>
    %get3A_24 = arith.constant 0 : index
    %get3A_25 = vector.load %arg5[%get3A_24] : memref<268xf32, #tpu.memory_space<vmem>>, vector<268xf32>
    %concatenate3A_26 = tpu.concatenate %get3A_25, %broadcast_in_dim3A_20 in 0 : vector<268xf32>, vector<4xf32> -> vector<272xf32>
    %get3A_27 = arith.constant 0 : index
    %get3A_28 = vector.load %arg6[%get3A_27] : memref<268xf32, #tpu.memory_space<vmem>>, vector<268xf32>
    %concatenate3A_29 = tpu.concatenate %get3A_28, %broadcast_in_dim3A_20 in 0 : vector<268xf32>, vector<4xf32> -> vector<272xf32>
    %broadcast_in_dim3A_30 = vector.shape_cast %concatenate3A_23 : vector<272xf32> to vector<1x272xf32>
    %add3A_31 = vector.broadcast %broadcast_in_dim3A_30 : vector<1x272xf32> to vector<2000x272xf32>
    %add3A_32 = arith.addf %mul3A_18, %add3A_31 : vector<2000x272xf32>
    %max3A = arith.constant 0.000000e+00 : f32
    %max3A_33 = vector.broadcast %max3A : f32 to vector<2000x272xf32>
    %max3A_34 = arith.maximumf %add3A_32, %max3A_33 : vector<2000x272xf32>
    %mul3A_35 = arith.constant 0.999500393 : f32
    %mul3A_36 = vector.broadcast %mul3A_35 : f32 to vector<272xf32>
    %mul3A_37 = arith.mulf %concatenate3A_26, %mul3A_36 : vector<272xf32>
    %broadcast_in_dim3A_38 = vector.shape_cast %mul3A_37 : vector<272xf32> to vector<1x272xf32>
    %mul3A_39 = vector.broadcast %broadcast_in_dim3A_38 : vector<1x272xf32> to vector<2000x272xf32>
    %mul3A_40 = arith.mulf %max3A_34, %mul3A_39 : vector<2000x272xf32>
    %broadcast_in_dim3A_41 = vector.shape_cast %concatenate3A_29 : vector<272xf32> to vector<1x272xf32>
    %add3A_42 = vector.broadcast %broadcast_in_dim3A_41 : vector<1x272xf32> to vector<2000x272xf32>
    %add3A_43 = arith.addf %mul3A_40, %add3A_42 : vector<2000x272xf32>
    %logistic3A = arith.negf %add3A_43 : vector<2000x272xf32>
    %logistic3A_44 = math.exp %logistic3A : vector<2000x272xf32>
    %logistic3A_45 = arith.constant 1.000000e+00 : f32
    %logistic3A_46 = vector.broadcast %logistic3A_45 : f32 to vector<2000x272xf32>
    %logistic3A_47 = arith.addf %logistic3A_46, %logistic3A_44 : vector<2000x272xf32>
    %logistic3A_48 = arith.divf %logistic3A_46, %logistic3A_47 : vector<2000x272xf32>
    %iota3A = tpu.iota {dimensions = array<i32: 1>} : vector<2000x272xi32>
    %lt3A = arith.constant 268 : i32
    %lt3A_49 = vector.broadcast %lt3A : i32 to vector<2000x272xi32>
    %lt3A_50 = arith.cmpi slt, %iota3A, %lt3A_49 : vector<2000x272xi32>
    %jit3A = arith.constant 0.000000e+00 : f32
    %broadcast_in_dim3A_51 = vector.broadcast %jit3A : f32 to vector<2000x272xf32>
    %select_n3A = arith.select %lt3A_50, %logistic3A_48, %broadcast_in_dim3A_51 : vector<2000x272xi1>, vector<2000x272xf32>
    %dot_general3A = arith.constant dense<0.000000e+00> : vector<272x272xf32>
    %dot_general3A_52 = tpu.matmul %select_n3A, %select_n3A, %dot_general3A {dimension_numbers = #tpu.dot_dimension_numbers<[0], [0], [1], [1], [0, 1, 1, 1], [], []>, transpose_lhs_hint = false} : vector<2000x272xf32>, vector<2000x272xf32>, vector<272x272xf32> -> vector<272x272xf32>
    %slice3A = vector.extract_strided_slice %dot_general3A_52 {offsets = [0, 0], sizes = [268, 268], strides = [1, 1]} : vector<272x272xf32> to vector<268x268xf32>
    %eq3A = arith.constant 0 : i32
    %eq3A_53 = arith.cmpi eq, %arg0, %eq3A : i32
    %convert_element_type3A = arith.extui %eq3A_53 : i1 to i32
    %cond3A = arith.constant 0 : i32
    %cond3A_54 = arith.cmpi ne, %convert_element_type3A, %cond3A : i32
    scf.if %cond3A_54 {
      %swap3A = arith.constant 0 : index
      %swap3A_59 = arith.constant 0 : index
      %swap3A_60 = vector.load %arg7[%swap3A, %swap3A_59] : memref<268x268xf32, #tpu.memory_space<vmem>>, vector<268x268xf32>
      tpu.vector_store %arg7[%swap3A, %swap3A_59], %slice3A {strides = array<i32>} : memref<268x268xf32, #tpu.memory_space<vmem>>, vector<268x268xf32>,
    } else {
    }
    %gt3A = arith.constant 0 : i32
    %gt3A_55 = arith.cmpi sgt, %arg0, %gt3A : i32
    %convert_element_type3A_56 = arith.extui %gt3A_55 : i1 to i32
    %cond3A_57 = arith.constant 0 : i32
    %cond3A_58 = arith.cmpi ne, %convert_element_type3A_56, %cond3A_57 : i32
    scf.if %cond3A_58 {
      %get3A_59 = arith.constant 0 : index
      %get3A_60 = arith.constant 0 : index
      %get3A_61 = vector.load %arg7[%get3A_59, %get3A_60] : memref<268x268xf32, #tpu.memory_space<vmem>>, vector<268x268xf32>
      %add3A_62 = arith.addf %get3A_61, %slice3A : vector<268x268xf32>
      %swap3A = arith.constant 0 : index
      %swap3A_63 = arith.constant 0 : index
      %swap3A_64 = vector.load %arg7[%swap3A, %swap3A_63] : memref<268x268xf32, #tpu.memory_space<vmem>>, vector<268x268xf32>
      tpu.vector_store %arg7[%swap3A, %swap3A_63], %add3A_62 {strides = array<i32>} : memref<268x268xf32, #tpu.memory_space<vmem>>, vector<268x268xf32>,
    } else {
    }
    return
  }
  func.func @transform_0(%arg0: i32) -> (i32, i32) {
    %c0_i32 = arith.constant 0 : i32
    %c0_i32_0 = arith.constant 0 : i32
    return %arg0, %c0_i32 : i32, i32
  }
  func.func @transform_1(%arg0: i32) -> (i32, i32) {
    %c0_i32 = arith.constant 0 : i32
    %c0_i32_0 = arith.constant 0 : i32
    return %arg0, %c0_i32 : i32, i32
  }
  func.func @transform_2(%arg0: i32) -> (i32, i32, i32) {
    %c0_i32 = arith.constant 0 : i32
    %c0_i32_0 = arith.constant 0 : i32
    %c0_i32_1 = arith.constant 0 : i32
    return %c0_i32, %arg0, %c0_i32_0 : i32, i32, i32
  }
  func.func @transform_3(%arg0: i32) -> i32 {
    %c0_i32 = arith.constant 0 : i32
    %c0_i32_0 = arith.constant 0 : i32
    return %c0_i32 : i32
  }
  func.func @transform_4(%arg0: i32) -> i32 {
    %c0_i32 = arith.constant 0 : i32
    %c0_i32_0 = arith.constant 0 : i32
    return %c0_i32 : i32
  }
  func.func @transform_5(%arg0: i32) -> i32 {
    %c0_i32 = arith.constant 0 : i32
    %c0_i32_0 = arith.constant 0 : i32
    return %c0_i32 : i32
  }
  func.func @transform_6(%arg0: i32) -> (i32, i32) {
    %c0_i32 = arith.constant 0 : i32
    %c0_i32_0 = arith.constant 0 : i32
    %c0_i32_1 = arith.constant 0 : i32
    return %c0_i32, %c0_i32_0 : i32, i32
  }
}

</mosaic_0001>

<sc_bundles>
// kernel: kernel.11.cloned.1.call-start
scs
__scs_entry_jumppad:
0x0: {  	(pc) =	sbr.rel $0x88, $3  }
0x1: {  	(tag) =	ssettag $0x0;
	lr =	simm.s32 $0x1  }
0x2: {  	[smem:$0x3F97] =	sst lr;
	_ =	strace $0xD0000000  }
0x3: {  	_ = 	snop  }
0x4: {  	_ = 	snop  }
0x5: {  	_ = 	snop  }
0x6: {  	_ = 	snop  }
0x7: {  	_ = 	snop  }
__scs_overlays_trampoline_lowered:
0x8: {  	[smem:$0x3FA6] =	sst s0  }
0x9: {  	[smem:$0x3FA7] =	sst s1  }
0xa: {  	[smem:$0x3FA8] =	sst s2  }
0xb: {  	[smem:$0x3FA9] =	sst s3  }
0xc: {  	[smem:$0x3FAA] =	sst s4  }
0xd: {  	[smem:$0x3FAB] =	sst s5  }
0xe: {  	[smem:$0x3FAC] =	sst s6  }
0xf: {  	[smem:$0x3FAD] =	sst s7  }
0x10: {  	[smem:$0x3FAE] =	sst s8  }
0x11: {  	[smem:$0x3FAF] =	sst s9;
	s0 =	simm.s32 @!p0 $0x0  }
0x12: {  	s1 =	sld [smem:$0x3F95];
	s0 =	simm.s32 @p0 $0x1  }
0x13: {  	[smem:$0x3FB0] =	sst s0;
	s0 =	simm.s32 @!p1 $0x0  }
0x14: {  	s2 =	sld [smem:$0x3F94];
	s0 =	simm.s32 @p1 $0x1  }
0x15: {  	[smem:$0x3FB1] =	sst s0;
	s0 =	simm.s32 @!p2 $0x0  }
0x16: {  	s3 =	sld [smem:$0x3FDB];
	s0 =	simm.s32 @p2 $0x1  }
0x17: {  	s4 =	simm.s32 $0x1BF5;
	[smem:$0x3FB3] =	sst s0  }
0x18: {  	s0 =	sld [smem:$0x3F96];
	_ =	swait.ge [sflag:s4], $0x0  }
0x19: {  	s7 =	sld [smem:$0x3F97]  }
0x1a: {  	s8 =	sadd.s32 $0xFFFFE003, lr  }
0x1b: {  	s9 =	sadd.s32 $0xFFFFFEF7, lr;
	s5 =	simm.s32 $0xFFFFFFFF;
	p2 =	slt.u32 s8, $0xFFFFF086  }
0x1c: {  	p1 =	slt.u32 s9, $0xF7A;
	s5 =	simm.s32 @!p2 $0x0  }
0x1d: {  	s5 =	simm.s32 @p1 $0x1;
	p0 =	seq.s32 s7, s2  }
0x1e: {  	s7 =	smul.u32 @!p0 $0xF7A, s2;
	p2 =	seq.s32 @!p0 s5, $0x0  }
0x1f: {  	s9 =	smul.u32 $0xF7A, s1;
	s8 =	simm.s32 @!p0 $0x1BF5;
	p2 =	por !p2, p0  }
0x20: {  	[sflag:s8] =	ssyncset.s32 @!p0 $0xFFFFF086;
	s6 =	sadd.s32 @!p0 s3, s7;
	s7 =	simm.s32 @!p0 $0x108  }
0x21: {  	s3 =	sadd.s32 s3, s9;
	s6 =	sadd.s32 @!p0 $0x88, s6;
	s7 =	simm.s32 @p2 $0x1082  }
0x22: {  	[simem:s7], [sflag:s8] =	dma.local @!p0 [hbm:s6], $0xF7A  }
0x23: {  	s9 =	sor.u32 $0xD0000000, s2;
	s6 =	simm.s32 $0x108;
	_ =	swait.ge @!p0 [sflag:s8], $0x0  }
0x24: {  	s3 =	sadd.s32 $0x88, s3;
	s6 =	simm.s32 @!p1 $0x1082;
	[sflag:s4] =	ssyncset.s32 $0xFFFFF086  }
0x25: {  	[simem:s6], [sflag:s4] =	dma.local [hbm:s3], $0xF7A  }
0x26: {  	[smem:$0x3F97] =	sst s1;
	(tag) =	ssettag s2;
	_ =	strace s9  }
0x27: {  	s1 =	sld [smem:$0x3FA7]  }
0x28: {  	s2 =	sld [smem:$0x3FA8]  }
0x29: {  	s4 =	sld [smem:$0x3FAA]  }
0x2a: {  	p0 =	seq.s32 s5, $0x0;
	s5 =	sld [smem:$0x3FAB]  }
0x2b: {  	s6 =	sld [smem:$0x3FAC]  }
0x2c: {  	s7 =	sld [smem:$0x3FAD]  }
0x2d: {  	s3 =	simm.s32 $0x108;
	s8 =	sld [smem:$0x3FAE]  }
0x2e: {  	s3 =	simm.s32 @!p0 $0x1082;
	s9 =	sld [smem:$0x3FAF]  }
0x2f: {  	lr =	sadd.s32 s0, s3;
	s0 =	sld [smem:$0x3FA6]  }
0x30: {  	s3 =	sld [smem:$0x3FA9]  }
0x31: {  	[smem:$0x3FB2] =	sst s10  }
0x32: {  	s10 =	sld [smem:$0x3FB0];
	_ =	sdelay $0x3  }
0x33: {  	p0 =	seq.s32 s10, $0x1;
	s10 =	sld [smem:$0x3FB2];
	_ =	sdelay $0x3  }
0x34: {  	[smem:$0x3FB2] =	sst s10  }
0x35: {  	s10 =	sld [smem:$0x3FB1];
	_ =	sdelay $0x3  }
0x36: {  	p1 =	seq.s32 s10, $0x1;
	s10 =	sld [smem:$0x3FB2];
	_ =	sdelay $0x3  }
0x37: {  	[smem:$0x3FB2] =	sst s10  }
0x38: {  	s10 =	sld [smem:$0x3FB3]  }
0x39: {  	_ = 	snop;
	(pc) =	sbr.ind lr, $3  }
0x3a: {  	_ = 	snop  }
0x3b: {  	_ = 	snop  }
0x3c: {  	p2 =	seq.s32 s10, $0x1;
	s10 =	sld [smem:$0x3FB2]  }
0x3d: {  	_ =	shalt  }
0x3e: {  	_ =	shalt  }
0x3f: {  	_ =	shalt  }
0x40: {  	_ =	shalt  }
0x41: {  	_ =	shalt  }
0x42: {  	_ =	shalt  }
0x43: {  	_ =	shalt  }
0x44: {  	_ =	shalt  }
0x45: {  	_ =	shalt  }
0x46: {  	_ =	shalt  }
0x47: {  	_ =	shalt  }
0x48: {  	_ =	shalt  }
0x49: {  	_ =	shalt  }
0x4a: {  	_ =	shalt  }
0x4b: {  	_ =	shalt  }
0x4c: {  	_ =	shalt  }
0x4d: {  	_ =	shalt  }
0x4e: {  	_ =	shalt  }
0x4f: {  	_ =	shalt  }
0x50: {  	_ =	shalt  }
0x51: {  	_ =	shalt  }
0x52: {  	_ =	shalt  }
0x53: {  	_ =	shalt  }
0x54: {  	_ =	shalt  }
0x55: {  	_ =	shalt  }
0x56: {  	_ =	shalt  }
0x57: {  	_ =	shalt  }
0x58: {  	_ =	shalt  }
0x59: {  	_ =	shalt  }
0x5a: {  	_ =	shalt  }
0x5b: {  	_ =	shalt  }
0x5c: {  	_ =	shalt  }
0x5d: {  	_ =	shalt  }
0x5e: {  	_ =	shalt  }
0x5f: {  	_ =	shalt  }
0x60: {  	_ =	shalt  }
0x61: {  	_ =	shalt  }
0x62: {  	_ =	shalt  }
0x63: {  	_ =	shalt  }
0x64: {  	_ =	shalt  }
0x65: {  	_ =	shalt  }
0x66: {  	_ =	shalt  }
0x67: {  	_ =	shalt  }
0x68: {  	_ =	shalt  }
0x69: {  	_ =	shalt  }
0x6a: {  	_ =	shalt  }
0x6b: {  	_ =	shalt  }
0x6c: {  	_ =	shalt  }
0x6d: {  	_ =	shalt  }
0x6e: {  	_ =	shalt  }
0x6f: {  	_ =	shalt  }
0x70: {  	_ =	shalt  }
0x71: {  	_ =	shalt  }
0x72: {  	_ =	shalt  }
0x73: {  	_ =	shalt  }
0x74: {  	_ =	shalt  }
0x75: {  	_ =	shalt  }
0x76: {  	_ =	shalt  }
0x77: {  	_ =	shalt  }
0x78: {  	_ =	shalt  }
0x79: {  	_ =	shalt  }
0x7a: {  	_ =	shalt  }
0x7b: {  	_ =	shalt  }
0x7c: {  	_ =	shalt  }
0x7d: {  	_ =	shalt  }
0x7e: {  	_ =	shalt  }
0x7f: {  	_ =	shalt  }
0x80: {  	_ =	shalt  }
0x81: {  	_ =	shalt  }
0x82: {  	_ =	shalt  }
0x83: {  	_ =	shalt  }
0x84: {  	_ =	shalt  }
0x85: {  	_ =	shalt  }
0x86: {  	_ =	shalt  }
0x87: {  	_ =	shalt  }
.Lfunc_end0:
.L_simem_size_0:
called_computation.1_lowered:
.L_overlay_start_0:
0x88: {  	s2 =	sld [smem:$0x3FD9]  }
0x89: {  	s3 =	sld [smem:$0x3FFE];
	_ =	sdelay $0x1  }
0x8a: {  	s1 =	srdreg.scid  }
0x8b: {  	s0 =	sand.u32 $0x1, s1  }
0x8c: {  	s16 =	sshll.u32 s0, $0xA;
	s2 =	sadd.s32 s3, s2  }
0x8d: {  	s2 =	sadd.s32 s2, s16  }
0x8e: {  	[smem:$0x3FBE] =	sst s2  }
0x8f: {  	_ = 	snop  }
0x90: {  	(tm) =	ssettm $0x1  }
0x91: {  	s17 =	sld [smem:$0x3FFB];
	_ =	sdelay $0x3  }
0x92: {  	_ =	strace s17  }
0x93: {  	s2 =	sld [smem:$0x3FFC];
	_ =	sdelay $0x3  }
0x94: {  	_ =	strace s2  }
0x95: {  	s2 =	sld [smem:$0x3FFD];
	_ =	sdelay $0x3  }
0x96: {  	_ =	strace s2  }
0x97: {  	_ =	strace $0x8FFFFFFF  }
0x98: {  	s18 =	sld [smem:$0x3FDB];
	_ =	sdelay $0x1  }
0x99: {  	s19 =	simm.s32 $_scs_section_size  }
0x9a: {  	s4 =	simm.s32 $_size__tile_overlayer_lowered;
	s5 =	simm.s32 $_tile_overlayer_lowered  }
0x9b: {  	s22 =	simm.s32 $0x1BFF;
	s21 =	sshll.u32 s5, $0x1;
	s2 =	sadd.s32 s19, s18  }
0x9c: {  	s6 =	simm.s32 $0x0;
	s20 =	sshll.u32 s4, $0x1;
	s4 =	sadd.s32 s21, s2  }
0x9d: {  	[timem:s6], [sflag:s22] =	dma.local [hbm:s4], s20  }
0x9e: {  	_ =	swait.ge [sflag:s22], s20  }
0x9f: {  	s3 =	ssub.s32 $0x0, s20;
	[sflag:s22] =	ssyncset.done $0x0  }
0xa0: {  	[sflag:s22] =	ssyncadd.s32 s3;
	_ =	sdelay $0x1  }
0xa1: {  	s23 =	simm.s32 $0x1B8B  }
0xa2: {  	_ =	swait.ge [sflag:s23], $0x1  }
0xa3: {  	[sflag:s23] =	ssyncset.done $0x0  }
0xa4: {  	s25 =	simm.s32 $0x1B8E;
	s24 =	sld [smem:$0x3FFE];
	[sflag:s23] =	ssyncadd.s32 $0xFFFFFFFF  }
0xa5: {  	s26 =	simm.s32 $execute0_lowered;
	[smem:$0x3FD2] =	sst s25  }
0xa6: {  	s4 =	sshll.u32 s26, $0x1;
	_ =	strace $0x80000049;
	[dreg:$0x1] =	wrdreg $0xFFFFFFFF  }
0xa7: {  	s28 =	simm.s32 $_size_execute0_lowered;
	s2 =	sadd.s32 s2, s4;
	[dreg:$0x0] =	wrdreg $0x0  }
0xa8: {  	s4 =	sshll.u32 s28, $0x1;
	[dreg:$0x2] =	wrdreg s2  }
0xa9: {  	[dreg:$0x3] =	wrdreg s4  }
0xaa: {  	[dreg:$0x4] =	wrdreg $0xC0  }
0xab: {  	_ =	task [dreg:s6], $0x5FFFF  }
0xac: {  	[dreg:$0x1] =	wrdreg $0xFFFFFFFF  }
0xad: {  	[dreg:$0x0] =	wrdreg $0x60  }
0xae: {  	[dreg:$0x2] =	wrdreg s24  }
0xaf: {  	[dreg:$0x3] =	wrdreg $0xEB500  }
0xb0: {  	[dreg:$0x4] =	wrdreg $0x9  }
0xb1: {  	_ =	task.clear_ibuf [dreg:s6], $0x5FFFF;
	_ =	strace $0x90000049  }
0xb2: {  	s29 =	simm.s32 $0x9;
	_ =	strace $0x8000004B  }
0xb3: {  	_ =	swait.ge [sflag:s29], $0x1  }
0xb4: {  	[sflag:s29] =	ssyncadd.s32 $0xFFFFFFFF  }
0xb5: {  	_ =	strace $0x9000004B  }
0xb6: {  	_ =	sfence  }
0xb7: {  	s30 =	sld [smem:$0x0];
	_ =	sdelay $0x2  }
0xb8: {  	s31 =	sshll.u32 s1, $0xD;
	s1 =	sshrl.u32 s1, $0x2  }
0xb9: {  	s3 =	sand.u32 $0x4000, s31;
	s1 =	sadd.s32 s1, s30  }
0xba: {  	s0 =	sor.u32 s3, s0;
	s1 =	sshll.u32 s1, $0x11  }
0xbb: {  	s0 =	sor.u32 s1, s0  }
0xbc: {  	s0 =	sadd.s32 $0x8F2B, s0  }
0xbd: {  	[sflag:s0] =	ssyncadd.remote.s32 $0x1  }
0xbe: {  	_ =	sfence.sel $0xFFFF  }
0xbf: {  	[dreg:$0x0] =	wrdreg $0xFFFFFFFF;
	(pc) =	sbr.abs _section_cstart, $3  }
0xc0: {  	[dreg:$0x1] =	wrdreg $0xFFFFFFFF  }
0xc1: {  	_ =	task.clear_ibuf [dreg:s6], $0x2FFFF;
	_ =	strace $0x9FFFFFFF  }
0xc2: {  	(tm) =	ssettm $0x7FFFFFFF  }
0xc3: {  	_ =	shalt  }
tec
execute0_lowered:
.L_overlay_start_1:
0x0: {  	(tag) =	ssettag $0x1  }
0x1: {  	s0 =	rddreg [dreg:$0x0]  }
0x2: {  	s1 =	rddreg [dreg:$0x1];
	s9 =	simm.s32 $0x0;
	s2 =	srdreg.scid  }
0x3: {  	s10 =	stileid.u32;
	s18 =	simm.s32 $0xB;
	s19 =	simm.s32 $0x1400  }
0x4: {  	s29 =	simm.s32 $0x9D30;
	s30 =	simm.s32 $0x2;
	s14 =	simm.s32 $0x4  }
0x5: {  	s16 =	simm.s32 $0x7;
	s17 =	simm.s32 $0x5;
	s28 =	simm.s32 $0xA  }
0x6: {  	s31 =	simm.s32 $0x1380;
	[smem:$0x7FF] =	sst s9;
	s4 =	sadd.s32 $0x3600, s0  }
0x7: {  	s5 =	sadd.s32 $0x8EE00, s0;
	s2 =	sand.u32 $0x1, s2;
	s6 =	sadd.s32 $0x76600, s0  }
0x8: {  	s7 =	smul.u32 $0xC300, s10;
	s8 =	sadd.s32 $0xBFE00, s0;
	s20 =	sadd.s32 $0xA7600, s0  }
0x9: {  	s11 =	smul.u32 $0xA0, s10;
	_ =	strace $0x8000004A;
	[dreg:$0x4] =	wrdreg s8  }
0xa: {  	s12 =	sadd.s32 $0xD600, s0;
	s26 =	sshll.u32 s10, $0x6;
	[dreg:$0x5] =	wrdreg s20  }
0xb: {  	s3 =	ssub.s32 $0x2, s2;
	p0 =	seq.s32 s2, $0x1;
	[dreg:$0x9] =	wrdreg s26  }
0xc: {  	s0 =	sor.u32 $0x1C0B, s26;
	s20 =	simm.s32 $0x7D;
	s26 =	simm.s32 $0x1  }
0xd: {  	s8 =	simm.s32 $0x6;
	s21 =	sshrl.u32 s3, $0x1;
	s22 =	sshrl.u32 s7, $0x3  }
0xe: {  	s23 =	sadd.s32 s7, s1;
	[dreg:$0xb] =	wrdreg s0;
	s7 =	simm.s32 $0x3  }
0xf: {  	s0 =	simm.s32 $0x2780;
	s3 =	ssub.s32 s3, s21;
	s24 =	sadd.s32 s5, s22  }
.Ltmp0:
0x10: {  	[dreg:$0x6] =	wrdreg s22;
	s25 =	sadd.s32 s6, s22;
	(pc) =	sbr.rel .LBB2_1-.Ltmp0, $4  }
0x11: {  	s13 =	sshrl.u32 s23, $0x3;
	s21 =	simm.s32 $0x2800;
	[dreg:$0x7] =	wrdreg s24  }
0x12: {  	s23 =	simm.s32 $0x4F10;
	s22 =	simm.s32 $0x8;
	[dreg:$0x8] =	wrdreg s25  }
0x13: {  	s3 =	smax.u32 s3, $0x1;
	s25 =	simm.s32 $0x7620;
	[dreg:$0xc] =	wrdreg s13  }
0x14: {  	s24 =	simm.s32 $0x9;
	[dreg:$0xa] =	wrdreg s3;
	s3 =	simm.s32 $0xC440  }
.LBB2_12:
0x15: {  	s2 =	rddreg [dreg:$0x6];
	[bflag:$0x0] =	sbarrier.arrive $0xFFFF  }
0x16: {  	s2 =	sadd.s32 s9, s2;
	s13 =	rddreg [dreg:$0xc]  }
0x17: {  	[hbm:s2], [sflag:s15] =	dma.local [spmem:s13], $0x1900  }
0x18: {  	_ =	swait.ge [sflag:s18], $0x1900  }
0x19: {  	s9 =	sadd.s32 $0x1, s10;
	s15 =	rddreg [dreg:$0xa]  }
0x1a: {  	p1 =	sne.s32 s9, s15  }
.Ltmp1:
0x1b: {  	_ = 	snop;
	(pc) =	sbr.rel @!p1 .LBB2_13-.Ltmp1, $3  }
0x1c: {  	_ =	sdelay $0x1  }
0x1d: {  	[sflag:s18] =	ssyncset.done $0x0  }
0x1e: {  	[sflag:s18] =	ssyncadd.s32 $0xFFFFE700  }
.LBB2_1:
.Ltmp2:
0x1f: {  	(pc) =	sbr.rel @!p0 .LBB2_2-.Ltmp2, $2  }
0x20: {  	_ =	sdelay $0x2  }
0x21: {  	[dreg:$0x3] =	wrdreg s9  }
0x22: {  	s2 =	rddreg [dreg:$0x8]  }
0x23: {  	s9 =	rddreg [dreg:$0xb]  }
0x24: {  	[spmem:s13], [sflag:s9] =	dma.local [hbm:s2], $0x1900  }
0x25: {  	_ =	swait.ge [sflag:s18], $0x1900  }
0x26: {  	[sflag:s18] =	ssyncset.done $0x0  }
0x27: {  	[sflag:s18] =	ssyncadd.s32 $0xFFFFE700  }
0x28: {  	s10 =	simm.s32 $0x0;
	s13 =	simm.s32 $0x0;
	[bflag:$0x0] =	sbarrier.arrive $0xFFFF  }
.LBB2_8:
0x29: {  	s2 =	smul.u32 $0x28, s13;
	_ =	sdelay $0x1  }
0x2a: {  	s2 =	sadd.s32 s11, s2  }
0x2b: {  	s2 =	sshll.u32 s2, $0x4  }
0x2c: {  	s9 =	sadd.s32 s4, s2  }
0x2d: {  	[tilespmem:s10], [sflag:$0xB] =	stream.linear.gather [hbm4b:s9+s10], $0x1400, $0x38;
	[tilespmem:$0x1AEA0] =	vst v63  }
0x2e: {  	_ =	swait.ge [sflag:s18], $0x1400  }
0x2f: {  	[sflag:s18] =	ssyncset.done $0x0  }
0x30: {  	s2 =	sadd.s32 s2, s12;
	[sflag:s18] =	ssyncadd.s32 $0xFFFFEC00  }
0x31: {  	[tilespmem:s19], [sflag:$0xB] =	stream.linear.gather [hbm4b:s2+s10], $0x1400, $0x38;
	[tilespmem:$0x1AEA0] =	vst v63  }
0x32: {  	_ =	swait.ge [sflag:s18], $0x1400  }
0x33: {  	[sflag:s18] =	ssyncset.done $0x0  }
0x34: {  	[sflag:s18] =	ssyncadd.s32 $0xFFFFEC00  }
0x35: {  	[tilespmem:s21], [sflag:$0x1] =	stream.indirect.gather [hbm4b:s6+s20], $0x50, s10, s20, $0xb8;
	[tilespmem:$0x1AEA0] =	vst v63  }
0x36: {  	s15 =	simm.s32 $0x80  }
0x37: {  	[tilespmem:s23], [sflag:$0x2] =	stream.indirect.gather [hbm4b:s6+s20], $0x50, s15, s20, $0xb8;
	[tilespmem:$0x1AEA0] =	vst v63  }
0x38: {  	s9 =	simm.s32 $0x100  }
0x39: {  	[tilespmem:s25], [sflag:$0x3] =	stream.indirect.gather [hbm4b:s6+s20], $0x50, s9, s20, $0xb8;
	[tilespmem:$0x1AEA0] =	vst v63  }
0x3a: {  	_ =	swait.ge [sflag:s26], $0x2710  }
0x3b: {  	[sflag:s26] =	ssyncset.done $0x0  }
0x3c: {  	[sflag:s26] =	ssyncadd.s32 $0xFFFFD8F0  }
0x3d: {  	[spmem:s1] =	stream.indirect.scatter.add.f32 [tilespmem:s21], [sflag:$0x6], $0x50, s19, s20, $0xb8;
	[tilespmem:$0x1AEA0] =	vst v63  }
0x3e: {  	s15 =	simm.s32 $0x180  }
0x3f: {  	[tilespmem:s29], [sflag:$0x4] =	stream.indirect.gather [hbm4b:s6+s20], $0x50, s15, s20, $0xb8;
	[tilespmem:$0x1AEA0] =	vst v63  }
0x40: {  	_ =	swait.ge [sflag:s30], $0x2710  }
0x41: {  	[sflag:s30] =	ssyncset.done $0x0  }
0x42: {  	s9 =	simm.s32 $0x1480;
	[sflag:s30] =	ssyncadd.s32 $0xFFFFD8F0  }
0x43: {  	[spmem:s1] =	stream.indirect.scatter.add.f32 [tilespmem:s23], [sflag:$0x7], $0x50, s9, s20, $0xb8;
	[tilespmem:$0x1AEA0] =	vst v63  }
0x44: {  	s15 =	simm.s32 $0x200  }
0x45: {  	[tilespmem:s3], [sflag:$0x5] =	stream.indirect.gather [hbm4b:s6+s20], $0x50, s15, s20, $0xb8;
	[tilespmem:$0x1AEA0] =	vst v63  }
0x46: {  	_ =	swait.ge [sflag:s7], $0x2710  }
0x47: {  	[sflag:s7] =	ssyncset.done $0x0  }
0x48: {  	s9 =	simm.s32 $0x1500;
	[sflag:s7] =	ssyncadd.s32 $0xFFFFD8F0  }
0x49: {  	[spmem:s1] =	stream.indirect.scatter.add.f32 [tilespmem:s25], [sflag:$0x8], $0x50, s9, s20, $0xb8;
	[tilespmem:$0x1AEA0] =	vst v63  }
0x4a: {  	_ =	swait.ge [sflag:s8], $0x2710  }
0x4b: {  	[sflag:s8] =	ssyncset.done $0x0  }
0x4c: {  	s15 =	simm.s32 $0x280;
	[sflag:s8] =	ssyncadd.s32 $0xFFFFD8F0  }
0x4d: {  	[tilespmem:s21], [sflag:$0x1] =	stream.indirect.gather [hbm4b:s6+s20], $0x50, s15, s20, $0xb8;
	[tilespmem:$0x1AEA0] =	vst v63  }
0x4e: {  	_ =	swait.ge [sflag:s14], $0x2710  }
0x4f: {  	[sflag:s14] =	ssyncset.done $0x0  }
0x50: {  	s9 =	simm.s32 $0x1580;
	[sflag:s14] =	ssyncadd.s32 $0xFFFFD8F0  }
0x51: {  	[spmem:s1] =	stream.indirect.scatter.add.f32 [tilespmem:s29], [sflag:$0x9], $0x50, s9, s20, $0xb8;
	[tilespmem:$0x1AEA0] =	vst v63  }
0x52: {  	_ =	swait.ge [sflag:s16], $0x2710  }
0x53: {  	[sflag:s16] =	ssyncset.done $0x0  }
0x54: {  	s15 =	simm.s32 $0x300;
	[sflag:s16] =	ssyncadd.s32 $0xFFFFD8F0  }
0x55: {  	[tilespmem:s23], [sflag:$0x2] =	stream.indirect.gather [hbm4b:s6+s20], $0x50, s15, s20, $0xb8;
	[tilespmem:$0x1AEA0] =	vst v63  }
0x56: {  	_ =	swait.ge [sflag:s17], $0x2710  }
0x57: {  	[sflag:s17] =	ssyncset.done $0x0  }
0x58: {  	s9 =	simm.s32 $0x1600;
	[sflag:s17] =	ssyncadd.s32 $0xFFFFD8F0  }
0x59: {  	[spmem:s1] =	stream.indirect.scatter.add.f32 [tilespmem:s3], [sflag:$0xA], $0x50, s9, s20, $0xb8;
	[tilespmem:$0x1AEA0] =	vst v63  }
0x5a: {  	_ =	swait.ge [sflag:s22], $0x2710  }
0x5b: {  	[sflag:s22] =	ssyncset.done $0x0  }
0x5c: {  	s15 =	simm.s32 $0x380;
	[sflag:s22] =	ssyncadd.s32 $0xFFFFD8F0  }
0x5d: {  	[tilespmem:s25], [sflag:$0x3] =	stream.indirect.gather [hbm4b:s6+s20], $0x50, s15, s20, $0xb8;
	[tilespmem:$0x1AEA0] =	vst v63  }
0x5e: {  	_ =	swait.ge [sflag:s26], $0x2710  }
0x5f: {  	[sflag:s26] =	ssyncset.done $0x0  }
0x60: {  	s9 =	simm.s32 $0x1680;
	[sflag:s26] =	ssyncadd.s32 $0xFFFFD8F0  }
0x61: {  	[spmem:s1] =	stream.indirect.scatter.add.f32 [tilespmem:s21], [sflag:$0x6], $0x50, s9, s20, $0xb8;
	[tilespmem:$0x1AEA0] =	vst v63  }
0x62: {  	_ =	swait.ge [sflag:s24], $0x2710  }
0x63: {  	[sflag:s24] =	ssyncset.done $0x0  }
0x64: {  	s15 =	simm.s32 $0x400;
	[sflag:s24] =	ssyncadd.s32 $0xFFFFD8F0  }
0x65: {  	[tilespmem:s29], [sflag:$0x4] =	stream.indirect.gather [hbm4b:s6+s20], $0x50, s15, s20, $0xb8;
	[tilespmem:$0x1AEA0] =	vst v63  }
0x66: {  	_ =	swait.ge [sflag:s30], $0x2710  }
0x67: {  	[sflag:s30] =	ssyncset.done $0x0  }
0x68: {  	s9 =	simm.s32 $0x1700;
	[sflag:s30] =	ssyncadd.s32 $0xFFFFD8F0  }
0x69: {  	[spmem:s1] =	stream.indirect.scatter.add.f32 [tilespmem:s23], [sflag:$0x7], $0x50, s9, s20, $0xb8;
	[tilespmem:$0x1AEA0] =	vst v63  }
0x6a: {  	_ =	swait.ge [sflag:s28], $0x2710  }
0x6b: {  	[sflag:s28] =	ssyncset.done $0x0  }
0x6c: {  	s15 =	simm.s32 $0x480;
	[sflag:s28] =	ssyncadd.s32 $0xFFFFD8F0  }
0x6d: {  	[tilespmem:s3], [sflag:$0x5] =	stream.indirect.gather [hbm4b:s6+s20], $0x50, s15, s20, $0xb8;
	[tilespmem:$0x1AEA0] =	vst v63  }
0x6e: {  	_ =	swait.ge [sflag:s7], $0x2710  }
0x6f: {  	[sflag:s7] =	ssyncset.done $0x0  }
0x70: {  	s9 =	simm.s32 $0x1780;
	[sflag:s7] =	ssyncadd.s32 $0xFFFFD8F0  }
0x71: {  	[spmem:s1] =	stream.indirect.scatter.add.f32 [tilespmem:s25], [sflag:$0x8], $0x50, s9, s20, $0xb8;
	[tilespmem:$0x1AEA0] =	vst v63  }
0x72: {  	_ =	swait.ge [sflag:s8], $0x2710  }
0x73: {  	[sflag:s8] =	ssyncset.done $0x0  }
0x74: {  	s15 =	simm.s32 $0x500;
	[sflag:s8] =	ssyncadd.s32 $0xFFFFD8F0  }
0x75: {  	[tilespmem:s21], [sflag:$0x1] =	stream.indirect.gather [hbm4b:s6+s20], $0x50, s15, s20, $0xb8;
	[tilespmem:$0x1AEA0] =	vst v63  }
0x76: {  	_ =	swait.ge [sflag:s14], $0x2710  }
0x77: {  	[sflag:s14] =	ssyncset.done $0x0  }
0x78: {  	s9 =	simm.s32 $0x1800;
	[sflag:s14] =	ssyncadd.s32 $0xFFFFD8F0  }
0x79: {  	[spmem:s1] =	stream.indirect.scatter.add.f32 [tilespmem:s29], [sflag:$0x9], $0x50, s9, s20, $0xb8;
	[tilespmem:$0x1AEA0] =	vst v63  }
0x7a: {  	_ =	swait.ge [sflag:s16], $0x2710  }
0x7b: {  	[sflag:s16] =	ssyncset.done $0x0  }
0x7c: {  	s15 =	simm.s32 $0x580;
	[sflag:s16] =	ssyncadd.s32 $0xFFFFD8F0  }
0x7d: {  	[tilespmem:s23], [sflag:$0x2] =	stream.indirect.gather [hbm4b:s6+s20], $0x50, s15, s20, $0xb8;
	[tilespmem:$0x1AEA0] =	vst v63  }
0x7e: {  	_ =	swait.ge [sflag:s17], $0x2710  }
0x7f: {  	[sflag:s17] =	ssyncset.done $0x0  }
0x80: {  	s9 =	simm.s32 $0x1880;
	s15 =	simm.s32 $0xA00;
	[sflag:s17] =	ssyncadd.s32 $0xFFFFD8F0  }
.LBB2_9:
0x81: {  	[spmem:s1] =	stream.indirect.scatter.add.f32 [tilespmem:s3], [sflag:$0xA], $0x50, s9, s20, $0xb8;
	[tilespmem:$0x1AEA0] =	vst v63  }
0x82: {  	s2 =	smov.u32 s15;
	s15 =	sadd.s32 $0xA00, s15;
	_ =	swait.ge [sflag:s22], $0x2710  }
0x83: {  	s9 =	sshra.s32 s2, $0x2;
	p1 =	sne.s32 s15, $0x3C00;
	[sflag:s22] =	ssyncset.done $0x0  }
0x84: {  	s2 =	sadd.s32 $0x380, s9;
	[sflag:s22] =	ssyncadd.s32 $0xFFFFD8F0  }
0x85: {  	[tilespmem:s25], [sflag:$0x3] =	stream.indirect.gather [hbm4b:s6+s20], $0x50, s2, s20, $0xb8;
	[tilespmem:$0x1AEA0] =	vst v63  }
0x86: {  	_ =	swait.ge [sflag:s26], $0x2710  }
0x87: {  	[sflag:s26] =	ssyncset.done $0x0  }
0x88: {  	s2 =	sadd.s32 $0x1680, s9;
	[sflag:s26] =	ssyncadd.s32 $0xFFFFD8F0  }
0x89: {  	[spmem:s1] =	stream.indirect.scatter.add.f32 [tilespmem:s21], [sflag:$0x6], $0x50, s2, s20, $0xb8;
	[tilespmem:$0x1AEA0] =	vst v63  }
0x8a: {  	_ =	swait.ge [sflag:s24], $0x2710  }
0x8b: {  	[sflag:s24] =	ssyncset.done $0x0  }
0x8c: {  	s2 =	sadd.s32 $0x400, s9;
	[sflag:s24] =	ssyncadd.s32 $0xFFFFD8F0  }
0x8d: {  	[tilespmem:s29], [sflag:$0x4] =	stream.indirect.gather [hbm4b:s6+s20], $0x50, s2, s20, $0xb8;
	[tilespmem:$0x1AEA0] =	vst v63  }
0x8e: {  	_ =	swait.ge [sflag:s30], $0x2710  }
0x8f: {  	[sflag:s30] =	ssyncset.done $0x0  }
0x90: {  	s2 =	sadd.s32 $0x1700, s9;
	[sflag:s30] =	ssyncadd.s32 $0xFFFFD8F0  }
0x91: {  	[spmem:s1] =	stream.indirect.scatter.add.f32 [tilespmem:s23], [sflag:$0x7], $0x50, s2, s20, $0xb8;
	[tilespmem:$0x1AEA0] =	vst v63  }
0x92: {  	_ =	swait.ge [sflag:s28], $0x2710  }
0x93: {  	[sflag:s28] =	ssyncset.done $0x0  }
0x94: {  	s2 =	sadd.s32 $0x480, s9;
	[sflag:s28] =	ssyncadd.s32 $0xFFFFD8F0  }
0x95: {  	[tilespmem:s3], [sflag:$0x5] =	stream.indirect.gather [hbm4b:s6+s20], $0x50, s2, s20, $0xb8;
	[tilespmem:$0x1AEA0] =	vst v63  }
0x96: {  	_ =	swait.ge [sflag:s7], $0x2710  }
0x97: {  	[sflag:s7] =	ssyncset.done $0x0  }
0x98: {  	s2 =	sadd.s32 $0x1780, s9;
	[sflag:s7] =	ssyncadd.s32 $0xFFFFD8F0  }
0x99: {  	[spmem:s1] =	stream.indirect.scatter.add.f32 [tilespmem:s25], [sflag:$0x8], $0x50, s2, s20, $0xb8;
	[tilespmem:$0x1AEA0] =	vst v63  }
0x9a: {  	_ =	swait.ge [sflag:s8], $0x2710  }
0x9b: {  	[sflag:s8] =	ssyncset.done $0x0  }
0x9c: {  	s2 =	sadd.s32 $0x500, s9;
	[sflag:s8] =	ssyncadd.s32 $0xFFFFD8F0  }
0x9d: {  	[tilespmem:s21], [sflag:$0x1] =	stream.indirect.gather [hbm4b:s6+s20], $0x50, s2, s20, $0xb8;
	[tilespmem:$0x1AEA0] =	vst v63  }
0x9e: {  	_ =	swait.ge [sflag:s14], $0x2710  }
0x9f: {  	[sflag:s14] =	ssyncset.done $0x0  }
0xa0: {  	s2 =	sadd.s32 $0x1800, s9;
	[sflag:s14] =	ssyncadd.s32 $0xFFFFD8F0  }
0xa1: {  	[spmem:s1] =	stream.indirect.scatter.add.f32 [tilespmem:s29], [sflag:$0x9], $0x50, s2, s20, $0xb8;
	[tilespmem:$0x1AEA0] =	vst v63  }
0xa2: {  	_ =	swait.ge [sflag:s16], $0x2710  }
0xa3: {  	[sflag:s16] =	ssyncset.done $0x0  }
.Ltmp3:
0xa4: {  	s2 =	sadd.s32 $0x580, s9;
	[sflag:s16] =	ssyncadd.s32 $0xFFFFD8F0;
	(pc) =	sbr.rel @p1 .LBB2_9-.Ltmp3, $4  }
0xa5: {  	[tilespmem:s23], [sflag:$0x2] =	stream.indirect.gather [hbm4b:s6+s20], $0x50, s2, s20, $0xb8;
	[tilespmem:$0x1AEA0] =	vst v63  }
0xa6: {  	_ =	swait.ge [sflag:s17], $0x2710  }
0xa7: {  	[sflag:s17] =	ssyncset.done $0x0  }
0xa8: {  	s9 =	sadd.s32 $0x1880, s9;
	[sflag:s17] =	ssyncadd.s32 $0xFFFFD8F0  }
0xa9: {  	[spmem:s1] =	stream.indirect.scatter.add.f32 [tilespmem:s3], [sflag:$0xA], $0x50, s9, s20, $0xb8;
	[tilespmem:$0x1AEA0] =	vst v63  }
0xaa: {  	_ =	swait.ge [sflag:s22], $0x2710  }
0xab: {  	s2 =	sshra.s32 s15, $0x2;
	[sflag:s22] =	ssyncset.done $0x0  }
0xac: {  	s15 =	sadd.s32 $0x380, s2;
	[sflag:s22] =	ssyncadd.s32 $0xFFFFD8F0  }
0xad: {  	[tilespmem:s25], [sflag:$0x3] =	stream.indirect.gather [hbm4b:s6+s20], $0x50, s15, s20, $0xb8;
	[tilespmem:$0x1AEA0] =	vst v63  }
0xae: {  	_ =	swait.ge [sflag:s26], $0x2710  }
0xaf: {  	[sflag:s26] =	ssyncset.done $0x0  }
0xb0: {  	s15 =	sadd.s32 $0x1680, s2;
	[sflag:s26] =	ssyncadd.s32 $0xFFFFD8F0  }
0xb1: {  	[spmem:s1] =	stream.indirect.scatter.add.f32 [tilespmem:s21], [sflag:$0x6], $0x50, s15, s20, $0xb8;
	[tilespmem:$0x1AEA0] =	vst v63  }
0xb2: {  	_ =	swait.ge [sflag:s24], $0x2710  }
0xb3: {  	[sflag:s24] =	ssyncset.done $0x0  }
0xb4: {  	s15 =	sadd.s32 $0x400, s2;
	[sflag:s24] =	ssyncadd.s32 $0xFFFFD8F0  }
0xb5: {  	[tilespmem:s29], [sflag:$0x4] =	stream.indirect.gather [hbm4b:s6+s20], $0x50, s15, s20, $0xb8;
	[tilespmem:$0x1AEA0] =	vst v63  }
0xb6: {  	_ =	swait.ge [sflag:s30], $0x2710  }
0xb7: {  	[sflag:s30] =	ssyncset.done $0x0  }
0xb8: {  	s15 =	sadd.s32 $0x1700, s2;
	[sflag:s30] =	ssyncadd.s32 $0xFFFFD8F0  }
0xb9: {  	[spmem:s1] =	stream.indirect.scatter.add.f32 [tilespmem:s23], [sflag:$0x7], $0x50, s15, s20, $0xb8;
	[tilespmem:$0x1AEA0] =	vst v63  }
0xba: {  	_ =	swait.ge [sflag:s28], $0x2710  }
0xbb: {  	[sflag:s28] =	ssyncset.done $0x0  }
0xbc: {  	[sflag:s28] =	ssyncadd.s32 $0xFFFFD8F0  }
0xbd: {  	[tilespmem:s3], [sflag:$0x5] =	stream.indirect.gather [hbm4b:s6+s20], $0x50, s31, s20, $0xb8;
	[tilespmem:$0x1AEA0] =	vst v63  }
0xbe: {  	_ =	swait.ge [sflag:s7], $0x2710  }
0xbf: {  	[sflag:s7] =	ssyncset.done $0x0  }
0xc0: {  	s15 =	sadd.s32 $0x1780, s2;
	[sflag:s7] =	ssyncadd.s32 $0xFFFFD8F0  }
0xc1: {  	[spmem:s1] =	stream.indirect.scatter.add.f32 [tilespmem:s25], [sflag:$0x8], $0x50, s15, s20, $0xb8;
	[tilespmem:$0x1AEA0] =	vst v63  }
0xc2: {  	_ =	swait.ge [sflag:s8], $0x2710  }
0xc3: {  	[sflag:s8] =	ssyncset.done $0x0  }
0xc4: {  	[sflag:s8] =	ssyncadd.s32 $0xFFFFD8F0  }
0xc5: {  	_ =	swait.ge [sflag:s14], $0x2710  }
0xc6: {  	[sflag:s14] =	ssyncset.done $0x0  }
0xc7: {  	s2 =	sadd.s32 $0x1800, s2;
	[sflag:s14] =	ssyncadd.s32 $0xFFFFD8F0  }
0xc8: {  	[spmem:s1] =	stream.indirect.scatter.add.f32 [tilespmem:s29], [sflag:$0x9], $0x50, s2, s20, $0xb8;
	[tilespmem:$0x1AEA0] =	vst v63  }
0xc9: {  	_ =	swait.ge [sflag:s16], $0x2710  }
0xca: {  	[sflag:s16] =	ssyncset.done $0x0  }
0xcb: {  	[sflag:s16] =	ssyncadd.s32 $0xFFFFD8F0  }
0xcc: {  	_ =	swait.ge [sflag:s17], $0x2710  }
0xcd: {  	[sflag:s17] =	ssyncset.done $0x0  }
0xce: {  	[sflag:s17] =	ssyncadd.s32 $0xFFFFD8F0  }
0xcf: {  	[spmem:s1] =	stream.indirect.scatter.add.f32 [tilespmem:s3], [sflag:$0xA], $0x50, s0, s20, $0xb8;
	[tilespmem:$0x1AEA0] =	vst v63  }
0xd0: {  	_ =	swait.ge [sflag:s22], $0x2710  }
0xd1: {  	[sflag:s22] =	ssyncset.done $0x0  }
0xd2: {  	s13 =	sadd.s32 $0x1, s13;
	[sflag:s22] =	ssyncadd.s32 $0xFFFFD8F0  }
0xd3: {  	p1 =	sne.s32 s13, $0x4;
	_ =	swait.ge [sflag:s24], $0x2710  }
.Ltmp4:
0xd4: {  	[sflag:s24] =	ssyncset.done $0x0;
	(pc) =	sbr.rel @p1 .LBB2_8-.Ltmp4, $4  }
0xd5: {  	[sflag:s24] =	ssyncadd.s32 $0xFFFFD8F0  }
0xd6: {  	_ =	swait.ge [sflag:s28], $0x2710  }
0xd7: {  	[sflag:s28] =	ssyncset.done $0x0  }
0xd8: {  	[sflag:s28] =	ssyncadd.s32 $0xFFFFD8F0  }
.Ltmp5:
0xd9: {  	(pc) =	sbr.rel .LBB2_12-.Ltmp5, $4  }
0xda: {  	_ = 	snop  }
0xdb: {  	s9 =	rddreg [dreg:$0x5]  }
0xdc: {  	s15 =	rddreg [dreg:$0xb]  }
0xdd: {  	s10 =	rddreg [dreg:$0x3]  }
.LBB2_2:
0xde: {  	s2 =	rddreg [dreg:$0x9]  }
0xdf: {  	s15 =	rddreg [dreg:$0x7];
	s9 =	sor.u32 $0x1C0B, s2  }
0xe0: {  	[dreg:$0xd] =	wrdreg s9  }
0xe1: {  	[spmem:s13], [sflag:s9] =	dma.local [hbm:s15], $0x1900  }
0xe2: {  	_ =	swait.ge [sflag:s18], $0x1900  }
0xe3: {  	[sflag:s18] =	ssyncset.done $0x0  }
0xe4: {  	[sflag:s18] =	ssyncadd.s32 $0xFFFFE700  }
0xe5: {  	s10 =	simm.s32 $0x0;
	s13 =	simm.s32 $0x0;
	[bflag:$0x0] =	sbarrier.arrive $0xFFFF  }
.LBB2_3:
0xe6: {  	s9 =	smul.u32 $0x28, s13;
	_ =	sdelay $0x1  }
0xe7: {  	s9 =	sadd.s32 s11, s9  }
0xe8: {  	s9 =	sshll.u32 s9, $0x4  }
0xe9: {  	s15 =	sadd.s32 s4, s9  }
0xea: {  	[tilespmem:s10], [sflag:$0xB] =	stream.linear.gather [hbm4b:s15+s10], $0x1400, $0x38;
	[tilespmem:$0x1AEA0] =	vst v63  }
0xeb: {  	_ =	swait.ge [sflag:s18], $0x1400  }
0xec: {  	[sflag:s18] =	ssyncset.done $0x0  }
0xed: {  	s9 =	sadd.s32 s9, s12;
	[sflag:s18] =	ssyncadd.s32 $0xFFFFEC00  }
0xee: {  	[tilespmem:s19], [sflag:$0xB] =	stream.linear.gather [hbm4b:s9+s10], $0x1400, $0x38;
	[tilespmem:$0x1AEA0] =	vst v63  }
0xef: {  	_ =	swait.ge [sflag:s18], $0x1400  }
0xf0: {  	[sflag:s18] =	ssyncset.done $0x0  }
0xf1: {  	[sflag:s18] =	ssyncadd.s32 $0xFFFFEC00  }
0xf2: {  	[tilespmem:s21], [sflag:$0x1] =	stream.indirect.gather [hbm4b:s5+s20], $0x50, s10, s20, $0xb8;
	[tilespmem:$0x1AEA0] =	vst v63  }
0xf3: {  	s2 =	simm.s32 $0x80  }
0xf4: {  	[tilespmem:s23], [sflag:$0x2] =	stream.indirect.gather [hbm4b:s5+s20], $0x50, s2, s20, $0xb8;
	[tilespmem:$0x1AEA0] =	vst v63  }
0xf5: {  	s9 =	simm.s32 $0x100  }
0xf6: {  	[tilespmem:s25], [sflag:$0x3] =	stream.indirect.gather [hbm4b:s5+s20], $0x50, s9, s20, $0xb8;
	[tilespmem:$0x1AEA0] =	vst v63  }
0xf7: {  	_ =	swait.ge [sflag:s26], $0x2710  }
0xf8: {  	[sflag:s26] =	ssyncset.done $0x0  }
0xf9: {  	[sflag:s26] =	ssyncadd.s32 $0xFFFFD8F0  }
0xfa: {  	[spmem:s1] =	stream.indirect.scatter.add.f32 [tilespmem:s21], [sflag:$0x6], $0x50, s19, s20, $0xb8;
	[tilespmem:$0x1AEA0] =	vst v63  }
0xfb: {  	s15 =	simm.s32 $0x180  }
0xfc: {  	[tilespmem:s29], [sflag:$0x4] =	stream.indirect.gather [hbm4b:s5+s20], $0x50, s15, s20, $0xb8;
	[tilespmem:$0x1AEA0] =	vst v63  }
0xfd: {  	_ =	swait.ge [sflag:s30], $0x2710  }
0xfe: {  	[sflag:s30] =	ssyncset.done $0x0  }
0xff: {  	s9 =	simm.s32 $0x1480;
	[sflag:s30] =	ssyncadd.s32 $0xFFFFD8F0  }
0x100: {  	[spmem:s1] =	stream.indirect.scatter.add.f32 [tilespmem:s23], [sflag:$0x7], $0x50, s9, s20, $0xb8;
	[tilespmem:$0x1AEA0] =	vst v63  }
0x101: {  	s15 =	simm.s32 $0x200  }
0x102: {  	[tilespmem:s3], [sflag:$0x5] =	stream.indirect.gather [hbm4b:s5+s20], $0x50, s15, s20, $0xb8;
	[tilespmem:$0x1AEA0] =	vst v63  }
0x103: {  	_ =	swait.ge [sflag:s7], $0x2710  }
0x104: {  	[sflag:s7] =	ssyncset.done $0x0  }
0x105: {  	s9 =	simm.s32 $0x1500;
	[sflag:s7] =	ssyncadd.s32 $0xFFFFD8F0  }
0x106: {  	[spmem:s1] =	stream.indirect.scatter.add.f32 [tilespmem:s25], [sflag:$0x8], $0x50, s9, s20, $0xb8;
	[tilespmem:$0x1AEA0] =	vst v63  }
0x107: {  	_ =	swait.ge [sflag:s8], $0x2710  }
0x108: {  	[sflag:s8] =	ssyncset.done $0x0  }
0x109: {  	s15 =	simm.s32 $0x280;
	[sflag:s8] =	ssyncadd.s32 $0xFFFFD8F0  }
0x10a: {  	[tilespmem:s21], [sflag:$0x1] =	stream.indirect.gather [hbm4b:s5+s20], $0x50, s15, s20, $0xb8;
	[tilespmem:$0x1AEA0] =	vst v63  }
0x10b: {  	_ =	swait.ge [sflag:s14], $0x2710  }
0x10c: {  	[sflag:s14] =	ssyncset.done $0x0  }
0x10d: {  	s9 =	simm.s32 $0x1580;
	[sflag:s14] =	ssyncadd.s32 $0xFFFFD8F0  }
0x10e: {  	[spmem:s1] =	stream.indirect.scatter.add.f32 [tilespmem:s29], [sflag:$0x9], $0x50, s9, s20, $0xb8;
	[tilespmem:$0x1AEA0] =	vst v63  }
0x10f: {  	_ =	swait.ge [sflag:s16], $0x2710  }
0x110: {  	[sflag:s16] =	ssyncset.done $0x0  }
0x111: {  	s15 =	simm.s32 $0x300;
	[sflag:s16] =	ssyncadd.s32 $0xFFFFD8F0  }
0x112: {  	[tilespmem:s23], [sflag:$0x2] =	stream.indirect.gather [hbm4b:s5+s20], $0x50, s15, s20, $0xb8;
	[tilespmem:$0x1AEA0] =	vst v63  }
0x113: {  	_ =	swait.ge [sflag:s17], $0x2710  }
0x114: {  	[sflag:s17] =	ssyncset.done $0x0  }
0x115: {  	s9 =	simm.s32 $0x1600;
	[sflag:s17] =	ssyncadd.s32 $0xFFFFD8F0  }
0x116: {  	[spmem:s1] =	stream.indirect.scatter.add.f32 [tilespmem:s3], [sflag:$0xA], $0x50, s9, s20, $0xb8;
	[tilespmem:$0x1AEA0] =	vst v63  }
0x117: {  	_ =	swait.ge [sflag:s22], $0x2710  }
0x118: {  	[sflag:s22] =	ssyncset.done $0x0  }
0x119: {  	s15 =	simm.s32 $0x380;
	[sflag:s22] =	ssyncadd.s32 $0xFFFFD8F0  }
0x11a: {  	[tilespmem:s25], [sflag:$0x3] =	stream.indirect.gather [hbm4b:s5+s20], $0x50, s15, s20, $0xb8;
	[tilespmem:$0x1AEA0] =	vst v63  }
0x11b: {  	_ =	swait.ge [sflag:s26], $0x2710  }
0x11c: {  	[sflag:s26] =	ssyncset.done $0x0  }
0x11d: {  	s2 =	simm.s32 $0x1680;
	[sflag:s26] =	ssyncadd.s32 $0xFFFFD8F0  }
0x11e: {  	[spmem:s1] =	stream.indirect.scatter.add.f32 [tilespmem:s21], [sflag:$0x6], $0x50, s2, s20, $0xb8;
	[tilespmem:$0x1AEA0] =	vst v63  }
0x11f: {  	_ =	swait.ge [sflag:s24], $0x2710  }
0x120: {  	[sflag:s24] =	ssyncset.done $0x0  }
0x121: {  	s15 =	simm.s32 $0x400;
	[sflag:s24] =	ssyncadd.s32 $0xFFFFD8F0  }
0x122: {  	[tilespmem:s29], [sflag:$0x4] =	stream.indirect.gather [hbm4b:s5+s20], $0x50, s15, s20, $0xb8;
	[tilespmem:$0x1AEA0] =	vst v63  }
0x123: {  	_ =	swait.ge [sflag:s30], $0x2710  }
0x124: {  	[sflag:s30] =	ssyncset.done $0x0  }
0x125: {  	s2 =	simm.s32 $0x1700;
	[sflag:s30] =	ssyncadd.s32 $0xFFFFD8F0  }
0x126: {  	[spmem:s1] =	stream.indirect.scatter.add.f32 [tilespmem:s23], [sflag:$0x7], $0x50, s2, s20, $0xb8;
	[tilespmem:$0x1AEA0] =	vst v63  }
0x127: {  	_ =	swait.ge [sflag:s28], $0x2710  }
0x128: {  	[sflag:s28] =	ssyncset.done $0x0  }
0x129: {  	s15 =	simm.s32 $0x480;
	[sflag:s28] =	ssyncadd.s32 $0xFFFFD8F0  }
0x12a: {  	[tilespmem:s3], [sflag:$0x5] =	stream.indirect.gather [hbm4b:s5+s20], $0x50, s15, s20, $0xb8;
	[tilespmem:$0x1AEA0] =	vst v63  }
0x12b: {  	_ =	swait.ge [sflag:s7], $0x2710  }
0x12c: {  	[sflag:s7] =	ssyncset.done $0x0  }
0x12d: {  	s2 =	simm.s32 $0x1780;
	[sflag:s7] =	ssyncadd.s32 $0xFFFFD8F0  }
0x12e: {  	[spmem:s1] =	stream.indirect.scatter.add.f32 [tilespmem:s25], [sflag:$0x8], $0x50, s2, s20, $0xb8;
	[tilespmem:$0x1AEA0] =	vst v63  }
0x12f: {  	_ =	swait.ge [sflag:s8], $0x2710  }
0x130: {  	[sflag:s8] =	ssyncset.done $0x0  }
0x131: {  	s15 =	simm.s32 $0x500;
	[sflag:s8] =	ssyncadd.s32 $0xFFFFD8F0  }
0x132: {  	[tilespmem:s21], [sflag:$0x1] =	stream.indirect.gather [hbm4b:s5+s20], $0x50, s15, s20, $0xb8;
	[tilespmem:$0x1AEA0] =	vst v63  }
0x133: {  	_ =	swait.ge [sflag:s14], $0x2710  }
0x134: {  	[sflag:s14] =	ssyncset.done $0x0  }
0x135: {  	s2 =	simm.s32 $0x1800;
	[sflag:s14] =	ssyncadd.s32 $0xFFFFD8F0  }
0x136: {  	[spmem:s1] =	stream.indirect.scatter.add.f32 [tilespmem:s29], [sflag:$0x9], $0x50, s2, s20, $0xb8;
	[tilespmem:$0x1AEA0] =	vst v63  }
0x137: {  	_ =	swait.ge [sflag:s16], $0x2710  }
0x138: {  	[sflag:s16] =	ssyncset.done $0x0  }
0x139: {  	s15 =	simm.s32 $0x580;
	[sflag:s16] =	ssyncadd.s32 $0xFFFFD8F0  }
0x13a: {  	[tilespmem:s23], [sflag:$0x2] =	stream.indirect.gather [hbm4b:s5+s20], $0x50, s15, s20, $0xb8;
	[tilespmem:$0x1AEA0] =	vst v63  }
0x13b: {  	_ =	swait.ge [sflag:s17], $0x2710  }
0x13c: {  	[sflag:s17] =	ssyncset.done $0x0  }
0x13d: {  	s9 =	simm.s32 $0x1880;
	s15 =	simm.s32 $0xA00;
	[sflag:s17] =	ssyncadd.s32 $0xFFFFD8F0  }
.LBB2_4:
0x13e: {  	[spmem:s1] =	stream.indirect.scatter.add.f32 [tilespmem:s3], [sflag:$0xA], $0x50, s9, s20, $0xb8;
	[tilespmem:$0x1AEA0] =	vst v63  }
0x13f: {  	s9 =	smov.u32 s15;
	s15 =	sadd.s32 $0xA00, s15;
	_ =	swait.ge [sflag:s22], $0x2710  }
0x140: {  	s9 =	sshra.s32 s9, $0x2;
	p1 =	sne.s32 s15, $0x3C00;
	[sflag:s22] =	ssyncset.done $0x0  }
0x141: {  	s2 =	sadd.s32 $0x380, s9;
	[sflag:s22] =	ssyncadd.s32 $0xFFFFD8F0  }
0x142: {  	[tilespmem:s25], [sflag:$0x3] =	stream.indirect.gather [hbm4b:s5+s20], $0x50, s2, s20, $0xb8;
	[tilespmem:$0x1AEA0] =	vst v63  }
0x143: {  	_ =	swait.ge [sflag:s26], $0x2710  }
0x144: {  	[sflag:s26] =	ssyncset.done $0x0  }
0x145: {  	s2 =	sadd.s32 $0x1680, s9;
	[sflag:s26] =	ssyncadd.s32 $0xFFFFD8F0  }
0x146: {  	[spmem:s1] =	stream.indirect.scatter.add.f32 [tilespmem:s21], [sflag:$0x6], $0x50, s2, s20, $0xb8;
	[tilespmem:$0x1AEA0] =	vst v63  }
0x147: {  	_ =	swait.ge [sflag:s24], $0x2710  }
0x148: {  	[sflag:s24] =	ssyncset.done $0x0  }
0x149: {  	s2 =	sadd.s32 $0x400, s9;
	[sflag:s24] =	ssyncadd.s32 $0xFFFFD8F0  }
0x14a: {  	[tilespmem:s29], [sflag:$0x4] =	stream.indirect.gather [hbm4b:s5+s20], $0x50, s2, s20, $0xb8;
	[tilespmem:$0x1AEA0] =	vst v63  }
0x14b: {  	_ =	swait.ge [sflag:s30], $0x2710  }
0x14c: {  	[sflag:s30] =	ssyncset.done $0x0  }
0x14d: {  	s2 =	sadd.s32 $0x1700, s9;
	[sflag:s30] =	ssyncadd.s32 $0xFFFFD8F0  }
0x14e: {  	[spmem:s1] =	stream.indirect.scatter.add.f32 [tilespmem:s23], [sflag:$0x7], $0x50, s2, s20, $0xb8;
	[tilespmem:$0x1AEA0] =	vst v63  }
0x14f: {  	_ =	swait.ge [sflag:s28], $0x2710  }
0x150: {  	[sflag:s28] =	ssyncset.done $0x0  }
0x151: {  	s2 =	sadd.s32 $0x480, s9;
	[sflag:s28] =	ssyncadd.s32 $0xFFFFD8F0  }
0x152: {  	[tilespmem:s3], [sflag:$0x5] =	stream.indirect.gather [hbm4b:s5+s20], $0x50, s2, s20, $0xb8;
	[tilespmem:$0x1AEA0] =	vst v63  }
0x153: {  	_ =	swait.ge [sflag:s7], $0x2710  }
0x154: {  	[sflag:s7] =	ssyncset.done $0x0  }
0x155: {  	s2 =	sadd.s32 $0x1780, s9;
	[sflag:s7] =	ssyncadd.s32 $0xFFFFD8F0  }
0x156: {  	[spmem:s1] =	stream.indirect.scatter.add.f32 [tilespmem:s25], [sflag:$0x8], $0x50, s2, s20, $0xb8;
	[tilespmem:$0x1AEA0] =	vst v63  }
0x157: {  	_ =	swait.ge [sflag:s8], $0x2710  }
0x158: {  	[sflag:s8] =	ssyncset.done $0x0  }
0x159: {  	s2 =	sadd.s32 $0x500, s9;
	[sflag:s8] =	ssyncadd.s32 $0xFFFFD8F0  }
0x15a: {  	[tilespmem:s21], [sflag:$0x1] =	stream.indirect.gather [hbm4b:s5+s20], $0x50, s2, s20, $0xb8;
	[tilespmem:$0x1AEA0] =	vst v63  }
0x15b: {  	_ =	swait.ge [sflag:s14], $0x2710  }
0x15c: {  	[sflag:s14] =	ssyncset.done $0x0  }
0x15d: {  	s2 =	sadd.s32 $0x1800, s9;
	[sflag:s14] =	ssyncadd.s32 $0xFFFFD8F0  }
0x15e: {  	[spmem:s1] =	stream.indirect.scatter.add.f32 [tilespmem:s29], [sflag:$0x9], $0x50, s2, s20, $0xb8;
	[tilespmem:$0x1AEA0] =	vst v63  }
0x15f: {  	_ =	swait.ge [sflag:s16], $0x2710  }
0x160: {  	[sflag:s16] =	ssyncset.done $0x0  }
.Ltmp6:
0x161: {  	s2 =	sadd.s32 $0x580, s9;
	[sflag:s16] =	ssyncadd.s32 $0xFFFFD8F0;
	(pc) =	sbr.rel @p1 .LBB2_4-.Ltmp6, $4  }
0x162: {  	[tilespmem:s23], [sflag:$0x2] =	stream.indirect.gather [hbm4b:s5+s20], $0x50, s2, s20, $0xb8;
	[tilespmem:$0x1AEA0] =	vst v63  }
0x163: {  	_ =	swait.ge [sflag:s17], $0x2710  }
0x164: {  	[sflag:s17] =	ssyncset.done $0x0  }
0x165: {  	s9 =	sadd.s32 $0x1880, s9;
	[sflag:s17] =	ssyncadd.s32 $0xFFFFD8F0  }
0x166: {  	[spmem:s1] =	stream.indirect.scatter.add.f32 [tilespmem:s3], [sflag:$0xA], $0x50, s9, s20, $0xb8;
	[tilespmem:$0x1AEA0] =	vst v63  }
0x167: {  	_ =	swait.ge [sflag:s22], $0x2710  }
0x168: {  	s2 =	sshra.s32 s15, $0x2;
	[sflag:s22] =	ssyncset.done $0x0  }
0x169: {  	s15 =	sadd.s32 $0x380, s2;
	[sflag:s22] =	ssyncadd.s32 $0xFFFFD8F0  }
0x16a: {  	[tilespmem:s25], [sflag:$0x3] =	stream.indirect.gather [hbm4b:s5+s20], $0x50, s15, s20, $0xb8;
	[tilespmem:$0x1AEA0] =	vst v63  }
0x16b: {  	_ =	swait.ge [sflag:s26], $0x2710  }
0x16c: {  	[sflag:s26] =	ssyncset.done $0x0  }
0x16d: {  	s15 =	sadd.s32 $0x1680, s2;
	[sflag:s26] =	ssyncadd.s32 $0xFFFFD8F0  }
0x16e: {  	[spmem:s1] =	stream.indirect.scatter.add.f32 [tilespmem:s21], [sflag:$0x6], $0x50, s15, s20, $0xb8;
	[tilespmem:$0x1AEA0] =	vst v63  }
0x16f: {  	_ =	swait.ge [sflag:s24], $0x2710  }
0x170: {  	[sflag:s24] =	ssyncset.done $0x0  }
0x171: {  	s15 =	sadd.s32 $0x400, s2;
	[sflag:s24] =	ssyncadd.s32 $0xFFFFD8F0  }
0x172: {  	[tilespmem:s29], [sflag:$0x4] =	stream.indirect.gather [hbm4b:s5+s20], $0x50, s15, s20, $0xb8;
	[tilespmem:$0x1AEA0] =	vst v63  }
0x173: {  	_ =	swait.ge [sflag:s30], $0x2710  }
0x174: {  	[sflag:s30] =	ssyncset.done $0x0  }
0x175: {  	s15 =	sadd.s32 $0x1700, s2;
	[sflag:s30] =	ssyncadd.s32 $0xFFFFD8F0  }
0x176: {  	[spmem:s1] =	stream.indirect.scatter.add.f32 [tilespmem:s23], [sflag:$0x7], $0x50, s15, s20, $0xb8;
	[tilespmem:$0x1AEA0] =	vst v63  }
0x177: {  	_ =	swait.ge [sflag:s28], $0x2710  }
0x178: {  	[sflag:s28] =	ssyncset.done $0x0  }
0x179: {  	[sflag:s28] =	ssyncadd.s32 $0xFFFFD8F0  }
0x17a: {  	[tilespmem:s3], [sflag:$0x5] =	stream.indirect.gather [hbm4b:s5+s20], $0x50, s31, s20, $0xb8;
	[tilespmem:$0x1AEA0] =	vst v63  }
0x17b: {  	_ =	swait.ge [sflag:s7], $0x2710  }
0x17c: {  	[sflag:s7] =	ssyncset.done $0x0  }
0x17d: {  	s15 =	sadd.s32 $0x1780, s2;
	[sflag:s7] =	ssyncadd.s32 $0xFFFFD8F0  }
0x17e: {  	[spmem:s1] =	stream.indirect.scatter.add.f32 [tilespmem:s25], [sflag:$0x8], $0x50, s15, s20, $0xb8;
	[tilespmem:$0x1AEA0] =	vst v63  }
0x17f: {  	_ =	swait.ge [sflag:s8], $0x2710  }
0x180: {  	[sflag:s8] =	ssyncset.done $0x0  }
0x181: {  	[sflag:s8] =	ssyncadd.s32 $0xFFFFD8F0  }
0x182: {  	_ =	swait.ge [sflag:s14], $0x2710  }
0x183: {  	[sflag:s14] =	ssyncset.done $0x0  }
0x184: {  	s2 =	sadd.s32 $0x1800, s2;
	[sflag:s14] =	ssyncadd.s32 $0xFFFFD8F0  }
0x185: {  	[spmem:s1] =	stream.indirect.scatter.add.f32 [tilespmem:s29], [sflag:$0x9], $0x50, s2, s20, $0xb8;
	[tilespmem:$0x1AEA0] =	vst v63  }
0x186: {  	_ =	swait.ge [sflag:s16], $0x2710  }
0x187: {  	[sflag:s16] =	ssyncset.done $0x0  }
0x188: {  	[sflag:s16] =	ssyncadd.s32 $0xFFFFD8F0  }
0x189: {  	_ =	swait.ge [sflag:s17], $0x2710  }
0x18a: {  	[sflag:s17] =	ssyncset.done $0x0  }
0x18b: {  	[sflag:s17] =	ssyncadd.s32 $0xFFFFD8F0  }
0x18c: {  	[spmem:s1] =	stream.indirect.scatter.add.f32 [tilespmem:s3], [sflag:$0xA], $0x50, s0, s20, $0xb8;
	[tilespmem:$0x1AEA0] =	vst v63  }
0x18d: {  	_ =	swait.ge [sflag:s22], $0x2710  }
0x18e: {  	[sflag:s22] =	ssyncset.done $0x0  }
0x18f: {  	s13 =	sadd.s32 $0x1, s13;
	[sflag:s22] =	ssyncadd.s32 $0xFFFFD8F0  }
0x190: {  	p1 =	seq.s32 s13, $0x4;
	_ =	swait.ge [sflag:s24], $0x2710  }
.Ltmp7:
0x191: {  	[sflag:s24] =	ssyncset.done $0x0;
	(pc) =	sbr.rel @!p1 .LBB2_3-.Ltmp7, $4  }
0x192: {  	[sflag:s24] =	ssyncadd.s32 $0xFFFFD8F0  }
0x193: {  	_ =	swait.ge [sflag:s28], $0x2710  }
0x194: {  	[sflag:s28] =	ssyncset.done $0x0  }
0x195: {  	[sflag:s28] =	ssyncadd.s32 $0xFFFFD8F0  }
.Ltmp8:
0x196: {  	(pc) =	sbr.rel .LBB2_12-.Ltmp8, $4  }
0x197: {  	_ = 	snop  }
0x198: {  	s9 =	rddreg [dreg:$0x4]  }
0x199: {  	s10 =	rddreg [dreg:$0x3]  }
0x19a: {  	s15 =	rddreg [dreg:$0xd]  }
.LBB2_13:
0x19b: {  	_ =	sfence.sel $0x180000  }
0x19c: {  	[bflag:$0x0] =	sbarrier.arrive $0xFFFF  }
0x19d: {  	_ =	strace $0x9000004A  }
0x19e: {  	s0 =	stileid.u32;
	[bflag:$0x2] =	sbarrier.arrive $0xFFFF  }
0x19f: {  	p0 =	sne.s32 s0, $0x0;
	s0 =	rddreg [dreg:$0x2]  }
0x1a0: {  	s0 =	sadd.s32 @!p0 $0x100000, s0  }
0x1a1: {  	[sflag:s0] =	ssyncadd.tile.s32 @!p0 $0x1;
	_ =	shalt  }
.Lfunc_end2:
_tile_overlayer_lowered:
.L_overlay_start_2:
0x1a2: {  	(tag) =	ssettag $0x2  }
0x1a3: {  	s0 =	rddreg [dreg:$0x0];
	s2 =	stileid.u32  }
0x1a4: {  	s1 =	rddreg [dreg:$0x1];
	p0 =	sne.s32 s2, $0x0  }
0x1a5: {  	s3 =	rddreg [dreg:$0x2];
	[bflag:$0x3] =	sbarrier.arrive $0xFFFF;
	s2 =	simm.s32 @!p0 $0x1C0B  }
0x1a6: {  	[timem:s3], [sflag:s2] =	dma.local @!p0 [hbm:s0], s1  }
0x1a7: {  	s0 =	simm.s32 @!p0 $0xB  }
0x1a8: {  	_ =	swait.ge @!p0 [sflag:s0], s1  }
0x1a9: {  	s1 =	ssub.s32 @!p0 $0x0, s1;
	[sflag:s0] =	ssyncset.done @!p0 $0x0  }
0x1aa: {  	[sflag:s0] =	ssyncadd.s32 @!p0 s1  }
0x1ab: {  	[bflag:$0x3] =	sbarrier.arrive $0xFFFF  }
0x1ac: {  	_ =	shalt  }

// kernel: kernel.14.cloned.1.call-start
scs
__scs_entry_jumppad:
0x0: {  	(pc) =	sbr.rel $0x88, $3  }
0x1: {  	(tag) =	ssettag $0x0;
	lr =	simm.s32 $0x1  }
0x2: {  	[smem:$0x3F97] =	sst lr;
	_ =	strace $0xD0000000  }
0x3: {  	_ = 	snop  }
0x4: {  	_ = 	snop  }
0x5: {  	_ = 	snop  }
0x6: {  	_ = 	snop  }
0x7: {  	_ = 	snop  }
__scs_overlays_trampoline_lowered:
0x8: {  	[smem:$0x3FA6] =	sst s0  }
0x9: {  	[smem:$0x3FA7] =	sst s1  }
0xa: {  	[smem:$0x3FA8] =	sst s2  }
0xb: {  	[smem:$0x3FA9] =	sst s3  }
0xc: {  	[smem:$0x3FAA] =	sst s4  }
0xd: {  	[smem:$0x3FAB] =	sst s5  }
0xe: {  	[smem:$0x3FAC] =	sst s6  }
0xf: {  	[smem:$0x3FAD] =	sst s7  }
0x10: {  	[smem:$0x3FAE] =	sst s8  }
0x11: {  	[smem:$0x3FAF] =	sst s9;
	s0 =	simm.s32 @!p0 $0x0  }
0x12: {  	s1 =	sld [smem:$0x3F95];
	s0 =	simm.s32 @p0 $0x1  }
0x13: {  	[smem:$0x3FB0] =	sst s0;
	s0 =	simm.s32 @!p1 $0x0  }
0x14: {  	s2 =	sld [smem:$0x3F94];
	s0 =	simm.s32 @p1 $0x1  }
0x15: {  	[smem:$0x3FB1] =	sst s0;
	s0 =	simm.s32 @!p2 $0x0  }
0x16: {  	s3 =	sld [smem:$0x3FDB];
	s0 =	simm.s32 @p2 $0x1  }
0x17: {  	s4 =	simm.s32 $0x1BF5;
	[smem:$0x3FB3] =	sst s0  }
0x18: {  	s0 =	sld [smem:$0x3F96];
	_ =	swait.ge [sflag:s4], $0x0  }
0x19: {  	s7 =	sld [smem:$0x3F97]  }
0x1a: {  	s8 =	sadd.s32 $0xFFFFE003, lr  }
0x1b: {  	s9 =	sadd.s32 $0xFFFFFEF7, lr;
	s5 =	simm.s32 $0xFFFFFFFF;
	p2 =	slt.u32 s8, $0xFFFFF086  }
0x1c: {  	p1 =	slt.u32 s9, $0xF7A;
	s5 =	simm.s32 @!p2 $0x0  }
0x1d: {  	s5 =	simm.s32 @p1 $0x1;
	p0 =	seq.s32 s7, s2  }
0x1e: {  	s7 =	smul.u32 @!p0 $0xF7A, s2;
	p2 =	seq.s32 @!p0 s5, $0x0  }
0x1f: {  	s9 =	smul.u32 $0xF7A, s1;
	s8 =	simm.s32 @!p0 $0x1BF5;
	p2 =	por !p2, p0  }
0x20: {  	[sflag:s8] =	ssyncset.s32 @!p0 $0xFFFFF086;
	s6 =	sadd.s32 @!p0 s3, s7;
	s7 =	simm.s32 @!p0 $0x108  }
0x21: {  	s3 =	sadd.s32 s3, s9;
	s6 =	sadd.s32 @!p0 $0x88, s6;
	s7 =	simm.s32 @p2 $0x1082  }
0x22: {  	[simem:s7], [sflag:s8] =	dma.local @!p0 [hbm:s6], $0xF7A  }
0x23: {  	s9 =	sor.u32 $0xD0000000, s2;
	s6 =	simm.s32 $0x108;
	_ =	swait.ge @!p0 [sflag:s8], $0x0  }
0x24: {  	s3 =	sadd.s32 $0x88, s3;
	s6 =	simm.s32 @!p1 $0x1082;
	[sflag:s4] =	ssyncset.s32 $0xFFFFF086  }
0x25: {  	[simem:s6], [sflag:s4] =	dma.local [hbm:s3], $0xF7A  }
0x26: {  	[smem:$0x3F97] =	sst s1;
	(tag) =	ssettag s2;
	_ =	strace s9  }
0x27: {  	s1 =	sld [smem:$0x3FA7]  }
0x28: {  	s2 =	sld [smem:$0x3FA8]  }
0x29: {  	s4 =	sld [smem:$0x3FAA]  }
0x2a: {  	p0 =	seq.s32 s5, $0x0;
	s5 =	sld [smem:$0x3FAB]  }
0x2b: {  	s6 =	sld [smem:$0x3FAC]  }
0x2c: {  	s7 =	sld [smem:$0x3FAD]  }
0x2d: {  	s3 =	simm.s32 $0x108;
	s8 =	sld [smem:$0x3FAE]  }
0x2e: {  	s3 =	simm.s32 @!p0 $0x1082;
	s9 =	sld [smem:$0x3FAF]  }
0x2f: {  	lr =	sadd.s32 s0, s3;
	s0 =	sld [smem:$0x3FA6]  }
0x30: {  	s3 =	sld [smem:$0x3FA9]  }
0x31: {  	[smem:$0x3FB2] =	sst s10  }
0x32: {  	s10 =	sld [smem:$0x3FB0];
	_ =	sdelay $0x3  }
0x33: {  	p0 =	seq.s32 s10, $0x1;
	s10 =	sld [smem:$0x3FB2];
	_ =	sdelay $0x3  }
0x34: {  	[smem:$0x3FB2] =	sst s10  }
0x35: {  	s10 =	sld [smem:$0x3FB1];
	_ =	sdelay $0x3  }
0x36: {  	p1 =	seq.s32 s10, $0x1;
	s10 =	sld [smem:$0x3FB2];
	_ =	sdelay $0x3  }
0x37: {  	[smem:$0x3FB2] =	sst s10  }
0x38: {  	s10 =	sld [smem:$0x3FB3]  }
0x39: {  	_ = 	snop;
	(pc) =	sbr.ind lr, $3  }
0x3a: {  	_ = 	snop  }
0x3b: {  	_ = 	snop  }
0x3c: {  	p2 =	seq.s32 s10, $0x1;
	s10 =	sld [smem:$0x3FB2]  }
0x3d: {  	_ =	shalt  }
0x3e: {  	_ =	shalt  }
0x3f: {  	_ =	shalt  }
0x40: {  	_ =	shalt  }
0x41: {  	_ =	shalt  }
0x42: {  	_ =	shalt  }
0x43: {  	_ =	shalt  }
0x44: {  	_ =	shalt  }
0x45: {  	_ =	shalt  }
0x46: {  	_ =	shalt  }
0x47: {  	_ =	shalt  }
0x48: {  	_ =	shalt  }
0x49: {  	_ =	shalt  }
0x4a: {  	_ =	shalt  }
0x4b: {  	_ =	shalt  }
0x4c: {  	_ =	shalt  }
0x4d: {  	_ =	shalt  }
0x4e: {  	_ =	shalt  }
0x4f: {  	_ =	shalt  }
0x50: {  	_ =	shalt  }
0x51: {  	_ =	shalt  }
0x52: {  	_ =	shalt  }
0x53: {  	_ =	shalt  }
0x54: {  	_ =	shalt  }
0x55: {  	_ =	shalt  }
0x56: {  	_ =	shalt  }
0x57: {  	_ =	shalt  }
0x58: {  	_ =	shalt  }
0x59: {  	_ =	shalt  }
0x5a: {  	_ =	shalt  }
0x5b: {  	_ =	shalt  }
0x5c: {  	_ =	shalt  }
0x5d: {  	_ =	shalt  }
0x5e: {  	_ =	shalt  }
0x5f: {  	_ =	shalt  }
0x60: {  	_ =	shalt  }
0x61: {  	_ =	shalt  }
0x62: {  	_ =	shalt  }
0x63: {  	_ =	shalt  }
0x64: {  	_ =	shalt  }
0x65: {  	_ =	shalt  }
0x66: {  	_ =	shalt  }
0x67: {  	_ =	shalt  }
0x68: {  	_ =	shalt  }
0x69: {  	_ =	shalt  }
0x6a: {  	_ =	shalt  }
0x6b: {  	_ =	shalt  }
0x6c: {  	_ =	shalt  }
0x6d: {  	_ =	shalt  }
0x6e: {  	_ =	shalt  }
0x6f: {  	_ =	shalt  }
0x70: {  	_ =	shalt  }
0x71: {  	_ =	shalt  }
0x72: {  	_ =	shalt  }
0x73: {  	_ =	shalt  }
0x74: {  	_ =	shalt  }
0x75: {  	_ =	shalt  }
0x76: {  	_ =	shalt  }
0x77: {  	_ =	shalt  }
0x78: {  	_ =	shalt  }
0x79: {  	_ =	shalt  }
0x7a: {  	_ =	shalt  }
0x7b: {  	_ =	shalt  }
0x7c: {  	_ =	shalt  }
0x7d: {  	_ =	shalt  }
0x7e: {  	_ =	shalt  }
0x7f: {  	_ =	shalt  }
0x80: {  	_ =	shalt  }
0x81: {  	_ =	shalt  }
0x82: {  	_ =	shalt  }
0x83: {  	_ =	shalt  }
0x84: {  	_ =	shalt  }
0x85: {  	_ =	shalt  }
0x86: {  	_ =	shalt  }
0x87: {  	_ =	shalt  }
.Lfunc_end0:
.L_simem_size_0:
called_computation.2_lowered:
.L_overlay_start_0:
0x88: {  	s2 =	sld [smem:$0x3FD9]  }
0x89: {  	s3 =	sld [smem:$0x3FFE];
	_ =	sdelay $0x1  }
0x8a: {  	s1 =	srdreg.scid  }
0x8b: {  	s0 =	sand.u32 $0x1, s1  }
0x8c: {  	s16 =	sshll.u32 s0, $0xA;
	s2 =	sadd.s32 s3, s2  }
0x8d: {  	s2 =	sadd.s32 s2, s16  }
0x8e: {  	[smem:$0x3FBE] =	sst s2  }
0x8f: {  	_ = 	snop  }
0x90: {  	(tm) =	ssettm $0x1  }
0x91: {  	s17 =	sld [smem:$0x3FFB];
	_ =	sdelay $0x3  }
0x92: {  	_ =	strace s17  }
0x93: {  	s2 =	sld [smem:$0x3FFC];
	_ =	sdelay $0x3  }
0x94: {  	_ =	strace s2  }
0x95: {  	s2 =	sld [smem:$0x3FFD];
	_ =	sdelay $0x3  }
0x96: {  	_ =	strace s2  }
0x97: {  	_ =	strace $0x8FFFFFFF  }
0x98: {  	s18 =	sld [smem:$0x3FDB];
	_ =	sdelay $0x1  }
0x99: {  	s19 =	simm.s32 $_scs_section_size  }
0x9a: {  	s4 =	simm.s32 $_size__tile_overlayer_lowered;
	s5 =	simm.s32 $_tile_overlayer_lowered  }
0x9b: {  	s22 =	simm.s32 $0x1BFF;
	s21 =	sshll.u32 s5, $0x1;
	s2 =	sadd.s32 s19, s18  }
0x9c: {  	s6 =	simm.s32 $0x0;
	s20 =	sshll.u32 s4, $0x1;
	s4 =	sadd.s32 s21, s2  }
0x9d: {  	[timem:s6], [sflag:s22] =	dma.local [hbm:s4], s20  }
0x9e: {  	_ =	swait.ge [sflag:s22], s20  }
0x9f: {  	s3 =	ssub.s32 $0x0, s20;
	[sflag:s22] =	ssyncset.done $0x0  }
0xa0: {  	[sflag:s22] =	ssyncadd.s32 s3;
	_ =	sdelay $0x1  }
0xa1: {  	s23 =	simm.s32 $0x1B8B  }
0xa2: {  	_ =	swait.ge [sflag:s23], $0x1  }
0xa3: {  	[sflag:s23] =	ssyncset.done $0x0  }
0xa4: {  	s25 =	simm.s32 $0x1B8E;
	s24 =	sld [smem:$0x3FFE];
	[sflag:s23] =	ssyncadd.s32 $0xFFFFFFFF  }
0xa5: {  	s26 =	simm.s32 $execute0_lowered;
	[smem:$0x3FD2] =	sst s25  }
0xa6: {  	s4 =	sshll.u32 s26, $0x1;
	_ =	strace $0x8000004C;
	[dreg:$0x1] =	wrdreg $0xFFFFFFFF  }
0xa7: {  	s28 =	simm.s32 $_size_execute0_lowered;
	s2 =	sadd.s32 s2, s4;
	[dreg:$0x0] =	wrdreg $0x0  }
0xa8: {  	s4 =	sshll.u32 s28, $0x1;
	[dreg:$0x2] =	wrdreg s2  }
0xa9: {  	[dreg:$0x3] =	wrdreg s4  }
0xaa: {  	[dreg:$0x4] =	wrdreg $0xC0  }
0xab: {  	_ =	task [dreg:s6], $0x5FFFF  }
0xac: {  	[dreg:$0x1] =	wrdreg $0xFFFFFFFF  }
0xad: {  	[dreg:$0x0] =	wrdreg $0x60  }
0xae: {  	[dreg:$0x2] =	wrdreg s24  }
0xaf: {  	[dreg:$0x3] =	wrdreg $0x96500  }
0xb0: {  	[dreg:$0x4] =	wrdreg $0x9  }
0xb1: {  	_ =	task.clear_ibuf [dreg:s6], $0x5FFFF;
	_ =	strace $0x9000004C  }
0xb2: {  	s29 =	simm.s32 $0x9;
	_ =	strace $0x8000004E  }
0xb3: {  	_ =	swait.ge [sflag:s29], $0x1  }
0xb4: {  	[sflag:s29] =	ssyncadd.s32 $0xFFFFFFFF  }
0xb5: {  	_ =	strace $0x9000004E  }
0xb6: {  	_ =	sfence  }
0xb7: {  	s30 =	sld [smem:$0x0];
	_ =	sdelay $0x2  }
0xb8: {  	s31 =	sshll.u32 s1, $0xD;
	s1 =	sshrl.u32 s1, $0x2  }
0xb9: {  	s3 =	sand.u32 $0x4000, s31;
	s1 =	sadd.s32 s1, s30  }
0xba: {  	s0 =	sor.u32 s3, s0;
	s1 =	sshll.u32 s1, $0x11  }
0xbb: {  	s0 =	sor.u32 s1, s0  }
0xbc: {  	s0 =	sadd.s32 $0x8F2B, s0  }
0xbd: {  	[sflag:s0] =	ssyncadd.remote.s32 $0x1  }
0xbe: {  	_ =	sfence.sel $0xFFFF  }
0xbf: {  	[dreg:$0x0] =	wrdreg $0xFFFFFFFF;
	(pc) =	sbr.abs _section_cstart, $3  }
0xc0: {  	[dreg:$0x1] =	wrdreg $0xFFFFFFFF  }
0xc1: {  	_ =	task.clear_ibuf [dreg:s6], $0x2FFFF;
	_ =	strace $0x9FFFFFFF  }
0xc2: {  	(tm) =	ssettm $0x7FFFFFFF  }
0xc3: {  	_ =	shalt  }
tec
execute0_lowered:
.L_overlay_start_1:
0x0: {  	(tag) =	ssettag $0x1  }
0x1: {  	s0 =	rddreg [dreg:$0x0]  }
0x2: {  	s1 =	rddreg [dreg:$0x1];
	s13 =	simm.s32 $0x0;
	s2 =	srdreg.scid  }
0x3: {  	s9 =	stileid.u32;
	s18 =	simm.s32 $0xB;
	s19 =	simm.s32 $0x8C0  }
0x4: {  	s20 =	simm.s32 $0x32;
	s21 =	simm.s32 $0x1180;
	s29 =	simm.s32 $0x6130  }
0x5: {  	s30 =	simm.s32 $0x2;
	s15 =	simm.s32 $0x4;
	s16 =	simm.s32 $0x7  }
0x6: {  	s17 =	simm.s32 $0x5;
	s28 =	simm.s32 $0xA;
	[smem:$0x7FF] =	sst s13  }
0x7: {  	s4 =	sadd.s32 $0xD8600, s0;
	s2 =	sand.u32 $0x1, s2;
	s5 =	sadd.s32 $0x76600, s0  }
0x8: {  	s6 =	sadd.s32 $0xEE400, s0;
	s8 =	smul.u32 $0x14B80, s9;
	s10 =	sadd.s32 $0x117E00, s0  }
0x9: {  	s22 =	sadd.s32 $0xA0000, s0;
	s11 =	smul.u32 $0x190, s9;
	s12 =	sadd.s32 $0xE3500, s0  }
0xa: {  	s31 =	sshll.u32 s9, $0x6;
	_ =	strace $0x8000004D;
	[dreg:$0x4] =	wrdreg s10  }
0xb: {  	s9 =	simm.s32 $0x150;
	s3 =	ssub.s32 $0x2, s2;
	[dreg:$0x5] =	wrdreg s22  }
0xc: {  	p0 =	seq.s32 s2, $0x1;
	[dreg:$0xa] =	wrdreg s31;
	s0 =	sor.u32 $0x1C0B, s31  }
0xd: {  	s10 =	simm.s32 $0x3;
	s2 =	simm.s32 $0x9A0;
	s22 =	simm.s32 $0x8  }
0xe: {  	s7 =	sshrl.u32 s3, $0x1;
	s23 =	sadd.s32 s8, s1;
	s24 =	sshrl.u32 s8, $0x3  }
0xf: {  	[dreg:$0xb] =	wrdreg s0;
	s3 =	ssub.s32 s3, s7;
	s8 =	sadd.s32 s5, s24  }
.Ltmp0:
0x10: {  	[dreg:$0x6] =	wrdreg s24;
	s25 =	sadd.s32 s6, s24;
	(pc) =	sbr.rel .LBB2_1-.Ltmp0, $4  }
0x11: {  	s14 =	sshrl.u32 s23, $0x3;
	s23 =	simm.s32 $0x2C10;
	[dreg:$0x7] =	wrdreg s8  }
0x12: {  	s24 =	simm.s32 $0x9;
	[dreg:$0x8] =	wrdreg s25;
	s26 =	smax.u32 s3, $0x1  }
0x13: {  	s25 =	simm.s32 $0x46A0;
	s3 =	simm.s32 $0x7BC0;
	[dreg:$0xc] =	wrdreg s14  }
0x14: {  	s8 =	simm.s32 $0x6;
	[dreg:$0x9] =	wrdreg s26;
	s26 =	simm.s32 $0x1  }
.LBB2_12:
0x15: {  	s7 =	rddreg [dreg:$0x6];
	[bflag:$0x0] =	sbarrier.arrive $0xFFFF  }
0x16: {  	s0 =	sadd.s32 s0, s7;
	s14 =	rddreg [dreg:$0xc]  }
0x17: {  	[hbm:s0], [sflag:s31] =	dma.local [spmem:s14], $0x2A80  }
0x18: {  	_ =	swait.ge [sflag:s18], $0x2A80  }
0x19: {  	s13 =	sadd.s32 $0x1, s13;
	s31 =	rddreg [dreg:$0x9]  }
0x1a: {  	p1 =	sne.s32 s13, s31  }
.Ltmp1:
0x1b: {  	_ = 	snop;
	(pc) =	sbr.rel @!p1 .LBB2_13-.Ltmp1, $3  }
0x1c: {  	_ =	sdelay $0x1  }
0x1d: {  	[sflag:s18] =	ssyncset.done $0x0  }
0x1e: {  	[sflag:s18] =	ssyncadd.s32 $0xFFFFD580  }
.LBB2_1:
.Ltmp2:
0x1f: {  	(pc) =	sbr.rel @!p0 .LBB2_2-.Ltmp2, $2  }
0x20: {  	_ =	sdelay $0x2  }
0x21: {  	[dreg:$0x3] =	wrdreg s13  }
0x22: {  	s0 =	rddreg [dreg:$0x8]  }
0x23: {  	s7 =	rddreg [dreg:$0xb]  }
0x24: {  	[spmem:s14], [sflag:s7] =	dma.local [hbm:s0], $0x2A80  }
0x25: {  	_ =	swait.ge [sflag:s18], $0x2A80  }
0x26: {  	[sflag:s18] =	ssyncset.done $0x0  }
0x27: {  	[sflag:s18] =	ssyncadd.s32 $0xFFFFD580  }
0x28: {  	s31 =	simm.s32 $0x0;
	s0 =	simm.s32 $0x0;
	[bflag:$0x0] =	sbarrier.arrive $0xFFFF  }
.LBB2_8:
0x29: {  	s7 =	smul.u32 $0x28, s0;
	_ =	sdelay $0x1  }
0x2a: {  	s7 =	sadd.s32 s11, s7  }
0x2b: {  	s7 =	smul.u32 $0x7, s7;
	_ =	sdelay $0x1  }
0x2c: {  	s13 =	sadd.s32 s4, s7  }
0x2d: {  	[tilespmem:s31], [sflag:$0xB] =	stream.linear.gather [hbm4b:s13+s31], $0x8C0, $0x38;
	[tilespmem:$0x1E258] =	vst v63  }
0x2e: {  	_ =	swait.ge [sflag:s18], $0x8C0  }
0x2f: {  	[sflag:s18] =	ssyncset.done $0x0  }
0x30: {  	s7 =	sadd.s32 s7, s12;
	[sflag:s18] =	ssyncadd.s32 $0xFFFFF740  }
0x31: {  	[tilespmem:s19], [sflag:$0xB] =	stream.linear.gather [hbm4b:s7+s31], $0x8C0, $0x38;
	[tilespmem:$0x1E258] =	vst v63  }
0x32: {  	_ =	swait.ge [sflag:s18], $0x8C0  }
0x33: {  	[sflag:s18] =	ssyncset.done $0x0  }
0x34: {  	[sflag:s18] =	ssyncadd.s32 $0xFFFFF740  }
0x35: {  	[tilespmem:s21], [sflag:$0x1] =	stream.indirect.gather [hbm4b:s6+s20], $0x88, s31, s20, $0xb8;
	[tilespmem:$0x1E258] =	vst v63  }
0x36: {  	s14 =	simm.s32 $0x38  }
0x37: {  	[tilespmem:s23], [sflag:$0x2] =	stream.indirect.gather [hbm4b:s6+s20], $0x88, s14, s20, $0xb8;
	[tilespmem:$0x1E258] =	vst v63  }
0x38: {  	s13 =	simm.s32 $0x70  }
0x39: {  	[tilespmem:s25], [sflag:$0x3] =	stream.indirect.gather [hbm4b:s6+s20], $0x88, s13, s20, $0xb8;
	[tilespmem:$0x1E258] =	vst v63  }
0x3a: {  	_ =	swait.ge [sflag:s26], $0x1A90  }
0x3b: {  	[sflag:s26] =	ssyncset.done $0x0  }
0x3c: {  	[sflag:s26] =	ssyncadd.s32 $0xFFFFE570  }
0x3d: {  	[spmem:s1] =	stream.indirect.scatter.add.f32 [tilespmem:s21], [sflag:$0x6], $0x88, s19, s20, $0xb8;
	[tilespmem:$0x1E258] =	vst v63  }
0x3e: {  	s14 =	simm.s32 $0xA8  }
0x3f: {  	[tilespmem:s29], [sflag:$0x4] =	stream.indirect.gather [hbm4b:s6+s20], $0x88, s14, s20, $0xb8;
	[tilespmem:$0x1E258] =	vst v63  }
0x40: {  	_ =	swait.ge [sflag:s30], $0x1A90  }
0x41: {  	[sflag:s30] =	ssyncset.done $0x0  }
0x42: {  	s13 =	simm.s32 $0x8F8;
	[sflag:s30] =	ssyncadd.s32 $0xFFFFE570  }
0x43: {  	[spmem:s1] =	stream.indirect.scatter.add.f32 [tilespmem:s23], [sflag:$0x7], $0x88, s13, s20, $0xb8;
	[tilespmem:$0x1E258] =	vst v63  }
0x44: {  	s14 =	simm.s32 $0xE0  }
0x45: {  	[tilespmem:s3], [sflag:$0x5] =	stream.indirect.gather [hbm4b:s6+s20], $0x88, s14, s20, $0xb8;
	[tilespmem:$0x1E258] =	vst v63  }
0x46: {  	_ =	swait.ge [sflag:s10], $0x1A90  }
0x47: {  	[sflag:s10] =	ssyncset.done $0x0  }
0x48: {  	s13 =	simm.s32 $0x930;
	[sflag:s10] =	ssyncadd.s32 $0xFFFFE570  }
0x49: {  	[spmem:s1] =	stream.indirect.scatter.add.f32 [tilespmem:s25], [sflag:$0x8], $0x88, s13, s20, $0xb8;
	[tilespmem:$0x1E258] =	vst v63  }
0x4a: {  	_ =	swait.ge [sflag:s8], $0x1A90  }
0x4b: {  	[sflag:s8] =	ssyncset.done $0x0  }
0x4c: {  	s14 =	simm.s32 $0x118;
	[sflag:s8] =	ssyncadd.s32 $0xFFFFE570  }
0x4d: {  	[tilespmem:s21], [sflag:$0x1] =	stream.indirect.gather [hbm4b:s6+s20], $0x88, s14, s20, $0xb8;
	[tilespmem:$0x1E258] =	vst v63  }
0x4e: {  	_ =	swait.ge [sflag:s15], $0x1A90  }
0x4f: {  	[sflag:s15] =	ssyncset.done $0x0  }
0x50: {  	s13 =	simm.s32 $0x968;
	[sflag:s15] =	ssyncadd.s32 $0xFFFFE570  }
0x51: {  	[spmem:s1] =	stream.indirect.scatter.add.f32 [tilespmem:s29], [sflag:$0x9], $0x88, s13, s20, $0xb8;
	[tilespmem:$0x1E258] =	vst v63  }
0x52: {  	_ =	swait.ge [sflag:s16], $0x1A90  }
0x53: {  	[sflag:s16] =	ssyncset.done $0x0  }
0x54: {  	[sflag:s16] =	ssyncadd.s32 $0xFFFFE570  }
0x55: {  	[tilespmem:s23], [sflag:$0x2] =	stream.indirect.gather [hbm4b:s6+s20], $0x88, s9, s20, $0xb8;
	[tilespmem:$0x1E258] =	vst v63  }
0x56: {  	_ =	swait.ge [sflag:s17], $0x1A90  }
0x57: {  	[sflag:s17] =	ssyncset.done $0x0  }
0x58: {  	[sflag:s17] =	ssyncadd.s32 $0xFFFFE570  }
0x59: {  	[spmem:s1] =	stream.indirect.scatter.add.f32 [tilespmem:s3], [sflag:$0xA], $0x88, s2, s20, $0xb8;
	[tilespmem:$0x1E258] =	vst v63  }
0x5a: {  	_ =	swait.ge [sflag:s22], $0x1A90  }
0x5b: {  	[sflag:s22] =	ssyncset.done $0x0  }
0x5c: {  	s14 =	simm.s32 $0x188;
	[sflag:s22] =	ssyncadd.s32 $0xFFFFE570  }
0x5d: {  	[tilespmem:s25], [sflag:$0x3] =	stream.indirect.gather [hbm4b:s6+s20], $0x88, s14, s20, $0xb8;
	[tilespmem:$0x1E258] =	vst v63  }
0x5e: {  	_ =	swait.ge [sflag:s26], $0x1A90  }
0x5f: {  	[sflag:s26] =	ssyncset.done $0x0  }
0x60: {  	s13 =	simm.s32 $0x9D8;
	[sflag:s26] =	ssyncadd.s32 $0xFFFFE570  }
0x61: {  	[spmem:s1] =	stream.indirect.scatter.add.f32 [tilespmem:s21], [sflag:$0x6], $0x88, s13, s20, $0xb8;
	[tilespmem:$0x1E258] =	vst v63  }
0x62: {  	_ =	swait.ge [sflag:s24], $0x1A90  }
0x63: {  	[sflag:s24] =	ssyncset.done $0x0  }
0x64: {  	s14 =	simm.s32 $0x1C0;
	[sflag:s24] =	ssyncadd.s32 $0xFFFFE570  }
0x65: {  	[tilespmem:s29], [sflag:$0x4] =	stream.indirect.gather [hbm4b:s6+s20], $0x88, s14, s20, $0xb8;
	[tilespmem:$0x1E258] =	vst v63  }
0x66: {  	_ =	swait.ge [sflag:s30], $0x1A90  }
0x67: {  	[sflag:s30] =	ssyncset.done $0x0  }
0x68: {  	s13 =	simm.s32 $0xA10;
	[sflag:s30] =	ssyncadd.s32 $0xFFFFE570  }
0x69: {  	[spmem:s1] =	stream.indirect.scatter.add.f32 [tilespmem:s23], [sflag:$0x7], $0x88, s13, s20, $0xb8;
	[tilespmem:$0x1E258] =	vst v63  }
0x6a: {  	_ =	swait.ge [sflag:s28], $0x1A90  }
0x6b: {  	[sflag:s28] =	ssyncset.done $0x0  }
0x6c: {  	s14 =	simm.s32 $0x1F8;
	[sflag:s28] =	ssyncadd.s32 $0xFFFFE570  }
0x6d: {  	[tilespmem:s3], [sflag:$0x5] =	stream.indirect.gather [hbm4b:s6+s20], $0x88, s14, s20, $0xb8;
	[tilespmem:$0x1E258] =	vst v63  }
0x6e: {  	_ =	swait.ge [sflag:s10], $0x1A90  }
0x6f: {  	[sflag:s10] =	ssyncset.done $0x0  }
0x70: {  	s13 =	simm.s32 $0xA48;
	[sflag:s10] =	ssyncadd.s32 $0xFFFFE570  }
0x71: {  	[spmem:s1] =	stream.indirect.scatter.add.f32 [tilespmem:s25], [sflag:$0x8], $0x88, s13, s20, $0xb8;
	[tilespmem:$0x1E258] =	vst v63  }
0x72: {  	_ =	swait.ge [sflag:s8], $0x1A90  }
0x73: {  	[sflag:s8] =	ssyncset.done $0x0  }
0x74: {  	s14 =	simm.s32 $0x230;
	[sflag:s8] =	ssyncadd.s32 $0xFFFFE570  }
0x75: {  	[tilespmem:s21], [sflag:$0x1] =	stream.indirect.gather [hbm4b:s6+s20], $0x88, s14, s20, $0xb8;
	[tilespmem:$0x1E258] =	vst v63  }
0x76: {  	_ =	swait.ge [sflag:s15], $0x1A90  }
0x77: {  	[sflag:s15] =	ssyncset.done $0x0  }
0x78: {  	s13 =	simm.s32 $0xA80;
	[sflag:s15] =	ssyncadd.s32 $0xFFFFE570  }
0x79: {  	[spmem:s1] =	stream.indirect.scatter.add.f32 [tilespmem:s29], [sflag:$0x9], $0x88, s13, s20, $0xb8;
	[tilespmem:$0x1E258] =	vst v63  }
0x7a: {  	_ =	swait.ge [sflag:s16], $0x1A90  }
0x7b: {  	[sflag:s16] =	ssyncset.done $0x0  }
0x7c: {  	s14 =	simm.s32 $0x268;
	[sflag:s16] =	ssyncadd.s32 $0xFFFFE570  }
0x7d: {  	[tilespmem:s23], [sflag:$0x2] =	stream.indirect.gather [hbm4b:s6+s20], $0x88, s14, s20, $0xb8;
	[tilespmem:$0x1E258] =	vst v63  }
0x7e: {  	_ =	swait.ge [sflag:s17], $0x1A90  }
0x7f: {  	[sflag:s17] =	ssyncset.done $0x0  }
0x80: {  	s7 =	simm.s32 $0x460;
	s13 =	simm.s32 $0xAB8;
	[sflag:s17] =	ssyncadd.s32 $0xFFFFE570  }
.LBB2_9:
0x81: {  	[spmem:s1] =	stream.indirect.scatter.add.f32 [tilespmem:s3], [sflag:$0xA], $0x88, s13, s20, $0xb8;
	[tilespmem:$0x1E258] =	vst v63  }
0x82: {  	s13 =	smov.u32 s7;
	s7 =	sadd.s32 $0x460, s7;
	_ =	swait.ge [sflag:s22], $0x1A90  }
0x83: {  	s13 =	sshra.s32 s13, $0x2;
	p1 =	sne.s32 s7, $0x1A40;
	[sflag:s22] =	ssyncset.done $0x0  }
0x84: {  	s14 =	sadd.s32 $0x188, s13;
	[sflag:s22] =	ssyncadd.s32 $0xFFFFE570  }
0x85: {  	[tilespmem:s25], [sflag:$0x3] =	stream.indirect.gather [hbm4b:s6+s20], $0x88, s14, s20, $0xb8;
	[tilespmem:$0x1E258] =	vst v63  }
0x86: {  	_ =	swait.ge [sflag:s26], $0x1A90  }
0x87: {  	[sflag:s26] =	ssyncset.done $0x0  }
0x88: {  	s14 =	sadd.s32 $0x9D8, s13;
	[sflag:s26] =	ssyncadd.s32 $0xFFFFE570  }
0x89: {  	[spmem:s1] =	stream.indirect.scatter.add.f32 [tilespmem:s21], [sflag:$0x6], $0x88, s14, s20, $0xb8;
	[tilespmem:$0x1E258] =	vst v63  }
0x8a: {  	_ =	swait.ge [sflag:s24], $0x1A90  }
0x8b: {  	[sflag:s24] =	ssyncset.done $0x0  }
0x8c: {  	s14 =	sadd.s32 $0x1C0, s13;
	[sflag:s24] =	ssyncadd.s32 $0xFFFFE570  }
0x8d: {  	[tilespmem:s29], [sflag:$0x4] =	stream.indirect.gather [hbm4b:s6+s20], $0x88, s14, s20, $0xb8;
	[tilespmem:$0x1E258] =	vst v63  }
0x8e: {  	_ =	swait.ge [sflag:s30], $0x1A90  }
0x8f: {  	[sflag:s30] =	ssyncset.done $0x0  }
0x90: {  	s14 =	sadd.s32 $0xA10, s13;
	[sflag:s30] =	ssyncadd.s32 $0xFFFFE570  }
0x91: {  	[spmem:s1] =	stream.indirect.scatter.add.f32 [tilespmem:s23], [sflag:$0x7], $0x88, s14, s20, $0xb8;
	[tilespmem:$0x1E258] =	vst v63  }
0x92: {  	_ =	swait.ge [sflag:s28], $0x1A90  }
0x93: {  	[sflag:s28] =	ssyncset.done $0x0  }
0x94: {  	s14 =	sadd.s32 $0x1F8, s13;
	[sflag:s28] =	ssyncadd.s32 $0xFFFFE570  }
0x95: {  	[tilespmem:s3], [sflag:$0x5] =	stream.indirect.gather [hbm4b:s6+s20], $0x88, s14, s20, $0xb8;
	[tilespmem:$0x1E258] =	vst v63  }
0x96: {  	_ =	swait.ge [sflag:s10], $0x1A90  }
0x97: {  	[sflag:s10] =	ssyncset.done $0x0  }
0x98: {  	s14 =	sadd.s32 $0xA48, s13;
	[sflag:s10] =	ssyncadd.s32 $0xFFFFE570  }
0x99: {  	[spmem:s1] =	stream.indirect.scatter.add.f32 [tilespmem:s25], [sflag:$0x8], $0x88, s14, s20, $0xb8;
	[tilespmem:$0x1E258] =	vst v63  }
0x9a: {  	_ =	swait.ge [sflag:s8], $0x1A90  }
0x9b: {  	[sflag:s8] =	ssyncset.done $0x0  }
0x9c: {  	s14 =	sadd.s32 $0x230, s13;
	[sflag:s8] =	ssyncadd.s32 $0xFFFFE570  }
0x9d: {  	[tilespmem:s21], [sflag:$0x1] =	stream.indirect.gather [hbm4b:s6+s20], $0x88, s14, s20, $0xb8;
	[tilespmem:$0x1E258] =	vst v63  }
0x9e: {  	_ =	swait.ge [sflag:s15], $0x1A90  }
0x9f: {  	[sflag:s15] =	ssyncset.done $0x0  }
0xa0: {  	s14 =	sadd.s32 $0xA80, s13;
	[sflag:s15] =	ssyncadd.s32 $0xFFFFE570  }
0xa1: {  	[spmem:s1] =	stream.indirect.scatter.add.f32 [tilespmem:s29], [sflag:$0x9], $0x88, s14, s20, $0xb8;
	[tilespmem:$0x1E258] =	vst v63  }
0xa2: {  	_ =	swait.ge [sflag:s16], $0x1A90  }
0xa3: {  	[sflag:s16] =	ssyncset.done $0x0  }
.Ltmp3:
0xa4: {  	s14 =	sadd.s32 $0x268, s13;
	[sflag:s16] =	ssyncadd.s32 $0xFFFFE570;
	(pc) =	sbr.rel @p1 .LBB2_9-.Ltmp3, $4  }
0xa5: {  	[tilespmem:s23], [sflag:$0x2] =	stream.indirect.gather [hbm4b:s6+s20], $0x88, s14, s20, $0xb8;
	[tilespmem:$0x1E258] =	vst v63  }
0xa6: {  	_ =	swait.ge [sflag:s17], $0x1A90  }
0xa7: {  	[sflag:s17] =	ssyncset.done $0x0  }
0xa8: {  	s13 =	sadd.s32 $0xAB8, s13;
	[sflag:s17] =	ssyncadd.s32 $0xFFFFE570  }
0xa9: {  	[spmem:s1] =	stream.indirect.scatter.add.f32 [tilespmem:s3], [sflag:$0xA], $0x88, s13, s20, $0xb8;
	[tilespmem:$0x1E258] =	vst v63  }
0xaa: {  	_ =	swait.ge [sflag:s22], $0x1A90  }
0xab: {  	s7 =	sshra.s32 s7, $0x2;
	[sflag:s22] =	ssyncset.done $0x0  }
0xac: {  	s14 =	sadd.s32 $0x188, s7;
	[sflag:s22] =	ssyncadd.s32 $0xFFFFE570  }
0xad: {  	[tilespmem:s25], [sflag:$0x3] =	stream.indirect.gather [hbm4b:s6+s20], $0x88, s14, s20, $0xb8;
	[tilespmem:$0x1E258] =	vst v63  }
0xae: {  	_ =	swait.ge [sflag:s26], $0x1A90  }
0xaf: {  	[sflag:s26] =	ssyncset.done $0x0  }
0xb0: {  	s14 =	sadd.s32 $0x9D8, s7;
	[sflag:s26] =	ssyncadd.s32 $0xFFFFE570  }
0xb1: {  	[spmem:s1] =	stream.indirect.scatter.add.f32 [tilespmem:s21], [sflag:$0x6], $0x88, s14, s20, $0xb8;
	[tilespmem:$0x1E258] =	vst v63  }
0xb2: {  	_ =	swait.ge [sflag:s24], $0x1A90  }
0xb3: {  	[sflag:s24] =	ssyncset.done $0x0  }
0xb4: {  	s14 =	sadd.s32 $0x1C0, s7;
	[sflag:s24] =	ssyncadd.s32 $0xFFFFE570  }
0xb5: {  	[tilespmem:s29], [sflag:$0x4] =	stream.indirect.gather [hbm4b:s6+s20], $0x88, s14, s20, $0xb8;
	[tilespmem:$0x1E258] =	vst v63  }
0xb6: {  	_ =	swait.ge [sflag:s30], $0x1A90  }
0xb7: {  	[sflag:s30] =	ssyncset.done $0x0  }
0xb8: {  	s14 =	sadd.s32 $0xA10, s7;
	[sflag:s30] =	ssyncadd.s32 $0xFFFFE570  }
0xb9: {  	[spmem:s1] =	stream.indirect.scatter.add.f32 [tilespmem:s23], [sflag:$0x7], $0x88, s14, s20, $0xb8;
	[tilespmem:$0x1E258] =	vst v63  }
0xba: {  	_ =	swait.ge [sflag:s28], $0x1A90  }
0xbb: {  	[sflag:s28] =	ssyncset.done $0x0  }
0xbc: {  	s14 =	sadd.s32 $0x1F8, s7;
	[sflag:s28] =	ssyncadd.s32 $0xFFFFE570  }
0xbd: {  	[tilespmem:s3], [sflag:$0x5] =	stream.indirect.gather [hbm4b:s6+s20], $0x88, s14, s20, $0xb8;
	[tilespmem:$0x1E258] =	vst v63  }
0xbe: {  	_ =	swait.ge [sflag:s10], $0x1A90  }
0xbf: {  	[sflag:s10] =	ssyncset.done $0x0  }
0xc0: {  	s14 =	sadd.s32 $0xA48, s7;
	[sflag:s10] =	ssyncadd.s32 $0xFFFFE570  }
0xc1: {  	[spmem:s1] =	stream.indirect.scatter.add.f32 [tilespmem:s25], [sflag:$0x8], $0x88, s14, s20, $0xb8;
	[tilespmem:$0x1E258] =	vst v63  }
0xc2: {  	_ =	swait.ge [sflag:s8], $0x1A90  }
0xc3: {  	[sflag:s8] =	ssyncset.done $0x0  }
0xc4: {  	[sflag:s8] =	ssyncadd.s32 $0xFFFFE570  }
0xc5: {  	_ =	swait.ge [sflag:s15], $0x1A90  }
0xc6: {  	[sflag:s15] =	ssyncset.done $0x0  }
0xc7: {  	s14 =	sadd.s32 $0xA80, s7;
	[sflag:s15] =	ssyncadd.s32 $0xFFFFE570  }
0xc8: {  	[spmem:s1] =	stream.indirect.scatter.add.f32 [tilespmem:s29], [sflag:$0x9], $0x88, s14, s20, $0xb8;
	[tilespmem:$0x1E258] =	vst v63  }
0xc9: {  	_ =	swait.ge [sflag:s16], $0x1A90  }
0xca: {  	[sflag:s16] =	ssyncset.done $0x0  }
0xcb: {  	[sflag:s16] =	ssyncadd.s32 $0xFFFFE570  }
0xcc: {  	_ =	swait.ge [sflag:s17], $0x1A90  }
0xcd: {  	[sflag:s17] =	ssyncset.done $0x0  }
0xce: {  	s7 =	sadd.s32 $0xAB8, s7;
	[sflag:s17] =	ssyncadd.s32 $0xFFFFE570  }
0xcf: {  	[spmem:s1] =	stream.indirect.scatter.add.f32 [tilespmem:s3], [sflag:$0xA], $0x88, s7, s20, $0xb8;
	[tilespmem:$0x1E258] =	vst v63  }
0xd0: {  	_ =	swait.ge [sflag:s22], $0x1A90  }
0xd1: {  	[sflag:s22] =	ssyncset.done $0x0  }
0xd2: {  	s0 =	sadd.s32 $0x1, s0;
	[sflag:s22] =	ssyncadd.s32 $0xFFFFE570  }
0xd3: {  	p1 =	sne.s32 s0, $0xA;
	_ =	swait.ge [sflag:s24], $0x1A90  }
.Ltmp4:
0xd4: {  	[sflag:s24] =	ssyncset.done $0x0;
	(pc) =	sbr.rel @p1 .LBB2_8-.Ltmp4, $4  }
0xd5: {  	[sflag:s24] =	ssyncadd.s32 $0xFFFFE570  }
0xd6: {  	_ =	swait.ge [sflag:s28], $0x1A90  }
0xd7: {  	[sflag:s28] =	ssyncset.done $0x0  }
0xd8: {  	[sflag:s28] =	ssyncadd.s32 $0xFFFFE570  }
.Ltmp5:
0xd9: {  	(pc) =	sbr.rel .LBB2_12-.Ltmp5, $4  }
0xda: {  	_ = 	snop  }
0xdb: {  	s0 =	rddreg [dreg:$0x5]  }
0xdc: {  	s31 =	rddreg [dreg:$0xb]  }
0xdd: {  	s13 =	rddreg [dreg:$0x3]  }
.LBB2_2:
0xde: {  	s0 =	rddreg [dreg:$0xa]  }
0xdf: {  	s13 =	rddreg [dreg:$0x7];
	s7 =	sor.u32 $0x1C0B, s0  }
0xe0: {  	[dreg:$0xd] =	wrdreg s7  }
0xe1: {  	[spmem:s14], [sflag:s7] =	dma.local [hbm:s13], $0x2A80  }
0xe2: {  	_ =	swait.ge [sflag:s18], $0x2A80  }
0xe3: {  	[sflag:s18] =	ssyncset.done $0x0  }
0xe4: {  	[sflag:s18] =	ssyncadd.s32 $0xFFFFD580  }
0xe5: {  	s31 =	simm.s32 $0x0;
	s0 =	simm.s32 $0x0;
	[bflag:$0x0] =	sbarrier.arrive $0xFFFF  }
.LBB2_3:
0xe6: {  	s7 =	smul.u32 $0x28, s0;
	_ =	sdelay $0x1  }
0xe7: {  	s7 =	sadd.s32 s11, s7  }
0xe8: {  	s7 =	smul.u32 $0x7, s7;
	_ =	sdelay $0x1  }
0xe9: {  	s13 =	sadd.s32 s4, s7  }
0xea: {  	[tilespmem:s31], [sflag:$0xB] =	stream.linear.gather [hbm4b:s13+s31], $0x8C0, $0x38;
	[tilespmem:$0x1E258] =	vst v63  }
0xeb: {  	_ =	swait.ge [sflag:s18], $0x8C0  }
0xec: {  	[sflag:s18] =	ssyncset.done $0x0  }
0xed: {  	s7 =	sadd.s32 s7, s12;
	[sflag:s18] =	ssyncadd.s32 $0xFFFFF740  }
0xee: {  	[tilespmem:s19], [sflag:$0xB] =	stream.linear.gather [hbm4b:s7+s31], $0x8C0, $0x38;
	[tilespmem:$0x1E258] =	vst v63  }
0xef: {  	_ =	swait.ge [sflag:s18], $0x8C0  }
0xf0: {  	[sflag:s18] =	ssyncset.done $0x0  }
0xf1: {  	[sflag:s18] =	ssyncadd.s32 $0xFFFFF740  }
0xf2: {  	[tilespmem:s21], [sflag:$0x1] =	stream.indirect.gather [hbm4b:s5+s20], $0x88, s31, s20, $0xb8;
	[tilespmem:$0x1E258] =	vst v63  }
0xf3: {  	s14 =	simm.s32 $0x38  }
0xf4: {  	[tilespmem:s23], [sflag:$0x2] =	stream.indirect.gather [hbm4b:s5+s20], $0x88, s14, s20, $0xb8;
	[tilespmem:$0x1E258] =	vst v63  }
0xf5: {  	s13 =	simm.s32 $0x70  }
0xf6: {  	[tilespmem:s25], [sflag:$0x3] =	stream.indirect.gather [hbm4b:s5+s20], $0x88, s13, s20, $0xb8;
	[tilespmem:$0x1E258] =	vst v63  }
0xf7: {  	_ =	swait.ge [sflag:s26], $0x1A90  }
0xf8: {  	[sflag:s26] =	ssyncset.done $0x0  }
0xf9: {  	[sflag:s26] =	ssyncadd.s32 $0xFFFFE570  }
0xfa: {  	[spmem:s1] =	stream.indirect.scatter.add.f32 [tilespmem:s21], [sflag:$0x6], $0x88, s19, s20, $0xb8;
	[tilespmem:$0x1E258] =	vst v63  }
0xfb: {  	s14 =	simm.s32 $0xA8  }
0xfc: {  	[tilespmem:s29], [sflag:$0x4] =	stream.indirect.gather [hbm4b:s5+s20], $0x88, s14, s20, $0xb8;
	[tilespmem:$0x1E258] =	vst v63  }
0xfd: {  	_ =	swait.ge [sflag:s30], $0x1A90  }
0xfe: {  	[sflag:s30] =	ssyncset.done $0x0  }
0xff: {  	s13 =	simm.s32 $0x8F8;
	[sflag:s30] =	ssyncadd.s32 $0xFFFFE570  }
0x100: {  	[spmem:s1] =	stream.indirect.scatter.add.f32 [tilespmem:s23], [sflag:$0x7], $0x88, s13, s20, $0xb8;
	[tilespmem:$0x1E258] =	vst v63  }
0x101: {  	s14 =	simm.s32 $0xE0  }
0x102: {  	[tilespmem:s3], [sflag:$0x5] =	stream.indirect.gather [hbm4b:s5+s20], $0x88, s14, s20, $0xb8;
	[tilespmem:$0x1E258] =	vst v63  }
0x103: {  	_ =	swait.ge [sflag:s10], $0x1A90  }
0x104: {  	[sflag:s10] =	ssyncset.done $0x0  }
0x105: {  	s13 =	simm.s32 $0x930;
	[sflag:s10] =	ssyncadd.s32 $0xFFFFE570  }
0x106: {  	[spmem:s1] =	stream.indirect.scatter.add.f32 [tilespmem:s25], [sflag:$0x8], $0x88, s13, s20, $0xb8;
	[tilespmem:$0x1E258] =	vst v63  }
0x107: {  	_ =	swait.ge [sflag:s8], $0x1A90  }
0x108: {  	[sflag:s8] =	ssyncset.done $0x0  }
0x109: {  	s14 =	simm.s32 $0x118;
	[sflag:s8] =	ssyncadd.s32 $0xFFFFE570  }
0x10a: {  	[tilespmem:s21], [sflag:$0x1] =	stream.indirect.gather [hbm4b:s5+s20], $0x88, s14, s20, $0xb8;
	[tilespmem:$0x1E258] =	vst v63  }
0x10b: {  	_ =	swait.ge [sflag:s15], $0x1A90  }
0x10c: {  	[sflag:s15] =	ssyncset.done $0x0  }
0x10d: {  	s13 =	simm.s32 $0x968;
	[sflag:s15] =	ssyncadd.s32 $0xFFFFE570  }
0x10e: {  	[spmem:s1] =	stream.indirect.scatter.add.f32 [tilespmem:s29], [sflag:$0x9], $0x88, s13, s20, $0xb8;
	[tilespmem:$0x1E258] =	vst v63  }
0x10f: {  	_ =	swait.ge [sflag:s16], $0x1A90  }
0x110: {  	[sflag:s16] =	ssyncset.done $0x0  }
0x111: {  	[sflag:s16] =	ssyncadd.s32 $0xFFFFE570  }
0x112: {  	[tilespmem:s23], [sflag:$0x2] =	stream.indirect.gather [hbm4b:s5+s20], $0x88, s9, s20, $0xb8;
	[tilespmem:$0x1E258] =	vst v63  }
0x113: {  	_ =	swait.ge [sflag:s17], $0x1A90  }
0x114: {  	[sflag:s17] =	ssyncset.done $0x0  }
0x115: {  	[sflag:s17] =	ssyncadd.s32 $0xFFFFE570  }
0x116: {  	[spmem:s1] =	stream.indirect.scatter.add.f32 [tilespmem:s3], [sflag:$0xA], $0x88, s2, s20, $0xb8;
	[tilespmem:$0x1E258] =	vst v63  }
0x117: {  	_ =	swait.ge [sflag:s22], $0x1A90  }
0x118: {  	[sflag:s22] =	ssyncset.done $0x0  }
0x119: {  	s14 =	simm.s32 $0x188;
	[sflag:s22] =	ssyncadd.s32 $0xFFFFE570  }
0x11a: {  	[tilespmem:s25], [sflag:$0x3] =	stream.indirect.gather [hbm4b:s5+s20], $0x88, s14, s20, $0xb8;
	[tilespmem:$0x1E258] =	vst v63  }
0x11b: {  	_ =	swait.ge [sflag:s26], $0x1A90  }
0x11c: {  	[sflag:s26] =	ssyncset.done $0x0  }
0x11d: {  	s13 =	simm.s32 $0x9D8;
	[sflag:s26] =	ssyncadd.s32 $0xFFFFE570  }
0x11e: {  	[spmem:s1] =	stream.indirect.scatter.add.f32 [tilespmem:s21], [sflag:$0x6], $0x88, s13, s20, $0xb8;
	[tilespmem:$0x1E258] =	vst v63  }
0x11f: {  	_ =	swait.ge [sflag:s24], $0x1A90  }
0x120: {  	[sflag:s24] =	ssyncset.done $0x0  }
0x121: {  	s14 =	simm.s32 $0x1C0;
	[sflag:s24] =	ssyncadd.s32 $0xFFFFE570  }
0x122: {  	[tilespmem:s29], [sflag:$0x4] =	stream.indirect.gather [hbm4b:s5+s20], $0x88, s14, s20, $0xb8;
	[tilespmem:$0x1E258] =	vst v63  }
0x123: {  	_ =	swait.ge [sflag:s30], $0x1A90  }
0x124: {  	[sflag:s30] =	ssyncset.done $0x0  }
0x125: {  	s13 =	simm.s32 $0xA10;
	[sflag:s30] =	ssyncadd.s32 $0xFFFFE570  }
0x126: {  	[spmem:s1] =	stream.indirect.scatter.add.f32 [tilespmem:s23], [sflag:$0x7], $0x88, s13, s20, $0xb8;
	[tilespmem:$0x1E258] =	vst v63  }
0x127: {  	_ =	swait.ge [sflag:s28], $0x1A90  }
0x128: {  	[sflag:s28] =	ssyncset.done $0x0  }
0x129: {  	s14 =	simm.s32 $0x1F8;
	[sflag:s28] =	ssyncadd.s32 $0xFFFFE570  }
0x12a: {  	[tilespmem:s3], [sflag:$0x5] =	stream.indirect.gather [hbm4b:s5+s20], $0x88, s14, s20, $0xb8;
	[tilespmem:$0x1E258] =	vst v63  }
0x12b: {  	_ =	swait.ge [sflag:s10], $0x1A90  }
0x12c: {  	[sflag:s10] =	ssyncset.done $0x0  }
0x12d: {  	s13 =	simm.s32 $0xA48;
	[sflag:s10] =	ssyncadd.s32 $0xFFFFE570  }
0x12e: {  	[spmem:s1] =	stream.indirect.scatter.add.f32 [tilespmem:s25], [sflag:$0x8], $0x88, s13, s20, $0xb8;
	[tilespmem:$0x1E258] =	vst v63  }
0x12f: {  	_ =	swait.ge [sflag:s8], $0x1A90  }
0x130: {  	[sflag:s8] =	ssyncset.done $0x0  }
0x131: {  	s14 =	simm.s32 $0x230;
	[sflag:s8] =	ssyncadd.s32 $0xFFFFE570  }
0x132: {  	[tilespmem:s21], [sflag:$0x1] =	stream.indirect.gather [hbm4b:s5+s20], $0x88, s14, s20, $0xb8;
	[tilespmem:$0x1E258] =	vst v63  }
0x133: {  	_ =	swait.ge [sflag:s15], $0x1A90  }
0x134: {  	[sflag:s15] =	ssyncset.done $0x0  }
0x135: {  	s13 =	simm.s32 $0xA80;
	[sflag:s15] =	ssyncadd.s32 $0xFFFFE570  }
0x136: {  	[spmem:s1] =	stream.indirect.scatter.add.f32 [tilespmem:s29], [sflag:$0x9], $0x88, s13, s20, $0xb8;
	[tilespmem:$0x1E258] =	vst v63  }
0x137: {  	_ =	swait.ge [sflag:s16], $0x1A90  }
0x138: {  	[sflag:s16] =	ssyncset.done $0x0  }
0x139: {  	s14 =	simm.s32 $0x268;
	[sflag:s16] =	ssyncadd.s32 $0xFFFFE570  }
0x13a: {  	[tilespmem:s23], [sflag:$0x2] =	stream.indirect.gather [hbm4b:s5+s20], $0x88, s14, s20, $0xb8;
	[tilespmem:$0x1E258] =	vst v63  }
0x13b: {  	_ =	swait.ge [sflag:s17], $0x1A90  }
0x13c: {  	[sflag:s17] =	ssyncset.done $0x0  }
0x13d: {  	s7 =	simm.s32 $0x460;
	s13 =	simm.s32 $0xAB8;
	[sflag:s17] =	ssyncadd.s32 $0xFFFFE570  }
.LBB2_4:
0x13e: {  	[spmem:s1] =	stream.indirect.scatter.add.f32 [tilespmem:s3], [sflag:$0xA], $0x88, s13, s20, $0xb8;
	[tilespmem:$0x1E258] =	vst v63  }
0x13f: {  	s13 =	smov.u32 s7;
	s7 =	sadd.s32 $0x460, s7;
	_ =	swait.ge [sflag:s22], $0x1A90  }
0x140: {  	s13 =	sshra.s32 s13, $0x2;
	p1 =	sne.s32 s7, $0x1A40;
	[sflag:s22] =	ssyncset.done $0x0  }
0x141: {  	s14 =	sadd.s32 $0x188, s13;
	[sflag:s22] =	ssyncadd.s32 $0xFFFFE570  }
0x142: {  	[tilespmem:s25], [sflag:$0x3] =	stream.indirect.gather [hbm4b:s5+s20], $0x88, s14, s20, $0xb8;
	[tilespmem:$0x1E258] =	vst v63  }
0x143: {  	_ =	swait.ge [sflag:s26], $0x1A90  }
0x144: {  	[sflag:s26] =	ssyncset.done $0x0  }
0x145: {  	s14 =	sadd.s32 $0x9D8, s13;
	[sflag:s26] =	ssyncadd.s32 $0xFFFFE570  }
0x146: {  	[spmem:s1] =	stream.indirect.scatter.add.f32 [tilespmem:s21], [sflag:$0x6], $0x88, s14, s20, $0xb8;
	[tilespmem:$0x1E258] =	vst v63  }
0x147: {  	_ =	swait.ge [sflag:s24], $0x1A90  }
0x148: {  	[sflag:s24] =	ssyncset.done $0x0  }
0x149: {  	s14 =	sadd.s32 $0x1C0, s13;
	[sflag:s24] =	ssyncadd.s32 $0xFFFFE570  }
0x14a: {  	[tilespmem:s29], [sflag:$0x4] =	stream.indirect.gather [hbm4b:s5+s20], $0x88, s14, s20, $0xb8;
	[tilespmem:$0x1E258] =	vst v63  }
0x14b: {  	_ =	swait.ge [sflag:s30], $0x1A90  }
0x14c: {  	[sflag:s30] =	ssyncset.done $0x0  }
0x14d: {  	s14 =	sadd.s32 $0xA10, s13;
	[sflag:s30] =	ssyncadd.s32 $0xFFFFE570  }
0x14e: {  	[spmem:s1] =	stream.indirect.scatter.add.f32 [tilespmem:s23], [sflag:$0x7], $0x88, s14, s20, $0xb8;
	[tilespmem:$0x1E258] =	vst v63  }
0x14f: {  	_ =	swait.ge [sflag:s28], $0x1A90  }
0x150: {  	[sflag:s28] =	ssyncset.done $0x0  }
0x151: {  	s14 =	sadd.s32 $0x1F8, s13;
	[sflag:s28] =	ssyncadd.s32 $0xFFFFE570  }
0x152: {  	[tilespmem:s3], [sflag:$0x5] =	stream.indirect.gather [hbm4b:s5+s20], $0x88, s14, s20, $0xb8;
	[tilespmem:$0x1E258] =	vst v63  }
0x153: {  	_ =	swait.ge [sflag:s10], $0x1A90  }
0x154: {  	[sflag:s10] =	ssyncset.done $0x0  }
0x155: {  	s14 =	sadd.s32 $0xA48, s13;
	[sflag:s10] =	ssyncadd.s32 $0xFFFFE570  }
0x156: {  	[spmem:s1] =	stream.indirect.scatter.add.f32 [tilespmem:s25], [sflag:$0x8], $0x88, s14, s20, $0xb8;
	[tilespmem:$0x1E258] =	vst v63  }
0x157: {  	_ =	swait.ge [sflag:s8], $0x1A90  }
0x158: {  	[sflag:s8] =	ssyncset.done $0x0  }
0x159: {  	s14 =	sadd.s32 $0x230, s13;
	[sflag:s8] =	ssyncadd.s32 $0xFFFFE570  }
0x15a: {  	[tilespmem:s21], [sflag:$0x1] =	stream.indirect.gather [hbm4b:s5+s20], $0x88, s14, s20, $0xb8;
	[tilespmem:$0x1E258] =	vst v63  }
0x15b: {  	_ =	swait.ge [sflag:s15], $0x1A90  }
0x15c: {  	[sflag:s15] =	ssyncset.done $0x0  }
0x15d: {  	s14 =	sadd.s32 $0xA80, s13;
	[sflag:s15] =	ssyncadd.s32 $0xFFFFE570  }
0x15e: {  	[spmem:s1] =	stream.indirect.scatter.add.f32 [tilespmem:s29], [sflag:$0x9], $0x88, s14, s20, $0xb8;
	[tilespmem:$0x1E258] =	vst v63  }
0x15f: {  	_ =	swait.ge [sflag:s16], $0x1A90  }
0x160: {  	[sflag:s16] =	ssyncset.done $0x0  }
.Ltmp6:
0x161: {  	s14 =	sadd.s32 $0x268, s13;
	[sflag:s16] =	ssyncadd.s32 $0xFFFFE570;
	(pc) =	sbr.rel @p1 .LBB2_4-.Ltmp6, $4  }
0x162: {  	[tilespmem:s23], [sflag:$0x2] =	stream.indirect.gather [hbm4b:s5+s20], $0x88, s14, s20, $0xb8;
	[tilespmem:$0x1E258] =	vst v63  }
0x163: {  	_ =	swait.ge [sflag:s17], $0x1A90  }
0x164: {  	[sflag:s17] =	ssyncset.done $0x0  }
0x165: {  	s13 =	sadd.s32 $0xAB8, s13;
	[sflag:s17] =	ssyncadd.s32 $0xFFFFE570  }
0x166: {  	[spmem:s1] =	stream.indirect.scatter.add.f32 [tilespmem:s3], [sflag:$0xA], $0x88, s13, s20, $0xb8;
	[tilespmem:$0x1E258] =	vst v63  }
0x167: {  	_ =	swait.ge [sflag:s22], $0x1A90  }
0x168: {  	s7 =	sshra.s32 s7, $0x2;
	[sflag:s22] =	ssyncset.done $0x0  }
0x169: {  	s14 =	sadd.s32 $0x188, s7;
	[sflag:s22] =	ssyncadd.s32 $0xFFFFE570  }
0x16a: {  	[tilespmem:s25], [sflag:$0x3] =	stream.indirect.gather [hbm4b:s5+s20], $0x88, s14, s20, $0xb8;
	[tilespmem:$0x1E258] =	vst v63  }
0x16b: {  	_ =	swait.ge [sflag:s26], $0x1A90  }
0x16c: {  	[sflag:s26] =	ssyncset.done $0x0  }
0x16d: {  	s14 =	sadd.s32 $0x9D8, s7;
	[sflag:s26] =	ssyncadd.s32 $0xFFFFE570  }
0x16e: {  	[spmem:s1] =	stream.indirect.scatter.add.f32 [tilespmem:s21], [sflag:$0x6], $0x88, s14, s20, $0xb8;
	[tilespmem:$0x1E258] =	vst v63  }
0x16f: {  	_ =	swait.ge [sflag:s24], $0x1A90  }
0x170: {  	[sflag:s24] =	ssyncset.done $0x0  }
0x171: {  	s14 =	sadd.s32 $0x1C0, s7;
	[sflag:s24] =	ssyncadd.s32 $0xFFFFE570  }
0x172: {  	[tilespmem:s29], [sflag:$0x4] =	stream.indirect.gather [hbm4b:s5+s20], $0x88, s14, s20, $0xb8;
	[tilespmem:$0x1E258] =	vst v63  }
0x173: {  	_ =	swait.ge [sflag:s30], $0x1A90  }
0x174: {  	[sflag:s30] =	ssyncset.done $0x0  }
0x175: {  	s14 =	sadd.s32 $0xA10, s7;
	[sflag:s30] =	ssyncadd.s32 $0xFFFFE570  }
0x176: {  	[spmem:s1] =	stream.indirect.scatter.add.f32 [tilespmem:s23], [sflag:$0x7], $0x88, s14, s20, $0xb8;
	[tilespmem:$0x1E258] =	vst v63  }
0x177: {  	_ =	swait.ge [sflag:s28], $0x1A90  }
0x178: {  	[sflag:s28] =	ssyncset.done $0x0  }
0x179: {  	s14 =	sadd.s32 $0x1F8, s7;
	[sflag:s28] =	ssyncadd.s32 $0xFFFFE570  }
0x17a: {  	[tilespmem:s3], [sflag:$0x5] =	stream.indirect.gather [hbm4b:s5+s20], $0x88, s14, s20, $0xb8;
	[tilespmem:$0x1E258] =	vst v63  }
0x17b: {  	_ =	swait.ge [sflag:s10], $0x1A90  }
0x17c: {  	[sflag:s10] =	ssyncset.done $0x0  }
0x17d: {  	s14 =	sadd.s32 $0xA48, s7;
	[sflag:s10] =	ssyncadd.s32 $0xFFFFE570  }
0x17e: {  	[spmem:s1] =	stream.indirect.scatter.add.f32 [tilespmem:s25], [sflag:$0x8], $0x88, s14, s20, $0xb8;
	[tilespmem:$0x1E258] =	vst v63  }
0x17f: {  	_ =	swait.ge [sflag:s8], $0x1A90  }
0x180: {  	[sflag:s8] =	ssyncset.done $0x0  }
0x181: {  	[sflag:s8] =	ssyncadd.s32 $0xFFFFE570  }
0x182: {  	_ =	swait.ge [sflag:s15], $0x1A90  }
0x183: {  	[sflag:s15] =	ssyncset.done $0x0  }
0x184: {  	s14 =	sadd.s32 $0xA80, s7;
	[sflag:s15] =	ssyncadd.s32 $0xFFFFE570  }
0x185: {  	[spmem:s1] =	stream.indirect.scatter.add.f32 [tilespmem:s29], [sflag:$0x9], $0x88, s14, s20, $0xb8;
	[tilespmem:$0x1E258] =	vst v63  }
0x186: {  	_ =	swait.ge [sflag:s16], $0x1A90  }
0x187: {  	[sflag:s16] =	ssyncset.done $0x0  }
0x188: {  	[sflag:s16] =	ssyncadd.s32 $0xFFFFE570  }
0x189: {  	_ =	swait.ge [sflag:s17], $0x1A90  }
0x18a: {  	[sflag:s17] =	ssyncset.done $0x0  }
0x18b: {  	s7 =	sadd.s32 $0xAB8, s7;
	[sflag:s17] =	ssyncadd.s32 $0xFFFFE570  }
0x18c: {  	[spmem:s1] =	stream.indirect.scatter.add.f32 [tilespmem:s3], [sflag:$0xA], $0x88, s7, s20, $0xb8;
	[tilespmem:$0x1E258] =	vst v63  }
0x18d: {  	_ =	swait.ge [sflag:s22], $0x1A90  }
0x18e: {  	[sflag:s22] =	ssyncset.done $0x0  }
0x18f: {  	s0 =	sadd.s32 $0x1, s0;
	[sflag:s22] =	ssyncadd.s32 $0xFFFFE570  }
0x190: {  	p1 =	seq.s32 s0, $0xA;
	_ =	swait.ge [sflag:s24], $0x1A90  }
.Ltmp7:
0x191: {  	[sflag:s24] =	ssyncset.done $0x0;
	(pc) =	sbr.rel @!p1 .LBB2_3-.Ltmp7, $4  }
0x192: {  	[sflag:s24] =	ssyncadd.s32 $0xFFFFE570  }
0x193: {  	_ =	swait.ge [sflag:s28], $0x1A90  }
0x194: {  	[sflag:s28] =	ssyncset.done $0x0  }
0x195: {  	[sflag:s28] =	ssyncadd.s32 $0xFFFFE570  }
.Ltmp8:
0x196: {  	(pc) =	sbr.rel .LBB2_12-.Ltmp8, $4  }
0x197: {  	_ = 	snop  }
0x198: {  	s0 =	rddreg [dreg:$0x4]  }
0x199: {  	s13 =	rddreg [dreg:$0x3]  }
0x19a: {  	s31 =	rddreg [dreg:$0xd]  }
.LBB2_13:
0x19b: {  	_ =	sfence.sel $0x180000  }
0x19c: {  	[bflag:$0x0] =	sbarrier.arrive $0xFFFF  }
0x19d: {  	_ =	strace $0x9000004D  }
0x19e: {  	s0 =	stileid.u32;
	[bflag:$0x2] =	sbarrier.arrive $0xFFFF  }
0x19f: {  	p0 =	sne.s32 s0, $0x0;
	s0 =	rddreg [dreg:$0x2]  }
0x1a0: {  	s0 =	sadd.s32 @!p0 $0x100000, s0  }
0x1a1: {  	[sflag:s0] =	ssyncadd.tile.s32 @!p0 $0x1;
	_ =	shalt  }
.Lfunc_end2:
_tile_overlayer_lowered:
.L_overlay_start_2:
0x1a2: {  	(tag) =	ssettag $0x2  }
0x1a3: {  	s0 =	rddreg [dreg:$0x0];
	s2 =	stileid.u32  }
0x1a4: {  	s1 =	rddreg [dreg:$0x1];
	p0 =	sne.s32 s2, $0x0  }
0x1a5: {  	s3 =	rddreg [dreg:$0x2];
	[bflag:$0x3] =	sbarrier.arrive $0xFFFF;
	s2 =	simm.s32 @!p0 $0x1C0B  }
0x1a6: {  	[timem:s3], [sflag:s2] =	dma.local @!p0 [hbm:s0], s1  }
0x1a7: {  	s0 =	simm.s32 @!p0 $0xB  }
0x1a8: {  	_ =	swait.ge @!p0 [sflag:s0], s1  }
0x1a9: {  	s1 =	ssub.s32 @!p0 $0x0, s1;
	[sflag:s0] =	ssyncset.done @!p0 $0x0  }
0x1aa: {  	[sflag:s0] =	ssyncadd.s32 @!p0 s1  }
0x1ab: {  	[bflag:$0x3] =	sbarrier.arrive $0xFFFF  }
0x1ac: {  	_ =	shalt  }

// kernel: kernel.8.cloned.1.call-start
scs
__scs_entry_jumppad:
0x0: {  	(pc) =	sbr.rel $0x88, $3  }
0x1: {  	(tag) =	ssettag $0x0;
	lr =	simm.s32 $0x1  }
0x2: {  	[smem:$0x3F97] =	sst lr;
	_ =	strace $0xD0000000  }
0x3: {  	_ = 	snop  }
0x4: {  	_ = 	snop  }
0x5: {  	_ = 	snop  }
0x6: {  	_ = 	snop  }
0x7: {  	_ = 	snop  }
__scs_overlays_trampoline_lowered:
0x8: {  	[smem:$0x3FA6] =	sst s0  }
0x9: {  	[smem:$0x3FA7] =	sst s1  }
0xa: {  	[smem:$0x3FA8] =	sst s2  }
0xb: {  	[smem:$0x3FA9] =	sst s3  }
0xc: {  	[smem:$0x3FAA] =	sst s4  }
0xd: {  	[smem:$0x3FAB] =	sst s5  }
0xe: {  	[smem:$0x3FAC] =	sst s6  }
0xf: {  	[smem:$0x3FAD] =	sst s7  }
0x10: {  	[smem:$0x3FAE] =	sst s8  }
0x11: {  	[smem:$0x3FAF] =	sst s9;
	s0 =	simm.s32 @!p0 $0x0  }
0x12: {  	s1 =	sld [smem:$0x3F95];
	s0 =	simm.s32 @p0 $0x1  }
0x13: {  	[smem:$0x3FB0] =	sst s0;
	s0 =	simm.s32 @!p1 $0x0  }
0x14: {  	s2 =	sld [smem:$0x3F94];
	s0 =	simm.s32 @p1 $0x1  }
0x15: {  	[smem:$0x3FB1] =	sst s0;
	s0 =	simm.s32 @!p2 $0x0  }
0x16: {  	s3 =	sld [smem:$0x3FDB];
	s0 =	simm.s32 @p2 $0x1  }
0x17: {  	s4 =	simm.s32 $0x1BF5;
	[smem:$0x3FB3] =	sst s0  }
0x18: {  	s0 =	sld [smem:$0x3F96];
	_ =	swait.ge [sflag:s4], $0x0  }
0x19: {  	s7 =	sld [smem:$0x3F97]  }
0x1a: {  	s8 =	sadd.s32 $0xFFFFE003, lr  }
0x1b: {  	s9 =	sadd.s32 $0xFFFFFEF7, lr;
	s5 =	simm.s32 $0xFFFFFFFF;
	p2 =	slt.u32 s8, $0xFFFFF086  }
0x1c: {  	p1 =	slt.u32 s9, $0xF7A;
	s5 =	simm.s32 @!p2 $0x0  }
0x1d: {  	s5 =	simm.s32 @p1 $0x1;
	p0 =	seq.s32 s7, s2  }
0x1e: {  	s7 =	smul.u32 @!p0 $0xF7A, s2;
	p2 =	seq.s32 @!p0 s5, $0x0  }
0x1f: {  	s9 =	smul.u32 $0xF7A, s1;
	s8 =	simm.s32 @!p0 $0x1BF5;
	p2 =	por !p2, p0  }
0x20: {  	[sflag:s8] =	ssyncset.s32 @!p0 $0xFFFFF086;
	s6 =	sadd.s32 @!p0 s3, s7;
	s7 =	simm.s32 @!p0 $0x108  }
0x21: {  	s3 =	sadd.s32 s3, s9;
	s6 =	sadd.s32 @!p0 $0x88, s6;
	s7 =	simm.s32 @p2 $0x1082  }
0x22: {  	[simem:s7], [sflag:s8] =	dma.local @!p0 [hbm:s6], $0xF7A  }
0x23: {  	s9 =	sor.u32 $0xD0000000, s2;
	s6 =	simm.s32 $0x108;
	_ =	swait.ge @!p0 [sflag:s8], $0x0  }
0x24: {  	s3 =	sadd.s32 $0x88, s3;
	s6 =	simm.s32 @!p1 $0x1082;
	[sflag:s4] =	ssyncset.s32 $0xFFFFF086  }
0x25: {  	[simem:s6], [sflag:s4] =	dma.local [hbm:s3], $0xF7A  }
0x26: {  	[smem:$0x3F97] =	sst s1;
	(tag) =	ssettag s2;
	_ =	strace s9  }
0x27: {  	s1 =	sld [smem:$0x3FA7]  }
0x28: {  	s2 =	sld [smem:$0x3FA8]  }
0x29: {  	s4 =	sld [smem:$0x3FAA]  }
0x2a: {  	p0 =	seq.s32 s5, $0x0;
	s5 =	sld [smem:$0x3FAB]  }
0x2b: {  	s6 =	sld [smem:$0x3FAC]  }
0x2c: {  	s7 =	sld [smem:$0x3FAD]  }
0x2d: {  	s3 =	simm.s32 $0x108;
	s8 =	sld [smem:$0x3FAE]  }
0x2e: {  	s3 =	simm.s32 @!p0 $0x1082;
	s9 =	sld [smem:$0x3FAF]  }
0x2f: {  	lr =	sadd.s32 s0, s3;
	s0 =	sld [smem:$0x3FA6]  }
0x30: {  	s3 =	sld [smem:$0x3FA9]  }
0x31: {  	[smem:$0x3FB2] =	sst s10  }
0x32: {  	s10 =	sld [smem:$0x3FB0];
	_ =	sdelay $0x3  }
0x33: {  	p0 =	seq.s32 s10, $0x1;
	s10 =	sld [smem:$0x3FB2];
	_ =	sdelay $0x3  }
0x34: {  	[smem:$0x3FB2] =	sst s10  }
0x35: {  	s10 =	sld [smem:$0x3FB1];
	_ =	sdelay $0x3  }
0x36: {  	p1 =	seq.s32 s10, $0x1;
	s10 =	sld [smem:$0x3FB2];
	_ =	sdelay $0x3  }
0x37: {  	[smem:$0x3FB2] =	sst s10  }
0x38: {  	s10 =	sld [smem:$0x3FB3]  }
0x39: {  	_ = 	snop;
	(pc) =	sbr.ind lr, $3  }
0x3a: {  	_ = 	snop  }
0x3b: {  	_ = 	snop  }
0x3c: {  	p2 =	seq.s32 s10, $0x1;
	s10 =	sld [smem:$0x3FB2]  }
0x3d: {  	_ =	shalt  }
0x3e: {  	_ =	shalt  }
0x3f: {  	_ =	shalt  }
0x40: {  	_ =	shalt  }
0x41: {  	_ =	shalt  }
0x42: {  	_ =	shalt  }
0x43: {  	_ =	shalt  }
0x44: {  	_ =	shalt  }
0x45: {  	_ =	shalt  }
0x46: {  	_ =	shalt  }
0x47: {  	_ =	shalt  }
0x48: {  	_ =	shalt  }
0x49: {  	_ =	shalt  }
0x4a: {  	_ =	shalt  }
0x4b: {  	_ =	shalt  }
0x4c: {  	_ =	shalt  }
0x4d: {  	_ =	shalt  }
0x4e: {  	_ =	shalt  }
0x4f: {  	_ =	shalt  }
0x50: {  	_ =	shalt  }
0x51: {  	_ =	shalt  }
0x52: {  	_ =	shalt  }
0x53: {  	_ =	shalt  }
0x54: {  	_ =	shalt  }
0x55: {  	_ =	shalt  }
0x56: {  	_ =	shalt  }
0x57: {  	_ =	shalt  }
0x58: {  	_ =	shalt  }
0x59: {  	_ =	shalt  }
0x5a: {  	_ =	shalt  }
0x5b: {  	_ =	shalt  }
0x5c: {  	_ =	shalt  }
0x5d: {  	_ =	shalt  }
0x5e: {  	_ =	shalt  }
0x5f: {  	_ =	shalt  }
0x60: {  	_ =	shalt  }
0x61: {  	_ =	shalt  }
0x62: {  	_ =	shalt  }
0x63: {  	_ =	shalt  }
0x64: {  	_ =	shalt  }
0x65: {  	_ =	shalt  }
0x66: {  	_ =	shalt  }
0x67: {  	_ =	shalt  }
0x68: {  	_ =	shalt  }
0x69: {  	_ =	shalt  }
0x6a: {  	_ =	shalt  }
0x6b: {  	_ =	shalt  }
0x6c: {  	_ =	shalt  }
0x6d: {  	_ =	shalt  }
0x6e: {  	_ =	shalt  }
0x6f: {  	_ =	shalt  }
0x70: {  	_ =	shalt  }
0x71: {  	_ =	shalt  }
0x72: {  	_ =	shalt  }
0x73: {  	_ =	shalt  }
0x74: {  	_ =	shalt  }
0x75: {  	_ =	shalt  }
0x76: {  	_ =	shalt  }
0x77: {  	_ =	shalt  }
0x78: {  	_ =	shalt  }
0x79: {  	_ =	shalt  }
0x7a: {  	_ =	shalt  }
0x7b: {  	_ =	shalt  }
0x7c: {  	_ =	shalt  }
0x7d: {  	_ =	shalt  }
0x7e: {  	_ =	shalt  }
0x7f: {  	_ =	shalt  }
0x80: {  	_ =	shalt  }
0x81: {  	_ =	shalt  }
0x82: {  	_ =	shalt  }
0x83: {  	_ =	shalt  }
0x84: {  	_ =	shalt  }
0x85: {  	_ =	shalt  }
0x86: {  	_ =	shalt  }
0x87: {  	_ =	shalt  }
.Lfunc_end0:
.L_simem_size_0:
called_computation_lowered:
.L_overlay_start_0:
0x88: {  	s2 =	sld [smem:$0x3FD9]  }
0x89: {  	s3 =	sld [smem:$0x3FFE];
	_ =	sdelay $0x1  }
0x8a: {  	s1 =	srdreg.scid  }
0x8b: {  	s0 =	sand.u32 $0x1, s1  }
0x8c: {  	s17 =	sshll.u32 s0, $0xA;
	s2 =	sadd.s32 s3, s2  }
0x8d: {  	s2 =	sadd.s32 s2, s17  }
0x8e: {  	[smem:$0x3FBE] =	sst s2  }
0x8f: {  	_ = 	snop  }
0x90: {  	s2 =	sld [smem:$0x3FD0];
	(tm) =	ssettm $0x1  }
0x91: {  	s18 =	sld [smem:$0x3FFB];
	_ =	sdelay $0x3  }
0x92: {  	_ =	strace s18  }
0x93: {  	s3 =	sld [smem:$0x3FFC];
	_ =	sdelay $0x3  }
0x94: {  	_ =	strace s3  }
0x95: {  	s3 =	sld [smem:$0x3FFD];
	_ =	sdelay $0x3  }
0x96: {  	_ =	strace s3  }
0x97: {  	_ =	strace $0x8FFFFFFF  }
0x98: {  	s19 =	sld [smem:$0x3FDB];
	_ =	sdelay $0x1  }
0x99: {  	s4 =	simm.s32 $_scs_section_size  }
0x9a: {  	s5 =	simm.s32 $_size__tile_overlayer_lowered;
	s6 =	simm.s32 $_tile_overlayer_lowered  }
0x9b: {  	s22 =	simm.s32 $0x1BFF;
	s21 =	sshll.u32 s6, $0x1;
	s3 =	sadd.s32 s4, s19  }
0x9c: {  	s7 =	simm.s32 $0x0;
	s20 =	sshll.u32 s5, $0x1;
	s5 =	sadd.s32 s21, s3  }
0x9d: {  	[timem:s7], [sflag:s22] =	dma.local [hbm:s5], s20  }
0x9e: {  	_ =	swait.ge [sflag:s22], s20  }
0x9f: {  	s4 =	ssub.s32 $0x0, s20;
	[sflag:s22] =	ssyncset.done $0x0  }
0xa0: {  	[sflag:s22] =	ssyncadd.s32 s4;
	_ =	sdelay $0x1  }
0xa1: {  	s23 =	simm.s32 $0x1B8B  }
0xa2: {  	_ =	swait.ge [sflag:s23], $0x1  }
0xa3: {  	[sflag:s23] =	ssyncset.done $0x0  }
0xa4: {  	s25 =	simm.s32 $0x1B8E;
	s24 =	sld [smem:$0x3FFE];
	[sflag:s23] =	ssyncadd.s32 $0xFFFFFFFF  }
0xa5: {  	s26 =	simm.s32 $execute0_lowered;
	[smem:$0x3FD2] =	sst s25  }
0xa6: {  	s5 =	sshll.u32 s26, $0x1;
	_ =	strace $0x80000046;
	[dreg:$0x1] =	wrdreg $0xFFFFFFFF  }
0xa7: {  	s28 =	simm.s32 $_size_execute0_lowered;
	s3 =	sadd.s32 s3, s5;
	[dreg:$0x0] =	wrdreg $0x0  }
0xa8: {  	s5 =	sshll.u32 s28, $0x1;
	[dreg:$0x2] =	wrdreg s3  }
0xa9: {  	[dreg:$0x3] =	wrdreg s5  }
0xaa: {  	[dreg:$0x4] =	wrdreg $0xC0  }
0xab: {  	_ =	task [dreg:s7], $0x5FFFF  }
0xac: {  	[dreg:$0x1] =	wrdreg $0xFFFFFFFF  }
0xad: {  	[dreg:$0x0] =	wrdreg $0x60  }
0xae: {  	[dreg:$0x2] =	wrdreg s24  }
0xaf: {  	[dreg:$0x3] =	wrdreg s2  }
0xb0: {  	[dreg:$0x4] =	wrdreg $0x30000  }
0xb1: {  	[dreg:$0x5] =	wrdreg $0x9  }
0xb2: {  	_ =	task.clear_ibuf [dreg:s7], $0x6FFFF;
	_ =	strace $0x90000046  }
0xb3: {  	s29 =	simm.s32 $0x9;
	_ =	strace $0x80000048  }
0xb4: {  	_ =	swait.ge [sflag:s29], $0x1  }
0xb5: {  	[sflag:s29] =	ssyncadd.s32 $0xFFFFFFFF  }
0xb6: {  	_ =	strace $0x90000048  }
0xb7: {  	_ =	sfence  }
0xb8: {  	s30 =	sld [smem:$0x0];
	_ =	sdelay $0x2  }
0xb9: {  	s31 =	sshll.u32 s1, $0xD;
	s1 =	sshrl.u32 s1, $0x2  }
0xba: {  	s3 =	sand.u32 $0x4000, s31;
	s1 =	sadd.s32 s1, s30  }
0xbb: {  	s0 =	sor.u32 s3, s0;
	s1 =	sshll.u32 s1, $0x11  }
0xbc: {  	s0 =	sor.u32 s1, s0  }
0xbd: {  	s0 =	sadd.s32 $0x8F2B, s0  }
0xbe: {  	[sflag:s0] =	ssyncadd.remote.s32 $0x1  }
0xbf: {  	_ =	sfence.sel $0xFFFF  }
0xc0: {  	[dreg:$0x0] =	wrdreg $0xFFFFFFFF;
	(pc) =	sbr.abs _section_cstart, $3  }
0xc1: {  	[dreg:$0x1] =	wrdreg $0xFFFFFFFF  }
0xc2: {  	_ =	task.clear_ibuf [dreg:s7], $0x2FFFF;
	_ =	strace $0x9FFFFFFF  }
0xc3: {  	(tm) =	ssettm $0x7FFFFFFF  }
tec
execute0_lowered:
.L_overlay_start_1:
0x0: {  	(tag) =	ssettag $0x1  }
0x1: {  	s5 =	rddreg [dreg:$0x0]  }
0x2: {  	s0 =	srdreg.scid;
	s2 =	rddreg [dreg:$0x1]  }
0x3: {  	s3 =	rddreg [dreg:$0x2];
	s6 =	sand.u32 $0x1, s0;
	s0 =	stileid.u32  }
0x4: {  	s4 =	simm.s32 $0x0;
	s13 =	simm.s32 $0x1;
	s8 =	smul.u32 $0x2800, s0  }
0x5: {  	[smem:$0x7FF] =	sst s4;
	s1 =	sshll.u32 s6, $0x4;
	s9 =	smul.u32 $0x5000, s6  }
0x6: {  	s6 =	ssub.s32 $0x2, s6;
	s31 =	sshll.u32 s0, $0x6;
	s7 =	sor.u32 s0, s1  }
0x7: {  	s1 =	rddreg [dreg:$0x3];
	_ =	strace $0x80000047;
	s30 =	sshrl.u32 s6, $0x1  }
0x8: {  	s7 =	smul.u32 $0x500, s7;
	s14 =	sshrl.u32 s8, $0x3;
	s9 =	sadd.s32 s9, s5  }
0x9: {  	s11 =	ssub.s32 s6, s30;
	s12 =	sadd.s32 s8, s3;
	s8 =	simm.s32 $0x2  }
0xa: {  	s10 =	sadd.s32 s14, s5;
	s15 =	sadd.s32 $0x1C600, s9;
	s9 =	simm.s32 $0x2800  }
0xb: {  	s7 =	sadd.s32 s7, s5;
	s6 =	sadd.s32 $0x17600, s10;
	s10 =	sor.u32 $0x1C02, s31  }
0xc: {  	s14 =	sadd.s32 s14, s15;
	s15 =	simm.s32 $0x0;
	s5 =	sadd.s32 $0xD600, s7  }
0xd: {  	s7 =	smax.u32 s11, $0x1;
	s11 =	sshrl.u32 s12, $0x3;
	s12 =	simm.s32 $0x7D  }
.LBB2_1:
0xe: {  	[tilespmem:s4], [sflag:$0x2] =	stream.linear.gather [hbm4b:s5+s4], $0x2800, $0x38;
	[tilespmem:$0x5800] =	vst v63  }
0xf: {  	_ =	swait.ge [sflag:s8], $0x2800  }
0x10: {  	[sflag:s8] =	ssyncset.done $0x0  }
0x11: {  	[sflag:s8] =	ssyncadd.s32 $0xFFFFD800  }
0x12: {  	[tilespmem:s9], [sflag:$0x2] =	stream.linear.gather [hbm4b:s2+s4], $0x800, $0x38;
	[tilespmem:$0x5800] =	vst v63  }
0x13: {  	_ =	swait.ge [sflag:s8], $0x800  }
0x14: {  	[sflag:s8] =	ssyncset.done $0x0  }
0x15: {  	[sflag:s8] =	ssyncadd.s32 $0xFFFFF800  }
0x16: {  	[spmem:s11], [sflag:s10] =	dma.local [hbm:s6], $0x500  }
0x17: {  	_ =	swait.ge [sflag:s8], $0x500  }
0x18: {  	[sflag:s8] =	ssyncset.done $0x0  }
0x19: {  	[sflag:s8] =	ssyncadd.s32 $0xFFFFFB00  }
0x1a: {  	s16 =	simm.s32 $0x0;
	[bflag:$0x0] =	sbarrier.arrive $0xFFFF  }
.LBB2_2:
0x1b: {  	p0 =	sne.s32 s16, $0x9E00  }
.Ltmp0:
0x1c: {  	_ = 	snop;
	(pc) =	sbr.rel @p0 .LBB2_2-.Ltmp0, $3  }
0x1d: {  	_ =	sdelay $0x1  }
0x1e: {  	s17 =	sshra.s32 s16, $0x2;
	s16 =	sadd.s32 $0x200, s16  }
0x1f: {  	[spmem:s3] =	stream.indirect.scatter.add.f32 [tilespmem:s9], [sflag:$0x1], $0x10, s17, s12, $0xb8;
	[tilespmem:$0x5800] =	vst v63  }
0x20: {  	_ =	swait.ge [sflag:s13], $0x7D0  }
0x21: {  	s16 =	simm.s32 $0x4F;
	[sflag:s13] =	ssyncset.done $0x0  }
.LBB2_4:
0x22: {  	p0 =	sne.s32 s16, $0x1;
	s16 =	sadd.s32 $0xFFFFFFFF, s16;
	[sflag:s13] =	ssyncadd.s32 $0xFFFFF830  }
.Ltmp1:
0x23: {  	(pc) =	sbr.rel @p0 .LBB2_4-.Ltmp1, $3  }
0x24: {  	_ =	sdelay $0x1  }
0x25: {  	_ =	swait.ge [sflag:s13], $0x7D0  }
0x26: {  	[sflag:s13] =	ssyncset.done $0x0  }
0x27: {  	s15 =	sadd.s32 $0x1, s15  }
0x28: {  	[sflag:s13] =	ssyncadd.s32 $0xFFFFF830;
	p0 =	sne.s32 s15, s7  }
.Ltmp2:
0x29: {  	[bflag:$0x0] =	sbarrier.arrive $0xFFFF;
	(pc) =	sbr.rel @p0 .LBB2_1-.Ltmp2, $4  }
0x2a: {  	[hbm:s14], [sflag:s10] =	dma.local [spmem:s11], $0x500  }
0x2b: {  	_ =	swait.ge [sflag:s8], $0x500  }
0x2c: {  	[sflag:s8] =	ssyncset.done $0x0  }
0x2d: {  	[sflag:s8] =	ssyncadd.s32 $0xFFFFFB00  }
0x2e: {  	_ =	sfence.sel $0x180000  }
0x2f: {  	[bflag:$0x0] =	sbarrier.arrive $0xFFFF  }
0x30: {  	p0 =	sne.s32 s0, $0x0;
	_ =	strace $0x90000047  }
0x31: {  	s0 =	sadd.s32 @!p0 $0x100000, s1;
	[bflag:$0x2] =	sbarrier.arrive $0xFFFF  }
0x32: {  	[sflag:s0] =	ssyncadd.tile.s32 @!p0 $0x1;
	_ =	shalt  }
.Lfunc_end2:
_tile_overlayer_lowered:
.L_overlay_start_2:
0x33: {  	(tag) =	ssettag $0x2  }
0x34: {  	s0 =	rddreg [dreg:$0x0];
	s2 =	stileid.u32  }
0x35: {  	s1 =	rddreg [dreg:$0x1];
	p0 =	sne.s32 s2, $0x0  }
0x36: {  	s3 =	rddreg [dreg:$0x2];
	[bflag:$0x3] =	sbarrier.arrive $0xFFFF;
	s2 =	simm.s32 @!p0 $0x1C02  }
0x37: {  	[timem:s3], [sflag:s2] =	dma.local @!p0 [hbm:s0], s1  }
0x38: {  	s0 =	simm.s32 @!p0 $0x2  }
0x39: {  	_ =	swait.ge @!p0 [sflag:s0], s1  }
0x3a: {  	s1 =	ssub.s32 @!p0 $0x0, s1;
	[sflag:s0] =	ssyncset.done @!p0 $0x0  }
0x3b: {  	[sflag:s0] =	ssyncadd.s32 @!p0 s1  }
0x3c: {  	[bflag:$0x3] =	sbarrier.arrive $0xFFFF  }
0x3d: {  	_ =	shalt  }

</sc_bundles>
